<compile_context>
chip_gen: v7x
topology: tpu7x:2x2x1
jax: 0.10.2.dev20260603
libtpu: 0.0.44.dev20260713+nightly
codegen_flags: <defaults>
</compile_context>

<pallas_src>
import functools

import jax
import jax.numpy as jnp
from jax import lax
from jax.experimental import pallas as pl
from jax.experimental.pallas import tpu as pltpu
from jax.experimental.pallas import tpu_sc as plsc

N_NODES = 10000
N_PAIRS = 160000
N_HEDGES = 5000
N_GRAPHS = 256
DIM = 128

NC = 2
NS = 16
NW = NC * NS
CHUNK = 128
NCH = 160

NCH = (N_PAIRS + NW * CHUNK - 1) // (NW * CHUNK)
PP = NW * NCH * CHUNK

NP = 10240
EP = 5120
BM = 2560



@functools.lru_cache(maxsize=None)
def _sc_scatter(acc_rows: int, table_rows: int):
    rpt = acc_rows // NS
    mesh = plsc.VectorSubcoreMesh(
        core_axis_name="c", subcore_axis_name="s", num_cores=NC, num_subcores=NS
    )

    @functools.partial(
        pl.kernel,
        out_type=jax.ShapeDtypeStruct((NC, acc_rows, DIM), jnp.float32),
        mesh=mesh,
        scratch_types=[
            pltpu.VMEM((NCH, CHUNK), jnp.int32),
            pltpu.VMEM((NCH, CHUNK), jnp.int32),
            pltpu.VMEM((CHUNK, DIM), jnp.float32),
            pltpu.VMEM((CHUNK, DIM), jnp.float32),
            pltpu.VMEM_SHARED((acc_rows, DIM), jnp.float32),
            pltpu.SemaphoreType.DMA,
            pltpu.SemaphoreType.DMA,
        ],
    )
    def k(table, gidx, sidx, out, gi, si, buf0, buf1, acc, sem0, sem1):
        c = lax.axis_index("c")
        s = lax.axis_index("s")
        w = c * NS + s
        pltpu.sync_copy(gidx.at[w], gi)
        pltpu.sync_copy(sidx.at[w], si)

        def zrow(i, _):
            def zlane(j, _):
                buf0[i, pl.ds(j * 16, 16)] = jnp.zeros((16,), jnp.float32)
                return 0
            return lax.fori_loop(0, DIM // 16, zlane, 0)
        lax.fori_loop(0, CHUNK, zrow, 0)
        for off in range(0, rpt, CHUNK):
            n = min(CHUNK, rpt - off)
            pltpu.sync_copy(buf0.at[pl.ds(0, n)], acc.at[pl.ds(s * rpt + off, n)])
        plsc.subcore_barrier()

        pltpu.async_copy(table.at[gi.at[0]], buf0, sem0)

        def body(i, _):
            j0 = 2 * i
            cp1 = pltpu.async_copy(table.at[gi.at[j0 + 1]], buf1, sem1)
            pltpu.make_async_copy(table.at[gi.at[j0]], buf0, sem0).wait()
            pltpu.sync_copy(buf0, acc.at[si.at[j0]], add=True)

            @pl.when(i < NCH // 2 - 1)
            def _():
                pltpu.async_copy(table.at[gi.at[j0 + 2]], buf0, sem0)

            cp1.wait()
            pltpu.sync_copy(buf1, acc.at[si.at[j0 + 1]], add=True)
            return 0

        lax.fori_loop(0, NCH // 2, body, 0)
        plsc.subcore_barrier()
        pltpu.sync_copy(acc.at[pl.ds(s * rpt, rpt)], out.at[c, pl.ds(s * rpt, rpt)])

    return k




def _mdot(a, b):
    return jnp.dot(a.astype(jnp.bfloat16), b.astype(jnp.bfloat16),
                   preferred_element_type=jnp.float32)


def _const_spec(shape):
    return pl.BlockSpec(shape, lambda *_: tuple(0 for _ in shape))


def _tc_combine(cntE_p, cntV_p):
    def body(ce, cv, rce, rcv):
        cE = ce[0, :, 0:1] + ce[1, :, 0:1]
        rce[...] = jnp.broadcast_to(jnp.clip(cE, 1.0, None), (EP, DIM))
        cV = cv[0, :, 0:1] + cv[1, :, 0:1]
        rcv[...] = jnp.broadcast_to(cV, (NP, DIM))

    return pl.pallas_call(
        body,
        out_shape=[
            jax.ShapeDtypeStruct((EP, DIM), jnp.float32),
            jax.ShapeDtypeStruct((NP, DIM), jnp.float32),
        ],
    )(cntE_p, cntV_p)


def _tc_pre(xi, e01, w1, b1, w2a):
    def body(x_r, e_r, w1_r, b1_r, w2a_r, h0_r, c_r, a_r):
        xi_v = x_r[...]
        e_v = e_r[...]
        h0 = jnp.where(xi_v[:, 0:1] == 0, e_v[0:1, :], e_v[1:2, :])
        for i in range(1, 9):
            h0 = h0 + jnp.where(xi_v[:, i:i + 1] == 0,
                                e_v[2 * i:2 * i + 1, :], e_v[2 * i + 1:2 * i + 2, :])
        h0_r[...] = h0
        c_r[...] = _mdot(h0, w1_r[...]) + b1_r[...]
        a_r[...] = _mdot(h0, w2a_r[...])

    n = NP // BM
    row = pl.BlockSpec((BM, DIM), lambda i: (i, 0))
    return pl.pallas_call(
        body,
        grid=(n,),
        in_specs=[
            pl.BlockSpec((BM, 16), lambda i: (i, 0)),
            _const_spec((24, DIM)),
            _const_spec((DIM, DIM)),
            _const_spec((1, DIM)),
            _const_spec((DIM, DIM)),
        ],
        out_specs=[row, row, row],
        out_shape=[jax.ShapeDtypeStruct((NP, DIM), jnp.float32)] * 3,
    )(xi, e01, w1, b1, w2a)


def _tc_mid(p1, rcE, w2b):
    def body(p_r, rc_r, w_r, b_r):
        xe = (p_r[0] + p_r[1]) / rc_r[...]
        b_r[...] = _mdot(xe, w_r[...])

    n = EP // BM
    return pl.pallas_call(
        body,
        grid=(n,),
        in_specs=[
            pl.BlockSpec((NC, BM, DIM), lambda i: (0, i, 0)),
            pl.BlockSpec((BM, DIM), lambda i: (i, 0)),
            _const_spec((DIM, DIM)),
        ],
        out_specs=pl.BlockSpec((BM, DIM), lambda i: (i, 0)),
        out_shape=jax.ShapeDtypeStruct((EP, DIM), jnp.float32),
    )(p1, rcE, w2b)


def _tc_post(a, p2, rcVm, h0, b2, w3, b3, w1, b1, w2a):
    def body(a_r, p_r, rc_r, h0_r, b2_r, w3_r, b3_r, w1_r, b1_r, w2a_r, c_r, an_r):
        cv = rc_r[...]
        xv = a_r[...] + b2_r[...] + (p_r[0] + p_r[1]) / jnp.clip(cv, 1.0, None)
        xv = jnp.where(cv > 0.0, xv, 0.0)
        pre = 0.5 * xv + 0.5 * h0_r[...]
        hn = jnp.maximum(_mdot(pre, w3_r[...]) + b3_r[...], 0.0)
        c_r[...] = _mdot(hn, w1_r[...]) + b1_r[...]
        an_r[...] = _mdot(hn, w2a_r[...])

    n = NP // BM
    row = pl.BlockSpec((BM, DIM), lambda i: (i, 0))
    return pl.pallas_call(
        body,
        grid=(n,),
        in_specs=[
            row,
            pl.BlockSpec((NC, BM, DIM), lambda i: (0, i, 0)),
            row, row,
            _const_spec((1, DIM)),
            _const_spec((DIM, DIM)),
            _const_spec((1, DIM)),
            _const_spec((DIM, DIM)),
            _const_spec((1, DIM)),
            _const_spec((DIM, DIM)),
        ],
        out_specs=[row, row],
        out_shape=[jax.ShapeDtypeStruct((NP, DIM), jnp.float32)] * 2,
    )(a, p2, rcVm, h0, b2, w3, b3, w1, b1, w2a)


def _tc_post3(a, p2, rcVm, h0, b2, w3, b3, batch2d, wo1, bo1, wo2p, bo2p):
    n = NP // BM

    def body(a_r, p_r, rc_r, h0_r, b2_r, w3_r, b3_r, bt_r, wo1_r, bo1_r,
             wo2_r, bo2_r, pool_r, out_r):
        i = pl.program_id(0)
        cv = rc_r[...]
        xv = a_r[...] + b2_r[...] + (p_r[0] + p_r[1]) / jnp.clip(cv, 1.0, None)
        xv = jnp.where(cv > 0.0, xv, 0.0)
        pre = 0.5 * xv + 0.5 * h0_r[...]
        hn = jnp.maximum(_mdot(pre, w3_r[...]) + b3_r[...], 0.0)
        gids = lax.broadcasted_iota(jnp.int32, (BM, N_GRAPHS), 1)
        oh = (bt_r[...] == gids).astype(jnp.float32)
        contrib = lax.dot_general(
            oh, hn, (((0,), (0,)), ((), ())), preferred_element_type=jnp.float32,
            precision=lax.Precision.HIGHEST,
        )

        @pl.when(i == 0)
        def _():
            pool_r[...] = contrib

        @pl.when(i > 0)
        def _():
            pool_r[...] += contrib

        @pl.when(i == n - 1)
        def _():
            hid = jnp.maximum(_mdot(pool_r[...], wo1_r[...]) + bo1_r[...], 0.0)
            out_r[...] = _mdot(hid, wo2_r[...]) + bo2_r[...]

    row = pl.BlockSpec((BM, DIM), lambda i: (i, 0))
    return pl.pallas_call(
        body,
        grid=(n,),
        in_specs=[
            row,
            pl.BlockSpec((NC, BM, DIM), lambda i: (0, i, 0)),
            row, row,
            _const_spec((1, DIM)),
            _const_spec((DIM, DIM)),
            _const_spec((1, DIM)),
            pl.BlockSpec((BM, 1), lambda i: (i, 0)),
            _const_spec((DIM, DIM)),
            _const_spec((1, DIM)),
            _const_spec((DIM, DIM)),
            _const_spec((1, DIM)),
        ],
        out_specs=[
            _const_spec((N_GRAPHS, DIM)),
            _const_spec((N_GRAPHS, DIM)),
        ],
        out_shape=[
            jax.ShapeDtypeStruct((N_GRAPHS, DIM), jnp.float32),
            jax.ShapeDtypeStruct((N_GRAPHS, DIM), jnp.float32),
        ],
    )(a, p2, rcVm, h0, b2, w3, b3, batch2d, wo1, bo1, wo2p, bo2p)



def kernel(x, edge_index0, edge_index1, batch, atom_emb0, atom_emb1, atom_emb2,
           atom_emb3, atom_emb4, atom_emb5, atom_emb6, atom_emb7, atom_emb8,
           w1, b1, w2, b2, w3, b3, wo1, bo1, wo2, bo2):
    embs = [atom_emb0, atom_emb1, atom_emb2, atom_emb3, atom_emb4, atom_emb5,
            atom_emb6, atom_emb7, atom_emb8]
    V, E = edge_index0, edge_index1

    e01 = jnp.concatenate(
        [jnp.stack([e[j] for e in embs for j in (0, 1)]),
         jnp.zeros((6, DIM), jnp.float32)], axis=0)
    xi = jnp.pad(x, ((0, NP - N_NODES), (0, 7)))

    npad = PP - N_PAIRS
    gidx1 = jnp.pad(V, (0, npad)).reshape(NW, NCH, CHUNK)
    sidx1 = jnp.pad(E, (0, npad), constant_values=N_HEDGES).reshape(NW, NCH, CHUNK)
    gidx2 = jnp.pad(E, (0, npad)).reshape(NW, NCH, CHUNK)
    sidx2 = jnp.pad(V, (0, npad), constant_values=N_NODES).reshape(NW, NCH, CHUNK)
    batch2d = jnp.pad(batch, (0, NP - N_NODES),
                      constant_values=N_GRAPHS + 7).reshape(NP, 1)

    w2a, w2b = w2[:DIM], w2[DIM:]
    b1r, b2r, b3r, bo1r = (b1.reshape(1, DIM), b2.reshape(1, DIM),
                           b3.reshape(1, DIM), bo1.reshape(1, DIM))
    wo2p = jnp.zeros((DIM, DIM), jnp.float32).at[:, 0].set(wo2[:, 0])
    bo2p = jnp.zeros((1, DIM), jnp.float32).at[0, 0].set(bo2[0])

    scat_e = _sc_scatter(EP, NP)
    scat_v = _sc_scatter(NP, EP)
    cntE_p = scat_e(jnp.ones((NP, DIM), jnp.float32), gidx1, sidx1)
    cntV_p = scat_v(jnp.ones((EP, DIM), jnp.float32), gidx2, sidx2)
    rcE, rcVm = _tc_combine(cntE_p, cntV_p)

    h0, C, A = _tc_pre(xi, e01, w1, b1r, w2a)
    for layer in range(3):
        p1 = scat_e(C, gidx1, sidx1)
        B = _tc_mid(p1, rcE, w2b)
        p2 = scat_v(B, gidx2, sidx2)
        if layer < 2:
            C, A = _tc_post(A, p2, rcVm, h0, b2r, w3, b3r, w1, b1r, w2a)
        else:
            _, out2d = _tc_post3(A, p2, rcVm, h0, b2r, w3, b3r, batch2d,
                                 wo1, bo1r, wo2p, bo2p)
    return out2d[:, 0]

# --- scband reference (transcript-rebuilt; emitter-appended) ---
"""Pipeline reference for scband-mhnns-40458591928752 (READ-ONLY COPY).

The authoritative reference and input builder live on the scoring server;
editing this copy changes nothing except your own understanding.
"""

import jax, jax.numpy as jnp
import numpy as np

N_NODES = 10000
N_PAIRS = 160000
N_HEDGES = 5000
N_GRAPHS = 256
DIM = 128
NLAYER = 3
ATOM_DIMS = [119, 5, 12, 12, 10, 6, 6, 2, 2]


def setup_inputs(seed: int = 0):
    key = jax.random.key(seed)
    ks = jax.random.split(key, 40)
    inp = {}
    inp['x'] = jax.random.randint(ks[0], (N_NODES, 9), 0, 2, dtype=jnp.int32)
    inp['edge_index0'] = jax.random.randint(ks[1], (N_PAIRS,), 0, N_NODES, dtype=jnp.int32)
    inp['edge_index1'] = jax.random.randint(ks[2], (N_PAIRS,), 0, N_HEDGES, dtype=jnp.int32)
    inp['batch'] = jnp.sort(jax.random.randint(ks[3], (N_NODES,), 0, N_GRAPHS, dtype=jnp.int32))
    for i, d in enumerate(ATOM_DIMS):
        inp['atom_emb%d' % i] = jax.random.normal(ks[4 + i], (d, DIM), dtype=jnp.float32) * 0.1
    inp['w1'] = jax.random.normal(ks[20], (DIM, DIM), dtype=jnp.float32) * 0.05
    inp['b1'] = jnp.zeros((DIM,), dtype=jnp.float32)
    inp['w2'] = jax.random.normal(ks[21], (2 * DIM, DIM), dtype=jnp.float32) * 0.05
    inp['b2'] = jnp.zeros((DIM,), dtype=jnp.float32)
    inp['w3'] = jax.random.normal(ks[22], (DIM, DIM), dtype=jnp.float32) * 0.05
    inp['b3'] = jnp.zeros((DIM,), dtype=jnp.float32)
    inp['wo1'] = jax.random.normal(ks[23], (DIM, DIM), dtype=jnp.float32) * 0.05
    inp['bo1'] = jnp.zeros((DIM,), dtype=jnp.float32)
    inp['wo2'] = jax.random.normal(ks[24], (DIM, 1), dtype=jnp.float32) * 0.05
    inp['bo2'] = jnp.zeros((1,), dtype=jnp.float32)
    return inp


def _mean_scatter(vals, idx, num):
    s = jax.ops.segment_sum(vals, idx, num_segments=num)
    c = jax.ops.segment_sum(jnp.ones((vals.shape[0], 1), vals.dtype), idx, num_segments=num)
    return s / jnp.clip(c, 1.0)


def reference(x, edge_index0, edge_index1, batch, atom_emb0, atom_emb1, atom_emb2, atom_emb3, atom_emb4, atom_emb5, atom_emb6, atom_emb7, atom_emb8, w1, b1, w2, b2, w3, b3, wo1, bo1, wo2, bo2):
    V, E = edge_index0, edge_index1
    embs = [atom_emb0, atom_emb1, atom_emb2, atom_emb3, atom_emb4, atom_emb5, atom_emb6, atom_emb7, atom_emb8]
    # AtomEncoder: sum of per-feature embeddings (OGB style)
    h = embs[0][x[:, 0]]
    for i in range(1, 9):
        h = h + embs[i][x[:, i]]
    x0 = h
    # MHNNSConv applied NLAYER times with shared parameters
    for _ in range(NLAYER):
        Xve = (h @ w1 + b1)[V]
        Xe = _mean_scatter(Xve, E, N_HEDGES)
        Xev = jnp.concatenate([h[V], Xe[E]], axis=-1) @ w2 + b2
        Xv = _mean_scatter(Xev, V, N_NODES)
        h = 0.5 * Xv + 0.5 * x0
        h = h @ w3 + b3
        h = jax.nn.relu(h)
    # global_add_pool over graphs in batch
    pooled = jax.ops.segment_sum(h, batch, num_segments=N_GRAPHS)
    hid = jax.nn.relu(pooled @ wo1 + bo1)
    out = hid @ wo2 + bo2
    return out.reshape(-1)

if __name__ == "__main__":
    import jax
    _d = setup_inputs()
    print(jax.jit(kernel)(*tuple(_d.values())))

</pallas_src>

<mosaic_0001>
#map = affine_map<(d0, d1) -> (0, 0)>
#map1 = affine_map<(d0, d1) -> (0, 0, 0)>
module attributes {stable_mosaic.version = 14 : i64} {
  func.func @k(%arg0: i32, %arg1: i32, %arg2: memref<5120x128xf32, #tpu.memory_space<hbm>>, %arg3: memref<32x40x128xi32, #tpu.memory_space<hbm>>, %arg4: memref<32x40x128xi32, #tpu.memory_space<hbm>>, %arg5: memref<2x10240x128xf32, #tpu.memory_space<hbm>>, %arg6: memref<40x128xi32, #tpu.memory_space<vmem>>, %arg7: memref<40x128xi32, #tpu.memory_space<vmem>>, %arg8: memref<128x128xf32, #tpu.memory_space<vmem>>, %arg9: memref<128x128xf32, #tpu.memory_space<vmem>>, %arg10: memref<10240x128xf32, #tpu.memory_space<vmem_shared>>, %arg11: memref<!tpu.dma_semaphore, #tpu.memory_space<semaphore_mem>>, %arg12: memref<!tpu.dma_semaphore, #tpu.memory_space<semaphore_mem>>) attributes {dimension_semantics = [#tpu.dimension_semantics<core_parallel>, #tpu.dimension_semantics<subcore_parallel>], iteration_bounds = array<i64: 2, 16>, scalar_prefetch = 0 : i64, scratch_operands = 7 : i64, tpu.core_type = #tpu.core_type<sc_vector_subcore>, window_params = [{transform_indices = #map}, {transform_indices = #map1}, {transform_indices = #map1}, {transform_indices = #map1}]} {
    %mul3A = arith.constant 16 : i32
    %mul3A_0 = arith.muli %arg0, %mul3A : i32
    %add3A = arith.addi %mul3A_0, %arg1 : i32
    "tpu.region"() ({
      %run_scoped3A = tpu.sem_alloc : memref<!tpu.dma_semaphore, #tpu.memory_space<semaphore_mem>>
      %dma_start3A_45 = arith.constant 0 : i32
      %dma_start3A_46 = arith.constant 0 : i32
      %dma_start3A_47 = tpu.memref_slice %arg3[%add3A, %dma_start3A_45, %dma_start3A_46] : memref<32x40x128xi32, #tpu.memory_space<hbm>> -> memref<1x40x128xi32, #tpu.memory_space<hbm>>
      %dma_start3A_48 = tpu.memref_squeeze %dma_start3A_47 : memref<1x40x128xi32, #tpu.memory_space<hbm>> -> memref<40x128xi32, #tpu.memory_space<hbm>>
      %dma_start3A_49 = arith.constant 0 : i32
      %dma_start3A_50 = arith.constant 0 : i32
      %dma_start3A_51 = tpu.memref_slice %arg3[%add3A, %dma_start3A_49, %dma_start3A_50] : memref<32x40x128xi32, #tpu.memory_space<hbm>> -> memref<1x40x128xi32, #tpu.memory_space<hbm>>
      %dma_start3A_52 = tpu.memref_squeeze %dma_start3A_51 : memref<1x40x128xi32, #tpu.memory_space<hbm>> -> memref<40x128xi32, #tpu.memory_space<hbm>>
      tpu.enqueue_dma source(%dma_start3A_52 : memref<40x128xi32, #tpu.memory_space<hbm>>) target(%arg6 : memref<40x128xi32, #tpu.memory_space<vmem>>) target_semaphore(%run_scoped3A : memref<!tpu.dma_semaphore, #tpu.memory_space<semaphore_mem>>)
      %dma_wait3A = arith.constant 0 : i32
      %dma_wait3A_53 = arith.constant 0 : i32
      %dma_wait3A_54 = tpu.memref_slice %arg3[%add3A, %dma_wait3A, %dma_wait3A_53] : memref<32x40x128xi32, #tpu.memory_space<hbm>> -> memref<1x40x128xi32, #tpu.memory_space<hbm>>
      %dma_wait3A_55 = tpu.memref_squeeze %dma_wait3A_54 : memref<1x40x128xi32, #tpu.memory_space<hbm>> -> memref<40x128xi32, #tpu.memory_space<hbm>>
      %dma_wait3A_56 = arith.constant 0 : i32
      %dma_wait3A_57 = arith.constant 0 : i32
      %dma_wait3A_58 = tpu.memref_slice %arg3[%add3A, %dma_wait3A_56, %dma_wait3A_57] : memref<32x40x128xi32, #tpu.memory_space<hbm>> -> memref<1x40x128xi32, #tpu.memory_space<hbm>>
      %dma_wait3A_59 = tpu.memref_squeeze %dma_wait3A_58 : memref<1x40x128xi32, #tpu.memory_space<hbm>> -> memref<40x128xi32, #tpu.memory_space<hbm>>
      tpu.wait_dma2 semaphore(%run_scoped3A : memref<!tpu.dma_semaphore, #tpu.memory_space<semaphore_mem>>) src(%dma_wait3A_59 : memref<40x128xi32, #tpu.memory_space<hbm>>) dst(%arg6 : memref<40x128xi32, #tpu.memory_space<vmem>>)
      tpu.yield
    }) : () -> ()
    "tpu.region"() ({
      %run_scoped3A = tpu.sem_alloc : memref<!tpu.dma_semaphore, #tpu.memory_space<semaphore_mem>>
      %dma_start3A_45 = arith.constant 0 : i32
      %dma_start3A_46 = arith.constant 0 : i32
      %dma_start3A_47 = tpu.memref_slice %arg4[%add3A, %dma_start3A_45, %dma_start3A_46] : memref<32x40x128xi32, #tpu.memory_space<hbm>> -> memref<1x40x128xi32, #tpu.memory_space<hbm>>
      %dma_start3A_48 = tpu.memref_squeeze %dma_start3A_47 : memref<1x40x128xi32, #tpu.memory_space<hbm>> -> memref<40x128xi32, #tpu.memory_space<hbm>>
      %dma_start3A_49 = arith.constant 0 : i32
      %dma_start3A_50 = arith.constant 0 : i32
      %dma_start3A_51 = tpu.memref_slice %arg4[%add3A, %dma_start3A_49, %dma_start3A_50] : memref<32x40x128xi32, #tpu.memory_space<hbm>> -> memref<1x40x128xi32, #tpu.memory_space<hbm>>
      %dma_start3A_52 = tpu.memref_squeeze %dma_start3A_51 : memref<1x40x128xi32, #tpu.memory_space<hbm>> -> memref<40x128xi32, #tpu.memory_space<hbm>>
      tpu.enqueue_dma source(%dma_start3A_52 : memref<40x128xi32, #tpu.memory_space<hbm>>) target(%arg7 : memref<40x128xi32, #tpu.memory_space<vmem>>) target_semaphore(%run_scoped3A : memref<!tpu.dma_semaphore, #tpu.memory_space<semaphore_mem>>)
      %dma_wait3A = arith.constant 0 : i32
      %dma_wait3A_53 = arith.constant 0 : i32
      %dma_wait3A_54 = tpu.memref_slice %arg4[%add3A, %dma_wait3A, %dma_wait3A_53] : memref<32x40x128xi32, #tpu.memory_space<hbm>> -> memref<1x40x128xi32, #tpu.memory_space<hbm>>
      %dma_wait3A_55 = tpu.memref_squeeze %dma_wait3A_54 : memref<1x40x128xi32, #tpu.memory_space<hbm>> -> memref<40x128xi32, #tpu.memory_space<hbm>>
      %dma_wait3A_56 = arith.constant 0 : i32
      %dma_wait3A_57 = arith.constant 0 : i32
      %dma_wait3A_58 = tpu.memref_slice %arg4[%add3A, %dma_wait3A_56, %dma_wait3A_57] : memref<32x40x128xi32, #tpu.memory_space<hbm>> -> memref<1x40x128xi32, #tpu.memory_space<hbm>>
      %dma_wait3A_59 = tpu.memref_squeeze %dma_wait3A_58 : memref<1x40x128xi32, #tpu.memory_space<hbm>> -> memref<40x128xi32, #tpu.memory_space<hbm>>
      tpu.wait_dma2 semaphore(%run_scoped3A : memref<!tpu.dma_semaphore, #tpu.memory_space<semaphore_mem>>) src(%dma_wait3A_59 : memref<40x128xi32, #tpu.memory_space<hbm>>) dst(%arg7 : memref<40x128xi32, #tpu.memory_space<vmem>>)
      tpu.yield
    }) : () -> ()
    %scan3A = arith.constant 0 : i32
    %scan3A_1 = arith.constant 0 : i32
    %scan3A_2 = arith.constant 128 : i32
    %scan3A_3 = arith.addi %scan3A_1, %scan3A_2 : i32
    %scan3A_4 = arith.constant 1 : i32
    %scan3A_5 = scf.for %scan3A_45 = %scan3A_1 to %scan3A_3 step %scan3A_4 iter_args(%scan3A_46 = %scan3A) -> (i32)  : i32 {
      %scan3A_47 = arith.constant 0 : i32
      %scan3A_48 = arith.constant 0 : i32
      %scan3A_49 = arith.constant 8 : i32
      %scan3A_50 = arith.addi %scan3A_48, %scan3A_49 : i32
      %scan3A_51 = arith.constant 1 : i32
      %scan3A_52 = scf.for %scan3A_54 = %scan3A_48 to %scan3A_50 step %scan3A_51 iter_args(%scan3A_55 = %scan3A_47) -> (i32)  : i32 {
        %broadcast_in_dim3A = arith.constant 0.000000e+00 : f32
        %broadcast_in_dim3A_56 = vector.broadcast %broadcast_in_dim3A : f32 to vector<16xf32>
        %mul3A_57 = arith.constant 16 : i32
        %mul3A_58 = arith.muli %scan3A_54, %mul3A_57 : i32
        %swap3A = arith.index_cast %scan3A_45 : i32 to index
        %swap3A_59 = arith.index_cast %mul3A_58 : i32 to index
        %swap3A_60 = tpu.vector_load %arg8[%swap3A, %swap3A_59] {strides = array<i32>} : memref<128x128xf32, #tpu.memory_space<vmem>>, vector<1x16xf32>,
        %swap3A_61 = vector.shape_cast %swap3A_60 : vector<1x16xf32> to vector<16xf32>
        %swap3A_62 = vector.shape_cast %broadcast_in_dim3A_56 : vector<16xf32> to vector<1x16xf32>
        tpu.vector_store %arg8[%swap3A, %swap3A_59], %swap3A_62 {strides = array<i32>} : memref<128x128xf32, #tpu.memory_space<vmem>>, vector<1x16xf32>,
        %scan3A_63 = arith.constant 0 : i32
        scf.yield %scan3A_63 : i32
      }
      %scan3A_53 = arith.constant 8 : i32
      scf.yield %scan3A_52 : i32
    }
    %scan3A_6 = arith.constant 128 : i32
    %mul3A_7 = arith.constant 640 : i32
    %mul3A_8 = arith.muli %arg1, %mul3A_7 : i32
    %add3A_9 = arith.constant 0 : i32
    %add3A_10 = arith.addi %mul3A_8, %add3A_9 : i32
    "tpu.region"() ({
      %run_scoped3A = tpu.sem_alloc : memref<!tpu.dma_semaphore, #tpu.memory_space<semaphore_mem>>
      %dma_start3A_45 = arith.constant 0 : i32
      %dma_start3A_46 = arith.constant 0 : i32
      %dma_start3A_47 = tpu.memref_slice %arg8[%dma_start3A_45, %dma_start3A_46] : memref<128x128xf32, #tpu.memory_space<vmem>> -> memref<128x128xf32, #tpu.memory_space<vmem>>
      %dma_start3A_48 = arith.constant 0 : i32
      %dma_start3A_49 = tpu.memref_slice %arg10[%add3A_10, %dma_start3A_48] : memref<10240x128xf32, #tpu.memory_space<vmem_shared>> -> memref<128x128xf32, #tpu.memory_space<vmem_shared>>
      %dma_start3A_50 = arith.constant 0 : i32
      %dma_start3A_51 = tpu.memref_slice %arg10[%add3A_10, %dma_start3A_50] : memref<10240x128xf32, #tpu.memory_space<vmem_shared>> -> memref<128x128xf32, #tpu.memory_space<vmem_shared>>
      %dma_start3A_52 = arith.constant 0 : i32
      %dma_start3A_53 = arith.constant 0 : i32
      %dma_start3A_54 = tpu.memref_slice %arg8[%dma_start3A_52, %dma_start3A_53] : memref<128x128xf32, #tpu.memory_space<vmem>> -> memref<128x128xf32, #tpu.memory_space<vmem>>
      tpu.enqueue_dma source(%dma_start3A_54 : memref<128x128xf32, #tpu.memory_space<vmem>>) target(%dma_start3A_51 : memref<128x128xf32, #tpu.memory_space<vmem_shared>>) target_semaphore(%run_scoped3A : memref<!tpu.dma_semaphore, #tpu.memory_space<semaphore_mem>>)
      %dma_wait3A = arith.constant 0 : i32
      %dma_wait3A_55 = arith.constant 0 : i32
      %dma_wait3A_56 = tpu.memref_slice %arg8[%dma_wait3A, %dma_wait3A_55] : memref<128x128xf32, #tpu.memory_space<vmem>> -> memref<128x128xf32, #tpu.memory_space<vmem>>
      %dma_wait3A_57 = arith.constant 0 : i32
      %dma_wait3A_58 = tpu.memref_slice %arg10[%add3A_10, %dma_wait3A_57] : memref<10240x128xf32, #tpu.memory_space<vmem_shared>> -> memref<128x128xf32, #tpu.memory_space<vmem_shared>>
      %dma_wait3A_59 = arith.constant 0 : i32
      %dma_wait3A_60 = tpu.memref_slice %arg10[%add3A_10, %dma_wait3A_59] : memref<10240x128xf32, #tpu.memory_space<vmem_shared>> -> memref<128x128xf32, #tpu.memory_space<vmem_shared>>
      %dma_wait3A_61 = arith.constant 0 : i32
      %dma_wait3A_62 = arith.constant 0 : i32
      %dma_wait3A_63 = tpu.memref_slice %arg8[%dma_wait3A_61, %dma_wait3A_62] : memref<128x128xf32, #tpu.memory_space<vmem>> -> memref<128x128xf32, #tpu.memory_space<vmem>>
      tpu.wait_dma2 semaphore(%run_scoped3A : memref<!tpu.dma_semaphore, #tpu.memory_space<semaphore_mem>>) src(%dma_wait3A_63 : memref<128x128xf32, #tpu.memory_space<vmem>>) dst(%dma_wait3A_60 : memref<128x128xf32, #tpu.memory_space<vmem_shared>>)
      tpu.yield
    }) : () -> ()
    %mul3A_11 = arith.constant 640 : i32
    %mul3A_12 = arith.muli %arg1, %mul3A_11 : i32
    %add3A_13 = arith.constant 128 : i32
    %add3A_14 = arith.addi %mul3A_12, %add3A_13 : i32
    "tpu.region"() ({
      %run_scoped3A = tpu.sem_alloc : memref<!tpu.dma_semaphore, #tpu.memory_space<semaphore_mem>>
      %dma_start3A_45 = arith.constant 0 : i32
      %dma_start3A_46 = arith.constant 0 : i32
      %dma_start3A_47 = tpu.memref_slice %arg8[%dma_start3A_45, %dma_start3A_46] : memref<128x128xf32, #tpu.memory_space<vmem>> -> memref<128x128xf32, #tpu.memory_space<vmem>>
      %dma_start3A_48 = arith.constant 0 : i32
      %dma_start3A_49 = tpu.memref_slice %arg10[%add3A_14, %dma_start3A_48] : memref<10240x128xf32, #tpu.memory_space<vmem_shared>> -> memref<128x128xf32, #tpu.memory_space<vmem_shared>>
      %dma_start3A_50 = arith.constant 0 : i32
      %dma_start3A_51 = tpu.memref_slice %arg10[%add3A_14, %dma_start3A_50] : memref<10240x128xf32, #tpu.memory_space<vmem_shared>> -> memref<128x128xf32, #tpu.memory_space<vmem_shared>>
      %dma_start3A_52 = arith.constant 0 : i32
      %dma_start3A_53 = arith.constant 0 : i32
      %dma_start3A_54 = tpu.memref_slice %arg8[%dma_start3A_52, %dma_start3A_53] : memref<128x128xf32, #tpu.memory_space<vmem>> -> memref<128x128xf32, #tpu.memory_space<vmem>>
      tpu.enqueue_dma source(%dma_start3A_54 : memref<128x128xf32, #tpu.memory_space<vmem>>) target(%dma_start3A_51 : memref<128x128xf32, #tpu.memory_space<vmem_shared>>) target_semaphore(%run_scoped3A : memref<!tpu.dma_semaphore, #tpu.memory_space<semaphore_mem>>)
      %dma_wait3A = arith.constant 0 : i32
      %dma_wait3A_55 = arith.constant 0 : i32
      %dma_wait3A_56 = tpu.memref_slice %arg8[%dma_wait3A, %dma_wait3A_55] : memref<128x128xf32, #tpu.memory_space<vmem>> -> memref<128x128xf32, #tpu.memory_space<vmem>>
      %dma_wait3A_57 = arith.constant 0 : i32
      %dma_wait3A_58 = tpu.memref_slice %arg10[%add3A_14, %dma_wait3A_57] : memref<10240x128xf32, #tpu.memory_space<vmem_shared>> -> memref<128x128xf32, #tpu.memory_space<vmem_shared>>
      %dma_wait3A_59 = arith.constant 0 : i32
      %dma_wait3A_60 = tpu.memref_slice %arg10[%add3A_14, %dma_wait3A_59] : memref<10240x128xf32, #tpu.memory_space<vmem_shared>> -> memref<128x128xf32, #tpu.memory_space<vmem_shared>>
      %dma_wait3A_61 = arith.constant 0 : i32
      %dma_wait3A_62 = arith.constant 0 : i32
      %dma_wait3A_63 = tpu.memref_slice %arg8[%dma_wait3A_61, %dma_wait3A_62] : memref<128x128xf32, #tpu.memory_space<vmem>> -> memref<128x128xf32, #tpu.memory_space<vmem>>
      tpu.wait_dma2 semaphore(%run_scoped3A : memref<!tpu.dma_semaphore, #tpu.memory_space<semaphore_mem>>) src(%dma_wait3A_63 : memref<128x128xf32, #tpu.memory_space<vmem>>) dst(%dma_wait3A_60 : memref<128x128xf32, #tpu.memory_space<vmem_shared>>)
      tpu.yield
    }) : () -> ()
    %mul3A_15 = arith.constant 640 : i32
    %mul3A_16 = arith.muli %arg1, %mul3A_15 : i32
    %add3A_17 = arith.constant 256 : i32
    %add3A_18 = arith.addi %mul3A_16, %add3A_17 : i32
    "tpu.region"() ({
      %run_scoped3A = tpu.sem_alloc : memref<!tpu.dma_semaphore, #tpu.memory_space<semaphore_mem>>
      %dma_start3A_45 = arith.constant 0 : i32
      %dma_start3A_46 = arith.constant 0 : i32
      %dma_start3A_47 = tpu.memref_slice %arg8[%dma_start3A_45, %dma_start3A_46] : memref<128x128xf32, #tpu.memory_space<vmem>> -> memref<128x128xf32, #tpu.memory_space<vmem>>
      %dma_start3A_48 = arith.constant 0 : i32
      %dma_start3A_49 = tpu.memref_slice %arg10[%add3A_18, %dma_start3A_48] : memref<10240x128xf32, #tpu.memory_space<vmem_shared>> -> memref<128x128xf32, #tpu.memory_space<vmem_shared>>
      %dma_start3A_50 = arith.constant 0 : i32
      %dma_start3A_51 = tpu.memref_slice %arg10[%add3A_18, %dma_start3A_50] : memref<10240x128xf32, #tpu.memory_space<vmem_shared>> -> memref<128x128xf32, #tpu.memory_space<vmem_shared>>
      %dma_start3A_52 = arith.constant 0 : i32
      %dma_start3A_53 = arith.constant 0 : i32
      %dma_start3A_54 = tpu.memref_slice %arg8[%dma_start3A_52, %dma_start3A_53] : memref<128x128xf32, #tpu.memory_space<vmem>> -> memref<128x128xf32, #tpu.memory_space<vmem>>
      tpu.enqueue_dma source(%dma_start3A_54 : memref<128x128xf32, #tpu.memory_space<vmem>>) target(%dma_start3A_51 : memref<128x128xf32, #tpu.memory_space<vmem_shared>>) target_semaphore(%run_scoped3A : memref<!tpu.dma_semaphore, #tpu.memory_space<semaphore_mem>>)
      %dma_wait3A = arith.constant 0 : i32
      %dma_wait3A_55 = arith.constant 0 : i32
      %dma_wait3A_56 = tpu.memref_slice %arg8[%dma_wait3A, %dma_wait3A_55] : memref<128x128xf32, #tpu.memory_space<vmem>> -> memref<128x128xf32, #tpu.memory_space<vmem>>
      %dma_wait3A_57 = arith.constant 0 : i32
      %dma_wait3A_58 = tpu.memref_slice %arg10[%add3A_18, %dma_wait3A_57] : memref<10240x128xf32, #tpu.memory_space<vmem_shared>> -> memref<128x128xf32, #tpu.memory_space<vmem_shared>>
      %dma_wait3A_59 = arith.constant 0 : i32
      %dma_wait3A_60 = tpu.memref_slice %arg10[%add3A_18, %dma_wait3A_59] : memref<10240x128xf32, #tpu.memory_space<vmem_shared>> -> memref<128x128xf32, #tpu.memory_space<vmem_shared>>
      %dma_wait3A_61 = arith.constant 0 : i32
      %dma_wait3A_62 = arith.constant 0 : i32
      %dma_wait3A_63 = tpu.memref_slice %arg8[%dma_wait3A_61, %dma_wait3A_62] : memref<128x128xf32, #tpu.memory_space<vmem>> -> memref<128x128xf32, #tpu.memory_space<vmem>>
      tpu.wait_dma2 semaphore(%run_scoped3A : memref<!tpu.dma_semaphore, #tpu.memory_space<semaphore_mem>>) src(%dma_wait3A_63 : memref<128x128xf32, #tpu.memory_space<vmem>>) dst(%dma_wait3A_60 : memref<128x128xf32, #tpu.memory_space<vmem_shared>>)
      tpu.yield
    }) : () -> ()
    %mul3A_19 = arith.constant 640 : i32
    %mul3A_20 = arith.muli %arg1, %mul3A_19 : i32
    %add3A_21 = arith.constant 384 : i32
    %add3A_22 = arith.addi %mul3A_20, %add3A_21 : i32
    "tpu.region"() ({
      %run_scoped3A = tpu.sem_alloc : memref<!tpu.dma_semaphore, #tpu.memory_space<semaphore_mem>>
      %dma_start3A_45 = arith.constant 0 : i32
      %dma_start3A_46 = arith.constant 0 : i32
      %dma_start3A_47 = tpu.memref_slice %arg8[%dma_start3A_45, %dma_start3A_46] : memref<128x128xf32, #tpu.memory_space<vmem>> -> memref<128x128xf32, #tpu.memory_space<vmem>>
      %dma_start3A_48 = arith.constant 0 : i32
      %dma_start3A_49 = tpu.memref_slice %arg10[%add3A_22, %dma_start3A_48] : memref<10240x128xf32, #tpu.memory_space<vmem_shared>> -> memref<128x128xf32, #tpu.memory_space<vmem_shared>>
      %dma_start3A_50 = arith.constant 0 : i32
      %dma_start3A_51 = tpu.memref_slice %arg10[%add3A_22, %dma_start3A_50] : memref<10240x128xf32, #tpu.memory_space<vmem_shared>> -> memref<128x128xf32, #tpu.memory_space<vmem_shared>>
      %dma_start3A_52 = arith.constant 0 : i32
      %dma_start3A_53 = arith.constant 0 : i32
      %dma_start3A_54 = tpu.memref_slice %arg8[%dma_start3A_52, %dma_start3A_53] : memref<128x128xf32, #tpu.memory_space<vmem>> -> memref<128x128xf32, #tpu.memory_space<vmem>>
      tpu.enqueue_dma source(%dma_start3A_54 : memref<128x128xf32, #tpu.memory_space<vmem>>) target(%dma_start3A_51 : memref<128x128xf32, #tpu.memory_space<vmem_shared>>) target_semaphore(%run_scoped3A : memref<!tpu.dma_semaphore, #tpu.memory_space<semaphore_mem>>)
      %dma_wait3A = arith.constant 0 : i32
      %dma_wait3A_55 = arith.constant 0 : i32
      %dma_wait3A_56 = tpu.memref_slice %arg8[%dma_wait3A, %dma_wait3A_55] : memref<128x128xf32, #tpu.memory_space<vmem>> -> memref<128x128xf32, #tpu.memory_space<vmem>>
      %dma_wait3A_57 = arith.constant 0 : i32
      %dma_wait3A_58 = tpu.memref_slice %arg10[%add3A_22, %dma_wait3A_57] : memref<10240x128xf32, #tpu.memory_space<vmem_shared>> -> memref<128x128xf32, #tpu.memory_space<vmem_shared>>
      %dma_wait3A_59 = arith.constant 0 : i32
      %dma_wait3A_60 = tpu.memref_slice %arg10[%add3A_22, %dma_wait3A_59] : memref<10240x128xf32, #tpu.memory_space<vmem_shared>> -> memref<128x128xf32, #tpu.memory_space<vmem_shared>>
      %dma_wait3A_61 = arith.constant 0 : i32
      %dma_wait3A_62 = arith.constant 0 : i32
      %dma_wait3A_63 = tpu.memref_slice %arg8[%dma_wait3A_61, %dma_wait3A_62] : memref<128x128xf32, #tpu.memory_space<vmem>> -> memref<128x128xf32, #tpu.memory_space<vmem>>
      tpu.wait_dma2 semaphore(%run_scoped3A : memref<!tpu.dma_semaphore, #tpu.memory_space<semaphore_mem>>) src(%dma_wait3A_63 : memref<128x128xf32, #tpu.memory_space<vmem>>) dst(%dma_wait3A_60 : memref<128x128xf32, #tpu.memory_space<vmem_shared>>)
      tpu.yield
    }) : () -> ()
    %mul3A_23 = arith.constant 640 : i32
    %mul3A_24 = arith.muli %arg1, %mul3A_23 : i32
    %add3A_25 = arith.constant 512 : i32
    %add3A_26 = arith.addi %mul3A_24, %add3A_25 : i32
    "tpu.region"() ({
      %run_scoped3A = tpu.sem_alloc : memref<!tpu.dma_semaphore, #tpu.memory_space<semaphore_mem>>
      %dma_start3A_45 = arith.constant 0 : i32
      %dma_start3A_46 = arith.constant 0 : i32
      %dma_start3A_47 = tpu.memref_slice %arg8[%dma_start3A_45, %dma_start3A_46] : memref<128x128xf32, #tpu.memory_space<vmem>> -> memref<128x128xf32, #tpu.memory_space<vmem>>
      %dma_start3A_48 = arith.constant 0 : i32
      %dma_start3A_49 = tpu.memref_slice %arg10[%add3A_26, %dma_start3A_48] : memref<10240x128xf32, #tpu.memory_space<vmem_shared>> -> memref<128x128xf32, #tpu.memory_space<vmem_shared>>
      %dma_start3A_50 = arith.constant 0 : i32
      %dma_start3A_51 = tpu.memref_slice %arg10[%add3A_26, %dma_start3A_50] : memref<10240x128xf32, #tpu.memory_space<vmem_shared>> -> memref<128x128xf32, #tpu.memory_space<vmem_shared>>
      %dma_start3A_52 = arith.constant 0 : i32
      %dma_start3A_53 = arith.constant 0 : i32
      %dma_start3A_54 = tpu.memref_slice %arg8[%dma_start3A_52, %dma_start3A_53] : memref<128x128xf32, #tpu.memory_space<vmem>> -> memref<128x128xf32, #tpu.memory_space<vmem>>
      tpu.enqueue_dma source(%dma_start3A_54 : memref<128x128xf32, #tpu.memory_space<vmem>>) target(%dma_start3A_51 : memref<128x128xf32, #tpu.memory_space<vmem_shared>>) target_semaphore(%run_scoped3A : memref<!tpu.dma_semaphore, #tpu.memory_space<semaphore_mem>>)
      %dma_wait3A = arith.constant 0 : i32
      %dma_wait3A_55 = arith.constant 0 : i32
      %dma_wait3A_56 = tpu.memref_slice %arg8[%dma_wait3A, %dma_wait3A_55] : memref<128x128xf32, #tpu.memory_space<vmem>> -> memref<128x128xf32, #tpu.memory_space<vmem>>
      %dma_wait3A_57 = arith.constant 0 : i32
      %dma_wait3A_58 = tpu.memref_slice %arg10[%add3A_26, %dma_wait3A_57] : memref<10240x128xf32, #tpu.memory_space<vmem_shared>> -> memref<128x128xf32, #tpu.memory_space<vmem_shared>>
      %dma_wait3A_59 = arith.constant 0 : i32
      %dma_wait3A_60 = tpu.memref_slice %arg10[%add3A_26, %dma_wait3A_59] : memref<10240x128xf32, #tpu.memory_space<vmem_shared>> -> memref<128x128xf32, #tpu.memory_space<vmem_shared>>
      %dma_wait3A_61 = arith.constant 0 : i32
      %dma_wait3A_62 = arith.constant 0 : i32
      %dma_wait3A_63 = tpu.memref_slice %arg8[%dma_wait3A_61, %dma_wait3A_62] : memref<128x128xf32, #tpu.memory_space<vmem>> -> memref<128x128xf32, #tpu.memory_space<vmem>>
      tpu.wait_dma2 semaphore(%run_scoped3A : memref<!tpu.dma_semaphore, #tpu.memory_space<semaphore_mem>>) src(%dma_wait3A_63 : memref<128x128xf32, #tpu.memory_space<vmem>>) dst(%dma_wait3A_60 : memref<128x128xf32, #tpu.memory_space<vmem_shared>>)
      tpu.yield
    }) : () -> ()
    %barrier3A = arith.constant 0 : index
    tpu.barrier barrier_id(%barrier3A)
    %dma_start3A = arith.constant 0 : i32
    %dma_start3A_27 = arith.constant 0 : i32
    %dma_start3A_28 = tpu.memref_slice %arg6[%dma_start3A, %dma_start3A_27] : memref<40x128xi32, #tpu.memory_space<vmem>> -> memref<1x128xi32, #tpu.memory_space<vmem>>
    %dma_start3A_29 = tpu.memref_squeeze %dma_start3A_28 : memref<1x128xi32, #tpu.memory_space<vmem>> -> memref<128xi32, #tpu.memory_space<vmem>>
    %dma_start3A_30 = arith.constant 0 : i32
    %dma_start3A_31 = arith.constant 0 : i32
    %dma_start3A_32 = tpu.memref_slice %arg2[%dma_start3A_30, %dma_start3A_31] : memref<5120x128xf32, #tpu.memory_space<hbm>> -> memref<5120x128xf32, #tpu.memory_space<hbm>>
    tpu.enqueue_indirect_dma source(%dma_start3A_32 : memref<5120x128xf32, #tpu.memory_space<hbm>>) target(%arg8 : memref<128x128xf32, #tpu.memory_space<vmem>>) offsets(%dma_start3A_29 : memref<128xi32, #tpu.memory_space<vmem>>) semaphore(%arg11 : memref<!tpu.dma_semaphore, #tpu.memory_space<semaphore_mem>>)
    %scan3A_33 = arith.constant 0 : i32
    %scan3A_34 = arith.constant 0 : i32
    %scan3A_35 = arith.constant 20 : i32
    %scan3A_36 = arith.addi %scan3A_34, %scan3A_35 : i32
    %scan3A_37 = arith.constant 1 : i32
    %scan3A_38 = scf.for %scan3A_45 = %scan3A_34 to %scan3A_36 step %scan3A_37 iter_args(%scan3A_46 = %scan3A_33) -> (i32)  : i32 {
      %mul3A_47 = arith.constant 2 : i32
      %mul3A_48 = arith.muli %mul3A_47, %scan3A_45 : i32
      %add3A_49 = arith.constant 1 : i32
      %add3A_50 = arith.addi %mul3A_48, %add3A_49 : i32
      %dma_start3A_51 = arith.constant 0 : i32
      %dma_start3A_52 = tpu.memref_slice %arg6[%add3A_50, %dma_start3A_51] : memref<40x128xi32, #tpu.memory_space<vmem>> -> memref<1x128xi32, #tpu.memory_space<vmem>>
      %dma_start3A_53 = tpu.memref_squeeze %dma_start3A_52 : memref<1x128xi32, #tpu.memory_space<vmem>> -> memref<128xi32, #tpu.memory_space<vmem>>
      %dma_start3A_54 = arith.constant 0 : i32
      %dma_start3A_55 = arith.constant 0 : i32
      %dma_start3A_56 = tpu.memref_slice %arg2[%dma_start3A_54, %dma_start3A_55] : memref<5120x128xf32, #tpu.memory_space<hbm>> -> memref<5120x128xf32, #tpu.memory_space<hbm>>
      tpu.enqueue_indirect_dma source(%dma_start3A_56 : memref<5120x128xf32, #tpu.memory_space<hbm>>) target(%arg9 : memref<128x128xf32, #tpu.memory_space<vmem>>) offsets(%dma_start3A_53 : memref<128xi32, #tpu.memory_space<vmem>>) semaphore(%arg12 : memref<!tpu.dma_semaphore, #tpu.memory_space<semaphore_mem>>)
      %dma_wait3A = arith.constant 0 : i32
      %dma_wait3A_57 = tpu.memref_slice %arg6[%mul3A_48, %dma_wait3A] : memref<40x128xi32, #tpu.memory_space<vmem>> -> memref<1x128xi32, #tpu.memory_space<vmem>>
      %dma_wait3A_58 = tpu.memref_squeeze %dma_wait3A_57 : memref<1x128xi32, #tpu.memory_space<vmem>> -> memref<128xi32, #tpu.memory_space<vmem>>
      %dma_wait3A_59 = arith.constant 0 : i32
      %dma_wait3A_60 = arith.constant 0 : i32
      %dma_wait3A_61 = tpu.memref_slice %arg2[%dma_wait3A_59, %dma_wait3A_60] : memref<5120x128xf32, #tpu.memory_space<hbm>> -> memref<5120x128xf32, #tpu.memory_space<hbm>>
      tpu.wait_indirect_dma semaphore(%arg11 : memref<!tpu.dma_semaphore, #tpu.memory_space<semaphore_mem>>) src(%dma_wait3A_61 : memref<5120x128xf32, #tpu.memory_space<hbm>>) dst(%arg8 : memref<128x128xf32, #tpu.memory_space<vmem>>)
      "tpu.region"() ({
        %run_scoped3A = tpu.sem_alloc : memref<!tpu.dma_semaphore, #tpu.memory_space<semaphore_mem>>
        %dma_start3A_73 = arith.constant 0 : i32
        %dma_start3A_74 = tpu.memref_slice %arg7[%mul3A_48, %dma_start3A_73] : memref<40x128xi32, #tpu.memory_space<vmem>> -> memref<1x128xi32, #tpu.memory_space<vmem>>
        %dma_start3A_75 = tpu.memref_squeeze %dma_start3A_74 : memref<1x128xi32, #tpu.memory_space<vmem>> -> memref<128xi32, #tpu.memory_space<vmem>>
        %dma_start3A_76 = arith.constant 0 : i32
        %dma_start3A_77 = arith.constant 0 : i32
        %dma_start3A_78 = tpu.memref_slice %arg10[%dma_start3A_76, %dma_start3A_77] : memref<10240x128xf32, #tpu.memory_space<vmem_shared>> -> memref<10240x128xf32, #tpu.memory_space<vmem_shared>>
        tpu.enqueue_indirect_dma source(%arg8 : memref<128x128xf32, #tpu.memory_space<vmem>>) target(%dma_start3A_78 : memref<10240x128xf32, #tpu.memory_space<vmem_shared>>) offsets(%dma_start3A_75 : memref<128xi32, #tpu.memory_space<vmem>>) semaphore(%run_scoped3A : memref<!tpu.dma_semaphore, #tpu.memory_space<semaphore_mem>>) {add = true}
        %dma_wait3A_79 = arith.constant 0 : i32
        %dma_wait3A_80 = tpu.memref_slice %arg7[%mul3A_48, %dma_wait3A_79] : memref<40x128xi32, #tpu.memory_space<vmem>> -> memref<1x128xi32, #tpu.memory_space<vmem>>
        %dma_wait3A_81 = tpu.memref_squeeze %dma_wait3A_80 : memref<1x128xi32, #tpu.memory_space<vmem>> -> memref<128xi32, #tpu.memory_space<vmem>>
        %dma_wait3A_82 = arith.constant 0 : i32
        %dma_wait3A_83 = arith.constant 0 : i32
        %dma_wait3A_84 = tpu.memref_slice %arg10[%dma_wait3A_82, %dma_wait3A_83] : memref<10240x128xf32, #tpu.memory_space<vmem_shared>> -> memref<10240x128xf32, #tpu.memory_space<vmem_shared>>
        tpu.wait_indirect_dma semaphore(%run_scoped3A : memref<!tpu.dma_semaphore, #tpu.memory_space<semaphore_mem>>) src(%arg8 : memref<128x128xf32, #tpu.memory_space<vmem>>) dst(%dma_wait3A_84 : memref<10240x128xf32, #tpu.memory_space<vmem_shared>>)
        tpu.yield
      }) : () -> ()
      %lt3A = arith.constant 19 : i32
      %lt3A_62 = arith.cmpi slt, %scan3A_45, %lt3A : i32
      %convert_element_type3A = arith.extui %lt3A_62 : i1 to i32
      %cond3A = arith.constant 0 : i32
      %cond3A_63 = arith.cmpi ne, %convert_element_type3A, %cond3A : i32
      scf.if %cond3A_63 {
        %add3A_73 = arith.constant 2 : i32
        %add3A_74 = arith.addi %mul3A_48, %add3A_73 : i32
        %dma_start3A_75 = arith.constant 0 : i32
        %dma_start3A_76 = tpu.memref_slice %arg6[%add3A_74, %dma_start3A_75] : memref<40x128xi32, #tpu.memory_space<vmem>> -> memref<1x128xi32, #tpu.memory_space<vmem>>
        %dma_start3A_77 = tpu.memref_squeeze %dma_start3A_76 : memref<1x128xi32, #tpu.memory_space<vmem>> -> memref<128xi32, #tpu.memory_space<vmem>>
        %dma_start3A_78 = arith.constant 0 : i32
        %dma_start3A_79 = arith.constant 0 : i32
        %dma_start3A_80 = tpu.memref_slice %arg2[%dma_start3A_78, %dma_start3A_79] : memref<5120x128xf32, #tpu.memory_space<hbm>> -> memref<5120x128xf32, #tpu.memory_space<hbm>>
        tpu.enqueue_indirect_dma source(%dma_start3A_80 : memref<5120x128xf32, #tpu.memory_space<hbm>>) target(%arg8 : memref<128x128xf32, #tpu.memory_space<vmem>>) offsets(%dma_start3A_77 : memref<128xi32, #tpu.memory_space<vmem>>) semaphore(%arg11 : memref<!tpu.dma_semaphore, #tpu.memory_space<semaphore_mem>>)
      } else {
      }
      %dma_wait3A_64 = arith.constant 0 : i32
      %dma_wait3A_65 = tpu.memref_slice %arg6[%add3A_50, %dma_wait3A_64] : memref<40x128xi32, #tpu.memory_space<vmem>> -> memref<1x128xi32, #tpu.memory_space<vmem>>
      %dma_wait3A_66 = tpu.memref_squeeze %dma_wait3A_65 : memref<1x128xi32, #tpu.memory_space<vmem>> -> memref<128xi32, #tpu.memory_space<vmem>>
      %dma_wait3A_67 = arith.constant 0 : i32
      %dma_wait3A_68 = arith.constant 0 : i32
      %dma_wait3A_69 = tpu.memref_slice %arg2[%dma_wait3A_67, %dma_wait3A_68] : memref<5120x128xf32, #tpu.memory_space<hbm>> -> memref<5120x128xf32, #tpu.memory_space<hbm>>
      tpu.wait_indirect_dma semaphore(%arg12 : memref<!tpu.dma_semaphore, #tpu.memory_space<semaphore_mem>>) src(%dma_wait3A_69 : memref<5120x128xf32, #tpu.memory_space<hbm>>) dst(%arg9 : memref<128x128xf32, #tpu.memory_space<vmem>>)
      %add3A_70 = arith.constant 1 : i32
      %add3A_71 = arith.addi %mul3A_48, %add3A_70 : i32
      "tpu.region"() ({
        %run_scoped3A = tpu.sem_alloc : memref<!tpu.dma_semaphore, #tpu.memory_space<semaphore_mem>>
        %dma_start3A_73 = arith.constant 0 : i32
        %dma_start3A_74 = tpu.memref_slice %arg7[%add3A_71, %dma_start3A_73] : memref<40x128xi32, #tpu.memory_space<vmem>> -> memref<1x128xi32, #tpu.memory_space<vmem>>
        %dma_start3A_75 = tpu.memref_squeeze %dma_start3A_74 : memref<1x128xi32, #tpu.memory_space<vmem>> -> memref<128xi32, #tpu.memory_space<vmem>>
        %dma_start3A_76 = arith.constant 0 : i32
        %dma_start3A_77 = arith.constant 0 : i32
        %dma_start3A_78 = tpu.memref_slice %arg10[%dma_start3A_76, %dma_start3A_77] : memref<10240x128xf32, #tpu.memory_space<vmem_shared>> -> memref<10240x128xf32, #tpu.memory_space<vmem_shared>>
        tpu.enqueue_indirect_dma source(%arg9 : memref<128x128xf32, #tpu.memory_space<vmem>>) target(%dma_start3A_78 : memref<10240x128xf32, #tpu.memory_space<vmem_shared>>) offsets(%dma_start3A_75 : memref<128xi32, #tpu.memory_space<vmem>>) semaphore(%run_scoped3A : memref<!tpu.dma_semaphore, #tpu.memory_space<semaphore_mem>>) {add = true}
        %dma_wait3A_79 = arith.constant 0 : i32
        %dma_wait3A_80 = tpu.memref_slice %arg7[%add3A_71, %dma_wait3A_79] : memref<40x128xi32, #tpu.memory_space<vmem>> -> memref<1x128xi32, #tpu.memory_space<vmem>>
        %dma_wait3A_81 = tpu.memref_squeeze %dma_wait3A_80 : memref<1x128xi32, #tpu.memory_space<vmem>> -> memref<128xi32, #tpu.memory_space<vmem>>
        %dma_wait3A_82 = arith.constant 0 : i32
        %dma_wait3A_83 = arith.constant 0 : i32
        %dma_wait3A_84 = tpu.memref_slice %arg10[%dma_wait3A_82, %dma_wait3A_83] : memref<10240x128xf32, #tpu.memory_space<vmem_shared>> -> memref<10240x128xf32, #tpu.memory_space<vmem_shared>>
        tpu.wait_indirect_dma semaphore(%run_scoped3A : memref<!tpu.dma_semaphore, #tpu.memory_space<semaphore_mem>>) src(%arg9 : memref<128x128xf32, #tpu.memory_space<vmem>>) dst(%dma_wait3A_84 : memref<10240x128xf32, #tpu.memory_space<vmem_shared>>)
        tpu.yield
      }) : () -> ()
      %scan3A_72 = arith.constant 0 : i32
      scf.yield %scan3A_72 : i32
    }
    %scan3A_39 = arith.constant 20 : i32
    %barrier3A_40 = arith.constant 0 : index
    tpu.barrier barrier_id(%barrier3A_40)
    %mul3A_41 = arith.constant 640 : i32
    %mul3A_42 = arith.muli %arg1, %mul3A_41 : i32
    %mul3A_43 = arith.constant 640 : i32
    %mul3A_44 = arith.muli %arg1, %mul3A_43 : i32
    "tpu.region"() ({
      %run_scoped3A = tpu.sem_alloc : memref<!tpu.dma_semaphore, #tpu.memory_space<semaphore_mem>>
      %dma_start3A_45 = arith.constant 0 : i32
      %dma_start3A_46 = tpu.memref_slice %arg5[%arg0, %mul3A_44, %dma_start3A_45] : memref<2x10240x128xf32, #tpu.memory_space<hbm>> -> memref<1x640x128xf32, #tpu.memory_space<hbm>>
      %dma_start3A_47 = tpu.memref_squeeze %dma_start3A_46 : memref<1x640x128xf32, #tpu.memory_space<hbm>> -> memref<640x128xf32, #tpu.memory_space<hbm>>
      %dma_start3A_48 = arith.constant 0 : i32
      %dma_start3A_49 = tpu.memref_slice %arg10[%mul3A_42, %dma_start3A_48] : memref<10240x128xf32, #tpu.memory_space<vmem_shared>> -> memref<640x128xf32, #tpu.memory_space<vmem_shared>>
      tpu.enqueue_dma source(%dma_start3A_49 : memref<640x128xf32, #tpu.memory_space<vmem_shared>>) target(%dma_start3A_47 : memref<640x128xf32, #tpu.memory_space<hbm>>) target_semaphore(%run_scoped3A : memref<!tpu.dma_semaphore, #tpu.memory_space<semaphore_mem>>)
      %dma_wait3A = arith.constant 0 : i32
      %dma_wait3A_50 = tpu.memref_slice %arg5[%arg0, %mul3A_44, %dma_wait3A] : memref<2x10240x128xf32, #tpu.memory_space<hbm>> -> memref<1x640x128xf32, #tpu.memory_space<hbm>>
      %dma_wait3A_51 = tpu.memref_squeeze %dma_wait3A_50 : memref<1x640x128xf32, #tpu.memory_space<hbm>> -> memref<640x128xf32, #tpu.memory_space<hbm>>
      %dma_wait3A_52 = arith.constant 0 : i32
      %dma_wait3A_53 = tpu.memref_slice %arg10[%mul3A_42, %dma_wait3A_52] : memref<10240x128xf32, #tpu.memory_space<vmem_shared>> -> memref<640x128xf32, #tpu.memory_space<vmem_shared>>
      tpu.wait_dma2 semaphore(%run_scoped3A : memref<!tpu.dma_semaphore, #tpu.memory_space<semaphore_mem>>) src(%dma_wait3A_53 : memref<640x128xf32, #tpu.memory_space<vmem_shared>>) dst(%dma_wait3A_51 : memref<640x128xf32, #tpu.memory_space<hbm>>)
      tpu.yield
    }) : () -> ()
    return
  }
}

#map = affine_map<(d0, d1) -> (0, 0)>
#map1 = affine_map<(d0, d1) -> (0, 0, 0)>
module attributes {stable_mosaic.version = 14 : i64} {
  func.func @k(%arg0: i32, %arg1: i32, %arg2: memref<10240x128xf32, #tpu.memory_space<hbm>>, %arg3: memref<32x40x128xi32, #tpu.memory_space<hbm>>, %arg4: memref<32x40x128xi32, #tpu.memory_space<hbm>>, %arg5: memref<2x5120x128xf32, #tpu.memory_space<hbm>>, %arg6: memref<40x128xi32, #tpu.memory_space<vmem>>, %arg7: memref<40x128xi32, #tpu.memory_space<vmem>>, %arg8: memref<128x128xf32, #tpu.memory_space<vmem>>, %arg9: memref<128x128xf32, #tpu.memory_space<vmem>>, %arg10: memref<5120x128xf32, #tpu.memory_space<vmem_shared>>, %arg11: memref<!tpu.dma_semaphore, #tpu.memory_space<semaphore_mem>>, %arg12: memref<!tpu.dma_semaphore, #tpu.memory_space<semaphore_mem>>) attributes {dimension_semantics = [#tpu.dimension_semantics<core_parallel>, #tpu.dimension_semantics<subcore_parallel>], iteration_bounds = array<i64: 2, 16>, scalar_prefetch = 0 : i64, scratch_operands = 7 : i64, tpu.core_type = #tpu.core_type<sc_vector_subcore>, window_params = [{transform_indices = #map}, {transform_indices = #map1}, {transform_indices = #map1}, {transform_indices = #map1}]} {
    %mul3A = arith.constant 16 : i32
    %mul3A_0 = arith.muli %arg0, %mul3A : i32
    %add3A = arith.addi %mul3A_0, %arg1 : i32
    "tpu.region"() ({
      %run_scoped3A = tpu.sem_alloc : memref<!tpu.dma_semaphore, #tpu.memory_space<semaphore_mem>>
      %dma_start3A_37 = arith.constant 0 : i32
      %dma_start3A_38 = arith.constant 0 : i32
      %dma_start3A_39 = tpu.memref_slice %arg3[%add3A, %dma_start3A_37, %dma_start3A_38] : memref<32x40x128xi32, #tpu.memory_space<hbm>> -> memref<1x40x128xi32, #tpu.memory_space<hbm>>
      %dma_start3A_40 = tpu.memref_squeeze %dma_start3A_39 : memref<1x40x128xi32, #tpu.memory_space<hbm>> -> memref<40x128xi32, #tpu.memory_space<hbm>>
      %dma_start3A_41 = arith.constant 0 : i32
      %dma_start3A_42 = arith.constant 0 : i32
      %dma_start3A_43 = tpu.memref_slice %arg3[%add3A, %dma_start3A_41, %dma_start3A_42] : memref<32x40x128xi32, #tpu.memory_space<hbm>> -> memref<1x40x128xi32, #tpu.memory_space<hbm>>
      %dma_start3A_44 = tpu.memref_squeeze %dma_start3A_43 : memref<1x40x128xi32, #tpu.memory_space<hbm>> -> memref<40x128xi32, #tpu.memory_space<hbm>>
      tpu.enqueue_dma source(%dma_start3A_44 : memref<40x128xi32, #tpu.memory_space<hbm>>) target(%arg6 : memref<40x128xi32, #tpu.memory_space<vmem>>) target_semaphore(%run_scoped3A : memref<!tpu.dma_semaphore, #tpu.memory_space<semaphore_mem>>)
      %dma_wait3A = arith.constant 0 : i32
      %dma_wait3A_45 = arith.constant 0 : i32
      %dma_wait3A_46 = tpu.memref_slice %arg3[%add3A, %dma_wait3A, %dma_wait3A_45] : memref<32x40x128xi32, #tpu.memory_space<hbm>> -> memref<1x40x128xi32, #tpu.memory_space<hbm>>
      %dma_wait3A_47 = tpu.memref_squeeze %dma_wait3A_46 : memref<1x40x128xi32, #tpu.memory_space<hbm>> -> memref<40x128xi32, #tpu.memory_space<hbm>>
      %dma_wait3A_48 = arith.constant 0 : i32
      %dma_wait3A_49 = arith.constant 0 : i32
      %dma_wait3A_50 = tpu.memref_slice %arg3[%add3A, %dma_wait3A_48, %dma_wait3A_49] : memref<32x40x128xi32, #tpu.memory_space<hbm>> -> memref<1x40x128xi32, #tpu.memory_space<hbm>>
      %dma_wait3A_51 = tpu.memref_squeeze %dma_wait3A_50 : memref<1x40x128xi32, #tpu.memory_space<hbm>> -> memref<40x128xi32, #tpu.memory_space<hbm>>
      tpu.wait_dma2 semaphore(%run_scoped3A : memref<!tpu.dma_semaphore, #tpu.memory_space<semaphore_mem>>) src(%dma_wait3A_51 : memref<40x128xi32, #tpu.memory_space<hbm>>) dst(%arg6 : memref<40x128xi32, #tpu.memory_space<vmem>>)
      tpu.yield
    }) : () -> ()
    "tpu.region"() ({
      %run_scoped3A = tpu.sem_alloc : memref<!tpu.dma_semaphore, #tpu.memory_space<semaphore_mem>>
      %dma_start3A_37 = arith.constant 0 : i32
      %dma_start3A_38 = arith.constant 0 : i32
      %dma_start3A_39 = tpu.memref_slice %arg4[%add3A, %dma_start3A_37, %dma_start3A_38] : memref<32x40x128xi32, #tpu.memory_space<hbm>> -> memref<1x40x128xi32, #tpu.memory_space<hbm>>
      %dma_start3A_40 = tpu.memref_squeeze %dma_start3A_39 : memref<1x40x128xi32, #tpu.memory_space<hbm>> -> memref<40x128xi32, #tpu.memory_space<hbm>>
      %dma_start3A_41 = arith.constant 0 : i32
      %dma_start3A_42 = arith.constant 0 : i32
      %dma_start3A_43 = tpu.memref_slice %arg4[%add3A, %dma_start3A_41, %dma_start3A_42] : memref<32x40x128xi32, #tpu.memory_space<hbm>> -> memref<1x40x128xi32, #tpu.memory_space<hbm>>
      %dma_start3A_44 = tpu.memref_squeeze %dma_start3A_43 : memref<1x40x128xi32, #tpu.memory_space<hbm>> -> memref<40x128xi32, #tpu.memory_space<hbm>>
      tpu.enqueue_dma source(%dma_start3A_44 : memref<40x128xi32, #tpu.memory_space<hbm>>) target(%arg7 : memref<40x128xi32, #tpu.memory_space<vmem>>) target_semaphore(%run_scoped3A : memref<!tpu.dma_semaphore, #tpu.memory_space<semaphore_mem>>)
      %dma_wait3A = arith.constant 0 : i32
      %dma_wait3A_45 = arith.constant 0 : i32
      %dma_wait3A_46 = tpu.memref_slice %arg4[%add3A, %dma_wait3A, %dma_wait3A_45] : memref<32x40x128xi32, #tpu.memory_space<hbm>> -> memref<1x40x128xi32, #tpu.memory_space<hbm>>
      %dma_wait3A_47 = tpu.memref_squeeze %dma_wait3A_46 : memref<1x40x128xi32, #tpu.memory_space<hbm>> -> memref<40x128xi32, #tpu.memory_space<hbm>>
      %dma_wait3A_48 = arith.constant 0 : i32
      %dma_wait3A_49 = arith.constant 0 : i32
      %dma_wait3A_50 = tpu.memref_slice %arg4[%add3A, %dma_wait3A_48, %dma_wait3A_49] : memref<32x40x128xi32, #tpu.memory_space<hbm>> -> memref<1x40x128xi32, #tpu.memory_space<hbm>>
      %dma_wait3A_51 = tpu.memref_squeeze %dma_wait3A_50 : memref<1x40x128xi32, #tpu.memory_space<hbm>> -> memref<40x128xi32, #tpu.memory_space<hbm>>
      tpu.wait_dma2 semaphore(%run_scoped3A : memref<!tpu.dma_semaphore, #tpu.memory_space<semaphore_mem>>) src(%dma_wait3A_51 : memref<40x128xi32, #tpu.memory_space<hbm>>) dst(%arg7 : memref<40x128xi32, #tpu.memory_space<vmem>>)
      tpu.yield
    }) : () -> ()
    %scan3A = arith.constant 0 : i32
    %scan3A_1 = arith.constant 0 : i32
    %scan3A_2 = arith.constant 128 : i32
    %scan3A_3 = arith.addi %scan3A_1, %scan3A_2 : i32
    %scan3A_4 = arith.constant 1 : i32
    %scan3A_5 = scf.for %scan3A_37 = %scan3A_1 to %scan3A_3 step %scan3A_4 iter_args(%scan3A_38 = %scan3A) -> (i32)  : i32 {
      %scan3A_39 = arith.constant 0 : i32
      %scan3A_40 = arith.constant 0 : i32
      %scan3A_41 = arith.constant 8 : i32
      %scan3A_42 = arith.addi %scan3A_40, %scan3A_41 : i32
      %scan3A_43 = arith.constant 1 : i32
      %scan3A_44 = scf.for %scan3A_46 = %scan3A_40 to %scan3A_42 step %scan3A_43 iter_args(%scan3A_47 = %scan3A_39) -> (i32)  : i32 {
        %broadcast_in_dim3A = arith.constant 0.000000e+00 : f32
        %broadcast_in_dim3A_48 = vector.broadcast %broadcast_in_dim3A : f32 to vector<16xf32>
        %mul3A_49 = arith.constant 16 : i32
        %mul3A_50 = arith.muli %scan3A_46, %mul3A_49 : i32
        %swap3A = arith.index_cast %scan3A_37 : i32 to index
        %swap3A_51 = arith.index_cast %mul3A_50 : i32 to index
        %swap3A_52 = tpu.vector_load %arg8[%swap3A, %swap3A_51] {strides = array<i32>} : memref<128x128xf32, #tpu.memory_space<vmem>>, vector<1x16xf32>,
        %swap3A_53 = vector.shape_cast %swap3A_52 : vector<1x16xf32> to vector<16xf32>
        %swap3A_54 = vector.shape_cast %broadcast_in_dim3A_48 : vector<16xf32> to vector<1x16xf32>
        tpu.vector_store %arg8[%swap3A, %swap3A_51], %swap3A_54 {strides = array<i32>} : memref<128x128xf32, #tpu.memory_space<vmem>>, vector<1x16xf32>,
        %scan3A_55 = arith.constant 0 : i32
        scf.yield %scan3A_55 : i32
      }
      %scan3A_45 = arith.constant 8 : i32
      scf.yield %scan3A_44 : i32
    }
    %scan3A_6 = arith.constant 128 : i32
    %mul3A_7 = arith.constant 320 : i32
    %mul3A_8 = arith.muli %arg1, %mul3A_7 : i32
    %add3A_9 = arith.constant 0 : i32
    %add3A_10 = arith.addi %mul3A_8, %add3A_9 : i32
    "tpu.region"() ({
      %run_scoped3A = tpu.sem_alloc : memref<!tpu.dma_semaphore, #tpu.memory_space<semaphore_mem>>
      %dma_start3A_37 = arith.constant 0 : i32
      %dma_start3A_38 = arith.constant 0 : i32
      %dma_start3A_39 = tpu.memref_slice %arg8[%dma_start3A_37, %dma_start3A_38] : memref<128x128xf32, #tpu.memory_space<vmem>> -> memref<128x128xf32, #tpu.memory_space<vmem>>
      %dma_start3A_40 = arith.constant 0 : i32
      %dma_start3A_41 = tpu.memref_slice %arg10[%add3A_10, %dma_start3A_40] : memref<5120x128xf32, #tpu.memory_space<vmem_shared>> -> memref<128x128xf32, #tpu.memory_space<vmem_shared>>
      %dma_start3A_42 = arith.constant 0 : i32
      %dma_start3A_43 = tpu.memref_slice %arg10[%add3A_10, %dma_start3A_42] : memref<5120x128xf32, #tpu.memory_space<vmem_shared>> -> memref<128x128xf32, #tpu.memory_space<vmem_shared>>
      %dma_start3A_44 = arith.constant 0 : i32
      %dma_start3A_45 = arith.constant 0 : i32
      %dma_start3A_46 = tpu.memref_slice %arg8[%dma_start3A_44, %dma_start3A_45] : memref<128x128xf32, #tpu.memory_space<vmem>> -> memref<128x128xf32, #tpu.memory_space<vmem>>
      tpu.enqueue_dma source(%dma_start3A_46 : memref<128x128xf32, #tpu.memory_space<vmem>>) target(%dma_start3A_43 : memref<128x128xf32, #tpu.memory_space<vmem_shared>>) target_semaphore(%run_scoped3A : memref<!tpu.dma_semaphore, #tpu.memory_space<semaphore_mem>>)
      %dma_wait3A = arith.constant 0 : i32
      %dma_wait3A_47 = arith.constant 0 : i32
      %dma_wait3A_48 = tpu.memref_slice %arg8[%dma_wait3A, %dma_wait3A_47] : memref<128x128xf32, #tpu.memory_space<vmem>> -> memref<128x128xf32, #tpu.memory_space<vmem>>
      %dma_wait3A_49 = arith.constant 0 : i32
      %dma_wait3A_50 = tpu.memref_slice %arg10[%add3A_10, %dma_wait3A_49] : memref<5120x128xf32, #tpu.memory_space<vmem_shared>> -> memref<128x128xf32, #tpu.memory_space<vmem_shared>>
      %dma_wait3A_51 = arith.constant 0 : i32
      %dma_wait3A_52 = tpu.memref_slice %arg10[%add3A_10, %dma_wait3A_51] : memref<5120x128xf32, #tpu.memory_space<vmem_shared>> -> memref<128x128xf32, #tpu.memory_space<vmem_shared>>
      %dma_wait3A_53 = arith.constant 0 : i32
      %dma_wait3A_54 = arith.constant 0 : i32
      %dma_wait3A_55 = tpu.memref_slice %arg8[%dma_wait3A_53, %dma_wait3A_54] : memref<128x128xf32, #tpu.memory_space<vmem>> -> memref<128x128xf32, #tpu.memory_space<vmem>>
      tpu.wait_dma2 semaphore(%run_scoped3A : memref<!tpu.dma_semaphore, #tpu.memory_space<semaphore_mem>>) src(%dma_wait3A_55 : memref<128x128xf32, #tpu.memory_space<vmem>>) dst(%dma_wait3A_52 : memref<128x128xf32, #tpu.memory_space<vmem_shared>>)
      tpu.yield
    }) : () -> ()
    %mul3A_11 = arith.constant 320 : i32
    %mul3A_12 = arith.muli %arg1, %mul3A_11 : i32
    %add3A_13 = arith.constant 128 : i32
    %add3A_14 = arith.addi %mul3A_12, %add3A_13 : i32
    "tpu.region"() ({
      %run_scoped3A = tpu.sem_alloc : memref<!tpu.dma_semaphore, #tpu.memory_space<semaphore_mem>>
      %dma_start3A_37 = arith.constant 0 : i32
      %dma_start3A_38 = arith.constant 0 : i32
      %dma_start3A_39 = tpu.memref_slice %arg8[%dma_start3A_37, %dma_start3A_38] : memref<128x128xf32, #tpu.memory_space<vmem>> -> memref<128x128xf32, #tpu.memory_space<vmem>>
      %dma_start3A_40 = arith.constant 0 : i32
      %dma_start3A_41 = tpu.memref_slice %arg10[%add3A_14, %dma_start3A_40] : memref<5120x128xf32, #tpu.memory_space<vmem_shared>> -> memref<128x128xf32, #tpu.memory_space<vmem_shared>>
      %dma_start3A_42 = arith.constant 0 : i32
      %dma_start3A_43 = tpu.memref_slice %arg10[%add3A_14, %dma_start3A_42] : memref<5120x128xf32, #tpu.memory_space<vmem_shared>> -> memref<128x128xf32, #tpu.memory_space<vmem_shared>>
      %dma_start3A_44 = arith.constant 0 : i32
      %dma_start3A_45 = arith.constant 0 : i32
      %dma_start3A_46 = tpu.memref_slice %arg8[%dma_start3A_44, %dma_start3A_45] : memref<128x128xf32, #tpu.memory_space<vmem>> -> memref<128x128xf32, #tpu.memory_space<vmem>>
      tpu.enqueue_dma source(%dma_start3A_46 : memref<128x128xf32, #tpu.memory_space<vmem>>) target(%dma_start3A_43 : memref<128x128xf32, #tpu.memory_space<vmem_shared>>) target_semaphore(%run_scoped3A : memref<!tpu.dma_semaphore, #tpu.memory_space<semaphore_mem>>)
      %dma_wait3A = arith.constant 0 : i32
      %dma_wait3A_47 = arith.constant 0 : i32
      %dma_wait3A_48 = tpu.memref_slice %arg8[%dma_wait3A, %dma_wait3A_47] : memref<128x128xf32, #tpu.memory_space<vmem>> -> memref<128x128xf32, #tpu.memory_space<vmem>>
      %dma_wait3A_49 = arith.constant 0 : i32
      %dma_wait3A_50 = tpu.memref_slice %arg10[%add3A_14, %dma_wait3A_49] : memref<5120x128xf32, #tpu.memory_space<vmem_shared>> -> memref<128x128xf32, #tpu.memory_space<vmem_shared>>
      %dma_wait3A_51 = arith.constant 0 : i32
      %dma_wait3A_52 = tpu.memref_slice %arg10[%add3A_14, %dma_wait3A_51] : memref<5120x128xf32, #tpu.memory_space<vmem_shared>> -> memref<128x128xf32, #tpu.memory_space<vmem_shared>>
      %dma_wait3A_53 = arith.constant 0 : i32
      %dma_wait3A_54 = arith.constant 0 : i32
      %dma_wait3A_55 = tpu.memref_slice %arg8[%dma_wait3A_53, %dma_wait3A_54] : memref<128x128xf32, #tpu.memory_space<vmem>> -> memref<128x128xf32, #tpu.memory_space<vmem>>
      tpu.wait_dma2 semaphore(%run_scoped3A : memref<!tpu.dma_semaphore, #tpu.memory_space<semaphore_mem>>) src(%dma_wait3A_55 : memref<128x128xf32, #tpu.memory_space<vmem>>) dst(%dma_wait3A_52 : memref<128x128xf32, #tpu.memory_space<vmem_shared>>)
      tpu.yield
    }) : () -> ()
    %mul3A_15 = arith.constant 320 : i32
    %mul3A_16 = arith.muli %arg1, %mul3A_15 : i32
    %add3A_17 = arith.constant 256 : i32
    %add3A_18 = arith.addi %mul3A_16, %add3A_17 : i32
    "tpu.region"() ({
      %run_scoped3A = tpu.sem_alloc : memref<!tpu.dma_semaphore, #tpu.memory_space<semaphore_mem>>
      %dma_start3A_37 = arith.constant 0 : i32
      %dma_start3A_38 = arith.constant 0 : i32
      %dma_start3A_39 = tpu.memref_slice %arg8[%dma_start3A_37, %dma_start3A_38] : memref<128x128xf32, #tpu.memory_space<vmem>> -> memref<64x128xf32, #tpu.memory_space<vmem>>
      %dma_start3A_40 = arith.constant 0 : i32
      %dma_start3A_41 = tpu.memref_slice %arg10[%add3A_18, %dma_start3A_40] : memref<5120x128xf32, #tpu.memory_space<vmem_shared>> -> memref<64x128xf32, #tpu.memory_space<vmem_shared>>
      %dma_start3A_42 = arith.constant 0 : i32
      %dma_start3A_43 = tpu.memref_slice %arg10[%add3A_18, %dma_start3A_42] : memref<5120x128xf32, #tpu.memory_space<vmem_shared>> -> memref<64x128xf32, #tpu.memory_space<vmem_shared>>
      %dma_start3A_44 = arith.constant 0 : i32
      %dma_start3A_45 = arith.constant 0 : i32
      %dma_start3A_46 = tpu.memref_slice %arg8[%dma_start3A_44, %dma_start3A_45] : memref<128x128xf32, #tpu.memory_space<vmem>> -> memref<64x128xf32, #tpu.memory_space<vmem>>
      tpu.enqueue_dma source(%dma_start3A_46 : memref<64x128xf32, #tpu.memory_space<vmem>>) target(%dma_start3A_43 : memref<64x128xf32, #tpu.memory_space<vmem_shared>>) target_semaphore(%run_scoped3A : memref<!tpu.dma_semaphore, #tpu.memory_space<semaphore_mem>>)
      %dma_wait3A = arith.constant 0 : i32
      %dma_wait3A_47 = arith.constant 0 : i32
      %dma_wait3A_48 = tpu.memref_slice %arg8[%dma_wait3A, %dma_wait3A_47] : memref<128x128xf32, #tpu.memory_space<vmem>> -> memref<64x128xf32, #tpu.memory_space<vmem>>
      %dma_wait3A_49 = arith.constant 0 : i32
      %dma_wait3A_50 = tpu.memref_slice %arg10[%add3A_18, %dma_wait3A_49] : memref<5120x128xf32, #tpu.memory_space<vmem_shared>> -> memref<64x128xf32, #tpu.memory_space<vmem_shared>>
      %dma_wait3A_51 = arith.constant 0 : i32
      %dma_wait3A_52 = tpu.memref_slice %arg10[%add3A_18, %dma_wait3A_51] : memref<5120x128xf32, #tpu.memory_space<vmem_shared>> -> memref<64x128xf32, #tpu.memory_space<vmem_shared>>
      %dma_wait3A_53 = arith.constant 0 : i32
      %dma_wait3A_54 = arith.constant 0 : i32
      %dma_wait3A_55 = tpu.memref_slice %arg8[%dma_wait3A_53, %dma_wait3A_54] : memref<128x128xf32, #tpu.memory_space<vmem>> -> memref<64x128xf32, #tpu.memory_space<vmem>>
      tpu.wait_dma2 semaphore(%run_scoped3A : memref<!tpu.dma_semaphore, #tpu.memory_space<semaphore_mem>>) src(%dma_wait3A_55 : memref<64x128xf32, #tpu.memory_space<vmem>>) dst(%dma_wait3A_52 : memref<64x128xf32, #tpu.memory_space<vmem_shared>>)
      tpu.yield
    }) : () -> ()
    %barrier3A = arith.constant 0 : index
    tpu.barrier barrier_id(%barrier3A)
    %dma_start3A = arith.constant 0 : i32
    %dma_start3A_19 = arith.constant 0 : i32
    %dma_start3A_20 = tpu.memref_slice %arg6[%dma_start3A, %dma_start3A_19] : memref<40x128xi32, #tpu.memory_space<vmem>> -> memref<1x128xi32, #tpu.memory_space<vmem>>
    %dma_start3A_21 = tpu.memref_squeeze %dma_start3A_20 : memref<1x128xi32, #tpu.memory_space<vmem>> -> memref<128xi32, #tpu.memory_space<vmem>>
    %dma_start3A_22 = arith.constant 0 : i32
    %dma_start3A_23 = arith.constant 0 : i32
    %dma_start3A_24 = tpu.memref_slice %arg2[%dma_start3A_22, %dma_start3A_23] : memref<10240x128xf32, #tpu.memory_space<hbm>> -> memref<10240x128xf32, #tpu.memory_space<hbm>>
    tpu.enqueue_indirect_dma source(%dma_start3A_24 : memref<10240x128xf32, #tpu.memory_space<hbm>>) target(%arg8 : memref<128x128xf32, #tpu.memory_space<vmem>>) offsets(%dma_start3A_21 : memref<128xi32, #tpu.memory_space<vmem>>) semaphore(%arg11 : memref<!tpu.dma_semaphore, #tpu.memory_space<semaphore_mem>>)
    %scan3A_25 = arith.constant 0 : i32
    %scan3A_26 = arith.constant 0 : i32
    %scan3A_27 = arith.constant 20 : i32
    %scan3A_28 = arith.addi %scan3A_26, %scan3A_27 : i32
    %scan3A_29 = arith.constant 1 : i32
    %scan3A_30 = scf.for %scan3A_37 = %scan3A_26 to %scan3A_28 step %scan3A_29 iter_args(%scan3A_38 = %scan3A_25) -> (i32)  : i32 {
      %mul3A_39 = arith.constant 2 : i32
      %mul3A_40 = arith.muli %mul3A_39, %scan3A_37 : i32
      %add3A_41 = arith.constant 1 : i32
      %add3A_42 = arith.addi %mul3A_40, %add3A_41 : i32
      %dma_start3A_43 = arith.constant 0 : i32
      %dma_start3A_44 = tpu.memref_slice %arg6[%add3A_42, %dma_start3A_43] : memref<40x128xi32, #tpu.memory_space<vmem>> -> memref<1x128xi32, #tpu.memory_space<vmem>>
      %dma_start3A_45 = tpu.memref_squeeze %dma_start3A_44 : memref<1x128xi32, #tpu.memory_space<vmem>> -> memref<128xi32, #tpu.memory_space<vmem>>
      %dma_start3A_46 = arith.constant 0 : i32
      %dma_start3A_47 = arith.constant 0 : i32
      %dma_start3A_48 = tpu.memref_slice %arg2[%dma_start3A_46, %dma_start3A_47] : memref<10240x128xf32, #tpu.memory_space<hbm>> -> memref<10240x128xf32, #tpu.memory_space<hbm>>
      tpu.enqueue_indirect_dma source(%dma_start3A_48 : memref<10240x128xf32, #tpu.memory_space<hbm>>) target(%arg9 : memref<128x128xf32, #tpu.memory_space<vmem>>) offsets(%dma_start3A_45 : memref<128xi32, #tpu.memory_space<vmem>>) semaphore(%arg12 : memref<!tpu.dma_semaphore, #tpu.memory_space<semaphore_mem>>)
      %dma_wait3A = arith.constant 0 : i32
      %dma_wait3A_49 = tpu.memref_slice %arg6[%mul3A_40, %dma_wait3A] : memref<40x128xi32, #tpu.memory_space<vmem>> -> memref<1x128xi32, #tpu.memory_space<vmem>>
      %dma_wait3A_50 = tpu.memref_squeeze %dma_wait3A_49 : memref<1x128xi32, #tpu.memory_space<vmem>> -> memref<128xi32, #tpu.memory_space<vmem>>
      %dma_wait3A_51 = arith.constant 0 : i32
      %dma_wait3A_52 = arith.constant 0 : i32
      %dma_wait3A_53 = tpu.memref_slice %arg2[%dma_wait3A_51, %dma_wait3A_52] : memref<10240x128xf32, #tpu.memory_space<hbm>> -> memref<10240x128xf32, #tpu.memory_space<hbm>>
      tpu.wait_indirect_dma semaphore(%arg11 : memref<!tpu.dma_semaphore, #tpu.memory_space<semaphore_mem>>) src(%dma_wait3A_53 : memref<10240x128xf32, #tpu.memory_space<hbm>>) dst(%arg8 : memref<128x128xf32, #tpu.memory_space<vmem>>)
      "tpu.region"() ({
        %run_scoped3A = tpu.sem_alloc : memref<!tpu.dma_semaphore, #tpu.memory_space<semaphore_mem>>
        %dma_start3A_65 = arith.constant 0 : i32
        %dma_start3A_66 = tpu.memref_slice %arg7[%mul3A_40, %dma_start3A_65] : memref<40x128xi32, #tpu.memory_space<vmem>> -> memref<1x128xi32, #tpu.memory_space<vmem>>
        %dma_start3A_67 = tpu.memref_squeeze %dma_start3A_66 : memref<1x128xi32, #tpu.memory_space<vmem>> -> memref<128xi32, #tpu.memory_space<vmem>>
        %dma_start3A_68 = arith.constant 0 : i32
        %dma_start3A_69 = arith.constant 0 : i32
        %dma_start3A_70 = tpu.memref_slice %arg10[%dma_start3A_68, %dma_start3A_69] : memref<5120x128xf32, #tpu.memory_space<vmem_shared>> -> memref<5120x128xf32, #tpu.memory_space<vmem_shared>>
        tpu.enqueue_indirect_dma source(%arg8 : memref<128x128xf32, #tpu.memory_space<vmem>>) target(%dma_start3A_70 : memref<5120x128xf32, #tpu.memory_space<vmem_shared>>) offsets(%dma_start3A_67 : memref<128xi32, #tpu.memory_space<vmem>>) semaphore(%run_scoped3A : memref<!tpu.dma_semaphore, #tpu.memory_space<semaphore_mem>>) {add = true}
        %dma_wait3A_71 = arith.constant 0 : i32
        %dma_wait3A_72 = tpu.memref_slice %arg7[%mul3A_40, %dma_wait3A_71] : memref<40x128xi32, #tpu.memory_space<vmem>> -> memref<1x128xi32, #tpu.memory_space<vmem>>
        %dma_wait3A_73 = tpu.memref_squeeze %dma_wait3A_72 : memref<1x128xi32, #tpu.memory_space<vmem>> -> memref<128xi32, #tpu.memory_space<vmem>>
        %dma_wait3A_74 = arith.constant 0 : i32
        %dma_wait3A_75 = arith.constant 0 : i32
        %dma_wait3A_76 = tpu.memref_slice %arg10[%dma_wait3A_74, %dma_wait3A_75] : memref<5120x128xf32, #tpu.memory_space<vmem_shared>> -> memref<5120x128xf32, #tpu.memory_space<vmem_shared>>
        tpu.wait_indirect_dma semaphore(%run_scoped3A : memref<!tpu.dma_semaphore, #tpu.memory_space<semaphore_mem>>) src(%arg8 : memref<128x128xf32, #tpu.memory_space<vmem>>) dst(%dma_wait3A_76 : memref<5120x128xf32, #tpu.memory_space<vmem_shared>>)
        tpu.yield
      }) : () -> ()
      %lt3A = arith.constant 19 : i32
      %lt3A_54 = arith.cmpi slt, %scan3A_37, %lt3A : i32
      %convert_element_type3A = arith.extui %lt3A_54 : i1 to i32
      %cond3A = arith.constant 0 : i32
      %cond3A_55 = arith.cmpi ne, %convert_element_type3A, %cond3A : i32
      scf.if %cond3A_55 {
        %add3A_65 = arith.constant 2 : i32
        %add3A_66 = arith.addi %mul3A_40, %add3A_65 : i32
        %dma_start3A_67 = arith.constant 0 : i32
        %dma_start3A_68 = tpu.memref_slice %arg6[%add3A_66, %dma_start3A_67] : memref<40x128xi32, #tpu.memory_space<vmem>> -> memref<1x128xi32, #tpu.memory_space<vmem>>
        %dma_start3A_69 = tpu.memref_squeeze %dma_start3A_68 : memref<1x128xi32, #tpu.memory_space<vmem>> -> memref<128xi32, #tpu.memory_space<vmem>>
        %dma_start3A_70 = arith.constant 0 : i32
        %dma_start3A_71 = arith.constant 0 : i32
        %dma_start3A_72 = tpu.memref_slice %arg2[%dma_start3A_70, %dma_start3A_71] : memref<10240x128xf32, #tpu.memory_space<hbm>> -> memref<10240x128xf32, #tpu.memory_space<hbm>>
        tpu.enqueue_indirect_dma source(%dma_start3A_72 : memref<10240x128xf32, #tpu.memory_space<hbm>>) target(%arg8 : memref<128x128xf32, #tpu.memory_space<vmem>>) offsets(%dma_start3A_69 : memref<128xi32, #tpu.memory_space<vmem>>) semaphore(%arg11 : memref<!tpu.dma_semaphore, #tpu.memory_space<semaphore_mem>>)
      } else {
      }
      %dma_wait3A_56 = arith.constant 0 : i32
      %dma_wait3A_57 = tpu.memref_slice %arg6[%add3A_42, %dma_wait3A_56] : memref<40x128xi32, #tpu.memory_space<vmem>> -> memref<1x128xi32, #tpu.memory_space<vmem>>
      %dma_wait3A_58 = tpu.memref_squeeze %dma_wait3A_57 : memref<1x128xi32, #tpu.memory_space<vmem>> -> memref<128xi32, #tpu.memory_space<vmem>>
      %dma_wait3A_59 = arith.constant 0 : i32
      %dma_wait3A_60 = arith.constant 0 : i32
      %dma_wait3A_61 = tpu.memref_slice %arg2[%dma_wait3A_59, %dma_wait3A_60] : memref<10240x128xf32, #tpu.memory_space<hbm>> -> memref<10240x128xf32, #tpu.memory_space<hbm>>
      tpu.wait_indirect_dma semaphore(%arg12 : memref<!tpu.dma_semaphore, #tpu.memory_space<semaphore_mem>>) src(%dma_wait3A_61 : memref<10240x128xf32, #tpu.memory_space<hbm>>) dst(%arg9 : memref<128x128xf32, #tpu.memory_space<vmem>>)
      %add3A_62 = arith.constant 1 : i32
      %add3A_63 = arith.addi %mul3A_40, %add3A_62 : i32
      "tpu.region"() ({
        %run_scoped3A = tpu.sem_alloc : memref<!tpu.dma_semaphore, #tpu.memory_space<semaphore_mem>>
        %dma_start3A_65 = arith.constant 0 : i32
        %dma_start3A_66 = tpu.memref_slice %arg7[%add3A_63, %dma_start3A_65] : memref<40x128xi32, #tpu.memory_space<vmem>> -> memref<1x128xi32, #tpu.memory_space<vmem>>
        %dma_start3A_67 = tpu.memref_squeeze %dma_start3A_66 : memref<1x128xi32, #tpu.memory_space<vmem>> -> memref<128xi32, #tpu.memory_space<vmem>>
        %dma_start3A_68 = arith.constant 0 : i32
        %dma_start3A_69 = arith.constant 0 : i32
        %dma_start3A_70 = tpu.memref_slice %arg10[%dma_start3A_68, %dma_start3A_69] : memref<5120x128xf32, #tpu.memory_space<vmem_shared>> -> memref<5120x128xf32, #tpu.memory_space<vmem_shared>>
        tpu.enqueue_indirect_dma source(%arg9 : memref<128x128xf32, #tpu.memory_space<vmem>>) target(%dma_start3A_70 : memref<5120x128xf32, #tpu.memory_space<vmem_shared>>) offsets(%dma_start3A_67 : memref<128xi32, #tpu.memory_space<vmem>>) semaphore(%run_scoped3A : memref<!tpu.dma_semaphore, #tpu.memory_space<semaphore_mem>>) {add = true}
        %dma_wait3A_71 = arith.constant 0 : i32
        %dma_wait3A_72 = tpu.memref_slice %arg7[%add3A_63, %dma_wait3A_71] : memref<40x128xi32, #tpu.memory_space<vmem>> -> memref<1x128xi32, #tpu.memory_space<vmem>>
        %dma_wait3A_73 = tpu.memref_squeeze %dma_wait3A_72 : memref<1x128xi32, #tpu.memory_space<vmem>> -> memref<128xi32, #tpu.memory_space<vmem>>
        %dma_wait3A_74 = arith.constant 0 : i32
        %dma_wait3A_75 = arith.constant 0 : i32
        %dma_wait3A_76 = tpu.memref_slice %arg10[%dma_wait3A_74, %dma_wait3A_75] : memref<5120x128xf32, #tpu.memory_space<vmem_shared>> -> memref<5120x128xf32, #tpu.memory_space<vmem_shared>>
        tpu.wait_indirect_dma semaphore(%run_scoped3A : memref<!tpu.dma_semaphore, #tpu.memory_space<semaphore_mem>>) src(%arg9 : memref<128x128xf32, #tpu.memory_space<vmem>>) dst(%dma_wait3A_76 : memref<5120x128xf32, #tpu.memory_space<vmem_shared>>)
        tpu.yield
      }) : () -> ()
      %scan3A_64 = arith.constant 0 : i32
      scf.yield %scan3A_64 : i32
    }
    %scan3A_31 = arith.constant 20 : i32
    %barrier3A_32 = arith.constant 0 : index
    tpu.barrier barrier_id(%barrier3A_32)
    %mul3A_33 = arith.constant 320 : i32
    %mul3A_34 = arith.muli %arg1, %mul3A_33 : i32
    %mul3A_35 = arith.constant 320 : i32
    %mul3A_36 = arith.muli %arg1, %mul3A_35 : i32
    "tpu.region"() ({
      %run_scoped3A = tpu.sem_alloc : memref<!tpu.dma_semaphore, #tpu.memory_space<semaphore_mem>>
      %dma_start3A_37 = arith.constant 0 : i32
      %dma_start3A_38 = tpu.memref_slice %arg5[%arg0, %mul3A_36, %dma_start3A_37] : memref<2x5120x128xf32, #tpu.memory_space<hbm>> -> memref<1x320x128xf32, #tpu.memory_space<hbm>>
      %dma_start3A_39 = tpu.memref_squeeze %dma_start3A_38 : memref<1x320x128xf32, #tpu.memory_space<hbm>> -> memref<320x128xf32, #tpu.memory_space<hbm>>
      %dma_start3A_40 = arith.constant 0 : i32
      %dma_start3A_41 = tpu.memref_slice %arg10[%mul3A_34, %dma_start3A_40] : memref<5120x128xf32, #tpu.memory_space<vmem_shared>> -> memref<320x128xf32, #tpu.memory_space<vmem_shared>>
      tpu.enqueue_dma source(%dma_start3A_41 : memref<320x128xf32, #tpu.memory_space<vmem_shared>>) target(%dma_start3A_39 : memref<320x128xf32, #tpu.memory_space<hbm>>) target_semaphore(%run_scoped3A : memref<!tpu.dma_semaphore, #tpu.memory_space<semaphore_mem>>)
      %dma_wait3A = arith.constant 0 : i32
      %dma_wait3A_42 = tpu.memref_slice %arg5[%arg0, %mul3A_36, %dma_wait3A] : memref<2x5120x128xf32, #tpu.memory_space<hbm>> -> memref<1x320x128xf32, #tpu.memory_space<hbm>>
      %dma_wait3A_43 = tpu.memref_squeeze %dma_wait3A_42 : memref<1x320x128xf32, #tpu.memory_space<hbm>> -> memref<320x128xf32, #tpu.memory_space<hbm>>
      %dma_wait3A_44 = arith.constant 0 : i32
      %dma_wait3A_45 = tpu.memref_slice %arg10[%mul3A_34, %dma_wait3A_44] : memref<5120x128xf32, #tpu.memory_space<vmem_shared>> -> memref<320x128xf32, #tpu.memory_space<vmem_shared>>
      tpu.wait_dma2 semaphore(%run_scoped3A : memref<!tpu.dma_semaphore, #tpu.memory_space<semaphore_mem>>) src(%dma_wait3A_45 : memref<320x128xf32, #tpu.memory_space<vmem_shared>>) dst(%dma_wait3A_43 : memref<320x128xf32, #tpu.memory_space<hbm>>)
      tpu.yield
    }) : () -> ()
    return
  }
}

#map = affine_map<(d0, d1) -> (0, 0)>
#map1 = affine_map<(d0, d1) -> (0, 0, 0)>
module attributes {stable_mosaic.version = 14 : i64} {
  func.func @k(%arg0: i32, %arg1: i32, %arg2: memref<5120x128xf32, #tpu.memory_space<hbm>>, %arg3: memref<32x40x128xi32, #tpu.memory_space<hbm>>, %arg4: memref<32x40x128xi32, #tpu.memory_space<hbm>>, %arg5: memref<2x10240x128xf32, #tpu.memory_space<hbm>>, %arg6: memref<40x128xi32, #tpu.memory_space<vmem>>, %arg7: memref<40x128xi32, #tpu.memory_space<vmem>>, %arg8: memref<128x128xf32, #tpu.memory_space<vmem>>, %arg9: memref<128x128xf32, #tpu.memory_space<vmem>>, %arg10: memref<10240x128xf32, #tpu.memory_space<vmem_shared>>, %arg11: memref<!tpu.dma_semaphore, #tpu.memory_space<semaphore_mem>>, %arg12: memref<!tpu.dma_semaphore, #tpu.memory_space<semaphore_mem>>) attributes {dimension_semantics = [#tpu.dimension_semantics<core_parallel>, #tpu.dimension_semantics<subcore_parallel>], iteration_bounds = array<i64: 2, 16>, scalar_prefetch = 0 : i64, scratch_operands = 7 : i64, tpu.core_type = #tpu.core_type<sc_vector_subcore>, window_params = [{transform_indices = #map}, {transform_indices = #map1}, {transform_indices = #map1}, {transform_indices = #map1}]} {
    %mul3A = arith.constant 16 : i32
    %mul3A_0 = arith.muli %arg0, %mul3A : i32
    %add3A = arith.addi %mul3A_0, %arg1 : i32
    "tpu.region"() ({
      %run_scoped3A = tpu.sem_alloc : memref<!tpu.dma_semaphore, #tpu.memory_space<semaphore_mem>>
      %dma_start3A_45 = arith.constant 0 : i32
      %dma_start3A_46 = arith.constant 0 : i32
      %dma_start3A_47 = tpu.memref_slice %arg3[%add3A, %dma_start3A_45, %dma_start3A_46] : memref<32x40x128xi32, #tpu.memory_space<hbm>> -> memref<1x40x128xi32, #tpu.memory_space<hbm>>
      %dma_start3A_48 = tpu.memref_squeeze %dma_start3A_47 : memref<1x40x128xi32, #tpu.memory_space<hbm>> -> memref<40x128xi32, #tpu.memory_space<hbm>>
      %dma_start3A_49 = arith.constant 0 : i32
      %dma_start3A_50 = arith.constant 0 : i32
      %dma_start3A_51 = tpu.memref_slice %arg3[%add3A, %dma_start3A_49, %dma_start3A_50] : memref<32x40x128xi32, #tpu.memory_space<hbm>> -> memref<1x40x128xi32, #tpu.memory_space<hbm>>
      %dma_start3A_52 = tpu.memref_squeeze %dma_start3A_51 : memref<1x40x128xi32, #tpu.memory_space<hbm>> -> memref<40x128xi32, #tpu.memory_space<hbm>>
      tpu.enqueue_dma source(%dma_start3A_52 : memref<40x128xi32, #tpu.memory_space<hbm>>) target(%arg6 : memref<40x128xi32, #tpu.memory_space<vmem>>) target_semaphore(%run_scoped3A : memref<!tpu.dma_semaphore, #tpu.memory_space<semaphore_mem>>)
      %dma_wait3A = arith.constant 0 : i32
      %dma_wait3A_53 = arith.constant 0 : i32
      %dma_wait3A_54 = tpu.memref_slice %arg3[%add3A, %dma_wait3A, %dma_wait3A_53] : memref<32x40x128xi32, #tpu.memory_space<hbm>> -> memref<1x40x128xi32, #tpu.memory_space<hbm>>
      %dma_wait3A_55 = tpu.memref_squeeze %dma_wait3A_54 : memref<1x40x128xi32, #tpu.memory_space<hbm>> -> memref<40x128xi32, #tpu.memory_space<hbm>>
      %dma_wait3A_56 = arith.constant 0 : i32
      %dma_wait3A_57 = arith.constant 0 : i32
      %dma_wait3A_58 = tpu.memref_slice %arg3[%add3A, %dma_wait3A_56, %dma_wait3A_57] : memref<32x40x128xi32, #tpu.memory_space<hbm>> -> memref<1x40x128xi32, #tpu.memory_space<hbm>>
      %dma_wait3A_59 = tpu.memref_squeeze %dma_wait3A_58 : memref<1x40x128xi32, #tpu.memory_space<hbm>> -> memref<40x128xi32, #tpu.memory_space<hbm>>
      tpu.wait_dma2 semaphore(%run_scoped3A : memref<!tpu.dma_semaphore, #tpu.memory_space<semaphore_mem>>) src(%dma_wait3A_59 : memref<40x128xi32, #tpu.memory_space<hbm>>) dst(%arg6 : memref<40x128xi32, #tpu.memory_space<vmem>>)
      tpu.yield
    }) : () -> ()
    "tpu.region"() ({
      %run_scoped3A = tpu.sem_alloc : memref<!tpu.dma_semaphore, #tpu.memory_space<semaphore_mem>>
      %dma_start3A_45 = arith.constant 0 : i32
      %dma_start3A_46 = arith.constant 0 : i32
      %dma_start3A_47 = tpu.memref_slice %arg4[%add3A, %dma_start3A_45, %dma_start3A_46] : memref<32x40x128xi32, #tpu.memory_space<hbm>> -> memref<1x40x128xi32, #tpu.memory_space<hbm>>
      %dma_start3A_48 = tpu.memref_squeeze %dma_start3A_47 : memref<1x40x128xi32, #tpu.memory_space<hbm>> -> memref<40x128xi32, #tpu.memory_space<hbm>>
      %dma_start3A_49 = arith.constant 0 : i32
      %dma_start3A_50 = arith.constant 0 : i32
      %dma_start3A_51 = tpu.memref_slice %arg4[%add3A, %dma_start3A_49, %dma_start3A_50] : memref<32x40x128xi32, #tpu.memory_space<hbm>> -> memref<1x40x128xi32, #tpu.memory_space<hbm>>
      %dma_start3A_52 = tpu.memref_squeeze %dma_start3A_51 : memref<1x40x128xi32, #tpu.memory_space<hbm>> -> memref<40x128xi32, #tpu.memory_space<hbm>>
      tpu.enqueue_dma source(%dma_start3A_52 : memref<40x128xi32, #tpu.memory_space<hbm>>) target(%arg7 : memref<40x128xi32, #tpu.memory_space<vmem>>) target_semaphore(%run_scoped3A : memref<!tpu.dma_semaphore, #tpu.memory_space<semaphore_mem>>)
      %dma_wait3A = arith.constant 0 : i32
      %dma_wait3A_53 = arith.constant 0 : i32
      %dma_wait3A_54 = tpu.memref_slice %arg4[%add3A, %dma_wait3A, %dma_wait3A_53] : memref<32x40x128xi32, #tpu.memory_space<hbm>> -> memref<1x40x128xi32, #tpu.memory_space<hbm>>
      %dma_wait3A_55 = tpu.memref_squeeze %dma_wait3A_54 : memref<1x40x128xi32, #tpu.memory_space<hbm>> -> memref<40x128xi32, #tpu.memory_space<hbm>>
      %dma_wait3A_56 = arith.constant 0 : i32
      %dma_wait3A_57 = arith.constant 0 : i32
      %dma_wait3A_58 = tpu.memref_slice %arg4[%add3A, %dma_wait3A_56, %dma_wait3A_57] : memref<32x40x128xi32, #tpu.memory_space<hbm>> -> memref<1x40x128xi32, #tpu.memory_space<hbm>>
      %dma_wait3A_59 = tpu.memref_squeeze %dma_wait3A_58 : memref<1x40x128xi32, #tpu.memory_space<hbm>> -> memref<40x128xi32, #tpu.memory_space<hbm>>
      tpu.wait_dma2 semaphore(%run_scoped3A : memref<!tpu.dma_semaphore, #tpu.memory_space<semaphore_mem>>) src(%dma_wait3A_59 : memref<40x128xi32, #tpu.memory_space<hbm>>) dst(%arg7 : memref<40x128xi32, #tpu.memory_space<vmem>>)
      tpu.yield
    }) : () -> ()
    %scan3A = arith.constant 0 : i32
    %scan3A_1 = arith.constant 0 : i32
    %scan3A_2 = arith.constant 128 : i32
    %scan3A_3 = arith.addi %scan3A_1, %scan3A_2 : i32
    %scan3A_4 = arith.constant 1 : i32
    %scan3A_5 = scf.for %scan3A_45 = %scan3A_1 to %scan3A_3 step %scan3A_4 iter_args(%scan3A_46 = %scan3A) -> (i32)  : i32 {
      %scan3A_47 = arith.constant 0 : i32
      %scan3A_48 = arith.constant 0 : i32
      %scan3A_49 = arith.constant 8 : i32
      %scan3A_50 = arith.addi %scan3A_48, %scan3A_49 : i32
      %scan3A_51 = arith.constant 1 : i32
      %scan3A_52 = scf.for %scan3A_54 = %scan3A_48 to %scan3A_50 step %scan3A_51 iter_args(%scan3A_55 = %scan3A_47) -> (i32)  : i32 {
        %broadcast_in_dim3A = arith.constant 0.000000e+00 : f32
        %broadcast_in_dim3A_56 = vector.broadcast %broadcast_in_dim3A : f32 to vector<16xf32>
        %mul3A_57 = arith.constant 16 : i32
        %mul3A_58 = arith.muli %scan3A_54, %mul3A_57 : i32
        %swap3A = arith.index_cast %scan3A_45 : i32 to index
        %swap3A_59 = arith.index_cast %mul3A_58 : i32 to index
        %swap3A_60 = tpu.vector_load %arg8[%swap3A, %swap3A_59] {strides = array<i32>} : memref<128x128xf32, #tpu.memory_space<vmem>>, vector<1x16xf32>,
        %swap3A_61 = vector.shape_cast %swap3A_60 : vector<1x16xf32> to vector<16xf32>
        %swap3A_62 = vector.shape_cast %broadcast_in_dim3A_56 : vector<16xf32> to vector<1x16xf32>
        tpu.vector_store %arg8[%swap3A, %swap3A_59], %swap3A_62 {strides = array<i32>} : memref<128x128xf32, #tpu.memory_space<vmem>>, vector<1x16xf32>,
        %scan3A_63 = arith.constant 0 : i32
        scf.yield %scan3A_63 : i32
      }
      %scan3A_53 = arith.constant 8 : i32
      scf.yield %scan3A_52 : i32
    }
    %scan3A_6 = arith.constant 128 : i32
    %mul3A_7 = arith.constant 640 : i32
    %mul3A_8 = arith.muli %arg1, %mul3A_7 : i32
    %add3A_9 = arith.constant 0 : i32
    %add3A_10 = arith.addi %mul3A_8, %add3A_9 : i32
    "tpu.region"() ({
      %run_scoped3A = tpu.sem_alloc : memref<!tpu.dma_semaphore, #tpu.memory_space<semaphore_mem>>
      %dma_start3A_45 = arith.constant 0 : i32
      %dma_start3A_46 = arith.constant 0 : i32
      %dma_start3A_47 = tpu.memref_slice %arg8[%dma_start3A_45, %dma_start3A_46] : memref<128x128xf32, #tpu.memory_space<vmem>> -> memref<128x128xf32, #tpu.memory_space<vmem>>
      %dma_start3A_48 = arith.constant 0 : i32
      %dma_start3A_49 = tpu.memref_slice %arg10[%add3A_10, %dma_start3A_48] : memref<10240x128xf32, #tpu.memory_space<vmem_shared>> -> memref<128x128xf32, #tpu.memory_space<vmem_shared>>
      %dma_start3A_50 = arith.constant 0 : i32
      %dma_start3A_51 = tpu.memref_slice %arg10[%add3A_10, %dma_start3A_50] : memref<10240x128xf32, #tpu.memory_space<vmem_shared>> -> memref<128x128xf32, #tpu.memory_space<vmem_shared>>
      %dma_start3A_52 = arith.constant 0 : i32
      %dma_start3A_53 = arith.constant 0 : i32
      %dma_start3A_54 = tpu.memref_slice %arg8[%dma_start3A_52, %dma_start3A_53] : memref<128x128xf32, #tpu.memory_space<vmem>> -> memref<128x128xf32, #tpu.memory_space<vmem>>
      tpu.enqueue_dma source(%dma_start3A_54 : memref<128x128xf32, #tpu.memory_space<vmem>>) target(%dma_start3A_51 : memref<128x128xf32, #tpu.memory_space<vmem_shared>>) target_semaphore(%run_scoped3A : memref<!tpu.dma_semaphore, #tpu.memory_space<semaphore_mem>>)
      %dma_wait3A = arith.constant 0 : i32
      %dma_wait3A_55 = arith.constant 0 : i32
      %dma_wait3A_56 = tpu.memref_slice %arg8[%dma_wait3A, %dma_wait3A_55] : memref<128x128xf32, #tpu.memory_space<vmem>> -> memref<128x128xf32, #tpu.memory_space<vmem>>
      %dma_wait3A_57 = arith.constant 0 : i32
      %dma_wait3A_58 = tpu.memref_slice %arg10[%add3A_10, %dma_wait3A_57] : memref<10240x128xf32, #tpu.memory_space<vmem_shared>> -> memref<128x128xf32, #tpu.memory_space<vmem_shared>>
      %dma_wait3A_59 = arith.constant 0 : i32
      %dma_wait3A_60 = tpu.memref_slice %arg10[%add3A_10, %dma_wait3A_59] : memref<10240x128xf32, #tpu.memory_space<vmem_shared>> -> memref<128x128xf32, #tpu.memory_space<vmem_shared>>
      %dma_wait3A_61 = arith.constant 0 : i32
      %dma_wait3A_62 = arith.constant 0 : i32
      %dma_wait3A_63 = tpu.memref_slice %arg8[%dma_wait3A_61, %dma_wait3A_62] : memref<128x128xf32, #tpu.memory_space<vmem>> -> memref<128x128xf32, #tpu.memory_space<vmem>>
      tpu.wait_dma2 semaphore(%run_scoped3A : memref<!tpu.dma_semaphore, #tpu.memory_space<semaphore_mem>>) src(%dma_wait3A_63 : memref<128x128xf32, #tpu.memory_space<vmem>>) dst(%dma_wait3A_60 : memref<128x128xf32, #tpu.memory_space<vmem_shared>>)
      tpu.yield
    }) : () -> ()
    %mul3A_11 = arith.constant 640 : i32
    %mul3A_12 = arith.muli %arg1, %mul3A_11 : i32
    %add3A_13 = arith.constant 128 : i32
    %add3A_14 = arith.addi %mul3A_12, %add3A_13 : i32
    "tpu.region"() ({
      %run_scoped3A = tpu.sem_alloc : memref<!tpu.dma_semaphore, #tpu.memory_space<semaphore_mem>>
      %dma_start3A_45 = arith.constant 0 : i32
      %dma_start3A_46 = arith.constant 0 : i32
      %dma_start3A_47 = tpu.memref_slice %arg8[%dma_start3A_45, %dma_start3A_46] : memref<128x128xf32, #tpu.memory_space<vmem>> -> memref<128x128xf32, #tpu.memory_space<vmem>>
      %dma_start3A_48 = arith.constant 0 : i32
      %dma_start3A_49 = tpu.memref_slice %arg10[%add3A_14, %dma_start3A_48] : memref<10240x128xf32, #tpu.memory_space<vmem_shared>> -> memref<128x128xf32, #tpu.memory_space<vmem_shared>>
      %dma_start3A_50 = arith.constant 0 : i32
      %dma_start3A_51 = tpu.memref_slice %arg10[%add3A_14, %dma_start3A_50] : memref<10240x128xf32, #tpu.memory_space<vmem_shared>> -> memref<128x128xf32, #tpu.memory_space<vmem_shared>>
      %dma_start3A_52 = arith.constant 0 : i32
      %dma_start3A_53 = arith.constant 0 : i32
      %dma_start3A_54 = tpu.memref_slice %arg8[%dma_start3A_52, %dma_start3A_53] : memref<128x128xf32, #tpu.memory_space<vmem>> -> memref<128x128xf32, #tpu.memory_space<vmem>>
      tpu.enqueue_dma source(%dma_start3A_54 : memref<128x128xf32, #tpu.memory_space<vmem>>) target(%dma_start3A_51 : memref<128x128xf32, #tpu.memory_space<vmem_shared>>) target_semaphore(%run_scoped3A : memref<!tpu.dma_semaphore, #tpu.memory_space<semaphore_mem>>)
      %dma_wait3A = arith.constant 0 : i32
      %dma_wait3A_55 = arith.constant 0 : i32
      %dma_wait3A_56 = tpu.memref_slice %arg8[%dma_wait3A, %dma_wait3A_55] : memref<128x128xf32, #tpu.memory_space<vmem>> -> memref<128x128xf32, #tpu.memory_space<vmem>>
      %dma_wait3A_57 = arith.constant 0 : i32
      %dma_wait3A_58 = tpu.memref_slice %arg10[%add3A_14, %dma_wait3A_57] : memref<10240x128xf32, #tpu.memory_space<vmem_shared>> -> memref<128x128xf32, #tpu.memory_space<vmem_shared>>
      %dma_wait3A_59 = arith.constant 0 : i32
      %dma_wait3A_60 = tpu.memref_slice %arg10[%add3A_14, %dma_wait3A_59] : memref<10240x128xf32, #tpu.memory_space<vmem_shared>> -> memref<128x128xf32, #tpu.memory_space<vmem_shared>>
      %dma_wait3A_61 = arith.constant 0 : i32
      %dma_wait3A_62 = arith.constant 0 : i32
      %dma_wait3A_63 = tpu.memref_slice %arg8[%dma_wait3A_61, %dma_wait3A_62] : memref<128x128xf32, #tpu.memory_space<vmem>> -> memref<128x128xf32, #tpu.memory_space<vmem>>
      tpu.wait_dma2 semaphore(%run_scoped3A : memref<!tpu.dma_semaphore, #tpu.memory_space<semaphore_mem>>) src(%dma_wait3A_63 : memref<128x128xf32, #tpu.memory_space<vmem>>) dst(%dma_wait3A_60 : memref<128x128xf32, #tpu.memory_space<vmem_shared>>)
      tpu.yield
    }) : () -> ()
    %mul3A_15 = arith.constant 640 : i32
    %mul3A_16 = arith.muli %arg1, %mul3A_15 : i32
    %add3A_17 = arith.constant 256 : i32
    %add3A_18 = arith.addi %mul3A_16, %add3A_17 : i32
    "tpu.region"() ({
      %run_scoped3A = tpu.sem_alloc : memref<!tpu.dma_semaphore, #tpu.memory_space<semaphore_mem>>
      %dma_start3A_45 = arith.constant 0 : i32
      %dma_start3A_46 = arith.constant 0 : i32
      %dma_start3A_47 = tpu.memref_slice %arg8[%dma_start3A_45, %dma_start3A_46] : memref<128x128xf32, #tpu.memory_space<vmem>> -> memref<128x128xf32, #tpu.memory_space<vmem>>
      %dma_start3A_48 = arith.constant 0 : i32
      %dma_start3A_49 = tpu.memref_slice %arg10[%add3A_18, %dma_start3A_48] : memref<10240x128xf32, #tpu.memory_space<vmem_shared>> -> memref<128x128xf32, #tpu.memory_space<vmem_shared>>
      %dma_start3A_50 = arith.constant 0 : i32
      %dma_start3A_51 = tpu.memref_slice %arg10[%add3A_18, %dma_start3A_50] : memref<10240x128xf32, #tpu.memory_space<vmem_shared>> -> memref<128x128xf32, #tpu.memory_space<vmem_shared>>
      %dma_start3A_52 = arith.constant 0 : i32
      %dma_start3A_53 = arith.constant 0 : i32
      %dma_start3A_54 = tpu.memref_slice %arg8[%dma_start3A_52, %dma_start3A_53] : memref<128x128xf32, #tpu.memory_space<vmem>> -> memref<128x128xf32, #tpu.memory_space<vmem>>
      tpu.enqueue_dma source(%dma_start3A_54 : memref<128x128xf32, #tpu.memory_space<vmem>>) target(%dma_start3A_51 : memref<128x128xf32, #tpu.memory_space<vmem_shared>>) target_semaphore(%run_scoped3A : memref<!tpu.dma_semaphore, #tpu.memory_space<semaphore_mem>>)
      %dma_wait3A = arith.constant 0 : i32
      %dma_wait3A_55 = arith.constant 0 : i32
      %dma_wait3A_56 = tpu.memref_slice %arg8[%dma_wait3A, %dma_wait3A_55] : memref<128x128xf32, #tpu.memory_space<vmem>> -> memref<128x128xf32, #tpu.memory_space<vmem>>
      %dma_wait3A_57 = arith.constant 0 : i32
      %dma_wait3A_58 = tpu.memref_slice %arg10[%add3A_18, %dma_wait3A_57] : memref<10240x128xf32, #tpu.memory_space<vmem_shared>> -> memref<128x128xf32, #tpu.memory_space<vmem_shared>>
      %dma_wait3A_59 = arith.constant 0 : i32
      %dma_wait3A_60 = tpu.memref_slice %arg10[%add3A_18, %dma_wait3A_59] : memref<10240x128xf32, #tpu.memory_space<vmem_shared>> -> memref<128x128xf32, #tpu.memory_space<vmem_shared>>
      %dma_wait3A_61 = arith.constant 0 : i32
      %dma_wait3A_62 = arith.constant 0 : i32
      %dma_wait3A_63 = tpu.memref_slice %arg8[%dma_wait3A_61, %dma_wait3A_62] : memref<128x128xf32, #tpu.memory_space<vmem>> -> memref<128x128xf32, #tpu.memory_space<vmem>>
      tpu.wait_dma2 semaphore(%run_scoped3A : memref<!tpu.dma_semaphore, #tpu.memory_space<semaphore_mem>>) src(%dma_wait3A_63 : memref<128x128xf32, #tpu.memory_space<vmem>>) dst(%dma_wait3A_60 : memref<128x128xf32, #tpu.memory_space<vmem_shared>>)
      tpu.yield
    }) : () -> ()
    %mul3A_19 = arith.constant 640 : i32
    %mul3A_20 = arith.muli %arg1, %mul3A_19 : i32
    %add3A_21 = arith.constant 384 : i32
    %add3A_22 = arith.addi %mul3A_20, %add3A_21 : i32
    "tpu.region"() ({
      %run_scoped3A = tpu.sem_alloc : memref<!tpu.dma_semaphore, #tpu.memory_space<semaphore_mem>>
      %dma_start3A_45 = arith.constant 0 : i32
      %dma_start3A_46 = arith.constant 0 : i32
      %dma_start3A_47 = tpu.memref_slice %arg8[%dma_start3A_45, %dma_start3A_46] : memref<128x128xf32, #tpu.memory_space<vmem>> -> memref<128x128xf32, #tpu.memory_space<vmem>>
      %dma_start3A_48 = arith.constant 0 : i32
      %dma_start3A_49 = tpu.memref_slice %arg10[%add3A_22, %dma_start3A_48] : memref<10240x128xf32, #tpu.memory_space<vmem_shared>> -> memref<128x128xf32, #tpu.memory_space<vmem_shared>>
      %dma_start3A_50 = arith.constant 0 : i32
      %dma_start3A_51 = tpu.memref_slice %arg10[%add3A_22, %dma_start3A_50] : memref<10240x128xf32, #tpu.memory_space<vmem_shared>> -> memref<128x128xf32, #tpu.memory_space<vmem_shared>>
      %dma_start3A_52 = arith.constant 0 : i32
      %dma_start3A_53 = arith.constant 0 : i32
      %dma_start3A_54 = tpu.memref_slice %arg8[%dma_start3A_52, %dma_start3A_53] : memref<128x128xf32, #tpu.memory_space<vmem>> -> memref<128x128xf32, #tpu.memory_space<vmem>>
      tpu.enqueue_dma source(%dma_start3A_54 : memref<128x128xf32, #tpu.memory_space<vmem>>) target(%dma_start3A_51 : memref<128x128xf32, #tpu.memory_space<vmem_shared>>) target_semaphore(%run_scoped3A : memref<!tpu.dma_semaphore, #tpu.memory_space<semaphore_mem>>)
      %dma_wait3A = arith.constant 0 : i32
      %dma_wait3A_55 = arith.constant 0 : i32
      %dma_wait3A_56 = tpu.memref_slice %arg8[%dma_wait3A, %dma_wait3A_55] : memref<128x128xf32, #tpu.memory_space<vmem>> -> memref<128x128xf32, #tpu.memory_space<vmem>>
      %dma_wait3A_57 = arith.constant 0 : i32
      %dma_wait3A_58 = tpu.memref_slice %arg10[%add3A_22, %dma_wait3A_57] : memref<10240x128xf32, #tpu.memory_space<vmem_shared>> -> memref<128x128xf32, #tpu.memory_space<vmem_shared>>
      %dma_wait3A_59 = arith.constant 0 : i32
      %dma_wait3A_60 = tpu.memref_slice %arg10[%add3A_22, %dma_wait3A_59] : memref<10240x128xf32, #tpu.memory_space<vmem_shared>> -> memref<128x128xf32, #tpu.memory_space<vmem_shared>>
      %dma_wait3A_61 = arith.constant 0 : i32
      %dma_wait3A_62 = arith.constant 0 : i32
      %dma_wait3A_63 = tpu.memref_slice %arg8[%dma_wait3A_61, %dma_wait3A_62] : memref<128x128xf32, #tpu.memory_space<vmem>> -> memref<128x128xf32, #tpu.memory_space<vmem>>
      tpu.wait_dma2 semaphore(%run_scoped3A : memref<!tpu.dma_semaphore, #tpu.memory_space<semaphore_mem>>) src(%dma_wait3A_63 : memref<128x128xf32, #tpu.memory_space<vmem>>) dst(%dma_wait3A_60 : memref<128x128xf32, #tpu.memory_space<vmem_shared>>)
      tpu.yield
    }) : () -> ()
    %mul3A_23 = arith.constant 640 : i32
    %mul3A_24 = arith.muli %arg1, %mul3A_23 : i32
    %add3A_25 = arith.constant 512 : i32
    %add3A_26 = arith.addi %mul3A_24, %add3A_25 : i32
    "tpu.region"() ({
      %run_scoped3A = tpu.sem_alloc : memref<!tpu.dma_semaphore, #tpu.memory_space<semaphore_mem>>
      %dma_start3A_45 = arith.constant 0 : i32
      %dma_start3A_46 = arith.constant 0 : i32
      %dma_start3A_47 = tpu.memref_slice %arg8[%dma_start3A_45, %dma_start3A_46] : memref<128x128xf32, #tpu.memory_space<vmem>> -> memref<128x128xf32, #tpu.memory_space<vmem>>
      %dma_start3A_48 = arith.constant 0 : i32
      %dma_start3A_49 = tpu.memref_slice %arg10[%add3A_26, %dma_start3A_48] : memref<10240x128xf32, #tpu.memory_space<vmem_shared>> -> memref<128x128xf32, #tpu.memory_space<vmem_shared>>
      %dma_start3A_50 = arith.constant 0 : i32
      %dma_start3A_51 = tpu.memref_slice %arg10[%add3A_26, %dma_start3A_50] : memref<10240x128xf32, #tpu.memory_space<vmem_shared>> -> memref<128x128xf32, #tpu.memory_space<vmem_shared>>
      %dma_start3A_52 = arith.constant 0 : i32
      %dma_start3A_53 = arith.constant 0 : i32
      %dma_start3A_54 = tpu.memref_slice %arg8[%dma_start3A_52, %dma_start3A_53] : memref<128x128xf32, #tpu.memory_space<vmem>> -> memref<128x128xf32, #tpu.memory_space<vmem>>
      tpu.enqueue_dma source(%dma_start3A_54 : memref<128x128xf32, #tpu.memory_space<vmem>>) target(%dma_start3A_51 : memref<128x128xf32, #tpu.memory_space<vmem_shared>>) target_semaphore(%run_scoped3A : memref<!tpu.dma_semaphore, #tpu.memory_space<semaphore_mem>>)
      %dma_wait3A = arith.constant 0 : i32
      %dma_wait3A_55 = arith.constant 0 : i32
      %dma_wait3A_56 = tpu.memref_slice %arg8[%dma_wait3A, %dma_wait3A_55] : memref<128x128xf32, #tpu.memory_space<vmem>> -> memref<128x128xf32, #tpu.memory_space<vmem>>
      %dma_wait3A_57 = arith.constant 0 : i32
      %dma_wait3A_58 = tpu.memref_slice %arg10[%add3A_26, %dma_wait3A_57] : memref<10240x128xf32, #tpu.memory_space<vmem_shared>> -> memref<128x128xf32, #tpu.memory_space<vmem_shared>>
      %dma_wait3A_59 = arith.constant 0 : i32
      %dma_wait3A_60 = tpu.memref_slice %arg10[%add3A_26, %dma_wait3A_59] : memref<10240x128xf32, #tpu.memory_space<vmem_shared>> -> memref<128x128xf32, #tpu.memory_space<vmem_shared>>
      %dma_wait3A_61 = arith.constant 0 : i32
      %dma_wait3A_62 = arith.constant 0 : i32
      %dma_wait3A_63 = tpu.memref_slice %arg8[%dma_wait3A_61, %dma_wait3A_62] : memref<128x128xf32, #tpu.memory_space<vmem>> -> memref<128x128xf32, #tpu.memory_space<vmem>>
      tpu.wait_dma2 semaphore(%run_scoped3A : memref<!tpu.dma_semaphore, #tpu.memory_space<semaphore_mem>>) src(%dma_wait3A_63 : memref<128x128xf32, #tpu.memory_space<vmem>>) dst(%dma_wait3A_60 : memref<128x128xf32, #tpu.memory_space<vmem_shared>>)
      tpu.yield
    }) : () -> ()
    %barrier3A = arith.constant 0 : index
    tpu.barrier barrier_id(%barrier3A)
    %dma_start3A = arith.constant 0 : i32
    %dma_start3A_27 = arith.constant 0 : i32
    %dma_start3A_28 = tpu.memref_slice %arg6[%dma_start3A, %dma_start3A_27] : memref<40x128xi32, #tpu.memory_space<vmem>> -> memref<1x128xi32, #tpu.memory_space<vmem>>
    %dma_start3A_29 = tpu.memref_squeeze %dma_start3A_28 : memref<1x128xi32, #tpu.memory_space<vmem>> -> memref<128xi32, #tpu.memory_space<vmem>>
    %dma_start3A_30 = arith.constant 0 : i32
    %dma_start3A_31 = arith.constant 0 : i32
    %dma_start3A_32 = tpu.memref_slice %arg2[%dma_start3A_30, %dma_start3A_31] : memref<5120x128xf32, #tpu.memory_space<hbm>> -> memref<5120x128xf32, #tpu.memory_space<hbm>>
    tpu.enqueue_indirect_dma source(%dma_start3A_32 : memref<5120x128xf32, #tpu.memory_space<hbm>>) target(%arg8 : memref<128x128xf32, #tpu.memory_space<vmem>>) offsets(%dma_start3A_29 : memref<128xi32, #tpu.memory_space<vmem>>) semaphore(%arg11 : memref<!tpu.dma_semaphore, #tpu.memory_space<semaphore_mem>>)
    %scan3A_33 = arith.constant 0 : i32
    %scan3A_34 = arith.constant 0 : i32
    %scan3A_35 = arith.constant 20 : i32
    %scan3A_36 = arith.addi %scan3A_34, %scan3A_35 : i32
    %scan3A_37 = arith.constant 1 : i32
    %scan3A_38 = scf.for %scan3A_45 = %scan3A_34 to %scan3A_36 step %scan3A_37 iter_args(%scan3A_46 = %scan3A_33) -> (i32)  : i32 {
      %mul3A_47 = arith.constant 2 : i32
      %mul3A_48 = arith.muli %mul3A_47, %scan3A_45 : i32
      %add3A_49 = arith.constant 1 : i32
      %add3A_50 = arith.addi %mul3A_48, %add3A_49 : i32
      %dma_start3A_51 = arith.constant 0 : i32
      %dma_start3A_52 = tpu.memref_slice %arg6[%add3A_50, %dma_start3A_51] : memref<40x128xi32, #tpu.memory_space<vmem>> -> memref<1x128xi32, #tpu.memory_space<vmem>>
      %dma_start3A_53 = tpu.memref_squeeze %dma_start3A_52 : memref<1x128xi32, #tpu.memory_space<vmem>> -> memref<128xi32, #tpu.memory_space<vmem>>
      %dma_start3A_54 = arith.constant 0 : i32
      %dma_start3A_55 = arith.constant 0 : i32
      %dma_start3A_56 = tpu.memref_slice %arg2[%dma_start3A_54, %dma_start3A_55] : memref<5120x128xf32, #tpu.memory_space<hbm>> -> memref<5120x128xf32, #tpu.memory_space<hbm>>
      tpu.enqueue_indirect_dma source(%dma_start3A_56 : memref<5120x128xf32, #tpu.memory_space<hbm>>) target(%arg9 : memref<128x128xf32, #tpu.memory_space<vmem>>) offsets(%dma_start3A_53 : memref<128xi32, #tpu.memory_space<vmem>>) semaphore(%arg12 : memref<!tpu.dma_semaphore, #tpu.memory_space<semaphore_mem>>)
      %dma_wait3A = arith.constant 0 : i32
      %dma_wait3A_57 = tpu.memref_slice %arg6[%mul3A_48, %dma_wait3A] : memref<40x128xi32, #tpu.memory_space<vmem>> -> memref<1x128xi32, #tpu.memory_space<vmem>>
      %dma_wait3A_58 = tpu.memref_squeeze %dma_wait3A_57 : memref<1x128xi32, #tpu.memory_space<vmem>> -> memref<128xi32, #tpu.memory_space<vmem>>
      %dma_wait3A_59 = arith.constant 0 : i32
      %dma_wait3A_60 = arith.constant 0 : i32
      %dma_wait3A_61 = tpu.memref_slice %arg2[%dma_wait3A_59, %dma_wait3A_60] : memref<5120x128xf32, #tpu.memory_space<hbm>> -> memref<5120x128xf32, #tpu.memory_space<hbm>>
      tpu.wait_indirect_dma semaphore(%arg11 : memref<!tpu.dma_semaphore, #tpu.memory_space<semaphore_mem>>) src(%dma_wait3A_61 : memref<5120x128xf32, #tpu.memory_space<hbm>>) dst(%arg8 : memref<128x128xf32, #tpu.memory_space<vmem>>)
      "tpu.region"() ({
        %run_scoped3A = tpu.sem_alloc : memref<!tpu.dma_semaphore, #tpu.memory_space<semaphore_mem>>
        %dma_start3A_73 = arith.constant 0 : i32
        %dma_start3A_74 = tpu.memref_slice %arg7[%mul3A_48, %dma_start3A_73] : memref<40x128xi32, #tpu.memory_space<vmem>> -> memref<1x128xi32, #tpu.memory_space<vmem>>
        %dma_start3A_75 = tpu.memref_squeeze %dma_start3A_74 : memref<1x128xi32, #tpu.memory_space<vmem>> -> memref<128xi32, #tpu.memory_space<vmem>>
        %dma_start3A_76 = arith.constant 0 : i32
        %dma_start3A_77 = arith.constant 0 : i32
        %dma_start3A_78 = tpu.memref_slice %arg10[%dma_start3A_76, %dma_start3A_77] : memref<10240x128xf32, #tpu.memory_space<vmem_shared>> -> memref<10240x128xf32, #tpu.memory_space<vmem_shared>>
        tpu.enqueue_indirect_dma source(%arg8 : memref<128x128xf32, #tpu.memory_space<vmem>>) target(%dma_start3A_78 : memref<10240x128xf32, #tpu.memory_space<vmem_shared>>) offsets(%dma_start3A_75 : memref<128xi32, #tpu.memory_space<vmem>>) semaphore(%run_scoped3A : memref<!tpu.dma_semaphore, #tpu.memory_space<semaphore_mem>>) {add = true}
        %dma_wait3A_79 = arith.constant 0 : i32
        %dma_wait3A_80 = tpu.memref_slice %arg7[%mul3A_48, %dma_wait3A_79] : memref<40x128xi32, #tpu.memory_space<vmem>> -> memref<1x128xi32, #tpu.memory_space<vmem>>
        %dma_wait3A_81 = tpu.memref_squeeze %dma_wait3A_80 : memref<1x128xi32, #tpu.memory_space<vmem>> -> memref<128xi32, #tpu.memory_space<vmem>>
        %dma_wait3A_82 = arith.constant 0 : i32
        %dma_wait3A_83 = arith.constant 0 : i32
        %dma_wait3A_84 = tpu.memref_slice %arg10[%dma_wait3A_82, %dma_wait3A_83] : memref<10240x128xf32, #tpu.memory_space<vmem_shared>> -> memref<10240x128xf32, #tpu.memory_space<vmem_shared>>
        tpu.wait_indirect_dma semaphore(%run_scoped3A : memref<!tpu.dma_semaphore, #tpu.memory_space<semaphore_mem>>) src(%arg8 : memref<128x128xf32, #tpu.memory_space<vmem>>) dst(%dma_wait3A_84 : memref<10240x128xf32, #tpu.memory_space<vmem_shared>>)
        tpu.yield
      }) : () -> ()
      %lt3A = arith.constant 19 : i32
      %lt3A_62 = arith.cmpi slt, %scan3A_45, %lt3A : i32
      %convert_element_type3A = arith.extui %lt3A_62 : i1 to i32
      %cond3A = arith.constant 0 : i32
      %cond3A_63 = arith.cmpi ne, %convert_element_type3A, %cond3A : i32
      scf.if %cond3A_63 {
        %add3A_73 = arith.constant 2 : i32
        %add3A_74 = arith.addi %mul3A_48, %add3A_73 : i32
        %dma_start3A_75 = arith.constant 0 : i32
        %dma_start3A_76 = tpu.memref_slice %arg6[%add3A_74, %dma_start3A_75] : memref<40x128xi32, #tpu.memory_space<vmem>> -> memref<1x128xi32, #tpu.memory_space<vmem>>
        %dma_start3A_77 = tpu.memref_squeeze %dma_start3A_76 : memref<1x128xi32, #tpu.memory_space<vmem>> -> memref<128xi32, #tpu.memory_space<vmem>>
        %dma_start3A_78 = arith.constant 0 : i32
        %dma_start3A_79 = arith.constant 0 : i32
        %dma_start3A_80 = tpu.memref_slice %arg2[%dma_start3A_78, %dma_start3A_79] : memref<5120x128xf32, #tpu.memory_space<hbm>> -> memref<5120x128xf32, #tpu.memory_space<hbm>>
        tpu.enqueue_indirect_dma source(%dma_start3A_80 : memref<5120x128xf32, #tpu.memory_space<hbm>>) target(%arg8 : memref<128x128xf32, #tpu.memory_space<vmem>>) offsets(%dma_start3A_77 : memref<128xi32, #tpu.memory_space<vmem>>) semaphore(%arg11 : memref<!tpu.dma_semaphore, #tpu.memory_space<semaphore_mem>>)
      } else {
      }
      %dma_wait3A_64 = arith.constant 0 : i32
      %dma_wait3A_65 = tpu.memref_slice %arg6[%add3A_50, %dma_wait3A_64] : memref<40x128xi32, #tpu.memory_space<vmem>> -> memref<1x128xi32, #tpu.memory_space<vmem>>
      %dma_wait3A_66 = tpu.memref_squeeze %dma_wait3A_65 : memref<1x128xi32, #tpu.memory_space<vmem>> -> memref<128xi32, #tpu.memory_space<vmem>>
      %dma_wait3A_67 = arith.constant 0 : i32
      %dma_wait3A_68 = arith.constant 0 : i32
      %dma_wait3A_69 = tpu.memref_slice %arg2[%dma_wait3A_67, %dma_wait3A_68] : memref<5120x128xf32, #tpu.memory_space<hbm>> -> memref<5120x128xf32, #tpu.memory_space<hbm>>
      tpu.wait_indirect_dma semaphore(%arg12 : memref<!tpu.dma_semaphore, #tpu.memory_space<semaphore_mem>>) src(%dma_wait3A_69 : memref<5120x128xf32, #tpu.memory_space<hbm>>) dst(%arg9 : memref<128x128xf32, #tpu.memory_space<vmem>>)
      %add3A_70 = arith.constant 1 : i32
      %add3A_71 = arith.addi %mul3A_48, %add3A_70 : i32
      "tpu.region"() ({
        %run_scoped3A = tpu.sem_alloc : memref<!tpu.dma_semaphore, #tpu.memory_space<semaphore_mem>>
        %dma_start3A_73 = arith.constant 0 : i32
        %dma_start3A_74 = tpu.memref_slice %arg7[%add3A_71, %dma_start3A_73] : memref<40x128xi32, #tpu.memory_space<vmem>> -> memref<1x128xi32, #tpu.memory_space<vmem>>
        %dma_start3A_75 = tpu.memref_squeeze %dma_start3A_74 : memref<1x128xi32, #tpu.memory_space<vmem>> -> memref<128xi32, #tpu.memory_space<vmem>>
        %dma_start3A_76 = arith.constant 0 : i32
        %dma_start3A_77 = arith.constant 0 : i32
        %dma_start3A_78 = tpu.memref_slice %arg10[%dma_start3A_76, %dma_start3A_77] : memref<10240x128xf32, #tpu.memory_space<vmem_shared>> -> memref<10240x128xf32, #tpu.memory_space<vmem_shared>>
        tpu.enqueue_indirect_dma source(%arg9 : memref<128x128xf32, #tpu.memory_space<vmem>>) target(%dma_start3A_78 : memref<10240x128xf32, #tpu.memory_space<vmem_shared>>) offsets(%dma_start3A_75 : memref<128xi32, #tpu.memory_space<vmem>>) semaphore(%run_scoped3A : memref<!tpu.dma_semaphore, #tpu.memory_space<semaphore_mem>>) {add = true}
        %dma_wait3A_79 = arith.constant 0 : i32
        %dma_wait3A_80 = tpu.memref_slice %arg7[%add3A_71, %dma_wait3A_79] : memref<40x128xi32, #tpu.memory_space<vmem>> -> memref<1x128xi32, #tpu.memory_space<vmem>>
        %dma_wait3A_81 = tpu.memref_squeeze %dma_wait3A_80 : memref<1x128xi32, #tpu.memory_space<vmem>> -> memref<128xi32, #tpu.memory_space<vmem>>
        %dma_wait3A_82 = arith.constant 0 : i32
        %dma_wait3A_83 = arith.constant 0 : i32
        %dma_wait3A_84 = tpu.memref_slice %arg10[%dma_wait3A_82, %dma_wait3A_83] : memref<10240x128xf32, #tpu.memory_space<vmem_shared>> -> memref<10240x128xf32, #tpu.memory_space<vmem_shared>>
        tpu.wait_indirect_dma semaphore(%run_scoped3A : memref<!tpu.dma_semaphore, #tpu.memory_space<semaphore_mem>>) src(%arg9 : memref<128x128xf32, #tpu.memory_space<vmem>>) dst(%dma_wait3A_84 : memref<10240x128xf32, #tpu.memory_space<vmem_shared>>)
        tpu.yield
      }) : () -> ()
      %scan3A_72 = arith.constant 0 : i32
      scf.yield %scan3A_72 : i32
    }
    %scan3A_39 = arith.constant 20 : i32
    %barrier3A_40 = arith.constant 0 : index
    tpu.barrier barrier_id(%barrier3A_40)
    %mul3A_41 = arith.constant 640 : i32
    %mul3A_42 = arith.muli %arg1, %mul3A_41 : i32
    %mul3A_43 = arith.constant 640 : i32
    %mul3A_44 = arith.muli %arg1, %mul3A_43 : i32
    "tpu.region"() ({
      %run_scoped3A = tpu.sem_alloc : memref<!tpu.dma_semaphore, #tpu.memory_space<semaphore_mem>>
      %dma_start3A_45 = arith.constant 0 : i32
      %dma_start3A_46 = tpu.memref_slice %arg5[%arg0, %mul3A_44, %dma_start3A_45] : memref<2x10240x128xf32, #tpu.memory_space<hbm>> -> memref<1x640x128xf32, #tpu.memory_space<hbm>>
      %dma_start3A_47 = tpu.memref_squeeze %dma_start3A_46 : memref<1x640x128xf32, #tpu.memory_space<hbm>> -> memref<640x128xf32, #tpu.memory_space<hbm>>
      %dma_start3A_48 = arith.constant 0 : i32
      %dma_start3A_49 = tpu.memref_slice %arg10[%mul3A_42, %dma_start3A_48] : memref<10240x128xf32, #tpu.memory_space<vmem_shared>> -> memref<640x128xf32, #tpu.memory_space<vmem_shared>>
      tpu.enqueue_dma source(%dma_start3A_49 : memref<640x128xf32, #tpu.memory_space<vmem_shared>>) target(%dma_start3A_47 : memref<640x128xf32, #tpu.memory_space<hbm>>) target_semaphore(%run_scoped3A : memref<!tpu.dma_semaphore, #tpu.memory_space<semaphore_mem>>)
      %dma_wait3A = arith.constant 0 : i32
      %dma_wait3A_50 = tpu.memref_slice %arg5[%arg0, %mul3A_44, %dma_wait3A] : memref<2x10240x128xf32, #tpu.memory_space<hbm>> -> memref<1x640x128xf32, #tpu.memory_space<hbm>>
      %dma_wait3A_51 = tpu.memref_squeeze %dma_wait3A_50 : memref<1x640x128xf32, #tpu.memory_space<hbm>> -> memref<640x128xf32, #tpu.memory_space<hbm>>
      %dma_wait3A_52 = arith.constant 0 : i32
      %dma_wait3A_53 = tpu.memref_slice %arg10[%mul3A_42, %dma_wait3A_52] : memref<10240x128xf32, #tpu.memory_space<vmem_shared>> -> memref<640x128xf32, #tpu.memory_space<vmem_shared>>
      tpu.wait_dma2 semaphore(%run_scoped3A : memref<!tpu.dma_semaphore, #tpu.memory_space<semaphore_mem>>) src(%dma_wait3A_53 : memref<640x128xf32, #tpu.memory_space<vmem_shared>>) dst(%dma_wait3A_51 : memref<640x128xf32, #tpu.memory_space<hbm>>)
      tpu.yield
    }) : () -> ()
    return
  }
}

#map = affine_map<(d0, d1) -> (0, 0)>
#map1 = affine_map<(d0, d1) -> (0, 0, 0)>
module attributes {stable_mosaic.version = 14 : i64} {
  func.func @k(%arg0: i32, %arg1: i32, %arg2: memref<10240x128xf32, #tpu.memory_space<hbm>>, %arg3: memref<32x40x128xi32, #tpu.memory_space<hbm>>, %arg4: memref<32x40x128xi32, #tpu.memory_space<hbm>>, %arg5: memref<2x5120x128xf32, #tpu.memory_space<hbm>>, %arg6: memref<40x128xi32, #tpu.memory_space<vmem>>, %arg7: memref<40x128xi32, #tpu.memory_space<vmem>>, %arg8: memref<128x128xf32, #tpu.memory_space<vmem>>, %arg9: memref<128x128xf32, #tpu.memory_space<vmem>>, %arg10: memref<5120x128xf32, #tpu.memory_space<vmem_shared>>, %arg11: memref<!tpu.dma_semaphore, #tpu.memory_space<semaphore_mem>>, %arg12: memref<!tpu.dma_semaphore, #tpu.memory_space<semaphore_mem>>) attributes {dimension_semantics = [#tpu.dimension_semantics<core_parallel>, #tpu.dimension_semantics<subcore_parallel>], iteration_bounds = array<i64: 2, 16>, scalar_prefetch = 0 : i64, scratch_operands = 7 : i64, tpu.core_type = #tpu.core_type<sc_vector_subcore>, window_params = [{transform_indices = #map}, {transform_indices = #map1}, {transform_indices = #map1}, {transform_indices = #map1}]} {
    %mul3A = arith.constant 16 : i32
    %mul3A_0 = arith.muli %arg0, %mul3A : i32
    %add3A = arith.addi %mul3A_0, %arg1 : i32
    "tpu.region"() ({
      %run_scoped3A = tpu.sem_alloc : memref<!tpu.dma_semaphore, #tpu.memory_space<semaphore_mem>>
      %dma_start3A_37 = arith.constant 0 : i32
      %dma_start3A_38 = arith.constant 0 : i32
      %dma_start3A_39 = tpu.memref_slice %arg3[%add3A, %dma_start3A_37, %dma_start3A_38] : memref<32x40x128xi32, #tpu.memory_space<hbm>> -> memref<1x40x128xi32, #tpu.memory_space<hbm>>
      %dma_start3A_40 = tpu.memref_squeeze %dma_start3A_39 : memref<1x40x128xi32, #tpu.memory_space<hbm>> -> memref<40x128xi32, #tpu.memory_space<hbm>>
      %dma_start3A_41 = arith.constant 0 : i32
      %dma_start3A_42 = arith.constant 0 : i32
      %dma_start3A_43 = tpu.memref_slice %arg3[%add3A, %dma_start3A_41, %dma_start3A_42] : memref<32x40x128xi32, #tpu.memory_space<hbm>> -> memref<1x40x128xi32, #tpu.memory_space<hbm>>
      %dma_start3A_44 = tpu.memref_squeeze %dma_start3A_43 : memref<1x40x128xi32, #tpu.memory_space<hbm>> -> memref<40x128xi32, #tpu.memory_space<hbm>>
      tpu.enqueue_dma source(%dma_start3A_44 : memref<40x128xi32, #tpu.memory_space<hbm>>) target(%arg6 : memref<40x128xi32, #tpu.memory_space<vmem>>) target_semaphore(%run_scoped3A : memref<!tpu.dma_semaphore, #tpu.memory_space<semaphore_mem>>)
      %dma_wait3A = arith.constant 0 : i32
      %dma_wait3A_45 = arith.constant 0 : i32
      %dma_wait3A_46 = tpu.memref_slice %arg3[%add3A, %dma_wait3A, %dma_wait3A_45] : memref<32x40x128xi32, #tpu.memory_space<hbm>> -> memref<1x40x128xi32, #tpu.memory_space<hbm>>
      %dma_wait3A_47 = tpu.memref_squeeze %dma_wait3A_46 : memref<1x40x128xi32, #tpu.memory_space<hbm>> -> memref<40x128xi32, #tpu.memory_space<hbm>>
      %dma_wait3A_48 = arith.constant 0 : i32
      %dma_wait3A_49 = arith.constant 0 : i32
      %dma_wait3A_50 = tpu.memref_slice %arg3[%add3A, %dma_wait3A_48, %dma_wait3A_49] : memref<32x40x128xi32, #tpu.memory_space<hbm>> -> memref<1x40x128xi32, #tpu.memory_space<hbm>>
      %dma_wait3A_51 = tpu.memref_squeeze %dma_wait3A_50 : memref<1x40x128xi32, #tpu.memory_space<hbm>> -> memref<40x128xi32, #tpu.memory_space<hbm>>
      tpu.wait_dma2 semaphore(%run_scoped3A : memref<!tpu.dma_semaphore, #tpu.memory_space<semaphore_mem>>) src(%dma_wait3A_51 : memref<40x128xi32, #tpu.memory_space<hbm>>) dst(%arg6 : memref<40x128xi32, #tpu.memory_space<vmem>>)
      tpu.yield
    }) : () -> ()
    "tpu.region"() ({
      %run_scoped3A = tpu.sem_alloc : memref<!tpu.dma_semaphore, #tpu.memory_space<semaphore_mem>>
      %dma_start3A_37 = arith.constant 0 : i32
      %dma_start3A_38 = arith.constant 0 : i32
      %dma_start3A_39 = tpu.memref_slice %arg4[%add3A, %dma_start3A_37, %dma_start3A_38] : memref<32x40x128xi32, #tpu.memory_space<hbm>> -> memref<1x40x128xi32, #tpu.memory_space<hbm>>
      %dma_start3A_40 = tpu.memref_squeeze %dma_start3A_39 : memref<1x40x128xi32, #tpu.memory_space<hbm>> -> memref<40x128xi32, #tpu.memory_space<hbm>>
      %dma_start3A_41 = arith.constant 0 : i32
      %dma_start3A_42 = arith.constant 0 : i32
      %dma_start3A_43 = tpu.memref_slice %arg4[%add3A, %dma_start3A_41, %dma_start3A_42] : memref<32x40x128xi32, #tpu.memory_space<hbm>> -> memref<1x40x128xi32, #tpu.memory_space<hbm>>
      %dma_start3A_44 = tpu.memref_squeeze %dma_start3A_43 : memref<1x40x128xi32, #tpu.memory_space<hbm>> -> memref<40x128xi32, #tpu.memory_space<hbm>>
      tpu.enqueue_dma source(%dma_start3A_44 : memref<40x128xi32, #tpu.memory_space<hbm>>) target(%arg7 : memref<40x128xi32, #tpu.memory_space<vmem>>) target_semaphore(%run_scoped3A : memref<!tpu.dma_semaphore, #tpu.memory_space<semaphore_mem>>)
      %dma_wait3A = arith.constant 0 : i32
      %dma_wait3A_45 = arith.constant 0 : i32
      %dma_wait3A_46 = tpu.memref_slice %arg4[%add3A, %dma_wait3A, %dma_wait3A_45] : memref<32x40x128xi32, #tpu.memory_space<hbm>> -> memref<1x40x128xi32, #tpu.memory_space<hbm>>
      %dma_wait3A_47 = tpu.memref_squeeze %dma_wait3A_46 : memref<1x40x128xi32, #tpu.memory_space<hbm>> -> memref<40x128xi32, #tpu.memory_space<hbm>>
      %dma_wait3A_48 = arith.constant 0 : i32
      %dma_wait3A_49 = arith.constant 0 : i32
      %dma_wait3A_50 = tpu.memref_slice %arg4[%add3A, %dma_wait3A_48, %dma_wait3A_49] : memref<32x40x128xi32, #tpu.memory_space<hbm>> -> memref<1x40x128xi32, #tpu.memory_space<hbm>>
      %dma_wait3A_51 = tpu.memref_squeeze %dma_wait3A_50 : memref<1x40x128xi32, #tpu.memory_space<hbm>> -> memref<40x128xi32, #tpu.memory_space<hbm>>
      tpu.wait_dma2 semaphore(%run_scoped3A : memref<!tpu.dma_semaphore, #tpu.memory_space<semaphore_mem>>) src(%dma_wait3A_51 : memref<40x128xi32, #tpu.memory_space<hbm>>) dst(%arg7 : memref<40x128xi32, #tpu.memory_space<vmem>>)
      tpu.yield
    }) : () -> ()
    %scan3A = arith.constant 0 : i32
    %scan3A_1 = arith.constant 0 : i32
    %scan3A_2 = arith.constant 128 : i32
    %scan3A_3 = arith.addi %scan3A_1, %scan3A_2 : i32
    %scan3A_4 = arith.constant 1 : i32
    %scan3A_5 = scf.for %scan3A_37 = %scan3A_1 to %scan3A_3 step %scan3A_4 iter_args(%scan3A_38 = %scan3A) -> (i32)  : i32 {
      %scan3A_39 = arith.constant 0 : i32
      %scan3A_40 = arith.constant 0 : i32
      %scan3A_41 = arith.constant 8 : i32
      %scan3A_42 = arith.addi %scan3A_40, %scan3A_41 : i32
      %scan3A_43 = arith.constant 1 : i32
      %scan3A_44 = scf.for %scan3A_46 = %scan3A_40 to %scan3A_42 step %scan3A_43 iter_args(%scan3A_47 = %scan3A_39) -> (i32)  : i32 {
        %broadcast_in_dim3A = arith.constant 0.000000e+00 : f32
        %broadcast_in_dim3A_48 = vector.broadcast %broadcast_in_dim3A : f32 to vector<16xf32>
        %mul3A_49 = arith.constant 16 : i32
        %mul3A_50 = arith.muli %scan3A_46, %mul3A_49 : i32
        %swap3A = arith.index_cast %scan3A_37 : i32 to index
        %swap3A_51 = arith.index_cast %mul3A_50 : i32 to index
        %swap3A_52 = tpu.vector_load %arg8[%swap3A, %swap3A_51] {strides = array<i32>} : memref<128x128xf32, #tpu.memory_space<vmem>>, vector<1x16xf32>,
        %swap3A_53 = vector.shape_cast %swap3A_52 : vector<1x16xf32> to vector<16xf32>
        %swap3A_54 = vector.shape_cast %broadcast_in_dim3A_48 : vector<16xf32> to vector<1x16xf32>
        tpu.vector_store %arg8[%swap3A, %swap3A_51], %swap3A_54 {strides = array<i32>} : memref<128x128xf32, #tpu.memory_space<vmem>>, vector<1x16xf32>,
        %scan3A_55 = arith.constant 0 : i32
        scf.yield %scan3A_55 : i32
      }
      %scan3A_45 = arith.constant 8 : i32
      scf.yield %scan3A_44 : i32
    }
    %scan3A_6 = arith.constant 128 : i32
    %mul3A_7 = arith.constant 320 : i32
    %mul3A_8 = arith.muli %arg1, %mul3A_7 : i32
    %add3A_9 = arith.constant 0 : i32
    %add3A_10 = arith.addi %mul3A_8, %add3A_9 : i32
    "tpu.region"() ({
      %run_scoped3A = tpu.sem_alloc : memref<!tpu.dma_semaphore, #tpu.memory_space<semaphore_mem>>
      %dma_start3A_37 = arith.constant 0 : i32
      %dma_start3A_38 = arith.constant 0 : i32
      %dma_start3A_39 = tpu.memref_slice %arg8[%dma_start3A_37, %dma_start3A_38] : memref<128x128xf32, #tpu.memory_space<vmem>> -> memref<128x128xf32, #tpu.memory_space<vmem>>
      %dma_start3A_40 = arith.constant 0 : i32
      %dma_start3A_41 = tpu.memref_slice %arg10[%add3A_10, %dma_start3A_40] : memref<5120x128xf32, #tpu.memory_space<vmem_shared>> -> memref<128x128xf32, #tpu.memory_space<vmem_shared>>
      %dma_start3A_42 = arith.constant 0 : i32
      %dma_start3A_43 = tpu.memref_slice %arg10[%add3A_10, %dma_start3A_42] : memref<5120x128xf32, #tpu.memory_space<vmem_shared>> -> memref<128x128xf32, #tpu.memory_space<vmem_shared>>
      %dma_start3A_44 = arith.constant 0 : i32
      %dma_start3A_45 = arith.constant 0 : i32
      %dma_start3A_46 = tpu.memref_slice %arg8[%dma_start3A_44, %dma_start3A_45] : memref<128x128xf32, #tpu.memory_space<vmem>> -> memref<128x128xf32, #tpu.memory_space<vmem>>
      tpu.enqueue_dma source(%dma_start3A_46 : memref<128x128xf32, #tpu.memory_space<vmem>>) target(%dma_start3A_43 : memref<128x128xf32, #tpu.memory_space<vmem_shared>>) target_semaphore(%run_scoped3A : memref<!tpu.dma_semaphore, #tpu.memory_space<semaphore_mem>>)
      %dma_wait3A = arith.constant 0 : i32
      %dma_wait3A_47 = arith.constant 0 : i32
      %dma_wait3A_48 = tpu.memref_slice %arg8[%dma_wait3A, %dma_wait3A_47] : memref<128x128xf32, #tpu.memory_space<vmem>> -> memref<128x128xf32, #tpu.memory_space<vmem>>
      %dma_wait3A_49 = arith.constant 0 : i32
      %dma_wait3A_50 = tpu.memref_slice %arg10[%add3A_10, %dma_wait3A_49] : memref<5120x128xf32, #tpu.memory_space<vmem_shared>> -> memref<128x128xf32, #tpu.memory_space<vmem_shared>>
      %dma_wait3A_51 = arith.constant 0 : i32
      %dma_wait3A_52 = tpu.memref_slice %arg10[%add3A_10, %dma_wait3A_51] : memref<5120x128xf32, #tpu.memory_space<vmem_shared>> -> memref<128x128xf32, #tpu.memory_space<vmem_shared>>
      %dma_wait3A_53 = arith.constant 0 : i32
      %dma_wait3A_54 = arith.constant 0 : i32
      %dma_wait3A_55 = tpu.memref_slice %arg8[%dma_wait3A_53, %dma_wait3A_54] : memref<128x128xf32, #tpu.memory_space<vmem>> -> memref<128x128xf32, #tpu.memory_space<vmem>>
      tpu.wait_dma2 semaphore(%run_scoped3A : memref<!tpu.dma_semaphore, #tpu.memory_space<semaphore_mem>>) src(%dma_wait3A_55 : memref<128x128xf32, #tpu.memory_space<vmem>>) dst(%dma_wait3A_52 : memref<128x128xf32, #tpu.memory_space<vmem_shared>>)
      tpu.yield
    }) : () -> ()
    %mul3A_11 = arith.constant 320 : i32
    %mul3A_12 = arith.muli %arg1, %mul3A_11 : i32
    %add3A_13 = arith.constant 128 : i32
    %add3A_14 = arith.addi %mul3A_12, %add3A_13 : i32
    "tpu.region"() ({
      %run_scoped3A = tpu.sem_alloc : memref<!tpu.dma_semaphore, #tpu.memory_space<semaphore_mem>>
      %dma_start3A_37 = arith.constant 0 : i32
      %dma_start3A_38 = arith.constant 0 : i32
      %dma_start3A_39 = tpu.memref_slice %arg8[%dma_start3A_37, %dma_start3A_38] : memref<128x128xf32, #tpu.memory_space<vmem>> -> memref<128x128xf32, #tpu.memory_space<vmem>>
      %dma_start3A_40 = arith.constant 0 : i32
      %dma_start3A_41 = tpu.memref_slice %arg10[%add3A_14, %dma_start3A_40] : memref<5120x128xf32, #tpu.memory_space<vmem_shared>> -> memref<128x128xf32, #tpu.memory_space<vmem_shared>>
      %dma_start3A_42 = arith.constant 0 : i32
      %dma_start3A_43 = tpu.memref_slice %arg10[%add3A_14, %dma_start3A_42] : memref<5120x128xf32, #tpu.memory_space<vmem_shared>> -> memref<128x128xf32, #tpu.memory_space<vmem_shared>>
      %dma_start3A_44 = arith.constant 0 : i32
      %dma_start3A_45 = arith.constant 0 : i32
      %dma_start3A_46 = tpu.memref_slice %arg8[%dma_start3A_44, %dma_start3A_45] : memref<128x128xf32, #tpu.memory_space<vmem>> -> memref<128x128xf32, #tpu.memory_space<vmem>>
      tpu.enqueue_dma source(%dma_start3A_46 : memref<128x128xf32, #tpu.memory_space<vmem>>) target(%dma_start3A_43 : memref<128x128xf32, #tpu.memory_space<vmem_shared>>) target_semaphore(%run_scoped3A : memref<!tpu.dma_semaphore, #tpu.memory_space<semaphore_mem>>)
      %dma_wait3A = arith.constant 0 : i32
      %dma_wait3A_47 = arith.constant 0 : i32
      %dma_wait3A_48 = tpu.memref_slice %arg8[%dma_wait3A, %dma_wait3A_47] : memref<128x128xf32, #tpu.memory_space<vmem>> -> memref<128x128xf32, #tpu.memory_space<vmem>>
      %dma_wait3A_49 = arith.constant 0 : i32
      %dma_wait3A_50 = tpu.memref_slice %arg10[%add3A_14, %dma_wait3A_49] : memref<5120x128xf32, #tpu.memory_space<vmem_shared>> -> memref<128x128xf32, #tpu.memory_space<vmem_shared>>
      %dma_wait3A_51 = arith.constant 0 : i32
      %dma_wait3A_52 = tpu.memref_slice %arg10[%add3A_14, %dma_wait3A_51] : memref<5120x128xf32, #tpu.memory_space<vmem_shared>> -> memref<128x128xf32, #tpu.memory_space<vmem_shared>>
      %dma_wait3A_53 = arith.constant 0 : i32
      %dma_wait3A_54 = arith.constant 0 : i32
      %dma_wait3A_55 = tpu.memref_slice %arg8[%dma_wait3A_53, %dma_wait3A_54] : memref<128x128xf32, #tpu.memory_space<vmem>> -> memref<128x128xf32, #tpu.memory_space<vmem>>
      tpu.wait_dma2 semaphore(%run_scoped3A : memref<!tpu.dma_semaphore, #tpu.memory_space<semaphore_mem>>) src(%dma_wait3A_55 : memref<128x128xf32, #tpu.memory_space<vmem>>) dst(%dma_wait3A_52 : memref<128x128xf32, #tpu.memory_space<vmem_shared>>)
      tpu.yield
    }) : () -> ()
    %mul3A_15 = arith.constant 320 : i32
    %mul3A_16 = arith.muli %arg1, %mul3A_15 : i32
    %add3A_17 = arith.constant 256 : i32
    %add3A_18 = arith.addi %mul3A_16, %add3A_17 : i32
    "tpu.region"() ({
      %run_scoped3A = tpu.sem_alloc : memref<!tpu.dma_semaphore, #tpu.memory_space<semaphore_mem>>
      %dma_start3A_37 = arith.constant 0 : i32
      %dma_start3A_38 = arith.constant 0 : i32
      %dma_start3A_39 = tpu.memref_slice %arg8[%dma_start3A_37, %dma_start3A_38] : memref<128x128xf32, #tpu.memory_space<vmem>> -> memref<64x128xf32, #tpu.memory_space<vmem>>
      %dma_start3A_40 = arith.constant 0 : i32
      %dma_start3A_41 = tpu.memref_slice %arg10[%add3A_18, %dma_start3A_40] : memref<5120x128xf32, #tpu.memory_space<vmem_shared>> -> memref<64x128xf32, #tpu.memory_space<vmem_shared>>
      %dma_start3A_42 = arith.constant 0 : i32
      %dma_start3A_43 = tpu.memref_slice %arg10[%add3A_18, %dma_start3A_42] : memref<5120x128xf32, #tpu.memory_space<vmem_shared>> -> memref<64x128xf32, #tpu.memory_space<vmem_shared>>
      %dma_start3A_44 = arith.constant 0 : i32
      %dma_start3A_45 = arith.constant 0 : i32
      %dma_start3A_46 = tpu.memref_slice %arg8[%dma_start3A_44, %dma_start3A_45] : memref<128x128xf32, #tpu.memory_space<vmem>> -> memref<64x128xf32, #tpu.memory_space<vmem>>
      tpu.enqueue_dma source(%dma_start3A_46 : memref<64x128xf32, #tpu.memory_space<vmem>>) target(%dma_start3A_43 : memref<64x128xf32, #tpu.memory_space<vmem_shared>>) target_semaphore(%run_scoped3A : memref<!tpu.dma_semaphore, #tpu.memory_space<semaphore_mem>>)
      %dma_wait3A = arith.constant 0 : i32
      %dma_wait3A_47 = arith.constant 0 : i32
      %dma_wait3A_48 = tpu.memref_slice %arg8[%dma_wait3A, %dma_wait3A_47] : memref<128x128xf32, #tpu.memory_space<vmem>> -> memref<64x128xf32, #tpu.memory_space<vmem>>
      %dma_wait3A_49 = arith.constant 0 : i32
      %dma_wait3A_50 = tpu.memref_slice %arg10[%add3A_18, %dma_wait3A_49] : memref<5120x128xf32, #tpu.memory_space<vmem_shared>> -> memref<64x128xf32, #tpu.memory_space<vmem_shared>>
      %dma_wait3A_51 = arith.constant 0 : i32
      %dma_wait3A_52 = tpu.memref_slice %arg10[%add3A_18, %dma_wait3A_51] : memref<5120x128xf32, #tpu.memory_space<vmem_shared>> -> memref<64x128xf32, #tpu.memory_space<vmem_shared>>
      %dma_wait3A_53 = arith.constant 0 : i32
      %dma_wait3A_54 = arith.constant 0 : i32
      %dma_wait3A_55 = tpu.memref_slice %arg8[%dma_wait3A_53, %dma_wait3A_54] : memref<128x128xf32, #tpu.memory_space<vmem>> -> memref<64x128xf32, #tpu.memory_space<vmem>>
      tpu.wait_dma2 semaphore(%run_scoped3A : memref<!tpu.dma_semaphore, #tpu.memory_space<semaphore_mem>>) src(%dma_wait3A_55 : memref<64x128xf32, #tpu.memory_space<vmem>>) dst(%dma_wait3A_52 : memref<64x128xf32, #tpu.memory_space<vmem_shared>>)
      tpu.yield
    }) : () -> ()
    %barrier3A = arith.constant 0 : index
    tpu.barrier barrier_id(%barrier3A)
    %dma_start3A = arith.constant 0 : i32
    %dma_start3A_19 = arith.constant 0 : i32
    %dma_start3A_20 = tpu.memref_slice %arg6[%dma_start3A, %dma_start3A_19] : memref<40x128xi32, #tpu.memory_space<vmem>> -> memref<1x128xi32, #tpu.memory_space<vmem>>
    %dma_start3A_21 = tpu.memref_squeeze %dma_start3A_20 : memref<1x128xi32, #tpu.memory_space<vmem>> -> memref<128xi32, #tpu.memory_space<vmem>>
    %dma_start3A_22 = arith.constant 0 : i32
    %dma_start3A_23 = arith.constant 0 : i32
    %dma_start3A_24 = tpu.memref_slice %arg2[%dma_start3A_22, %dma_start3A_23] : memref<10240x128xf32, #tpu.memory_space<hbm>> -> memref<10240x128xf32, #tpu.memory_space<hbm>>
    tpu.enqueue_indirect_dma source(%dma_start3A_24 : memref<10240x128xf32, #tpu.memory_space<hbm>>) target(%arg8 : memref<128x128xf32, #tpu.memory_space<vmem>>) offsets(%dma_start3A_21 : memref<128xi32, #tpu.memory_space<vmem>>) semaphore(%arg11 : memref<!tpu.dma_semaphore, #tpu.memory_space<semaphore_mem>>)
    %scan3A_25 = arith.constant 0 : i32
    %scan3A_26 = arith.constant 0 : i32
    %scan3A_27 = arith.constant 20 : i32
    %scan3A_28 = arith.addi %scan3A_26, %scan3A_27 : i32
    %scan3A_29 = arith.constant 1 : i32
    %scan3A_30 = scf.for %scan3A_37 = %scan3A_26 to %scan3A_28 step %scan3A_29 iter_args(%scan3A_38 = %scan3A_25) -> (i32)  : i32 {
      %mul3A_39 = arith.constant 2 : i32
      %mul3A_40 = arith.muli %mul3A_39, %scan3A_37 : i32
      %add3A_41 = arith.constant 1 : i32
      %add3A_42 = arith.addi %mul3A_40, %add3A_41 : i32
      %dma_start3A_43 = arith.constant 0 : i32
      %dma_start3A_44 = tpu.memref_slice %arg6[%add3A_42, %dma_start3A_43] : memref<40x128xi32, #tpu.memory_space<vmem>> -> memref<1x128xi32, #tpu.memory_space<vmem>>
      %dma_start3A_45 = tpu.memref_squeeze %dma_start3A_44 : memref<1x128xi32, #tpu.memory_space<vmem>> -> memref<128xi32, #tpu.memory_space<vmem>>
      %dma_start3A_46 = arith.constant 0 : i32
      %dma_start3A_47 = arith.constant 0 : i32
      %dma_start3A_48 = tpu.memref_slice %arg2[%dma_start3A_46, %dma_start3A_47] : memref<10240x128xf32, #tpu.memory_space<hbm>> -> memref<10240x128xf32, #tpu.memory_space<hbm>>
      tpu.enqueue_indirect_dma source(%dma_start3A_48 : memref<10240x128xf32, #tpu.memory_space<hbm>>) target(%arg9 : memref<128x128xf32, #tpu.memory_space<vmem>>) offsets(%dma_start3A_45 : memref<128xi32, #tpu.memory_space<vmem>>) semaphore(%arg12 : memref<!tpu.dma_semaphore, #tpu.memory_space<semaphore_mem>>)
      %dma_wait3A = arith.constant 0 : i32
      %dma_wait3A_49 = tpu.memref_slice %arg6[%mul3A_40, %dma_wait3A] : memref<40x128xi32, #tpu.memory_space<vmem>> -> memref<1x128xi32, #tpu.memory_space<vmem>>
      %dma_wait3A_50 = tpu.memref_squeeze %dma_wait3A_49 : memref<1x128xi32, #tpu.memory_space<vmem>> -> memref<128xi32, #tpu.memory_space<vmem>>
      %dma_wait3A_51 = arith.constant 0 : i32
      %dma_wait3A_52 = arith.constant 0 : i32
      %dma_wait3A_53 = tpu.memref_slice %arg2[%dma_wait3A_51, %dma_wait3A_52] : memref<10240x128xf32, #tpu.memory_space<hbm>> -> memref<10240x128xf32, #tpu.memory_space<hbm>>
      tpu.wait_indirect_dma semaphore(%arg11 : memref<!tpu.dma_semaphore, #tpu.memory_space<semaphore_mem>>) src(%dma_wait3A_53 : memref<10240x128xf32, #tpu.memory_space<hbm>>) dst(%arg8 : memref<128x128xf32, #tpu.memory_space<vmem>>)
      "tpu.region"() ({
        %run_scoped3A = tpu.sem_alloc : memref<!tpu.dma_semaphore, #tpu.memory_space<semaphore_mem>>
        %dma_start3A_65 = arith.constant 0 : i32
        %dma_start3A_66 = tpu.memref_slice %arg7[%mul3A_40, %dma_start3A_65] : memref<40x128xi32, #tpu.memory_space<vmem>> -> memref<1x128xi32, #tpu.memory_space<vmem>>
        %dma_start3A_67 = tpu.memref_squeeze %dma_start3A_66 : memref<1x128xi32, #tpu.memory_space<vmem>> -> memref<128xi32, #tpu.memory_space<vmem>>
        %dma_start3A_68 = arith.constant 0 : i32
        %dma_start3A_69 = arith.constant 0 : i32
        %dma_start3A_70 = tpu.memref_slice %arg10[%dma_start3A_68, %dma_start3A_69] : memref<5120x128xf32, #tpu.memory_space<vmem_shared>> -> memref<5120x128xf32, #tpu.memory_space<vmem_shared>>
        tpu.enqueue_indirect_dma source(%arg8 : memref<128x128xf32, #tpu.memory_space<vmem>>) target(%dma_start3A_70 : memref<5120x128xf32, #tpu.memory_space<vmem_shared>>) offsets(%dma_start3A_67 : memref<128xi32, #tpu.memory_space<vmem>>) semaphore(%run_scoped3A : memref<!tpu.dma_semaphore, #tpu.memory_space<semaphore_mem>>) {add = true}
        %dma_wait3A_71 = arith.constant 0 : i32
        %dma_wait3A_72 = tpu.memref_slice %arg7[%mul3A_40, %dma_wait3A_71] : memref<40x128xi32, #tpu.memory_space<vmem>> -> memref<1x128xi32, #tpu.memory_space<vmem>>
        %dma_wait3A_73 = tpu.memref_squeeze %dma_wait3A_72 : memref<1x128xi32, #tpu.memory_space<vmem>> -> memref<128xi32, #tpu.memory_space<vmem>>
        %dma_wait3A_74 = arith.constant 0 : i32
        %dma_wait3A_75 = arith.constant 0 : i32
        %dma_wait3A_76 = tpu.memref_slice %arg10[%dma_wait3A_74, %dma_wait3A_75] : memref<5120x128xf32, #tpu.memory_space<vmem_shared>> -> memref<5120x128xf32, #tpu.memory_space<vmem_shared>>
        tpu.wait_indirect_dma semaphore(%run_scoped3A : memref<!tpu.dma_semaphore, #tpu.memory_space<semaphore_mem>>) src(%arg8 : memref<128x128xf32, #tpu.memory_space<vmem>>) dst(%dma_wait3A_76 : memref<5120x128xf32, #tpu.memory_space<vmem_shared>>)
        tpu.yield
      }) : () -> ()
      %lt3A = arith.constant 19 : i32
      %lt3A_54 = arith.cmpi slt, %scan3A_37, %lt3A : i32
      %convert_element_type3A = arith.extui %lt3A_54 : i1 to i32
      %cond3A = arith.constant 0 : i32
      %cond3A_55 = arith.cmpi ne, %convert_element_type3A, %cond3A : i32
      scf.if %cond3A_55 {
        %add3A_65 = arith.constant 2 : i32
        %add3A_66 = arith.addi %mul3A_40, %add3A_65 : i32
        %dma_start3A_67 = arith.constant 0 : i32
        %dma_start3A_68 = tpu.memref_slice %arg6[%add3A_66, %dma_start3A_67] : memref<40x128xi32, #tpu.memory_space<vmem>> -> memref<1x128xi32, #tpu.memory_space<vmem>>
        %dma_start3A_69 = tpu.memref_squeeze %dma_start3A_68 : memref<1x128xi32, #tpu.memory_space<vmem>> -> memref<128xi32, #tpu.memory_space<vmem>>
        %dma_start3A_70 = arith.constant 0 : i32
        %dma_start3A_71 = arith.constant 0 : i32
        %dma_start3A_72 = tpu.memref_slice %arg2[%dma_start3A_70, %dma_start3A_71] : memref<10240x128xf32, #tpu.memory_space<hbm>> -> memref<10240x128xf32, #tpu.memory_space<hbm>>
        tpu.enqueue_indirect_dma source(%dma_start3A_72 : memref<10240x128xf32, #tpu.memory_space<hbm>>) target(%arg8 : memref<128x128xf32, #tpu.memory_space<vmem>>) offsets(%dma_start3A_69 : memref<128xi32, #tpu.memory_space<vmem>>) semaphore(%arg11 : memref<!tpu.dma_semaphore, #tpu.memory_space<semaphore_mem>>)
      } else {
      }
      %dma_wait3A_56 = arith.constant 0 : i32
      %dma_wait3A_57 = tpu.memref_slice %arg6[%add3A_42, %dma_wait3A_56] : memref<40x128xi32, #tpu.memory_space<vmem>> -> memref<1x128xi32, #tpu.memory_space<vmem>>
      %dma_wait3A_58 = tpu.memref_squeeze %dma_wait3A_57 : memref<1x128xi32, #tpu.memory_space<vmem>> -> memref<128xi32, #tpu.memory_space<vmem>>
      %dma_wait3A_59 = arith.constant 0 : i32
      %dma_wait3A_60 = arith.constant 0 : i32
      %dma_wait3A_61 = tpu.memref_slice %arg2[%dma_wait3A_59, %dma_wait3A_60] : memref<10240x128xf32, #tpu.memory_space<hbm>> -> memref<10240x128xf32, #tpu.memory_space<hbm>>
      tpu.wait_indirect_dma semaphore(%arg12 : memref<!tpu.dma_semaphore, #tpu.memory_space<semaphore_mem>>) src(%dma_wait3A_61 : memref<10240x128xf32, #tpu.memory_space<hbm>>) dst(%arg9 : memref<128x128xf32, #tpu.memory_space<vmem>>)
      %add3A_62 = arith.constant 1 : i32
      %add3A_63 = arith.addi %mul3A_40, %add3A_62 : i32
      "tpu.region"() ({
        %run_scoped3A = tpu.sem_alloc : memref<!tpu.dma_semaphore, #tpu.memory_space<semaphore_mem>>
        %dma_start3A_65 = arith.constant 0 : i32
        %dma_start3A_66 = tpu.memref_slice %arg7[%add3A_63, %dma_start3A_65] : memref<40x128xi32, #tpu.memory_space<vmem>> -> memref<1x128xi32, #tpu.memory_space<vmem>>
        %dma_start3A_67 = tpu.memref_squeeze %dma_start3A_66 : memref<1x128xi32, #tpu.memory_space<vmem>> -> memref<128xi32, #tpu.memory_space<vmem>>
        %dma_start3A_68 = arith.constant 0 : i32
        %dma_start3A_69 = arith.constant 0 : i32
        %dma_start3A_70 = tpu.memref_slice %arg10[%dma_start3A_68, %dma_start3A_69] : memref<5120x128xf32, #tpu.memory_space<vmem_shared>> -> memref<5120x128xf32, #tpu.memory_space<vmem_shared>>
        tpu.enqueue_indirect_dma source(%arg9 : memref<128x128xf32, #tpu.memory_space<vmem>>) target(%dma_start3A_70 : memref<5120x128xf32, #tpu.memory_space<vmem_shared>>) offsets(%dma_start3A_67 : memref<128xi32, #tpu.memory_space<vmem>>) semaphore(%run_scoped3A : memref<!tpu.dma_semaphore, #tpu.memory_space<semaphore_mem>>) {add = true}
        %dma_wait3A_71 = arith.constant 0 : i32
        %dma_wait3A_72 = tpu.memref_slice %arg7[%add3A_63, %dma_wait3A_71] : memref<40x128xi32, #tpu.memory_space<vmem>> -> memref<1x128xi32, #tpu.memory_space<vmem>>
        %dma_wait3A_73 = tpu.memref_squeeze %dma_wait3A_72 : memref<1x128xi32, #tpu.memory_space<vmem>> -> memref<128xi32, #tpu.memory_space<vmem>>
        %dma_wait3A_74 = arith.constant 0 : i32
        %dma_wait3A_75 = arith.constant 0 : i32
        %dma_wait3A_76 = tpu.memref_slice %arg10[%dma_wait3A_74, %dma_wait3A_75] : memref<5120x128xf32, #tpu.memory_space<vmem_shared>> -> memref<5120x128xf32, #tpu.memory_space<vmem_shared>>
        tpu.wait_indirect_dma semaphore(%run_scoped3A : memref<!tpu.dma_semaphore, #tpu.memory_space<semaphore_mem>>) src(%arg9 : memref<128x128xf32, #tpu.memory_space<vmem>>) dst(%dma_wait3A_76 : memref<5120x128xf32, #tpu.memory_space<vmem_shared>>)
        tpu.yield
      }) : () -> ()
      %scan3A_64 = arith.constant 0 : i32
      scf.yield %scan3A_64 : i32
    }
    %scan3A_31 = arith.constant 20 : i32
    %barrier3A_32 = arith.constant 0 : index
    tpu.barrier barrier_id(%barrier3A_32)
    %mul3A_33 = arith.constant 320 : i32
    %mul3A_34 = arith.muli %arg1, %mul3A_33 : i32
    %mul3A_35 = arith.constant 320 : i32
    %mul3A_36 = arith.muli %arg1, %mul3A_35 : i32
    "tpu.region"() ({
      %run_scoped3A = tpu.sem_alloc : memref<!tpu.dma_semaphore, #tpu.memory_space<semaphore_mem>>
      %dma_start3A_37 = arith.constant 0 : i32
      %dma_start3A_38 = tpu.memref_slice %arg5[%arg0, %mul3A_36, %dma_start3A_37] : memref<2x5120x128xf32, #tpu.memory_space<hbm>> -> memref<1x320x128xf32, #tpu.memory_space<hbm>>
      %dma_start3A_39 = tpu.memref_squeeze %dma_start3A_38 : memref<1x320x128xf32, #tpu.memory_space<hbm>> -> memref<320x128xf32, #tpu.memory_space<hbm>>
      %dma_start3A_40 = arith.constant 0 : i32
      %dma_start3A_41 = tpu.memref_slice %arg10[%mul3A_34, %dma_start3A_40] : memref<5120x128xf32, #tpu.memory_space<vmem_shared>> -> memref<320x128xf32, #tpu.memory_space<vmem_shared>>
      tpu.enqueue_dma source(%dma_start3A_41 : memref<320x128xf32, #tpu.memory_space<vmem_shared>>) target(%dma_start3A_39 : memref<320x128xf32, #tpu.memory_space<hbm>>) target_semaphore(%run_scoped3A : memref<!tpu.dma_semaphore, #tpu.memory_space<semaphore_mem>>)
      %dma_wait3A = arith.constant 0 : i32
      %dma_wait3A_42 = tpu.memref_slice %arg5[%arg0, %mul3A_36, %dma_wait3A] : memref<2x5120x128xf32, #tpu.memory_space<hbm>> -> memref<1x320x128xf32, #tpu.memory_space<hbm>>
      %dma_wait3A_43 = tpu.memref_squeeze %dma_wait3A_42 : memref<1x320x128xf32, #tpu.memory_space<hbm>> -> memref<320x128xf32, #tpu.memory_space<hbm>>
      %dma_wait3A_44 = arith.constant 0 : i32
      %dma_wait3A_45 = tpu.memref_slice %arg10[%mul3A_34, %dma_wait3A_44] : memref<5120x128xf32, #tpu.memory_space<vmem_shared>> -> memref<320x128xf32, #tpu.memory_space<vmem_shared>>
      tpu.wait_dma2 semaphore(%run_scoped3A : memref<!tpu.dma_semaphore, #tpu.memory_space<semaphore_mem>>) src(%dma_wait3A_45 : memref<320x128xf32, #tpu.memory_space<vmem_shared>>) dst(%dma_wait3A_43 : memref<320x128xf32, #tpu.memory_space<hbm>>)
      tpu.yield
    }) : () -> ()
    return
  }
}

#map = affine_map<(d0, d1) -> (0, 0)>
#map1 = affine_map<(d0, d1) -> (0, 0, 0)>
module attributes {stable_mosaic.version = 14 : i64} {
  func.func @k(%arg0: i32, %arg1: i32, %arg2: memref<10240x128xf32, #tpu.memory_space<hbm>>, %arg3: memref<32x40x128xi32, #tpu.memory_space<hbm>>, %arg4: memref<32x40x128xi32, #tpu.memory_space<hbm>>, %arg5: memref<2x5120x128xf32, #tpu.memory_space<hbm>>, %arg6: memref<40x128xi32, #tpu.memory_space<vmem>>, %arg7: memref<40x128xi32, #tpu.memory_space<vmem>>, %arg8: memref<128x128xf32, #tpu.memory_space<vmem>>, %arg9: memref<128x128xf32, #tpu.memory_space<vmem>>, %arg10: memref<5120x128xf32, #tpu.memory_space<vmem_shared>>, %arg11: memref<!tpu.dma_semaphore, #tpu.memory_space<semaphore_mem>>, %arg12: memref<!tpu.dma_semaphore, #tpu.memory_space<semaphore_mem>>) attributes {dimension_semantics = [#tpu.dimension_semantics<core_parallel>, #tpu.dimension_semantics<subcore_parallel>], iteration_bounds = array<i64: 2, 16>, scalar_prefetch = 0 : i64, scratch_operands = 7 : i64, tpu.core_type = #tpu.core_type<sc_vector_subcore>, window_params = [{transform_indices = #map}, {transform_indices = #map1}, {transform_indices = #map1}, {transform_indices = #map1}]} {
    %mul3A = arith.constant 16 : i32
    %mul3A_0 = arith.muli %arg0, %mul3A : i32
    %add3A = arith.addi %mul3A_0, %arg1 : i32
    "tpu.region"() ({
      %run_scoped3A = tpu.sem_alloc : memref<!tpu.dma_semaphore, #tpu.memory_space<semaphore_mem>>
      %dma_start3A_37 = arith.constant 0 : i32
      %dma_start3A_38 = arith.constant 0 : i32
      %dma_start3A_39 = tpu.memref_slice %arg3[%add3A, %dma_start3A_37, %dma_start3A_38] : memref<32x40x128xi32, #tpu.memory_space<hbm>> -> memref<1x40x128xi32, #tpu.memory_space<hbm>>
      %dma_start3A_40 = tpu.memref_squeeze %dma_start3A_39 : memref<1x40x128xi32, #tpu.memory_space<hbm>> -> memref<40x128xi32, #tpu.memory_space<hbm>>
      %dma_start3A_41 = arith.constant 0 : i32
      %dma_start3A_42 = arith.constant 0 : i32
      %dma_start3A_43 = tpu.memref_slice %arg3[%add3A, %dma_start3A_41, %dma_start3A_42] : memref<32x40x128xi32, #tpu.memory_space<hbm>> -> memref<1x40x128xi32, #tpu.memory_space<hbm>>
      %dma_start3A_44 = tpu.memref_squeeze %dma_start3A_43 : memref<1x40x128xi32, #tpu.memory_space<hbm>> -> memref<40x128xi32, #tpu.memory_space<hbm>>
      tpu.enqueue_dma source(%dma_start3A_44 : memref<40x128xi32, #tpu.memory_space<hbm>>) target(%arg6 : memref<40x128xi32, #tpu.memory_space<vmem>>) target_semaphore(%run_scoped3A : memref<!tpu.dma_semaphore, #tpu.memory_space<semaphore_mem>>)
      %dma_wait3A = arith.constant 0 : i32
      %dma_wait3A_45 = arith.constant 0 : i32
      %dma_wait3A_46 = tpu.memref_slice %arg3[%add3A, %dma_wait3A, %dma_wait3A_45] : memref<32x40x128xi32, #tpu.memory_space<hbm>> -> memref<1x40x128xi32, #tpu.memory_space<hbm>>
      %dma_wait3A_47 = tpu.memref_squeeze %dma_wait3A_46 : memref<1x40x128xi32, #tpu.memory_space<hbm>> -> memref<40x128xi32, #tpu.memory_space<hbm>>
      %dma_wait3A_48 = arith.constant 0 : i32
      %dma_wait3A_49 = arith.constant 0 : i32
      %dma_wait3A_50 = tpu.memref_slice %arg3[%add3A, %dma_wait3A_48, %dma_wait3A_49] : memref<32x40x128xi32, #tpu.memory_space<hbm>> -> memref<1x40x128xi32, #tpu.memory_space<hbm>>
      %dma_wait3A_51 = tpu.memref_squeeze %dma_wait3A_50 : memref<1x40x128xi32, #tpu.memory_space<hbm>> -> memref<40x128xi32, #tpu.memory_space<hbm>>
      tpu.wait_dma2 semaphore(%run_scoped3A : memref<!tpu.dma_semaphore, #tpu.memory_space<semaphore_mem>>) src(%dma_wait3A_51 : memref<40x128xi32, #tpu.memory_space<hbm>>) dst(%arg6 : memref<40x128xi32, #tpu.memory_space<vmem>>)
      tpu.yield
    }) : () -> ()
    "tpu.region"() ({
      %run_scoped3A = tpu.sem_alloc : memref<!tpu.dma_semaphore, #tpu.memory_space<semaphore_mem>>
      %dma_start3A_37 = arith.constant 0 : i32
      %dma_start3A_38 = arith.constant 0 : i32
      %dma_start3A_39 = tpu.memref_slice %arg4[%add3A, %dma_start3A_37, %dma_start3A_38] : memref<32x40x128xi32, #tpu.memory_space<hbm>> -> memref<1x40x128xi32, #tpu.memory_space<hbm>>
      %dma_start3A_40 = tpu.memref_squeeze %dma_start3A_39 : memref<1x40x128xi32, #tpu.memory_space<hbm>> -> memref<40x128xi32, #tpu.memory_space<hbm>>
      %dma_start3A_41 = arith.constant 0 : i32
      %dma_start3A_42 = arith.constant 0 : i32
      %dma_start3A_43 = tpu.memref_slice %arg4[%add3A, %dma_start3A_41, %dma_start3A_42] : memref<32x40x128xi32, #tpu.memory_space<hbm>> -> memref<1x40x128xi32, #tpu.memory_space<hbm>>
      %dma_start3A_44 = tpu.memref_squeeze %dma_start3A_43 : memref<1x40x128xi32, #tpu.memory_space<hbm>> -> memref<40x128xi32, #tpu.memory_space<hbm>>
      tpu.enqueue_dma source(%dma_start3A_44 : memref<40x128xi32, #tpu.memory_space<hbm>>) target(%arg7 : memref<40x128xi32, #tpu.memory_space<vmem>>) target_semaphore(%run_scoped3A : memref<!tpu.dma_semaphore, #tpu.memory_space<semaphore_mem>>)
      %dma_wait3A = arith.constant 0 : i32
      %dma_wait3A_45 = arith.constant 0 : i32
      %dma_wait3A_46 = tpu.memref_slice %arg4[%add3A, %dma_wait3A, %dma_wait3A_45] : memref<32x40x128xi32, #tpu.memory_space<hbm>> -> memref<1x40x128xi32, #tpu.memory_space<hbm>>
      %dma_wait3A_47 = tpu.memref_squeeze %dma_wait3A_46 : memref<1x40x128xi32, #tpu.memory_space<hbm>> -> memref<40x128xi32, #tpu.memory_space<hbm>>
      %dma_wait3A_48 = arith.constant 0 : i32
      %dma_wait3A_49 = arith.constant 0 : i32
      %dma_wait3A_50 = tpu.memref_slice %arg4[%add3A, %dma_wait3A_48, %dma_wait3A_49] : memref<32x40x128xi32, #tpu.memory_space<hbm>> -> memref<1x40x128xi32, #tpu.memory_space<hbm>>
      %dma_wait3A_51 = tpu.memref_squeeze %dma_wait3A_50 : memref<1x40x128xi32, #tpu.memory_space<hbm>> -> memref<40x128xi32, #tpu.memory_space<hbm>>
      tpu.wait_dma2 semaphore(%run_scoped3A : memref<!tpu.dma_semaphore, #tpu.memory_space<semaphore_mem>>) src(%dma_wait3A_51 : memref<40x128xi32, #tpu.memory_space<hbm>>) dst(%arg7 : memref<40x128xi32, #tpu.memory_space<vmem>>)
      tpu.yield
    }) : () -> ()
    %scan3A = arith.constant 0 : i32
    %scan3A_1 = arith.constant 0 : i32
    %scan3A_2 = arith.constant 128 : i32
    %scan3A_3 = arith.addi %scan3A_1, %scan3A_2 : i32
    %scan3A_4 = arith.constant 1 : i32
    %scan3A_5 = scf.for %scan3A_37 = %scan3A_1 to %scan3A_3 step %scan3A_4 iter_args(%scan3A_38 = %scan3A) -> (i32)  : i32 {
      %scan3A_39 = arith.constant 0 : i32
      %scan3A_40 = arith.constant 0 : i32
      %scan3A_41 = arith.constant 8 : i32
      %scan3A_42 = arith.addi %scan3A_40, %scan3A_41 : i32
      %scan3A_43 = arith.constant 1 : i32
      %scan3A_44 = scf.for %scan3A_46 = %scan3A_40 to %scan3A_42 step %scan3A_43 iter_args(%scan3A_47 = %scan3A_39) -> (i32)  : i32 {
        %broadcast_in_dim3A = arith.constant 0.000000e+00 : f32
        %broadcast_in_dim3A_48 = vector.broadcast %broadcast_in_dim3A : f32 to vector<16xf32>
        %mul3A_49 = arith.constant 16 : i32
        %mul3A_50 = arith.muli %scan3A_46, %mul3A_49 : i32
        %swap3A = arith.index_cast %scan3A_37 : i32 to index
        %swap3A_51 = arith.index_cast %mul3A_50 : i32 to index
        %swap3A_52 = tpu.vector_load %arg8[%swap3A, %swap3A_51] {strides = array<i32>} : memref<128x128xf32, #tpu.memory_space<vmem>>, vector<1x16xf32>,
        %swap3A_53 = vector.shape_cast %swap3A_52 : vector<1x16xf32> to vector<16xf32>
        %swap3A_54 = vector.shape_cast %broadcast_in_dim3A_48 : vector<16xf32> to vector<1x16xf32>
        tpu.vector_store %arg8[%swap3A, %swap3A_51], %swap3A_54 {strides = array<i32>} : memref<128x128xf32, #tpu.memory_space<vmem>>, vector<1x16xf32>,
        %scan3A_55 = arith.constant 0 : i32
        scf.yield %scan3A_55 : i32
      }
      %scan3A_45 = arith.constant 8 : i32
      scf.yield %scan3A_44 : i32
    }
    %scan3A_6 = arith.constant 128 : i32
    %mul3A_7 = arith.constant 320 : i32
    %mul3A_8 = arith.muli %arg1, %mul3A_7 : i32
    %add3A_9 = arith.constant 0 : i32
    %add3A_10 = arith.addi %mul3A_8, %add3A_9 : i32
    "tpu.region"() ({
      %run_scoped3A = tpu.sem_alloc : memref<!tpu.dma_semaphore, #tpu.memory_space<semaphore_mem>>
      %dma_start3A_37 = arith.constant 0 : i32
      %dma_start3A_38 = arith.constant 0 : i32
      %dma_start3A_39 = tpu.memref_slice %arg8[%dma_start3A_37, %dma_start3A_38] : memref<128x128xf32, #tpu.memory_space<vmem>> -> memref<128x128xf32, #tpu.memory_space<vmem>>
      %dma_start3A_40 = arith.constant 0 : i32
      %dma_start3A_41 = tpu.memref_slice %arg10[%add3A_10, %dma_start3A_40] : memref<5120x128xf32, #tpu.memory_space<vmem_shared>> -> memref<128x128xf32, #tpu.memory_space<vmem_shared>>
      %dma_start3A_42 = arith.constant 0 : i32
      %dma_start3A_43 = tpu.memref_slice %arg10[%add3A_10, %dma_start3A_42] : memref<5120x128xf32, #tpu.memory_space<vmem_shared>> -> memref<128x128xf32, #tpu.memory_space<vmem_shared>>
      %dma_start3A_44 = arith.constant 0 : i32
      %dma_start3A_45 = arith.constant 0 : i32
      %dma_start3A_46 = tpu.memref_slice %arg8[%dma_start3A_44, %dma_start3A_45] : memref<128x128xf32, #tpu.memory_space<vmem>> -> memref<128x128xf32, #tpu.memory_space<vmem>>
      tpu.enqueue_dma source(%dma_start3A_46 : memref<128x128xf32, #tpu.memory_space<vmem>>) target(%dma_start3A_43 : memref<128x128xf32, #tpu.memory_space<vmem_shared>>) target_semaphore(%run_scoped3A : memref<!tpu.dma_semaphore, #tpu.memory_space<semaphore_mem>>)
      %dma_wait3A = arith.constant 0 : i32
      %dma_wait3A_47 = arith.constant 0 : i32
      %dma_wait3A_48 = tpu.memref_slice %arg8[%dma_wait3A, %dma_wait3A_47] : memref<128x128xf32, #tpu.memory_space<vmem>> -> memref<128x128xf32, #tpu.memory_space<vmem>>
      %dma_wait3A_49 = arith.constant 0 : i32
      %dma_wait3A_50 = tpu.memref_slice %arg10[%add3A_10, %dma_wait3A_49] : memref<5120x128xf32, #tpu.memory_space<vmem_shared>> -> memref<128x128xf32, #tpu.memory_space<vmem_shared>>
      %dma_wait3A_51 = arith.constant 0 : i32
      %dma_wait3A_52 = tpu.memref_slice %arg10[%add3A_10, %dma_wait3A_51] : memref<5120x128xf32, #tpu.memory_space<vmem_shared>> -> memref<128x128xf32, #tpu.memory_space<vmem_shared>>
      %dma_wait3A_53 = arith.constant 0 : i32
      %dma_wait3A_54 = arith.constant 0 : i32
      %dma_wait3A_55 = tpu.memref_slice %arg8[%dma_wait3A_53, %dma_wait3A_54] : memref<128x128xf32, #tpu.memory_space<vmem>> -> memref<128x128xf32, #tpu.memory_space<vmem>>
      tpu.wait_dma2 semaphore(%run_scoped3A : memref<!tpu.dma_semaphore, #tpu.memory_space<semaphore_mem>>) src(%dma_wait3A_55 : memref<128x128xf32, #tpu.memory_space<vmem>>) dst(%dma_wait3A_52 : memref<128x128xf32, #tpu.memory_space<vmem_shared>>)
      tpu.yield
    }) : () -> ()
    %mul3A_11 = arith.constant 320 : i32
    %mul3A_12 = arith.muli %arg1, %mul3A_11 : i32
    %add3A_13 = arith.constant 128 : i32
    %add3A_14 = arith.addi %mul3A_12, %add3A_13 : i32
    "tpu.region"() ({
      %run_scoped3A = tpu.sem_alloc : memref<!tpu.dma_semaphore, #tpu.memory_space<semaphore_mem>>
      %dma_start3A_37 = arith.constant 0 : i32
      %dma_start3A_38 = arith.constant 0 : i32
      %dma_start3A_39 = tpu.memref_slice %arg8[%dma_start3A_37, %dma_start3A_38] : memref<128x128xf32, #tpu.memory_space<vmem>> -> memref<128x128xf32, #tpu.memory_space<vmem>>
      %dma_start3A_40 = arith.constant 0 : i32
      %dma_start3A_41 = tpu.memref_slice %arg10[%add3A_14, %dma_start3A_40] : memref<5120x128xf32, #tpu.memory_space<vmem_shared>> -> memref<128x128xf32, #tpu.memory_space<vmem_shared>>
      %dma_start3A_42 = arith.constant 0 : i32
      %dma_start3A_43 = tpu.memref_slice %arg10[%add3A_14, %dma_start3A_42] : memref<5120x128xf32, #tpu.memory_space<vmem_shared>> -> memref<128x128xf32, #tpu.memory_space<vmem_shared>>
      %dma_start3A_44 = arith.constant 0 : i32
      %dma_start3A_45 = arith.constant 0 : i32
      %dma_start3A_46 = tpu.memref_slice %arg8[%dma_start3A_44, %dma_start3A_45] : memref<128x128xf32, #tpu.memory_space<vmem>> -> memref<128x128xf32, #tpu.memory_space<vmem>>
      tpu.enqueue_dma source(%dma_start3A_46 : memref<128x128xf32, #tpu.memory_space<vmem>>) target(%dma_start3A_43 : memref<128x128xf32, #tpu.memory_space<vmem_shared>>) target_semaphore(%run_scoped3A : memref<!tpu.dma_semaphore, #tpu.memory_space<semaphore_mem>>)
      %dma_wait3A = arith.constant 0 : i32
      %dma_wait3A_47 = arith.constant 0 : i32
      %dma_wait3A_48 = tpu.memref_slice %arg8[%dma_wait3A, %dma_wait3A_47] : memref<128x128xf32, #tpu.memory_space<vmem>> -> memref<128x128xf32, #tpu.memory_space<vmem>>
      %dma_wait3A_49 = arith.constant 0 : i32
      %dma_wait3A_50 = tpu.memref_slice %arg10[%add3A_14, %dma_wait3A_49] : memref<5120x128xf32, #tpu.memory_space<vmem_shared>> -> memref<128x128xf32, #tpu.memory_space<vmem_shared>>
      %dma_wait3A_51 = arith.constant 0 : i32
      %dma_wait3A_52 = tpu.memref_slice %arg10[%add3A_14, %dma_wait3A_51] : memref<5120x128xf32, #tpu.memory_space<vmem_shared>> -> memref<128x128xf32, #tpu.memory_space<vmem_shared>>
      %dma_wait3A_53 = arith.constant 0 : i32
      %dma_wait3A_54 = arith.constant 0 : i32
      %dma_wait3A_55 = tpu.memref_slice %arg8[%dma_wait3A_53, %dma_wait3A_54] : memref<128x128xf32, #tpu.memory_space<vmem>> -> memref<128x128xf32, #tpu.memory_space<vmem>>
      tpu.wait_dma2 semaphore(%run_scoped3A : memref<!tpu.dma_semaphore, #tpu.memory_space<semaphore_mem>>) src(%dma_wait3A_55 : memref<128x128xf32, #tpu.memory_space<vmem>>) dst(%dma_wait3A_52 : memref<128x128xf32, #tpu.memory_space<vmem_shared>>)
      tpu.yield
    }) : () -> ()
    %mul3A_15 = arith.constant 320 : i32
    %mul3A_16 = arith.muli %arg1, %mul3A_15 : i32
    %add3A_17 = arith.constant 256 : i32
    %add3A_18 = arith.addi %mul3A_16, %add3A_17 : i32
    "tpu.region"() ({
      %run_scoped3A = tpu.sem_alloc : memref<!tpu.dma_semaphore, #tpu.memory_space<semaphore_mem>>
      %dma_start3A_37 = arith.constant 0 : i32
      %dma_start3A_38 = arith.constant 0 : i32
      %dma_start3A_39 = tpu.memref_slice %arg8[%dma_start3A_37, %dma_start3A_38] : memref<128x128xf32, #tpu.memory_space<vmem>> -> memref<64x128xf32, #tpu.memory_space<vmem>>
      %dma_start3A_40 = arith.constant 0 : i32
      %dma_start3A_41 = tpu.memref_slice %arg10[%add3A_18, %dma_start3A_40] : memref<5120x128xf32, #tpu.memory_space<vmem_shared>> -> memref<64x128xf32, #tpu.memory_space<vmem_shared>>
      %dma_start3A_42 = arith.constant 0 : i32
      %dma_start3A_43 = tpu.memref_slice %arg10[%add3A_18, %dma_start3A_42] : memref<5120x128xf32, #tpu.memory_space<vmem_shared>> -> memref<64x128xf32, #tpu.memory_space<vmem_shared>>
      %dma_start3A_44 = arith.constant 0 : i32
      %dma_start3A_45 = arith.constant 0 : i32
      %dma_start3A_46 = tpu.memref_slice %arg8[%dma_start3A_44, %dma_start3A_45] : memref<128x128xf32, #tpu.memory_space<vmem>> -> memref<64x128xf32, #tpu.memory_space<vmem>>
      tpu.enqueue_dma source(%dma_start3A_46 : memref<64x128xf32, #tpu.memory_space<vmem>>) target(%dma_start3A_43 : memref<64x128xf32, #tpu.memory_space<vmem_shared>>) target_semaphore(%run_scoped3A : memref<!tpu.dma_semaphore, #tpu.memory_space<semaphore_mem>>)
      %dma_wait3A = arith.constant 0 : i32
      %dma_wait3A_47 = arith.constant 0 : i32
      %dma_wait3A_48 = tpu.memref_slice %arg8[%dma_wait3A, %dma_wait3A_47] : memref<128x128xf32, #tpu.memory_space<vmem>> -> memref<64x128xf32, #tpu.memory_space<vmem>>
      %dma_wait3A_49 = arith.constant 0 : i32
      %dma_wait3A_50 = tpu.memref_slice %arg10[%add3A_18, %dma_wait3A_49] : memref<5120x128xf32, #tpu.memory_space<vmem_shared>> -> memref<64x128xf32, #tpu.memory_space<vmem_shared>>
      %dma_wait3A_51 = arith.constant 0 : i32
      %dma_wait3A_52 = tpu.memref_slice %arg10[%add3A_18, %dma_wait3A_51] : memref<5120x128xf32, #tpu.memory_space<vmem_shared>> -> memref<64x128xf32, #tpu.memory_space<vmem_shared>>
      %dma_wait3A_53 = arith.constant 0 : i32
      %dma_wait3A_54 = arith.constant 0 : i32
      %dma_wait3A_55 = tpu.memref_slice %arg8[%dma_wait3A_53, %dma_wait3A_54] : memref<128x128xf32, #tpu.memory_space<vmem>> -> memref<64x128xf32, #tpu.memory_space<vmem>>
      tpu.wait_dma2 semaphore(%run_scoped3A : memref<!tpu.dma_semaphore, #tpu.memory_space<semaphore_mem>>) src(%dma_wait3A_55 : memref<64x128xf32, #tpu.memory_space<vmem>>) dst(%dma_wait3A_52 : memref<64x128xf32, #tpu.memory_space<vmem_shared>>)
      tpu.yield
    }) : () -> ()
    %barrier3A = arith.constant 0 : index
    tpu.barrier barrier_id(%barrier3A)
    %dma_start3A = arith.constant 0 : i32
    %dma_start3A_19 = arith.constant 0 : i32
    %dma_start3A_20 = tpu.memref_slice %arg6[%dma_start3A, %dma_start3A_19] : memref<40x128xi32, #tpu.memory_space<vmem>> -> memref<1x128xi32, #tpu.memory_space<vmem>>
    %dma_start3A_21 = tpu.memref_squeeze %dma_start3A_20 : memref<1x128xi32, #tpu.memory_space<vmem>> -> memref<128xi32, #tpu.memory_space<vmem>>
    %dma_start3A_22 = arith.constant 0 : i32
    %dma_start3A_23 = arith.constant 0 : i32
    %dma_start3A_24 = tpu.memref_slice %arg2[%dma_start3A_22, %dma_start3A_23] : memref<10240x128xf32, #tpu.memory_space<hbm>> -> memref<10240x128xf32, #tpu.memory_space<hbm>>
    tpu.enqueue_indirect_dma source(%dma_start3A_24 : memref<10240x128xf32, #tpu.memory_space<hbm>>) target(%arg8 : memref<128x128xf32, #tpu.memory_space<vmem>>) offsets(%dma_start3A_21 : memref<128xi32, #tpu.memory_space<vmem>>) semaphore(%arg11 : memref<!tpu.dma_semaphore, #tpu.memory_space<semaphore_mem>>)
    %scan3A_25 = arith.constant 0 : i32
    %scan3A_26 = arith.constant 0 : i32
    %scan3A_27 = arith.constant 20 : i32
    %scan3A_28 = arith.addi %scan3A_26, %scan3A_27 : i32
    %scan3A_29 = arith.constant 1 : i32
    %scan3A_30 = scf.for %scan3A_37 = %scan3A_26 to %scan3A_28 step %scan3A_29 iter_args(%scan3A_38 = %scan3A_25) -> (i32)  : i32 {
      %mul3A_39 = arith.constant 2 : i32
      %mul3A_40 = arith.muli %mul3A_39, %scan3A_37 : i32
      %add3A_41 = arith.constant 1 : i32
      %add3A_42 = arith.addi %mul3A_40, %add3A_41 : i32
      %dma_start3A_43 = arith.constant 0 : i32
      %dma_start3A_44 = tpu.memref_slice %arg6[%add3A_42, %dma_start3A_43] : memref<40x128xi32, #tpu.memory_space<vmem>> -> memref<1x128xi32, #tpu.memory_space<vmem>>
      %dma_start3A_45 = tpu.memref_squeeze %dma_start3A_44 : memref<1x128xi32, #tpu.memory_space<vmem>> -> memref<128xi32, #tpu.memory_space<vmem>>
      %dma_start3A_46 = arith.constant 0 : i32
      %dma_start3A_47 = arith.constant 0 : i32
      %dma_start3A_48 = tpu.memref_slice %arg2[%dma_start3A_46, %dma_start3A_47] : memref<10240x128xf32, #tpu.memory_space<hbm>> -> memref<10240x128xf32, #tpu.memory_space<hbm>>
      tpu.enqueue_indirect_dma source(%dma_start3A_48 : memref<10240x128xf32, #tpu.memory_space<hbm>>) target(%arg9 : memref<128x128xf32, #tpu.memory_space<vmem>>) offsets(%dma_start3A_45 : memref<128xi32, #tpu.memory_space<vmem>>) semaphore(%arg12 : memref<!tpu.dma_semaphore, #tpu.memory_space<semaphore_mem>>)
      %dma_wait3A = arith.constant 0 : i32
      %dma_wait3A_49 = tpu.memref_slice %arg6[%mul3A_40, %dma_wait3A] : memref<40x128xi32, #tpu.memory_space<vmem>> -> memref<1x128xi32, #tpu.memory_space<vmem>>
      %dma_wait3A_50 = tpu.memref_squeeze %dma_wait3A_49 : memref<1x128xi32, #tpu.memory_space<vmem>> -> memref<128xi32, #tpu.memory_space<vmem>>
      %dma_wait3A_51 = arith.constant 0 : i32
      %dma_wait3A_52 = arith.constant 0 : i32
      %dma_wait3A_53 = tpu.memref_slice %arg2[%dma_wait3A_51, %dma_wait3A_52] : memref<10240x128xf32, #tpu.memory_space<hbm>> -> memref<10240x128xf32, #tpu.memory_space<hbm>>
      tpu.wait_indirect_dma semaphore(%arg11 : memref<!tpu.dma_semaphore, #tpu.memory_space<semaphore_mem>>) src(%dma_wait3A_53 : memref<10240x128xf32, #tpu.memory_space<hbm>>) dst(%arg8 : memref<128x128xf32, #tpu.memory_space<vmem>>)
      "tpu.region"() ({
        %run_scoped3A = tpu.sem_alloc : memref<!tpu.dma_semaphore, #tpu.memory_space<semaphore_mem>>
        %dma_start3A_65 = arith.constant 0 : i32
        %dma_start3A_66 = tpu.memref_slice %arg7[%mul3A_40, %dma_start3A_65] : memref<40x128xi32, #tpu.memory_space<vmem>> -> memref<1x128xi32, #tpu.memory_space<vmem>>
        %dma_start3A_67 = tpu.memref_squeeze %dma_start3A_66 : memref<1x128xi32, #tpu.memory_space<vmem>> -> memref<128xi32, #tpu.memory_space<vmem>>
        %dma_start3A_68 = arith.constant 0 : i32
        %dma_start3A_69 = arith.constant 0 : i32
        %dma_start3A_70 = tpu.memref_slice %arg10[%dma_start3A_68, %dma_start3A_69] : memref<5120x128xf32, #tpu.memory_space<vmem_shared>> -> memref<5120x128xf32, #tpu.memory_space<vmem_shared>>
        tpu.enqueue_indirect_dma source(%arg8 : memref<128x128xf32, #tpu.memory_space<vmem>>) target(%dma_start3A_70 : memref<5120x128xf32, #tpu.memory_space<vmem_shared>>) offsets(%dma_start3A_67 : memref<128xi32, #tpu.memory_space<vmem>>) semaphore(%run_scoped3A : memref<!tpu.dma_semaphore, #tpu.memory_space<semaphore_mem>>) {add = true}
        %dma_wait3A_71 = arith.constant 0 : i32
        %dma_wait3A_72 = tpu.memref_slice %arg7[%mul3A_40, %dma_wait3A_71] : memref<40x128xi32, #tpu.memory_space<vmem>> -> memref<1x128xi32, #tpu.memory_space<vmem>>
        %dma_wait3A_73 = tpu.memref_squeeze %dma_wait3A_72 : memref<1x128xi32, #tpu.memory_space<vmem>> -> memref<128xi32, #tpu.memory_space<vmem>>
        %dma_wait3A_74 = arith.constant 0 : i32
        %dma_wait3A_75 = arith.constant 0 : i32
        %dma_wait3A_76 = tpu.memref_slice %arg10[%dma_wait3A_74, %dma_wait3A_75] : memref<5120x128xf32, #tpu.memory_space<vmem_shared>> -> memref<5120x128xf32, #tpu.memory_space<vmem_shared>>
        tpu.wait_indirect_dma semaphore(%run_scoped3A : memref<!tpu.dma_semaphore, #tpu.memory_space<semaphore_mem>>) src(%arg8 : memref<128x128xf32, #tpu.memory_space<vmem>>) dst(%dma_wait3A_76 : memref<5120x128xf32, #tpu.memory_space<vmem_shared>>)
        tpu.yield
      }) : () -> ()
      %lt3A = arith.constant 19 : i32
      %lt3A_54 = arith.cmpi slt, %scan3A_37, %lt3A : i32
      %convert_element_type3A = arith.extui %lt3A_54 : i1 to i32
      %cond3A = arith.constant 0 : i32
      %cond3A_55 = arith.cmpi ne, %convert_element_type3A, %cond3A : i32
      scf.if %cond3A_55 {
        %add3A_65 = arith.constant 2 : i32
        %add3A_66 = arith.addi %mul3A_40, %add3A_65 : i32
        %dma_start3A_67 = arith.constant 0 : i32
        %dma_start3A_68 = tpu.memref_slice %arg6[%add3A_66, %dma_start3A_67] : memref<40x128xi32, #tpu.memory_space<vmem>> -> memref<1x128xi32, #tpu.memory_space<vmem>>
        %dma_start3A_69 = tpu.memref_squeeze %dma_start3A_68 : memref<1x128xi32, #tpu.memory_space<vmem>> -> memref<128xi32, #tpu.memory_space<vmem>>
        %dma_start3A_70 = arith.constant 0 : i32
        %dma_start3A_71 = arith.constant 0 : i32
        %dma_start3A_72 = tpu.memref_slice %arg2[%dma_start3A_70, %dma_start3A_71] : memref<10240x128xf32, #tpu.memory_space<hbm>> -> memref<10240x128xf32, #tpu.memory_space<hbm>>
        tpu.enqueue_indirect_dma source(%dma_start3A_72 : memref<10240x128xf32, #tpu.memory_space<hbm>>) target(%arg8 : memref<128x128xf32, #tpu.memory_space<vmem>>) offsets(%dma_start3A_69 : memref<128xi32, #tpu.memory_space<vmem>>) semaphore(%arg11 : memref<!tpu.dma_semaphore, #tpu.memory_space<semaphore_mem>>)
      } else {
      }
      %dma_wait3A_56 = arith.constant 0 : i32
      %dma_wait3A_57 = tpu.memref_slice %arg6[%add3A_42, %dma_wait3A_56] : memref<40x128xi32, #tpu.memory_space<vmem>> -> memref<1x128xi32, #tpu.memory_space<vmem>>
      %dma_wait3A_58 = tpu.memref_squeeze %dma_wait3A_57 : memref<1x128xi32, #tpu.memory_space<vmem>> -> memref<128xi32, #tpu.memory_space<vmem>>
      %dma_wait3A_59 = arith.constant 0 : i32
      %dma_wait3A_60 = arith.constant 0 : i32
      %dma_wait3A_61 = tpu.memref_slice %arg2[%dma_wait3A_59, %dma_wait3A_60] : memref<10240x128xf32, #tpu.memory_space<hbm>> -> memref<10240x128xf32, #tpu.memory_space<hbm>>
      tpu.wait_indirect_dma semaphore(%arg12 : memref<!tpu.dma_semaphore, #tpu.memory_space<semaphore_mem>>) src(%dma_wait3A_61 : memref<10240x128xf32, #tpu.memory_space<hbm>>) dst(%arg9 : memref<128x128xf32, #tpu.memory_space<vmem>>)
      %add3A_62 = arith.constant 1 : i32
      %add3A_63 = arith.addi %mul3A_40, %add3A_62 : i32
      "tpu.region"() ({
        %run_scoped3A = tpu.sem_alloc : memref<!tpu.dma_semaphore, #tpu.memory_space<semaphore_mem>>
        %dma_start3A_65 = arith.constant 0 : i32
        %dma_start3A_66 = tpu.memref_slice %arg7[%add3A_63, %dma_start3A_65] : memref<40x128xi32, #tpu.memory_space<vmem>> -> memref<1x128xi32, #tpu.memory_space<vmem>>
        %dma_start3A_67 = tpu.memref_squeeze %dma_start3A_66 : memref<1x128xi32, #tpu.memory_space<vmem>> -> memref<128xi32, #tpu.memory_space<vmem>>
        %dma_start3A_68 = arith.constant 0 : i32
        %dma_start3A_69 = arith.constant 0 : i32
        %dma_start3A_70 = tpu.memref_slice %arg10[%dma_start3A_68, %dma_start3A_69] : memref<5120x128xf32, #tpu.memory_space<vmem_shared>> -> memref<5120x128xf32, #tpu.memory_space<vmem_shared>>
        tpu.enqueue_indirect_dma source(%arg9 : memref<128x128xf32, #tpu.memory_space<vmem>>) target(%dma_start3A_70 : memref<5120x128xf32, #tpu.memory_space<vmem_shared>>) offsets(%dma_start3A_67 : memref<128xi32, #tpu.memory_space<vmem>>) semaphore(%run_scoped3A : memref<!tpu.dma_semaphore, #tpu.memory_space<semaphore_mem>>) {add = true}
        %dma_wait3A_71 = arith.constant 0 : i32
        %dma_wait3A_72 = tpu.memref_slice %arg7[%add3A_63, %dma_wait3A_71] : memref<40x128xi32, #tpu.memory_space<vmem>> -> memref<1x128xi32, #tpu.memory_space<vmem>>
        %dma_wait3A_73 = tpu.memref_squeeze %dma_wait3A_72 : memref<1x128xi32, #tpu.memory_space<vmem>> -> memref<128xi32, #tpu.memory_space<vmem>>
        %dma_wait3A_74 = arith.constant 0 : i32
        %dma_wait3A_75 = arith.constant 0 : i32
        %dma_wait3A_76 = tpu.memref_slice %arg10[%dma_wait3A_74, %dma_wait3A_75] : memref<5120x128xf32, #tpu.memory_space<vmem_shared>> -> memref<5120x128xf32, #tpu.memory_space<vmem_shared>>
        tpu.wait_indirect_dma semaphore(%run_scoped3A : memref<!tpu.dma_semaphore, #tpu.memory_space<semaphore_mem>>) src(%arg9 : memref<128x128xf32, #tpu.memory_space<vmem>>) dst(%dma_wait3A_76 : memref<5120x128xf32, #tpu.memory_space<vmem_shared>>)
        tpu.yield
      }) : () -> ()
      %scan3A_64 = arith.constant 0 : i32
      scf.yield %scan3A_64 : i32
    }
    %scan3A_31 = arith.constant 20 : i32
    %barrier3A_32 = arith.constant 0 : index
    tpu.barrier barrier_id(%barrier3A_32)
    %mul3A_33 = arith.constant 320 : i32
    %mul3A_34 = arith.muli %arg1, %mul3A_33 : i32
    %mul3A_35 = arith.constant 320 : i32
    %mul3A_36 = arith.muli %arg1, %mul3A_35 : i32
    "tpu.region"() ({
      %run_scoped3A = tpu.sem_alloc : memref<!tpu.dma_semaphore, #tpu.memory_space<semaphore_mem>>
      %dma_start3A_37 = arith.constant 0 : i32
      %dma_start3A_38 = tpu.memref_slice %arg5[%arg0, %mul3A_36, %dma_start3A_37] : memref<2x5120x128xf32, #tpu.memory_space<hbm>> -> memref<1x320x128xf32, #tpu.memory_space<hbm>>
      %dma_start3A_39 = tpu.memref_squeeze %dma_start3A_38 : memref<1x320x128xf32, #tpu.memory_space<hbm>> -> memref<320x128xf32, #tpu.memory_space<hbm>>
      %dma_start3A_40 = arith.constant 0 : i32
      %dma_start3A_41 = tpu.memref_slice %arg10[%mul3A_34, %dma_start3A_40] : memref<5120x128xf32, #tpu.memory_space<vmem_shared>> -> memref<320x128xf32, #tpu.memory_space<vmem_shared>>
      tpu.enqueue_dma source(%dma_start3A_41 : memref<320x128xf32, #tpu.memory_space<vmem_shared>>) target(%dma_start3A_39 : memref<320x128xf32, #tpu.memory_space<hbm>>) target_semaphore(%run_scoped3A : memref<!tpu.dma_semaphore, #tpu.memory_space<semaphore_mem>>)
      %dma_wait3A = arith.constant 0 : i32
      %dma_wait3A_42 = tpu.memref_slice %arg5[%arg0, %mul3A_36, %dma_wait3A] : memref<2x5120x128xf32, #tpu.memory_space<hbm>> -> memref<1x320x128xf32, #tpu.memory_space<hbm>>
      %dma_wait3A_43 = tpu.memref_squeeze %dma_wait3A_42 : memref<1x320x128xf32, #tpu.memory_space<hbm>> -> memref<320x128xf32, #tpu.memory_space<hbm>>
      %dma_wait3A_44 = arith.constant 0 : i32
      %dma_wait3A_45 = tpu.memref_slice %arg10[%mul3A_34, %dma_wait3A_44] : memref<5120x128xf32, #tpu.memory_space<vmem_shared>> -> memref<320x128xf32, #tpu.memory_space<vmem_shared>>
      tpu.wait_dma2 semaphore(%run_scoped3A : memref<!tpu.dma_semaphore, #tpu.memory_space<semaphore_mem>>) src(%dma_wait3A_45 : memref<320x128xf32, #tpu.memory_space<vmem_shared>>) dst(%dma_wait3A_43 : memref<320x128xf32, #tpu.memory_space<hbm>>)
      tpu.yield
    }) : () -> ()
    return
  }
}

#map = affine_map<(d0, d1) -> (0, 0)>
#map1 = affine_map<(d0, d1) -> (0, 0, 0)>
module attributes {stable_mosaic.version = 14 : i64} {
  func.func @k(%arg0: i32, %arg1: i32, %arg2: memref<5120x128xf32, #tpu.memory_space<hbm>>, %arg3: memref<32x40x128xi32, #tpu.memory_space<hbm>>, %arg4: memref<32x40x128xi32, #tpu.memory_space<hbm>>, %arg5: memref<2x10240x128xf32, #tpu.memory_space<hbm>>, %arg6: memref<40x128xi32, #tpu.memory_space<vmem>>, %arg7: memref<40x128xi32, #tpu.memory_space<vmem>>, %arg8: memref<128x128xf32, #tpu.memory_space<vmem>>, %arg9: memref<128x128xf32, #tpu.memory_space<vmem>>, %arg10: memref<10240x128xf32, #tpu.memory_space<vmem_shared>>, %arg11: memref<!tpu.dma_semaphore, #tpu.memory_space<semaphore_mem>>, %arg12: memref<!tpu.dma_semaphore, #tpu.memory_space<semaphore_mem>>) attributes {dimension_semantics = [#tpu.dimension_semantics<core_parallel>, #tpu.dimension_semantics<subcore_parallel>], iteration_bounds = array<i64: 2, 16>, scalar_prefetch = 0 : i64, scratch_operands = 7 : i64, tpu.core_type = #tpu.core_type<sc_vector_subcore>, window_params = [{transform_indices = #map}, {transform_indices = #map1}, {transform_indices = #map1}, {transform_indices = #map1}]} {
    %mul3A = arith.constant 16 : i32
    %mul3A_0 = arith.muli %arg0, %mul3A : i32
    %add3A = arith.addi %mul3A_0, %arg1 : i32
    "tpu.region"() ({
      %run_scoped3A = tpu.sem_alloc : memref<!tpu.dma_semaphore, #tpu.memory_space<semaphore_mem>>
      %dma_start3A_45 = arith.constant 0 : i32
      %dma_start3A_46 = arith.constant 0 : i32
      %dma_start3A_47 = tpu.memref_slice %arg3[%add3A, %dma_start3A_45, %dma_start3A_46] : memref<32x40x128xi32, #tpu.memory_space<hbm>> -> memref<1x40x128xi32, #tpu.memory_space<hbm>>
      %dma_start3A_48 = tpu.memref_squeeze %dma_start3A_47 : memref<1x40x128xi32, #tpu.memory_space<hbm>> -> memref<40x128xi32, #tpu.memory_space<hbm>>
      %dma_start3A_49 = arith.constant 0 : i32
      %dma_start3A_50 = arith.constant 0 : i32
      %dma_start3A_51 = tpu.memref_slice %arg3[%add3A, %dma_start3A_49, %dma_start3A_50] : memref<32x40x128xi32, #tpu.memory_space<hbm>> -> memref<1x40x128xi32, #tpu.memory_space<hbm>>
      %dma_start3A_52 = tpu.memref_squeeze %dma_start3A_51 : memref<1x40x128xi32, #tpu.memory_space<hbm>> -> memref<40x128xi32, #tpu.memory_space<hbm>>
      tpu.enqueue_dma source(%dma_start3A_52 : memref<40x128xi32, #tpu.memory_space<hbm>>) target(%arg6 : memref<40x128xi32, #tpu.memory_space<vmem>>) target_semaphore(%run_scoped3A : memref<!tpu.dma_semaphore, #tpu.memory_space<semaphore_mem>>)
      %dma_wait3A = arith.constant 0 : i32
      %dma_wait3A_53 = arith.constant 0 : i32
      %dma_wait3A_54 = tpu.memref_slice %arg3[%add3A, %dma_wait3A, %dma_wait3A_53] : memref<32x40x128xi32, #tpu.memory_space<hbm>> -> memref<1x40x128xi32, #tpu.memory_space<hbm>>
      %dma_wait3A_55 = tpu.memref_squeeze %dma_wait3A_54 : memref<1x40x128xi32, #tpu.memory_space<hbm>> -> memref<40x128xi32, #tpu.memory_space<hbm>>
      %dma_wait3A_56 = arith.constant 0 : i32
      %dma_wait3A_57 = arith.constant 0 : i32
      %dma_wait3A_58 = tpu.memref_slice %arg3[%add3A, %dma_wait3A_56, %dma_wait3A_57] : memref<32x40x128xi32, #tpu.memory_space<hbm>> -> memref<1x40x128xi32, #tpu.memory_space<hbm>>
      %dma_wait3A_59 = tpu.memref_squeeze %dma_wait3A_58 : memref<1x40x128xi32, #tpu.memory_space<hbm>> -> memref<40x128xi32, #tpu.memory_space<hbm>>
      tpu.wait_dma2 semaphore(%run_scoped3A : memref<!tpu.dma_semaphore, #tpu.memory_space<semaphore_mem>>) src(%dma_wait3A_59 : memref<40x128xi32, #tpu.memory_space<hbm>>) dst(%arg6 : memref<40x128xi32, #tpu.memory_space<vmem>>)
      tpu.yield
    }) : () -> ()
    "tpu.region"() ({
      %run_scoped3A = tpu.sem_alloc : memref<!tpu.dma_semaphore, #tpu.memory_space<semaphore_mem>>
      %dma_start3A_45 = arith.constant 0 : i32
      %dma_start3A_46 = arith.constant 0 : i32
      %dma_start3A_47 = tpu.memref_slice %arg4[%add3A, %dma_start3A_45, %dma_start3A_46] : memref<32x40x128xi32, #tpu.memory_space<hbm>> -> memref<1x40x128xi32, #tpu.memory_space<hbm>>
      %dma_start3A_48 = tpu.memref_squeeze %dma_start3A_47 : memref<1x40x128xi32, #tpu.memory_space<hbm>> -> memref<40x128xi32, #tpu.memory_space<hbm>>
      %dma_start3A_49 = arith.constant 0 : i32
      %dma_start3A_50 = arith.constant 0 : i32
      %dma_start3A_51 = tpu.memref_slice %arg4[%add3A, %dma_start3A_49, %dma_start3A_50] : memref<32x40x128xi32, #tpu.memory_space<hbm>> -> memref<1x40x128xi32, #tpu.memory_space<hbm>>
      %dma_start3A_52 = tpu.memref_squeeze %dma_start3A_51 : memref<1x40x128xi32, #tpu.memory_space<hbm>> -> memref<40x128xi32, #tpu.memory_space<hbm>>
      tpu.enqueue_dma source(%dma_start3A_52 : memref<40x128xi32, #tpu.memory_space<hbm>>) target(%arg7 : memref<40x128xi32, #tpu.memory_space<vmem>>) target_semaphore(%run_scoped3A : memref<!tpu.dma_semaphore, #tpu.memory_space<semaphore_mem>>)
      %dma_wait3A = arith.constant 0 : i32
      %dma_wait3A_53 = arith.constant 0 : i32
      %dma_wait3A_54 = tpu.memref_slice %arg4[%add3A, %dma_wait3A, %dma_wait3A_53] : memref<32x40x128xi32, #tpu.memory_space<hbm>> -> memref<1x40x128xi32, #tpu.memory_space<hbm>>
      %dma_wait3A_55 = tpu.memref_squeeze %dma_wait3A_54 : memref<1x40x128xi32, #tpu.memory_space<hbm>> -> memref<40x128xi32, #tpu.memory_space<hbm>>
      %dma_wait3A_56 = arith.constant 0 : i32
      %dma_wait3A_57 = arith.constant 0 : i32
      %dma_wait3A_58 = tpu.memref_slice %arg4[%add3A, %dma_wait3A_56, %dma_wait3A_57] : memref<32x40x128xi32, #tpu.memory_space<hbm>> -> memref<1x40x128xi32, #tpu.memory_space<hbm>>
      %dma_wait3A_59 = tpu.memref_squeeze %dma_wait3A_58 : memref<1x40x128xi32, #tpu.memory_space<hbm>> -> memref<40x128xi32, #tpu.memory_space<hbm>>
      tpu.wait_dma2 semaphore(%run_scoped3A : memref<!tpu.dma_semaphore, #tpu.memory_space<semaphore_mem>>) src(%dma_wait3A_59 : memref<40x128xi32, #tpu.memory_space<hbm>>) dst(%arg7 : memref<40x128xi32, #tpu.memory_space<vmem>>)
      tpu.yield
    }) : () -> ()
    %scan3A = arith.constant 0 : i32
    %scan3A_1 = arith.constant 0 : i32
    %scan3A_2 = arith.constant 128 : i32
    %scan3A_3 = arith.addi %scan3A_1, %scan3A_2 : i32
    %scan3A_4 = arith.constant 1 : i32
    %scan3A_5 = scf.for %scan3A_45 = %scan3A_1 to %scan3A_3 step %scan3A_4 iter_args(%scan3A_46 = %scan3A) -> (i32)  : i32 {
      %scan3A_47 = arith.constant 0 : i32
      %scan3A_48 = arith.constant 0 : i32
      %scan3A_49 = arith.constant 8 : i32
      %scan3A_50 = arith.addi %scan3A_48, %scan3A_49 : i32
      %scan3A_51 = arith.constant 1 : i32
      %scan3A_52 = scf.for %scan3A_54 = %scan3A_48 to %scan3A_50 step %scan3A_51 iter_args(%scan3A_55 = %scan3A_47) -> (i32)  : i32 {
        %broadcast_in_dim3A = arith.constant 0.000000e+00 : f32
        %broadcast_in_dim3A_56 = vector.broadcast %broadcast_in_dim3A : f32 to vector<16xf32>
        %mul3A_57 = arith.constant 16 : i32
        %mul3A_58 = arith.muli %scan3A_54, %mul3A_57 : i32
        %swap3A = arith.index_cast %scan3A_45 : i32 to index
        %swap3A_59 = arith.index_cast %mul3A_58 : i32 to index
        %swap3A_60 = tpu.vector_load %arg8[%swap3A, %swap3A_59] {strides = array<i32>} : memref<128x128xf32, #tpu.memory_space<vmem>>, vector<1x16xf32>,
        %swap3A_61 = vector.shape_cast %swap3A_60 : vector<1x16xf32> to vector<16xf32>
        %swap3A_62 = vector.shape_cast %broadcast_in_dim3A_56 : vector<16xf32> to vector<1x16xf32>
        tpu.vector_store %arg8[%swap3A, %swap3A_59], %swap3A_62 {strides = array<i32>} : memref<128x128xf32, #tpu.memory_space<vmem>>, vector<1x16xf32>,
        %scan3A_63 = arith.constant 0 : i32
        scf.yield %scan3A_63 : i32
      }
      %scan3A_53 = arith.constant 8 : i32
      scf.yield %scan3A_52 : i32
    }
    %scan3A_6 = arith.constant 128 : i32
    %mul3A_7 = arith.constant 640 : i32
    %mul3A_8 = arith.muli %arg1, %mul3A_7 : i32
    %add3A_9 = arith.constant 0 : i32
    %add3A_10 = arith.addi %mul3A_8, %add3A_9 : i32
    "tpu.region"() ({
      %run_scoped3A = tpu.sem_alloc : memref<!tpu.dma_semaphore, #tpu.memory_space<semaphore_mem>>
      %dma_start3A_45 = arith.constant 0 : i32
      %dma_start3A_46 = arith.constant 0 : i32
      %dma_start3A_47 = tpu.memref_slice %arg8[%dma_start3A_45, %dma_start3A_46] : memref<128x128xf32, #tpu.memory_space<vmem>> -> memref<128x128xf32, #tpu.memory_space<vmem>>
      %dma_start3A_48 = arith.constant 0 : i32
      %dma_start3A_49 = tpu.memref_slice %arg10[%add3A_10, %dma_start3A_48] : memref<10240x128xf32, #tpu.memory_space<vmem_shared>> -> memref<128x128xf32, #tpu.memory_space<vmem_shared>>
      %dma_start3A_50 = arith.constant 0 : i32
      %dma_start3A_51 = tpu.memref_slice %arg10[%add3A_10, %dma_start3A_50] : memref<10240x128xf32, #tpu.memory_space<vmem_shared>> -> memref<128x128xf32, #tpu.memory_space<vmem_shared>>
      %dma_start3A_52 = arith.constant 0 : i32
      %dma_start3A_53 = arith.constant 0 : i32
      %dma_start3A_54 = tpu.memref_slice %arg8[%dma_start3A_52, %dma_start3A_53] : memref<128x128xf32, #tpu.memory_space<vmem>> -> memref<128x128xf32, #tpu.memory_space<vmem>>
      tpu.enqueue_dma source(%dma_start3A_54 : memref<128x128xf32, #tpu.memory_space<vmem>>) target(%dma_start3A_51 : memref<128x128xf32, #tpu.memory_space<vmem_shared>>) target_semaphore(%run_scoped3A : memref<!tpu.dma_semaphore, #tpu.memory_space<semaphore_mem>>)
      %dma_wait3A = arith.constant 0 : i32
      %dma_wait3A_55 = arith.constant 0 : i32
      %dma_wait3A_56 = tpu.memref_slice %arg8[%dma_wait3A, %dma_wait3A_55] : memref<128x128xf32, #tpu.memory_space<vmem>> -> memref<128x128xf32, #tpu.memory_space<vmem>>
      %dma_wait3A_57 = arith.constant 0 : i32
      %dma_wait3A_58 = tpu.memref_slice %arg10[%add3A_10, %dma_wait3A_57] : memref<10240x128xf32, #tpu.memory_space<vmem_shared>> -> memref<128x128xf32, #tpu.memory_space<vmem_shared>>
      %dma_wait3A_59 = arith.constant 0 : i32
      %dma_wait3A_60 = tpu.memref_slice %arg10[%add3A_10, %dma_wait3A_59] : memref<10240x128xf32, #tpu.memory_space<vmem_shared>> -> memref<128x128xf32, #tpu.memory_space<vmem_shared>>
      %dma_wait3A_61 = arith.constant 0 : i32
      %dma_wait3A_62 = arith.constant 0 : i32
      %dma_wait3A_63 = tpu.memref_slice %arg8[%dma_wait3A_61, %dma_wait3A_62] : memref<128x128xf32, #tpu.memory_space<vmem>> -> memref<128x128xf32, #tpu.memory_space<vmem>>
      tpu.wait_dma2 semaphore(%run_scoped3A : memref<!tpu.dma_semaphore, #tpu.memory_space<semaphore_mem>>) src(%dma_wait3A_63 : memref<128x128xf32, #tpu.memory_space<vmem>>) dst(%dma_wait3A_60 : memref<128x128xf32, #tpu.memory_space<vmem_shared>>)
      tpu.yield
    }) : () -> ()
    %mul3A_11 = arith.constant 640 : i32
    %mul3A_12 = arith.muli %arg1, %mul3A_11 : i32
    %add3A_13 = arith.constant 128 : i32
    %add3A_14 = arith.addi %mul3A_12, %add3A_13 : i32
    "tpu.region"() ({
      %run_scoped3A = tpu.sem_alloc : memref<!tpu.dma_semaphore, #tpu.memory_space<semaphore_mem>>
      %dma_start3A_45 = arith.constant 0 : i32
      %dma_start3A_46 = arith.constant 0 : i32
      %dma_start3A_47 = tpu.memref_slice %arg8[%dma_start3A_45, %dma_start3A_46] : memref<128x128xf32, #tpu.memory_space<vmem>> -> memref<128x128xf32, #tpu.memory_space<vmem>>
      %dma_start3A_48 = arith.constant 0 : i32
      %dma_start3A_49 = tpu.memref_slice %arg10[%add3A_14, %dma_start3A_48] : memref<10240x128xf32, #tpu.memory_space<vmem_shared>> -> memref<128x128xf32, #tpu.memory_space<vmem_shared>>
      %dma_start3A_50 = arith.constant 0 : i32
      %dma_start3A_51 = tpu.memref_slice %arg10[%add3A_14, %dma_start3A_50] : memref<10240x128xf32, #tpu.memory_space<vmem_shared>> -> memref<128x128xf32, #tpu.memory_space<vmem_shared>>
      %dma_start3A_52 = arith.constant 0 : i32
      %dma_start3A_53 = arith.constant 0 : i32
      %dma_start3A_54 = tpu.memref_slice %arg8[%dma_start3A_52, %dma_start3A_53] : memref<128x128xf32, #tpu.memory_space<vmem>> -> memref<128x128xf32, #tpu.memory_space<vmem>>
      tpu.enqueue_dma source(%dma_start3A_54 : memref<128x128xf32, #tpu.memory_space<vmem>>) target(%dma_start3A_51 : memref<128x128xf32, #tpu.memory_space<vmem_shared>>) target_semaphore(%run_scoped3A : memref<!tpu.dma_semaphore, #tpu.memory_space<semaphore_mem>>)
      %dma_wait3A = arith.constant 0 : i32
      %dma_wait3A_55 = arith.constant 0 : i32
      %dma_wait3A_56 = tpu.memref_slice %arg8[%dma_wait3A, %dma_wait3A_55] : memref<128x128xf32, #tpu.memory_space<vmem>> -> memref<128x128xf32, #tpu.memory_space<vmem>>
      %dma_wait3A_57 = arith.constant 0 : i32
      %dma_wait3A_58 = tpu.memref_slice %arg10[%add3A_14, %dma_wait3A_57] : memref<10240x128xf32, #tpu.memory_space<vmem_shared>> -> memref<128x128xf32, #tpu.memory_space<vmem_shared>>
      %dma_wait3A_59 = arith.constant 0 : i32
      %dma_wait3A_60 = tpu.memref_slice %arg10[%add3A_14, %dma_wait3A_59] : memref<10240x128xf32, #tpu.memory_space<vmem_shared>> -> memref<128x128xf32, #tpu.memory_space<vmem_shared>>
      %dma_wait3A_61 = arith.constant 0 : i32
      %dma_wait3A_62 = arith.constant 0 : i32
      %dma_wait3A_63 = tpu.memref_slice %arg8[%dma_wait3A_61, %dma_wait3A_62] : memref<128x128xf32, #tpu.memory_space<vmem>> -> memref<128x128xf32, #tpu.memory_space<vmem>>
      tpu.wait_dma2 semaphore(%run_scoped3A : memref<!tpu.dma_semaphore, #tpu.memory_space<semaphore_mem>>) src(%dma_wait3A_63 : memref<128x128xf32, #tpu.memory_space<vmem>>) dst(%dma_wait3A_60 : memref<128x128xf32, #tpu.memory_space<vmem_shared>>)
      tpu.yield
    }) : () -> ()
    %mul3A_15 = arith.constant 640 : i32
    %mul3A_16 = arith.muli %arg1, %mul3A_15 : i32
    %add3A_17 = arith.constant 256 : i32
    %add3A_18 = arith.addi %mul3A_16, %add3A_17 : i32
    "tpu.region"() ({
      %run_scoped3A = tpu.sem_alloc : memref<!tpu.dma_semaphore, #tpu.memory_space<semaphore_mem>>
      %dma_start3A_45 = arith.constant 0 : i32
      %dma_start3A_46 = arith.constant 0 : i32
      %dma_start3A_47 = tpu.memref_slice %arg8[%dma_start3A_45, %dma_start3A_46] : memref<128x128xf32, #tpu.memory_space<vmem>> -> memref<128x128xf32, #tpu.memory_space<vmem>>
      %dma_start3A_48 = arith.constant 0 : i32
      %dma_start3A_49 = tpu.memref_slice %arg10[%add3A_18, %dma_start3A_48] : memref<10240x128xf32, #tpu.memory_space<vmem_shared>> -> memref<128x128xf32, #tpu.memory_space<vmem_shared>>
      %dma_start3A_50 = arith.constant 0 : i32
      %dma_start3A_51 = tpu.memref_slice %arg10[%add3A_18, %dma_start3A_50] : memref<10240x128xf32, #tpu.memory_space<vmem_shared>> -> memref<128x128xf32, #tpu.memory_space<vmem_shared>>
      %dma_start3A_52 = arith.constant 0 : i32
      %dma_start3A_53 = arith.constant 0 : i32
      %dma_start3A_54 = tpu.memref_slice %arg8[%dma_start3A_52, %dma_start3A_53] : memref<128x128xf32, #tpu.memory_space<vmem>> -> memref<128x128xf32, #tpu.memory_space<vmem>>
      tpu.enqueue_dma source(%dma_start3A_54 : memref<128x128xf32, #tpu.memory_space<vmem>>) target(%dma_start3A_51 : memref<128x128xf32, #tpu.memory_space<vmem_shared>>) target_semaphore(%run_scoped3A : memref<!tpu.dma_semaphore, #tpu.memory_space<semaphore_mem>>)
      %dma_wait3A = arith.constant 0 : i32
      %dma_wait3A_55 = arith.constant 0 : i32
      %dma_wait3A_56 = tpu.memref_slice %arg8[%dma_wait3A, %dma_wait3A_55] : memref<128x128xf32, #tpu.memory_space<vmem>> -> memref<128x128xf32, #tpu.memory_space<vmem>>
      %dma_wait3A_57 = arith.constant 0 : i32
      %dma_wait3A_58 = tpu.memref_slice %arg10[%add3A_18, %dma_wait3A_57] : memref<10240x128xf32, #tpu.memory_space<vmem_shared>> -> memref<128x128xf32, #tpu.memory_space<vmem_shared>>
      %dma_wait3A_59 = arith.constant 0 : i32
      %dma_wait3A_60 = tpu.memref_slice %arg10[%add3A_18, %dma_wait3A_59] : memref<10240x128xf32, #tpu.memory_space<vmem_shared>> -> memref<128x128xf32, #tpu.memory_space<vmem_shared>>
      %dma_wait3A_61 = arith.constant 0 : i32
      %dma_wait3A_62 = arith.constant 0 : i32
      %dma_wait3A_63 = tpu.memref_slice %arg8[%dma_wait3A_61, %dma_wait3A_62] : memref<128x128xf32, #tpu.memory_space<vmem>> -> memref<128x128xf32, #tpu.memory_space<vmem>>
      tpu.wait_dma2 semaphore(%run_scoped3A : memref<!tpu.dma_semaphore, #tpu.memory_space<semaphore_mem>>) src(%dma_wait3A_63 : memref<128x128xf32, #tpu.memory_space<vmem>>) dst(%dma_wait3A_60 : memref<128x128xf32, #tpu.memory_space<vmem_shared>>)
      tpu.yield
    }) : () -> ()
    %mul3A_19 = arith.constant 640 : i32
    %mul3A_20 = arith.muli %arg1, %mul3A_19 : i32
    %add3A_21 = arith.constant 384 : i32
    %add3A_22 = arith.addi %mul3A_20, %add3A_21 : i32
    "tpu.region"() ({
      %run_scoped3A = tpu.sem_alloc : memref<!tpu.dma_semaphore, #tpu.memory_space<semaphore_mem>>
      %dma_start3A_45 = arith.constant 0 : i32
      %dma_start3A_46 = arith.constant 0 : i32
      %dma_start3A_47 = tpu.memref_slice %arg8[%dma_start3A_45, %dma_start3A_46] : memref<128x128xf32, #tpu.memory_space<vmem>> -> memref<128x128xf32, #tpu.memory_space<vmem>>
      %dma_start3A_48 = arith.constant 0 : i32
      %dma_start3A_49 = tpu.memref_slice %arg10[%add3A_22, %dma_start3A_48] : memref<10240x128xf32, #tpu.memory_space<vmem_shared>> -> memref<128x128xf32, #tpu.memory_space<vmem_shared>>
      %dma_start3A_50 = arith.constant 0 : i32
      %dma_start3A_51 = tpu.memref_slice %arg10[%add3A_22, %dma_start3A_50] : memref<10240x128xf32, #tpu.memory_space<vmem_shared>> -> memref<128x128xf32, #tpu.memory_space<vmem_shared>>
      %dma_start3A_52 = arith.constant 0 : i32
      %dma_start3A_53 = arith.constant 0 : i32
      %dma_start3A_54 = tpu.memref_slice %arg8[%dma_start3A_52, %dma_start3A_53] : memref<128x128xf32, #tpu.memory_space<vmem>> -> memref<128x128xf32, #tpu.memory_space<vmem>>
      tpu.enqueue_dma source(%dma_start3A_54 : memref<128x128xf32, #tpu.memory_space<vmem>>) target(%dma_start3A_51 : memref<128x128xf32, #tpu.memory_space<vmem_shared>>) target_semaphore(%run_scoped3A : memref<!tpu.dma_semaphore, #tpu.memory_space<semaphore_mem>>)
      %dma_wait3A = arith.constant 0 : i32
      %dma_wait3A_55 = arith.constant 0 : i32
      %dma_wait3A_56 = tpu.memref_slice %arg8[%dma_wait3A, %dma_wait3A_55] : memref<128x128xf32, #tpu.memory_space<vmem>> -> memref<128x128xf32, #tpu.memory_space<vmem>>
      %dma_wait3A_57 = arith.constant 0 : i32
      %dma_wait3A_58 = tpu.memref_slice %arg10[%add3A_22, %dma_wait3A_57] : memref<10240x128xf32, #tpu.memory_space<vmem_shared>> -> memref<128x128xf32, #tpu.memory_space<vmem_shared>>
      %dma_wait3A_59 = arith.constant 0 : i32
      %dma_wait3A_60 = tpu.memref_slice %arg10[%add3A_22, %dma_wait3A_59] : memref<10240x128xf32, #tpu.memory_space<vmem_shared>> -> memref<128x128xf32, #tpu.memory_space<vmem_shared>>
      %dma_wait3A_61 = arith.constant 0 : i32
      %dma_wait3A_62 = arith.constant 0 : i32
      %dma_wait3A_63 = tpu.memref_slice %arg8[%dma_wait3A_61, %dma_wait3A_62] : memref<128x128xf32, #tpu.memory_space<vmem>> -> memref<128x128xf32, #tpu.memory_space<vmem>>
      tpu.wait_dma2 semaphore(%run_scoped3A : memref<!tpu.dma_semaphore, #tpu.memory_space<semaphore_mem>>) src(%dma_wait3A_63 : memref<128x128xf32, #tpu.memory_space<vmem>>) dst(%dma_wait3A_60 : memref<128x128xf32, #tpu.memory_space<vmem_shared>>)
      tpu.yield
    }) : () -> ()
    %mul3A_23 = arith.constant 640 : i32
    %mul3A_24 = arith.muli %arg1, %mul3A_23 : i32
    %add3A_25 = arith.constant 512 : i32
    %add3A_26 = arith.addi %mul3A_24, %add3A_25 : i32
    "tpu.region"() ({
      %run_scoped3A = tpu.sem_alloc : memref<!tpu.dma_semaphore, #tpu.memory_space<semaphore_mem>>
      %dma_start3A_45 = arith.constant 0 : i32
      %dma_start3A_46 = arith.constant 0 : i32
      %dma_start3A_47 = tpu.memref_slice %arg8[%dma_start3A_45, %dma_start3A_46] : memref<128x128xf32, #tpu.memory_space<vmem>> -> memref<128x128xf32, #tpu.memory_space<vmem>>
      %dma_start3A_48 = arith.constant 0 : i32
      %dma_start3A_49 = tpu.memref_slice %arg10[%add3A_26, %dma_start3A_48] : memref<10240x128xf32, #tpu.memory_space<vmem_shared>> -> memref<128x128xf32, #tpu.memory_space<vmem_shared>>
      %dma_start3A_50 = arith.constant 0 : i32
      %dma_start3A_51 = tpu.memref_slice %arg10[%add3A_26, %dma_start3A_50] : memref<10240x128xf32, #tpu.memory_space<vmem_shared>> -> memref<128x128xf32, #tpu.memory_space<vmem_shared>>
      %dma_start3A_52 = arith.constant 0 : i32
      %dma_start3A_53 = arith.constant 0 : i32
      %dma_start3A_54 = tpu.memref_slice %arg8[%dma_start3A_52, %dma_start3A_53] : memref<128x128xf32, #tpu.memory_space<vmem>> -> memref<128x128xf32, #tpu.memory_space<vmem>>
      tpu.enqueue_dma source(%dma_start3A_54 : memref<128x128xf32, #tpu.memory_space<vmem>>) target(%dma_start3A_51 : memref<128x128xf32, #tpu.memory_space<vmem_shared>>) target_semaphore(%run_scoped3A : memref<!tpu.dma_semaphore, #tpu.memory_space<semaphore_mem>>)
      %dma_wait3A = arith.constant 0 : i32
      %dma_wait3A_55 = arith.constant 0 : i32
      %dma_wait3A_56 = tpu.memref_slice %arg8[%dma_wait3A, %dma_wait3A_55] : memref<128x128xf32, #tpu.memory_space<vmem>> -> memref<128x128xf32, #tpu.memory_space<vmem>>
      %dma_wait3A_57 = arith.constant 0 : i32
      %dma_wait3A_58 = tpu.memref_slice %arg10[%add3A_26, %dma_wait3A_57] : memref<10240x128xf32, #tpu.memory_space<vmem_shared>> -> memref<128x128xf32, #tpu.memory_space<vmem_shared>>
      %dma_wait3A_59 = arith.constant 0 : i32
      %dma_wait3A_60 = tpu.memref_slice %arg10[%add3A_26, %dma_wait3A_59] : memref<10240x128xf32, #tpu.memory_space<vmem_shared>> -> memref<128x128xf32, #tpu.memory_space<vmem_shared>>
      %dma_wait3A_61 = arith.constant 0 : i32
      %dma_wait3A_62 = arith.constant 0 : i32
      %dma_wait3A_63 = tpu.memref_slice %arg8[%dma_wait3A_61, %dma_wait3A_62] : memref<128x128xf32, #tpu.memory_space<vmem>> -> memref<128x128xf32, #tpu.memory_space<vmem>>
      tpu.wait_dma2 semaphore(%run_scoped3A : memref<!tpu.dma_semaphore, #tpu.memory_space<semaphore_mem>>) src(%dma_wait3A_63 : memref<128x128xf32, #tpu.memory_space<vmem>>) dst(%dma_wait3A_60 : memref<128x128xf32, #tpu.memory_space<vmem_shared>>)
      tpu.yield
    }) : () -> ()
    %barrier3A = arith.constant 0 : index
    tpu.barrier barrier_id(%barrier3A)
    %dma_start3A = arith.constant 0 : i32
    %dma_start3A_27 = arith.constant 0 : i32
    %dma_start3A_28 = tpu.memref_slice %arg6[%dma_start3A, %dma_start3A_27] : memref<40x128xi32, #tpu.memory_space<vmem>> -> memref<1x128xi32, #tpu.memory_space<vmem>>
    %dma_start3A_29 = tpu.memref_squeeze %dma_start3A_28 : memref<1x128xi32, #tpu.memory_space<vmem>> -> memref<128xi32, #tpu.memory_space<vmem>>
    %dma_start3A_30 = arith.constant 0 : i32
    %dma_start3A_31 = arith.constant 0 : i32
    %dma_start3A_32 = tpu.memref_slice %arg2[%dma_start3A_30, %dma_start3A_31] : memref<5120x128xf32, #tpu.memory_space<hbm>> -> memref<5120x128xf32, #tpu.memory_space<hbm>>
    tpu.enqueue_indirect_dma source(%dma_start3A_32 : memref<5120x128xf32, #tpu.memory_space<hbm>>) target(%arg8 : memref<128x128xf32, #tpu.memory_space<vmem>>) offsets(%dma_start3A_29 : memref<128xi32, #tpu.memory_space<vmem>>) semaphore(%arg11 : memref<!tpu.dma_semaphore, #tpu.memory_space<semaphore_mem>>)
    %scan3A_33 = arith.constant 0 : i32
    %scan3A_34 = arith.constant 0 : i32
    %scan3A_35 = arith.constant 20 : i32
    %scan3A_36 = arith.addi %scan3A_34, %scan3A_35 : i32
    %scan3A_37 = arith.constant 1 : i32
    %scan3A_38 = scf.for %scan3A_45 = %scan3A_34 to %scan3A_36 step %scan3A_37 iter_args(%scan3A_46 = %scan3A_33) -> (i32)  : i32 {
      %mul3A_47 = arith.constant 2 : i32
      %mul3A_48 = arith.muli %mul3A_47, %scan3A_45 : i32
      %add3A_49 = arith.constant 1 : i32
      %add3A_50 = arith.addi %mul3A_48, %add3A_49 : i32
      %dma_start3A_51 = arith.constant 0 : i32
      %dma_start3A_52 = tpu.memref_slice %arg6[%add3A_50, %dma_start3A_51] : memref<40x128xi32, #tpu.memory_space<vmem>> -> memref<1x128xi32, #tpu.memory_space<vmem>>
      %dma_start3A_53 = tpu.memref_squeeze %dma_start3A_52 : memref<1x128xi32, #tpu.memory_space<vmem>> -> memref<128xi32, #tpu.memory_space<vmem>>
      %dma_start3A_54 = arith.constant 0 : i32
      %dma_start3A_55 = arith.constant 0 : i32
      %dma_start3A_56 = tpu.memref_slice %arg2[%dma_start3A_54, %dma_start3A_55] : memref<5120x128xf32, #tpu.memory_space<hbm>> -> memref<5120x128xf32, #tpu.memory_space<hbm>>
      tpu.enqueue_indirect_dma source(%dma_start3A_56 : memref<5120x128xf32, #tpu.memory_space<hbm>>) target(%arg9 : memref<128x128xf32, #tpu.memory_space<vmem>>) offsets(%dma_start3A_53 : memref<128xi32, #tpu.memory_space<vmem>>) semaphore(%arg12 : memref<!tpu.dma_semaphore, #tpu.memory_space<semaphore_mem>>)
      %dma_wait3A = arith.constant 0 : i32
      %dma_wait3A_57 = tpu.memref_slice %arg6[%mul3A_48, %dma_wait3A] : memref<40x128xi32, #tpu.memory_space<vmem>> -> memref<1x128xi32, #tpu.memory_space<vmem>>
      %dma_wait3A_58 = tpu.memref_squeeze %dma_wait3A_57 : memref<1x128xi32, #tpu.memory_space<vmem>> -> memref<128xi32, #tpu.memory_space<vmem>>
      %dma_wait3A_59 = arith.constant 0 : i32
      %dma_wait3A_60 = arith.constant 0 : i32
      %dma_wait3A_61 = tpu.memref_slice %arg2[%dma_wait3A_59, %dma_wait3A_60] : memref<5120x128xf32, #tpu.memory_space<hbm>> -> memref<5120x128xf32, #tpu.memory_space<hbm>>
      tpu.wait_indirect_dma semaphore(%arg11 : memref<!tpu.dma_semaphore, #tpu.memory_space<semaphore_mem>>) src(%dma_wait3A_61 : memref<5120x128xf32, #tpu.memory_space<hbm>>) dst(%arg8 : memref<128x128xf32, #tpu.memory_space<vmem>>)
      "tpu.region"() ({
        %run_scoped3A = tpu.sem_alloc : memref<!tpu.dma_semaphore, #tpu.memory_space<semaphore_mem>>
        %dma_start3A_73 = arith.constant 0 : i32
        %dma_start3A_74 = tpu.memref_slice %arg7[%mul3A_48, %dma_start3A_73] : memref<40x128xi32, #tpu.memory_space<vmem>> -> memref<1x128xi32, #tpu.memory_space<vmem>>
        %dma_start3A_75 = tpu.memref_squeeze %dma_start3A_74 : memref<1x128xi32, #tpu.memory_space<vmem>> -> memref<128xi32, #tpu.memory_space<vmem>>
        %dma_start3A_76 = arith.constant 0 : i32
        %dma_start3A_77 = arith.constant 0 : i32
        %dma_start3A_78 = tpu.memref_slice %arg10[%dma_start3A_76, %dma_start3A_77] : memref<10240x128xf32, #tpu.memory_space<vmem_shared>> -> memref<10240x128xf32, #tpu.memory_space<vmem_shared>>
        tpu.enqueue_indirect_dma source(%arg8 : memref<128x128xf32, #tpu.memory_space<vmem>>) target(%dma_start3A_78 : memref<10240x128xf32, #tpu.memory_space<vmem_shared>>) offsets(%dma_start3A_75 : memref<128xi32, #tpu.memory_space<vmem>>) semaphore(%run_scoped3A : memref<!tpu.dma_semaphore, #tpu.memory_space<semaphore_mem>>) {add = true}
        %dma_wait3A_79 = arith.constant 0 : i32
        %dma_wait3A_80 = tpu.memref_slice %arg7[%mul3A_48, %dma_wait3A_79] : memref<40x128xi32, #tpu.memory_space<vmem>> -> memref<1x128xi32, #tpu.memory_space<vmem>>
        %dma_wait3A_81 = tpu.memref_squeeze %dma_wait3A_80 : memref<1x128xi32, #tpu.memory_space<vmem>> -> memref<128xi32, #tpu.memory_space<vmem>>
        %dma_wait3A_82 = arith.constant 0 : i32
        %dma_wait3A_83 = arith.constant 0 : i32
        %dma_wait3A_84 = tpu.memref_slice %arg10[%dma_wait3A_82, %dma_wait3A_83] : memref<10240x128xf32, #tpu.memory_space<vmem_shared>> -> memref<10240x128xf32, #tpu.memory_space<vmem_shared>>
        tpu.wait_indirect_dma semaphore(%run_scoped3A : memref<!tpu.dma_semaphore, #tpu.memory_space<semaphore_mem>>) src(%arg8 : memref<128x128xf32, #tpu.memory_space<vmem>>) dst(%dma_wait3A_84 : memref<10240x128xf32, #tpu.memory_space<vmem_shared>>)
        tpu.yield
      }) : () -> ()
      %lt3A = arith.constant 19 : i32
      %lt3A_62 = arith.cmpi slt, %scan3A_45, %lt3A : i32
      %convert_element_type3A = arith.extui %lt3A_62 : i1 to i32
      %cond3A = arith.constant 0 : i32
      %cond3A_63 = arith.cmpi ne, %convert_element_type3A, %cond3A : i32
      scf.if %cond3A_63 {
        %add3A_73 = arith.constant 2 : i32
        %add3A_74 = arith.addi %mul3A_48, %add3A_73 : i32
        %dma_start3A_75 = arith.constant 0 : i32
        %dma_start3A_76 = tpu.memref_slice %arg6[%add3A_74, %dma_start3A_75] : memref<40x128xi32, #tpu.memory_space<vmem>> -> memref<1x128xi32, #tpu.memory_space<vmem>>
        %dma_start3A_77 = tpu.memref_squeeze %dma_start3A_76 : memref<1x128xi32, #tpu.memory_space<vmem>> -> memref<128xi32, #tpu.memory_space<vmem>>
        %dma_start3A_78 = arith.constant 0 : i32
        %dma_start3A_79 = arith.constant 0 : i32
        %dma_start3A_80 = tpu.memref_slice %arg2[%dma_start3A_78, %dma_start3A_79] : memref<5120x128xf32, #tpu.memory_space<hbm>> -> memref<5120x128xf32, #tpu.memory_space<hbm>>
        tpu.enqueue_indirect_dma source(%dma_start3A_80 : memref<5120x128xf32, #tpu.memory_space<hbm>>) target(%arg8 : memref<128x128xf32, #tpu.memory_space<vmem>>) offsets(%dma_start3A_77 : memref<128xi32, #tpu.memory_space<vmem>>) semaphore(%arg11 : memref<!tpu.dma_semaphore, #tpu.memory_space<semaphore_mem>>)
      } else {
      }
      %dma_wait3A_64 = arith.constant 0 : i32
      %dma_wait3A_65 = tpu.memref_slice %arg6[%add3A_50, %dma_wait3A_64] : memref<40x128xi32, #tpu.memory_space<vmem>> -> memref<1x128xi32, #tpu.memory_space<vmem>>
      %dma_wait3A_66 = tpu.memref_squeeze %dma_wait3A_65 : memref<1x128xi32, #tpu.memory_space<vmem>> -> memref<128xi32, #tpu.memory_space<vmem>>
      %dma_wait3A_67 = arith.constant 0 : i32
      %dma_wait3A_68 = arith.constant 0 : i32
      %dma_wait3A_69 = tpu.memref_slice %arg2[%dma_wait3A_67, %dma_wait3A_68] : memref<5120x128xf32, #tpu.memory_space<hbm>> -> memref<5120x128xf32, #tpu.memory_space<hbm>>
      tpu.wait_indirect_dma semaphore(%arg12 : memref<!tpu.dma_semaphore, #tpu.memory_space<semaphore_mem>>) src(%dma_wait3A_69 : memref<5120x128xf32, #tpu.memory_space<hbm>>) dst(%arg9 : memref<128x128xf32, #tpu.memory_space<vmem>>)
      %add3A_70 = arith.constant 1 : i32
      %add3A_71 = arith.addi %mul3A_48, %add3A_70 : i32
      "tpu.region"() ({
        %run_scoped3A = tpu.sem_alloc : memref<!tpu.dma_semaphore, #tpu.memory_space<semaphore_mem>>
        %dma_start3A_73 = arith.constant 0 : i32
        %dma_start3A_74 = tpu.memref_slice %arg7[%add3A_71, %dma_start3A_73] : memref<40x128xi32, #tpu.memory_space<vmem>> -> memref<1x128xi32, #tpu.memory_space<vmem>>
        %dma_start3A_75 = tpu.memref_squeeze %dma_start3A_74 : memref<1x128xi32, #tpu.memory_space<vmem>> -> memref<128xi32, #tpu.memory_space<vmem>>
        %dma_start3A_76 = arith.constant 0 : i32
        %dma_start3A_77 = arith.constant 0 : i32
        %dma_start3A_78 = tpu.memref_slice %arg10[%dma_start3A_76, %dma_start3A_77] : memref<10240x128xf32, #tpu.memory_space<vmem_shared>> -> memref<10240x128xf32, #tpu.memory_space<vmem_shared>>
        tpu.enqueue_indirect_dma source(%arg9 : memref<128x128xf32, #tpu.memory_space<vmem>>) target(%dma_start3A_78 : memref<10240x128xf32, #tpu.memory_space<vmem_shared>>) offsets(%dma_start3A_75 : memref<128xi32, #tpu.memory_space<vmem>>) semaphore(%run_scoped3A : memref<!tpu.dma_semaphore, #tpu.memory_space<semaphore_mem>>) {add = true}
        %dma_wait3A_79 = arith.constant 0 : i32
        %dma_wait3A_80 = tpu.memref_slice %arg7[%add3A_71, %dma_wait3A_79] : memref<40x128xi32, #tpu.memory_space<vmem>> -> memref<1x128xi32, #tpu.memory_space<vmem>>
        %dma_wait3A_81 = tpu.memref_squeeze %dma_wait3A_80 : memref<1x128xi32, #tpu.memory_space<vmem>> -> memref<128xi32, #tpu.memory_space<vmem>>
        %dma_wait3A_82 = arith.constant 0 : i32
        %dma_wait3A_83 = arith.constant 0 : i32
        %dma_wait3A_84 = tpu.memref_slice %arg10[%dma_wait3A_82, %dma_wait3A_83] : memref<10240x128xf32, #tpu.memory_space<vmem_shared>> -> memref<10240x128xf32, #tpu.memory_space<vmem_shared>>
        tpu.wait_indirect_dma semaphore(%run_scoped3A : memref<!tpu.dma_semaphore, #tpu.memory_space<semaphore_mem>>) src(%arg9 : memref<128x128xf32, #tpu.memory_space<vmem>>) dst(%dma_wait3A_84 : memref<10240x128xf32, #tpu.memory_space<vmem_shared>>)
        tpu.yield
      }) : () -> ()
      %scan3A_72 = arith.constant 0 : i32
      scf.yield %scan3A_72 : i32
    }
    %scan3A_39 = arith.constant 20 : i32
    %barrier3A_40 = arith.constant 0 : index
    tpu.barrier barrier_id(%barrier3A_40)
    %mul3A_41 = arith.constant 640 : i32
    %mul3A_42 = arith.muli %arg1, %mul3A_41 : i32
    %mul3A_43 = arith.constant 640 : i32
    %mul3A_44 = arith.muli %arg1, %mul3A_43 : i32
    "tpu.region"() ({
      %run_scoped3A = tpu.sem_alloc : memref<!tpu.dma_semaphore, #tpu.memory_space<semaphore_mem>>
      %dma_start3A_45 = arith.constant 0 : i32
      %dma_start3A_46 = tpu.memref_slice %arg5[%arg0, %mul3A_44, %dma_start3A_45] : memref<2x10240x128xf32, #tpu.memory_space<hbm>> -> memref<1x640x128xf32, #tpu.memory_space<hbm>>
      %dma_start3A_47 = tpu.memref_squeeze %dma_start3A_46 : memref<1x640x128xf32, #tpu.memory_space<hbm>> -> memref<640x128xf32, #tpu.memory_space<hbm>>
      %dma_start3A_48 = arith.constant 0 : i32
      %dma_start3A_49 = tpu.memref_slice %arg10[%mul3A_42, %dma_start3A_48] : memref<10240x128xf32, #tpu.memory_space<vmem_shared>> -> memref<640x128xf32, #tpu.memory_space<vmem_shared>>
      tpu.enqueue_dma source(%dma_start3A_49 : memref<640x128xf32, #tpu.memory_space<vmem_shared>>) target(%dma_start3A_47 : memref<640x128xf32, #tpu.memory_space<hbm>>) target_semaphore(%run_scoped3A : memref<!tpu.dma_semaphore, #tpu.memory_space<semaphore_mem>>)
      %dma_wait3A = arith.constant 0 : i32
      %dma_wait3A_50 = tpu.memref_slice %arg5[%arg0, %mul3A_44, %dma_wait3A] : memref<2x10240x128xf32, #tpu.memory_space<hbm>> -> memref<1x640x128xf32, #tpu.memory_space<hbm>>
      %dma_wait3A_51 = tpu.memref_squeeze %dma_wait3A_50 : memref<1x640x128xf32, #tpu.memory_space<hbm>> -> memref<640x128xf32, #tpu.memory_space<hbm>>
      %dma_wait3A_52 = arith.constant 0 : i32
      %dma_wait3A_53 = tpu.memref_slice %arg10[%mul3A_42, %dma_wait3A_52] : memref<10240x128xf32, #tpu.memory_space<vmem_shared>> -> memref<640x128xf32, #tpu.memory_space<vmem_shared>>
      tpu.wait_dma2 semaphore(%run_scoped3A : memref<!tpu.dma_semaphore, #tpu.memory_space<semaphore_mem>>) src(%dma_wait3A_53 : memref<640x128xf32, #tpu.memory_space<vmem_shared>>) dst(%dma_wait3A_51 : memref<640x128xf32, #tpu.memory_space<hbm>>)
      tpu.yield
    }) : () -> ()
    return
  }
}

#map = affine_map<(d0, d1) -> (0, 0)>
#map1 = affine_map<(d0, d1) -> (0, 0, 0)>
module attributes {stable_mosaic.version = 14 : i64} {
  func.func @k(%arg0: i32, %arg1: i32, %arg2: memref<10240x128xf32, #tpu.memory_space<hbm>>, %arg3: memref<32x40x128xi32, #tpu.memory_space<hbm>>, %arg4: memref<32x40x128xi32, #tpu.memory_space<hbm>>, %arg5: memref<2x5120x128xf32, #tpu.memory_space<hbm>>, %arg6: memref<40x128xi32, #tpu.memory_space<vmem>>, %arg7: memref<40x128xi32, #tpu.memory_space<vmem>>, %arg8: memref<128x128xf32, #tpu.memory_space<vmem>>, %arg9: memref<128x128xf32, #tpu.memory_space<vmem>>, %arg10: memref<5120x128xf32, #tpu.memory_space<vmem_shared>>, %arg11: memref<!tpu.dma_semaphore, #tpu.memory_space<semaphore_mem>>, %arg12: memref<!tpu.dma_semaphore, #tpu.memory_space<semaphore_mem>>) attributes {dimension_semantics = [#tpu.dimension_semantics<core_parallel>, #tpu.dimension_semantics<subcore_parallel>], iteration_bounds = array<i64: 2, 16>, scalar_prefetch = 0 : i64, scratch_operands = 7 : i64, tpu.core_type = #tpu.core_type<sc_vector_subcore>, window_params = [{transform_indices = #map}, {transform_indices = #map1}, {transform_indices = #map1}, {transform_indices = #map1}]} {
    %mul3A = arith.constant 16 : i32
    %mul3A_0 = arith.muli %arg0, %mul3A : i32
    %add3A = arith.addi %mul3A_0, %arg1 : i32
    "tpu.region"() ({
      %run_scoped3A = tpu.sem_alloc : memref<!tpu.dma_semaphore, #tpu.memory_space<semaphore_mem>>
      %dma_start3A_37 = arith.constant 0 : i32
      %dma_start3A_38 = arith.constant 0 : i32
      %dma_start3A_39 = tpu.memref_slice %arg3[%add3A, %dma_start3A_37, %dma_start3A_38] : memref<32x40x128xi32, #tpu.memory_space<hbm>> -> memref<1x40x128xi32, #tpu.memory_space<hbm>>
      %dma_start3A_40 = tpu.memref_squeeze %dma_start3A_39 : memref<1x40x128xi32, #tpu.memory_space<hbm>> -> memref<40x128xi32, #tpu.memory_space<hbm>>
      %dma_start3A_41 = arith.constant 0 : i32
      %dma_start3A_42 = arith.constant 0 : i32
      %dma_start3A_43 = tpu.memref_slice %arg3[%add3A, %dma_start3A_41, %dma_start3A_42] : memref<32x40x128xi32, #tpu.memory_space<hbm>> -> memref<1x40x128xi32, #tpu.memory_space<hbm>>
      %dma_start3A_44 = tpu.memref_squeeze %dma_start3A_43 : memref<1x40x128xi32, #tpu.memory_space<hbm>> -> memref<40x128xi32, #tpu.memory_space<hbm>>
      tpu.enqueue_dma source(%dma_start3A_44 : memref<40x128xi32, #tpu.memory_space<hbm>>) target(%arg6 : memref<40x128xi32, #tpu.memory_space<vmem>>) target_semaphore(%run_scoped3A : memref<!tpu.dma_semaphore, #tpu.memory_space<semaphore_mem>>)
      %dma_wait3A = arith.constant 0 : i32
      %dma_wait3A_45 = arith.constant 0 : i32
      %dma_wait3A_46 = tpu.memref_slice %arg3[%add3A, %dma_wait3A, %dma_wait3A_45] : memref<32x40x128xi32, #tpu.memory_space<hbm>> -> memref<1x40x128xi32, #tpu.memory_space<hbm>>
      %dma_wait3A_47 = tpu.memref_squeeze %dma_wait3A_46 : memref<1x40x128xi32, #tpu.memory_space<hbm>> -> memref<40x128xi32, #tpu.memory_space<hbm>>
      %dma_wait3A_48 = arith.constant 0 : i32
      %dma_wait3A_49 = arith.constant 0 : i32
      %dma_wait3A_50 = tpu.memref_slice %arg3[%add3A, %dma_wait3A_48, %dma_wait3A_49] : memref<32x40x128xi32, #tpu.memory_space<hbm>> -> memref<1x40x128xi32, #tpu.memory_space<hbm>>
      %dma_wait3A_51 = tpu.memref_squeeze %dma_wait3A_50 : memref<1x40x128xi32, #tpu.memory_space<hbm>> -> memref<40x128xi32, #tpu.memory_space<hbm>>
      tpu.wait_dma2 semaphore(%run_scoped3A : memref<!tpu.dma_semaphore, #tpu.memory_space<semaphore_mem>>) src(%dma_wait3A_51 : memref<40x128xi32, #tpu.memory_space<hbm>>) dst(%arg6 : memref<40x128xi32, #tpu.memory_space<vmem>>)
      tpu.yield
    }) : () -> ()
    "tpu.region"() ({
      %run_scoped3A = tpu.sem_alloc : memref<!tpu.dma_semaphore, #tpu.memory_space<semaphore_mem>>
      %dma_start3A_37 = arith.constant 0 : i32
      %dma_start3A_38 = arith.constant 0 : i32
      %dma_start3A_39 = tpu.memref_slice %arg4[%add3A, %dma_start3A_37, %dma_start3A_38] : memref<32x40x128xi32, #tpu.memory_space<hbm>> -> memref<1x40x128xi32, #tpu.memory_space<hbm>>
      %dma_start3A_40 = tpu.memref_squeeze %dma_start3A_39 : memref<1x40x128xi32, #tpu.memory_space<hbm>> -> memref<40x128xi32, #tpu.memory_space<hbm>>
      %dma_start3A_41 = arith.constant 0 : i32
      %dma_start3A_42 = arith.constant 0 : i32
      %dma_start3A_43 = tpu.memref_slice %arg4[%add3A, %dma_start3A_41, %dma_start3A_42] : memref<32x40x128xi32, #tpu.memory_space<hbm>> -> memref<1x40x128xi32, #tpu.memory_space<hbm>>
      %dma_start3A_44 = tpu.memref_squeeze %dma_start3A_43 : memref<1x40x128xi32, #tpu.memory_space<hbm>> -> memref<40x128xi32, #tpu.memory_space<hbm>>
      tpu.enqueue_dma source(%dma_start3A_44 : memref<40x128xi32, #tpu.memory_space<hbm>>) target(%arg7 : memref<40x128xi32, #tpu.memory_space<vmem>>) target_semaphore(%run_scoped3A : memref<!tpu.dma_semaphore, #tpu.memory_space<semaphore_mem>>)
      %dma_wait3A = arith.constant 0 : i32
      %dma_wait3A_45 = arith.constant 0 : i32
      %dma_wait3A_46 = tpu.memref_slice %arg4[%add3A, %dma_wait3A, %dma_wait3A_45] : memref<32x40x128xi32, #tpu.memory_space<hbm>> -> memref<1x40x128xi32, #tpu.memory_space<hbm>>
      %dma_wait3A_47 = tpu.memref_squeeze %dma_wait3A_46 : memref<1x40x128xi32, #tpu.memory_space<hbm>> -> memref<40x128xi32, #tpu.memory_space<hbm>>
      %dma_wait3A_48 = arith.constant 0 : i32
      %dma_wait3A_49 = arith.constant 0 : i32
      %dma_wait3A_50 = tpu.memref_slice %arg4[%add3A, %dma_wait3A_48, %dma_wait3A_49] : memref<32x40x128xi32, #tpu.memory_space<hbm>> -> memref<1x40x128xi32, #tpu.memory_space<hbm>>
      %dma_wait3A_51 = tpu.memref_squeeze %dma_wait3A_50 : memref<1x40x128xi32, #tpu.memory_space<hbm>> -> memref<40x128xi32, #tpu.memory_space<hbm>>
      tpu.wait_dma2 semaphore(%run_scoped3A : memref<!tpu.dma_semaphore, #tpu.memory_space<semaphore_mem>>) src(%dma_wait3A_51 : memref<40x128xi32, #tpu.memory_space<hbm>>) dst(%arg7 : memref<40x128xi32, #tpu.memory_space<vmem>>)
      tpu.yield
    }) : () -> ()
    %scan3A = arith.constant 0 : i32
    %scan3A_1 = arith.constant 0 : i32
    %scan3A_2 = arith.constant 128 : i32
    %scan3A_3 = arith.addi %scan3A_1, %scan3A_2 : i32
    %scan3A_4 = arith.constant 1 : i32
    %scan3A_5 = scf.for %scan3A_37 = %scan3A_1 to %scan3A_3 step %scan3A_4 iter_args(%scan3A_38 = %scan3A) -> (i32)  : i32 {
      %scan3A_39 = arith.constant 0 : i32
      %scan3A_40 = arith.constant 0 : i32
      %scan3A_41 = arith.constant 8 : i32
      %scan3A_42 = arith.addi %scan3A_40, %scan3A_41 : i32
      %scan3A_43 = arith.constant 1 : i32
      %scan3A_44 = scf.for %scan3A_46 = %scan3A_40 to %scan3A_42 step %scan3A_43 iter_args(%scan3A_47 = %scan3A_39) -> (i32)  : i32 {
        %broadcast_in_dim3A = arith.constant 0.000000e+00 : f32
        %broadcast_in_dim3A_48 = vector.broadcast %broadcast_in_dim3A : f32 to vector<16xf32>
        %mul3A_49 = arith.constant 16 : i32
        %mul3A_50 = arith.muli %scan3A_46, %mul3A_49 : i32
        %swap3A = arith.index_cast %scan3A_37 : i32 to index
        %swap3A_51 = arith.index_cast %mul3A_50 : i32 to index
        %swap3A_52 = tpu.vector_load %arg8[%swap3A, %swap3A_51] {strides = array<i32>} : memref<128x128xf32, #tpu.memory_space<vmem>>, vector<1x16xf32>,
        %swap3A_53 = vector.shape_cast %swap3A_52 : vector<1x16xf32> to vector<16xf32>
        %swap3A_54 = vector.shape_cast %broadcast_in_dim3A_48 : vector<16xf32> to vector<1x16xf32>
        tpu.vector_store %arg8[%swap3A, %swap3A_51], %swap3A_54 {strides = array<i32>} : memref<128x128xf32, #tpu.memory_space<vmem>>, vector<1x16xf32>,
        %scan3A_55 = arith.constant 0 : i32
        scf.yield %scan3A_55 : i32
      }
      %scan3A_45 = arith.constant 8 : i32
      scf.yield %scan3A_44 : i32
    }
    %scan3A_6 = arith.constant 128 : i32
    %mul3A_7 = arith.constant 320 : i32
    %mul3A_8 = arith.muli %arg1, %mul3A_7 : i32
    %add3A_9 = arith.constant 0 : i32
    %add3A_10 = arith.addi %mul3A_8, %add3A_9 : i32
    "tpu.region"() ({
      %run_scoped3A = tpu.sem_alloc : memref<!tpu.dma_semaphore, #tpu.memory_space<semaphore_mem>>
      %dma_start3A_37 = arith.constant 0 : i32
      %dma_start3A_38 = arith.constant 0 : i32
      %dma_start3A_39 = tpu.memref_slice %arg8[%dma_start3A_37, %dma_start3A_38] : memref<128x128xf32, #tpu.memory_space<vmem>> -> memref<128x128xf32, #tpu.memory_space<vmem>>
      %dma_start3A_40 = arith.constant 0 : i32
      %dma_start3A_41 = tpu.memref_slice %arg10[%add3A_10, %dma_start3A_40] : memref<5120x128xf32, #tpu.memory_space<vmem_shared>> -> memref<128x128xf32, #tpu.memory_space<vmem_shared>>
      %dma_start3A_42 = arith.constant 0 : i32
      %dma_start3A_43 = tpu.memref_slice %arg10[%add3A_10, %dma_start3A_42] : memref<5120x128xf32, #tpu.memory_space<vmem_shared>> -> memref<128x128xf32, #tpu.memory_space<vmem_shared>>
      %dma_start3A_44 = arith.constant 0 : i32
      %dma_start3A_45 = arith.constant 0 : i32
      %dma_start3A_46 = tpu.memref_slice %arg8[%dma_start3A_44, %dma_start3A_45] : memref<128x128xf32, #tpu.memory_space<vmem>> -> memref<128x128xf32, #tpu.memory_space<vmem>>
      tpu.enqueue_dma source(%dma_start3A_46 : memref<128x128xf32, #tpu.memory_space<vmem>>) target(%dma_start3A_43 : memref<128x128xf32, #tpu.memory_space<vmem_shared>>) target_semaphore(%run_scoped3A : memref<!tpu.dma_semaphore, #tpu.memory_space<semaphore_mem>>)
      %dma_wait3A = arith.constant 0 : i32
      %dma_wait3A_47 = arith.constant 0 : i32
      %dma_wait3A_48 = tpu.memref_slice %arg8[%dma_wait3A, %dma_wait3A_47] : memref<128x128xf32, #tpu.memory_space<vmem>> -> memref<128x128xf32, #tpu.memory_space<vmem>>
      %dma_wait3A_49 = arith.constant 0 : i32
      %dma_wait3A_50 = tpu.memref_slice %arg10[%add3A_10, %dma_wait3A_49] : memref<5120x128xf32, #tpu.memory_space<vmem_shared>> -> memref<128x128xf32, #tpu.memory_space<vmem_shared>>
      %dma_wait3A_51 = arith.constant 0 : i32
      %dma_wait3A_52 = tpu.memref_slice %arg10[%add3A_10, %dma_wait3A_51] : memref<5120x128xf32, #tpu.memory_space<vmem_shared>> -> memref<128x128xf32, #tpu.memory_space<vmem_shared>>
      %dma_wait3A_53 = arith.constant 0 : i32
      %dma_wait3A_54 = arith.constant 0 : i32
      %dma_wait3A_55 = tpu.memref_slice %arg8[%dma_wait3A_53, %dma_wait3A_54] : memref<128x128xf32, #tpu.memory_space<vmem>> -> memref<128x128xf32, #tpu.memory_space<vmem>>
      tpu.wait_dma2 semaphore(%run_scoped3A : memref<!tpu.dma_semaphore, #tpu.memory_space<semaphore_mem>>) src(%dma_wait3A_55 : memref<128x128xf32, #tpu.memory_space<vmem>>) dst(%dma_wait3A_52 : memref<128x128xf32, #tpu.memory_space<vmem_shared>>)
      tpu.yield
    }) : () -> ()
    %mul3A_11 = arith.constant 320 : i32
    %mul3A_12 = arith.muli %arg1, %mul3A_11 : i32
    %add3A_13 = arith.constant 128 : i32
    %add3A_14 = arith.addi %mul3A_12, %add3A_13 : i32
    "tpu.region"() ({
      %run_scoped3A = tpu.sem_alloc : memref<!tpu.dma_semaphore, #tpu.memory_space<semaphore_mem>>
      %dma_start3A_37 = arith.constant 0 : i32
      %dma_start3A_38 = arith.constant 0 : i32
      %dma_start3A_39 = tpu.memref_slice %arg8[%dma_start3A_37, %dma_start3A_38] : memref<128x128xf32, #tpu.memory_space<vmem>> -> memref<128x128xf32, #tpu.memory_space<vmem>>
      %dma_start3A_40 = arith.constant 0 : i32
      %dma_start3A_41 = tpu.memref_slice %arg10[%add3A_14, %dma_start3A_40] : memref<5120x128xf32, #tpu.memory_space<vmem_shared>> -> memref<128x128xf32, #tpu.memory_space<vmem_shared>>
      %dma_start3A_42 = arith.constant 0 : i32
      %dma_start3A_43 = tpu.memref_slice %arg10[%add3A_14, %dma_start3A_42] : memref<5120x128xf32, #tpu.memory_space<vmem_shared>> -> memref<128x128xf32, #tpu.memory_space<vmem_shared>>
      %dma_start3A_44 = arith.constant 0 : i32
      %dma_start3A_45 = arith.constant 0 : i32
      %dma_start3A_46 = tpu.memref_slice %arg8[%dma_start3A_44, %dma_start3A_45] : memref<128x128xf32, #tpu.memory_space<vmem>> -> memref<128x128xf32, #tpu.memory_space<vmem>>
      tpu.enqueue_dma source(%dma_start3A_46 : memref<128x128xf32, #tpu.memory_space<vmem>>) target(%dma_start3A_43 : memref<128x128xf32, #tpu.memory_space<vmem_shared>>) target_semaphore(%run_scoped3A : memref<!tpu.dma_semaphore, #tpu.memory_space<semaphore_mem>>)
      %dma_wait3A = arith.constant 0 : i32
      %dma_wait3A_47 = arith.constant 0 : i32
      %dma_wait3A_48 = tpu.memref_slice %arg8[%dma_wait3A, %dma_wait3A_47] : memref<128x128xf32, #tpu.memory_space<vmem>> -> memref<128x128xf32, #tpu.memory_space<vmem>>
      %dma_wait3A_49 = arith.constant 0 : i32
      %dma_wait3A_50 = tpu.memref_slice %arg10[%add3A_14, %dma_wait3A_49] : memref<5120x128xf32, #tpu.memory_space<vmem_shared>> -> memref<128x128xf32, #tpu.memory_space<vmem_shared>>
      %dma_wait3A_51 = arith.constant 0 : i32
      %dma_wait3A_52 = tpu.memref_slice %arg10[%add3A_14, %dma_wait3A_51] : memref<5120x128xf32, #tpu.memory_space<vmem_shared>> -> memref<128x128xf32, #tpu.memory_space<vmem_shared>>
      %dma_wait3A_53 = arith.constant 0 : i32
      %dma_wait3A_54 = arith.constant 0 : i32
      %dma_wait3A_55 = tpu.memref_slice %arg8[%dma_wait3A_53, %dma_wait3A_54] : memref<128x128xf32, #tpu.memory_space<vmem>> -> memref<128x128xf32, #tpu.memory_space<vmem>>
      tpu.wait_dma2 semaphore(%run_scoped3A : memref<!tpu.dma_semaphore, #tpu.memory_space<semaphore_mem>>) src(%dma_wait3A_55 : memref<128x128xf32, #tpu.memory_space<vmem>>) dst(%dma_wait3A_52 : memref<128x128xf32, #tpu.memory_space<vmem_shared>>)
      tpu.yield
    }) : () -> ()
    %mul3A_15 = arith.constant 320 : i32
    %mul3A_16 = arith.muli %arg1, %mul3A_15 : i32
    %add3A_17 = arith.constant 256 : i32
    %add3A_18 = arith.addi %mul3A_16, %add3A_17 : i32
    "tpu.region"() ({
      %run_scoped3A = tpu.sem_alloc : memref<!tpu.dma_semaphore, #tpu.memory_space<semaphore_mem>>
      %dma_start3A_37 = arith.constant 0 : i32
      %dma_start3A_38 = arith.constant 0 : i32
      %dma_start3A_39 = tpu.memref_slice %arg8[%dma_start3A_37, %dma_start3A_38] : memref<128x128xf32, #tpu.memory_space<vmem>> -> memref<64x128xf32, #tpu.memory_space<vmem>>
      %dma_start3A_40 = arith.constant 0 : i32
      %dma_start3A_41 = tpu.memref_slice %arg10[%add3A_18, %dma_start3A_40] : memref<5120x128xf32, #tpu.memory_space<vmem_shared>> -> memref<64x128xf32, #tpu.memory_space<vmem_shared>>
      %dma_start3A_42 = arith.constant 0 : i32
      %dma_start3A_43 = tpu.memref_slice %arg10[%add3A_18, %dma_start3A_42] : memref<5120x128xf32, #tpu.memory_space<vmem_shared>> -> memref<64x128xf32, #tpu.memory_space<vmem_shared>>
      %dma_start3A_44 = arith.constant 0 : i32
      %dma_start3A_45 = arith.constant 0 : i32
      %dma_start3A_46 = tpu.memref_slice %arg8[%dma_start3A_44, %dma_start3A_45] : memref<128x128xf32, #tpu.memory_space<vmem>> -> memref<64x128xf32, #tpu.memory_space<vmem>>
      tpu.enqueue_dma source(%dma_start3A_46 : memref<64x128xf32, #tpu.memory_space<vmem>>) target(%dma_start3A_43 : memref<64x128xf32, #tpu.memory_space<vmem_shared>>) target_semaphore(%run_scoped3A : memref<!tpu.dma_semaphore, #tpu.memory_space<semaphore_mem>>)
      %dma_wait3A = arith.constant 0 : i32
      %dma_wait3A_47 = arith.constant 0 : i32
      %dma_wait3A_48 = tpu.memref_slice %arg8[%dma_wait3A, %dma_wait3A_47] : memref<128x128xf32, #tpu.memory_space<vmem>> -> memref<64x128xf32, #tpu.memory_space<vmem>>
      %dma_wait3A_49 = arith.constant 0 : i32
      %dma_wait3A_50 = tpu.memref_slice %arg10[%add3A_18, %dma_wait3A_49] : memref<5120x128xf32, #tpu.memory_space<vmem_shared>> -> memref<64x128xf32, #tpu.memory_space<vmem_shared>>
      %dma_wait3A_51 = arith.constant 0 : i32
      %dma_wait3A_52 = tpu.memref_slice %arg10[%add3A_18, %dma_wait3A_51] : memref<5120x128xf32, #tpu.memory_space<vmem_shared>> -> memref<64x128xf32, #tpu.memory_space<vmem_shared>>
      %dma_wait3A_53 = arith.constant 0 : i32
      %dma_wait3A_54 = arith.constant 0 : i32
      %dma_wait3A_55 = tpu.memref_slice %arg8[%dma_wait3A_53, %dma_wait3A_54] : memref<128x128xf32, #tpu.memory_space<vmem>> -> memref<64x128xf32, #tpu.memory_space<vmem>>
      tpu.wait_dma2 semaphore(%run_scoped3A : memref<!tpu.dma_semaphore, #tpu.memory_space<semaphore_mem>>) src(%dma_wait3A_55 : memref<64x128xf32, #tpu.memory_space<vmem>>) dst(%dma_wait3A_52 : memref<64x128xf32, #tpu.memory_space<vmem_shared>>)
      tpu.yield
    }) : () -> ()
    %barrier3A = arith.constant 0 : index
    tpu.barrier barrier_id(%barrier3A)
    %dma_start3A = arith.constant 0 : i32
    %dma_start3A_19 = arith.constant 0 : i32
    %dma_start3A_20 = tpu.memref_slice %arg6[%dma_start3A, %dma_start3A_19] : memref<40x128xi32, #tpu.memory_space<vmem>> -> memref<1x128xi32, #tpu.memory_space<vmem>>
    %dma_start3A_21 = tpu.memref_squeeze %dma_start3A_20 : memref<1x128xi32, #tpu.memory_space<vmem>> -> memref<128xi32, #tpu.memory_space<vmem>>
    %dma_start3A_22 = arith.constant 0 : i32
    %dma_start3A_23 = arith.constant 0 : i32
    %dma_start3A_24 = tpu.memref_slice %arg2[%dma_start3A_22, %dma_start3A_23] : memref<10240x128xf32, #tpu.memory_space<hbm>> -> memref<10240x128xf32, #tpu.memory_space<hbm>>
    tpu.enqueue_indirect_dma source(%dma_start3A_24 : memref<10240x128xf32, #tpu.memory_space<hbm>>) target(%arg8 : memref<128x128xf32, #tpu.memory_space<vmem>>) offsets(%dma_start3A_21 : memref<128xi32, #tpu.memory_space<vmem>>) semaphore(%arg11 : memref<!tpu.dma_semaphore, #tpu.memory_space<semaphore_mem>>)
    %scan3A_25 = arith.constant 0 : i32
    %scan3A_26 = arith.constant 0 : i32
    %scan3A_27 = arith.constant 20 : i32
    %scan3A_28 = arith.addi %scan3A_26, %scan3A_27 : i32
    %scan3A_29 = arith.constant 1 : i32
    %scan3A_30 = scf.for %scan3A_37 = %scan3A_26 to %scan3A_28 step %scan3A_29 iter_args(%scan3A_38 = %scan3A_25) -> (i32)  : i32 {
      %mul3A_39 = arith.constant 2 : i32
      %mul3A_40 = arith.muli %mul3A_39, %scan3A_37 : i32
      %add3A_41 = arith.constant 1 : i32
      %add3A_42 = arith.addi %mul3A_40, %add3A_41 : i32
      %dma_start3A_43 = arith.constant 0 : i32
      %dma_start3A_44 = tpu.memref_slice %arg6[%add3A_42, %dma_start3A_43] : memref<40x128xi32, #tpu.memory_space<vmem>> -> memref<1x128xi32, #tpu.memory_space<vmem>>
      %dma_start3A_45 = tpu.memref_squeeze %dma_start3A_44 : memref<1x128xi32, #tpu.memory_space<vmem>> -> memref<128xi32, #tpu.memory_space<vmem>>
      %dma_start3A_46 = arith.constant 0 : i32
      %dma_start3A_47 = arith.constant 0 : i32
      %dma_start3A_48 = tpu.memref_slice %arg2[%dma_start3A_46, %dma_start3A_47] : memref<10240x128xf32, #tpu.memory_space<hbm>> -> memref<10240x128xf32, #tpu.memory_space<hbm>>
      tpu.enqueue_indirect_dma source(%dma_start3A_48 : memref<10240x128xf32, #tpu.memory_space<hbm>>) target(%arg9 : memref<128x128xf32, #tpu.memory_space<vmem>>) offsets(%dma_start3A_45 : memref<128xi32, #tpu.memory_space<vmem>>) semaphore(%arg12 : memref<!tpu.dma_semaphore, #tpu.memory_space<semaphore_mem>>)
      %dma_wait3A = arith.constant 0 : i32
      %dma_wait3A_49 = tpu.memref_slice %arg6[%mul3A_40, %dma_wait3A] : memref<40x128xi32, #tpu.memory_space<vmem>> -> memref<1x128xi32, #tpu.memory_space<vmem>>
      %dma_wait3A_50 = tpu.memref_squeeze %dma_wait3A_49 : memref<1x128xi32, #tpu.memory_space<vmem>> -> memref<128xi32, #tpu.memory_space<vmem>>
      %dma_wait3A_51 = arith.constant 0 : i32
      %dma_wait3A_52 = arith.constant 0 : i32
      %dma_wait3A_53 = tpu.memref_slice %arg2[%dma_wait3A_51, %dma_wait3A_52] : memref<10240x128xf32, #tpu.memory_space<hbm>> -> memref<10240x128xf32, #tpu.memory_space<hbm>>
      tpu.wait_indirect_dma semaphore(%arg11 : memref<!tpu.dma_semaphore, #tpu.memory_space<semaphore_mem>>) src(%dma_wait3A_53 : memref<10240x128xf32, #tpu.memory_space<hbm>>) dst(%arg8 : memref<128x128xf32, #tpu.memory_space<vmem>>)
      "tpu.region"() ({
        %run_scoped3A = tpu.sem_alloc : memref<!tpu.dma_semaphore, #tpu.memory_space<semaphore_mem>>
        %dma_start3A_65 = arith.constant 0 : i32
        %dma_start3A_66 = tpu.memref_slice %arg7[%mul3A_40, %dma_start3A_65] : memref<40x128xi32, #tpu.memory_space<vmem>> -> memref<1x128xi32, #tpu.memory_space<vmem>>
        %dma_start3A_67 = tpu.memref_squeeze %dma_start3A_66 : memref<1x128xi32, #tpu.memory_space<vmem>> -> memref<128xi32, #tpu.memory_space<vmem>>
        %dma_start3A_68 = arith.constant 0 : i32
        %dma_start3A_69 = arith.constant 0 : i32
        %dma_start3A_70 = tpu.memref_slice %arg10[%dma_start3A_68, %dma_start3A_69] : memref<5120x128xf32, #tpu.memory_space<vmem_shared>> -> memref<5120x128xf32, #tpu.memory_space<vmem_shared>>
        tpu.enqueue_indirect_dma source(%arg8 : memref<128x128xf32, #tpu.memory_space<vmem>>) target(%dma_start3A_70 : memref<5120x128xf32, #tpu.memory_space<vmem_shared>>) offsets(%dma_start3A_67 : memref<128xi32, #tpu.memory_space<vmem>>) semaphore(%run_scoped3A : memref<!tpu.dma_semaphore, #tpu.memory_space<semaphore_mem>>) {add = true}
        %dma_wait3A_71 = arith.constant 0 : i32
        %dma_wait3A_72 = tpu.memref_slice %arg7[%mul3A_40, %dma_wait3A_71] : memref<40x128xi32, #tpu.memory_space<vmem>> -> memref<1x128xi32, #tpu.memory_space<vmem>>
        %dma_wait3A_73 = tpu.memref_squeeze %dma_wait3A_72 : memref<1x128xi32, #tpu.memory_space<vmem>> -> memref<128xi32, #tpu.memory_space<vmem>>
        %dma_wait3A_74 = arith.constant 0 : i32
        %dma_wait3A_75 = arith.constant 0 : i32
        %dma_wait3A_76 = tpu.memref_slice %arg10[%dma_wait3A_74, %dma_wait3A_75] : memref<5120x128xf32, #tpu.memory_space<vmem_shared>> -> memref<5120x128xf32, #tpu.memory_space<vmem_shared>>
        tpu.wait_indirect_dma semaphore(%run_scoped3A : memref<!tpu.dma_semaphore, #tpu.memory_space<semaphore_mem>>) src(%arg8 : memref<128x128xf32, #tpu.memory_space<vmem>>) dst(%dma_wait3A_76 : memref<5120x128xf32, #tpu.memory_space<vmem_shared>>)
        tpu.yield
      }) : () -> ()
      %lt3A = arith.constant 19 : i32
      %lt3A_54 = arith.cmpi slt, %scan3A_37, %lt3A : i32
      %convert_element_type3A = arith.extui %lt3A_54 : i1 to i32
      %cond3A = arith.constant 0 : i32
      %cond3A_55 = arith.cmpi ne, %convert_element_type3A, %cond3A : i32
      scf.if %cond3A_55 {
        %add3A_65 = arith.constant 2 : i32
        %add3A_66 = arith.addi %mul3A_40, %add3A_65 : i32
        %dma_start3A_67 = arith.constant 0 : i32
        %dma_start3A_68 = tpu.memref_slice %arg6[%add3A_66, %dma_start3A_67] : memref<40x128xi32, #tpu.memory_space<vmem>> -> memref<1x128xi32, #tpu.memory_space<vmem>>
        %dma_start3A_69 = tpu.memref_squeeze %dma_start3A_68 : memref<1x128xi32, #tpu.memory_space<vmem>> -> memref<128xi32, #tpu.memory_space<vmem>>
        %dma_start3A_70 = arith.constant 0 : i32
        %dma_start3A_71 = arith.constant 0 : i32
        %dma_start3A_72 = tpu.memref_slice %arg2[%dma_start3A_70, %dma_start3A_71] : memref<10240x128xf32, #tpu.memory_space<hbm>> -> memref<10240x128xf32, #tpu.memory_space<hbm>>
        tpu.enqueue_indirect_dma source(%dma_start3A_72 : memref<10240x128xf32, #tpu.memory_space<hbm>>) target(%arg8 : memref<128x128xf32, #tpu.memory_space<vmem>>) offsets(%dma_start3A_69 : memref<128xi32, #tpu.memory_space<vmem>>) semaphore(%arg11 : memref<!tpu.dma_semaphore, #tpu.memory_space<semaphore_mem>>)
      } else {
      }
      %dma_wait3A_56 = arith.constant 0 : i32
      %dma_wait3A_57 = tpu.memref_slice %arg6[%add3A_42, %dma_wait3A_56] : memref<40x128xi32, #tpu.memory_space<vmem>> -> memref<1x128xi32, #tpu.memory_space<vmem>>
      %dma_wait3A_58 = tpu.memref_squeeze %dma_wait3A_57 : memref<1x128xi32, #tpu.memory_space<vmem>> -> memref<128xi32, #tpu.memory_space<vmem>>
      %dma_wait3A_59 = arith.constant 0 : i32
      %dma_wait3A_60 = arith.constant 0 : i32
      %dma_wait3A_61 = tpu.memref_slice %arg2[%dma_wait3A_59, %dma_wait3A_60] : memref<10240x128xf32, #tpu.memory_space<hbm>> -> memref<10240x128xf32, #tpu.memory_space<hbm>>
      tpu.wait_indirect_dma semaphore(%arg12 : memref<!tpu.dma_semaphore, #tpu.memory_space<semaphore_mem>>) src(%dma_wait3A_61 : memref<10240x128xf32, #tpu.memory_space<hbm>>) dst(%arg9 : memref<128x128xf32, #tpu.memory_space<vmem>>)
      %add3A_62 = arith.constant 1 : i32
      %add3A_63 = arith.addi %mul3A_40, %add3A_62 : i32
      "tpu.region"() ({
        %run_scoped3A = tpu.sem_alloc : memref<!tpu.dma_semaphore, #tpu.memory_space<semaphore_mem>>
        %dma_start3A_65 = arith.constant 0 : i32
        %dma_start3A_66 = tpu.memref_slice %arg7[%add3A_63, %dma_start3A_65] : memref<40x128xi32, #tpu.memory_space<vmem>> -> memref<1x128xi32, #tpu.memory_space<vmem>>
        %dma_start3A_67 = tpu.memref_squeeze %dma_start3A_66 : memref<1x128xi32, #tpu.memory_space<vmem>> -> memref<128xi32, #tpu.memory_space<vmem>>
        %dma_start3A_68 = arith.constant 0 : i32
        %dma_start3A_69 = arith.constant 0 : i32
        %dma_start3A_70 = tpu.memref_slice %arg10[%dma_start3A_68, %dma_start3A_69] : memref<5120x128xf32, #tpu.memory_space<vmem_shared>> -> memref<5120x128xf32, #tpu.memory_space<vmem_shared>>
        tpu.enqueue_indirect_dma source(%arg9 : memref<128x128xf32, #tpu.memory_space<vmem>>) target(%dma_start3A_70 : memref<5120x128xf32, #tpu.memory_space<vmem_shared>>) offsets(%dma_start3A_67 : memref<128xi32, #tpu.memory_space<vmem>>) semaphore(%run_scoped3A : memref<!tpu.dma_semaphore, #tpu.memory_space<semaphore_mem>>) {add = true}
        %dma_wait3A_71 = arith.constant 0 : i32
        %dma_wait3A_72 = tpu.memref_slice %arg7[%add3A_63, %dma_wait3A_71] : memref<40x128xi32, #tpu.memory_space<vmem>> -> memref<1x128xi32, #tpu.memory_space<vmem>>
        %dma_wait3A_73 = tpu.memref_squeeze %dma_wait3A_72 : memref<1x128xi32, #tpu.memory_space<vmem>> -> memref<128xi32, #tpu.memory_space<vmem>>
        %dma_wait3A_74 = arith.constant 0 : i32
        %dma_wait3A_75 = arith.constant 0 : i32
        %dma_wait3A_76 = tpu.memref_slice %arg10[%dma_wait3A_74, %dma_wait3A_75] : memref<5120x128xf32, #tpu.memory_space<vmem_shared>> -> memref<5120x128xf32, #tpu.memory_space<vmem_shared>>
        tpu.wait_indirect_dma semaphore(%run_scoped3A : memref<!tpu.dma_semaphore, #tpu.memory_space<semaphore_mem>>) src(%arg9 : memref<128x128xf32, #tpu.memory_space<vmem>>) dst(%dma_wait3A_76 : memref<5120x128xf32, #tpu.memory_space<vmem_shared>>)
        tpu.yield
      }) : () -> ()
      %scan3A_64 = arith.constant 0 : i32
      scf.yield %scan3A_64 : i32
    }
    %scan3A_31 = arith.constant 20 : i32
    %barrier3A_32 = arith.constant 0 : index
    tpu.barrier barrier_id(%barrier3A_32)
    %mul3A_33 = arith.constant 320 : i32
    %mul3A_34 = arith.muli %arg1, %mul3A_33 : i32
    %mul3A_35 = arith.constant 320 : i32
    %mul3A_36 = arith.muli %arg1, %mul3A_35 : i32
    "tpu.region"() ({
      %run_scoped3A = tpu.sem_alloc : memref<!tpu.dma_semaphore, #tpu.memory_space<semaphore_mem>>
      %dma_start3A_37 = arith.constant 0 : i32
      %dma_start3A_38 = tpu.memref_slice %arg5[%arg0, %mul3A_36, %dma_start3A_37] : memref<2x5120x128xf32, #tpu.memory_space<hbm>> -> memref<1x320x128xf32, #tpu.memory_space<hbm>>
      %dma_start3A_39 = tpu.memref_squeeze %dma_start3A_38 : memref<1x320x128xf32, #tpu.memory_space<hbm>> -> memref<320x128xf32, #tpu.memory_space<hbm>>
      %dma_start3A_40 = arith.constant 0 : i32
      %dma_start3A_41 = tpu.memref_slice %arg10[%mul3A_34, %dma_start3A_40] : memref<5120x128xf32, #tpu.memory_space<vmem_shared>> -> memref<320x128xf32, #tpu.memory_space<vmem_shared>>
      tpu.enqueue_dma source(%dma_start3A_41 : memref<320x128xf32, #tpu.memory_space<vmem_shared>>) target(%dma_start3A_39 : memref<320x128xf32, #tpu.memory_space<hbm>>) target_semaphore(%run_scoped3A : memref<!tpu.dma_semaphore, #tpu.memory_space<semaphore_mem>>)
      %dma_wait3A = arith.constant 0 : i32
      %dma_wait3A_42 = tpu.memref_slice %arg5[%arg0, %mul3A_36, %dma_wait3A] : memref<2x5120x128xf32, #tpu.memory_space<hbm>> -> memref<1x320x128xf32, #tpu.memory_space<hbm>>
      %dma_wait3A_43 = tpu.memref_squeeze %dma_wait3A_42 : memref<1x320x128xf32, #tpu.memory_space<hbm>> -> memref<320x128xf32, #tpu.memory_space<hbm>>
      %dma_wait3A_44 = arith.constant 0 : i32
      %dma_wait3A_45 = tpu.memref_slice %arg10[%mul3A_34, %dma_wait3A_44] : memref<5120x128xf32, #tpu.memory_space<vmem_shared>> -> memref<320x128xf32, #tpu.memory_space<vmem_shared>>
      tpu.wait_dma2 semaphore(%run_scoped3A : memref<!tpu.dma_semaphore, #tpu.memory_space<semaphore_mem>>) src(%dma_wait3A_45 : memref<320x128xf32, #tpu.memory_space<vmem_shared>>) dst(%dma_wait3A_43 : memref<320x128xf32, #tpu.memory_space<hbm>>)
      tpu.yield
    }) : () -> ()
    return
  }
}

#map = affine_map<(d0, d1) -> (0, 0)>
#map1 = affine_map<(d0, d1) -> (0, 0, 0)>
module attributes {stable_mosaic.version = 14 : i64} {
  func.func @k(%arg0: i32, %arg1: i32, %arg2: memref<5120x128xf32, #tpu.memory_space<hbm>>, %arg3: memref<32x40x128xi32, #tpu.memory_space<hbm>>, %arg4: memref<32x40x128xi32, #tpu.memory_space<hbm>>, %arg5: memref<2x10240x128xf32, #tpu.memory_space<hbm>>, %arg6: memref<40x128xi32, #tpu.memory_space<vmem>>, %arg7: memref<40x128xi32, #tpu.memory_space<vmem>>, %arg8: memref<128x128xf32, #tpu.memory_space<vmem>>, %arg9: memref<128x128xf32, #tpu.memory_space<vmem>>, %arg10: memref<10240x128xf32, #tpu.memory_space<vmem_shared>>, %arg11: memref<!tpu.dma_semaphore, #tpu.memory_space<semaphore_mem>>, %arg12: memref<!tpu.dma_semaphore, #tpu.memory_space<semaphore_mem>>) attributes {dimension_semantics = [#tpu.dimension_semantics<core_parallel>, #tpu.dimension_semantics<subcore_parallel>], iteration_bounds = array<i64: 2, 16>, scalar_prefetch = 0 : i64, scratch_operands = 7 : i64, tpu.core_type = #tpu.core_type<sc_vector_subcore>, window_params = [{transform_indices = #map}, {transform_indices = #map1}, {transform_indices = #map1}, {transform_indices = #map1}]} {
    %mul3A = arith.constant 16 : i32
    %mul3A_0 = arith.muli %arg0, %mul3A : i32
    %add3A = arith.addi %mul3A_0, %arg1 : i32
    "tpu.region"() ({
      %run_scoped3A = tpu.sem_alloc : memref<!tpu.dma_semaphore, #tpu.memory_space<semaphore_mem>>
      %dma_start3A_45 = arith.constant 0 : i32
      %dma_start3A_46 = arith.constant 0 : i32
      %dma_start3A_47 = tpu.memref_slice %arg3[%add3A, %dma_start3A_45, %dma_start3A_46] : memref<32x40x128xi32, #tpu.memory_space<hbm>> -> memref<1x40x128xi32, #tpu.memory_space<hbm>>
      %dma_start3A_48 = tpu.memref_squeeze %dma_start3A_47 : memref<1x40x128xi32, #tpu.memory_space<hbm>> -> memref<40x128xi32, #tpu.memory_space<hbm>>
      %dma_start3A_49 = arith.constant 0 : i32
      %dma_start3A_50 = arith.constant 0 : i32
      %dma_start3A_51 = tpu.memref_slice %arg3[%add3A, %dma_start3A_49, %dma_start3A_50] : memref<32x40x128xi32, #tpu.memory_space<hbm>> -> memref<1x40x128xi32, #tpu.memory_space<hbm>>
      %dma_start3A_52 = tpu.memref_squeeze %dma_start3A_51 : memref<1x40x128xi32, #tpu.memory_space<hbm>> -> memref<40x128xi32, #tpu.memory_space<hbm>>
      tpu.enqueue_dma source(%dma_start3A_52 : memref<40x128xi32, #tpu.memory_space<hbm>>) target(%arg6 : memref<40x128xi32, #tpu.memory_space<vmem>>) target_semaphore(%run_scoped3A : memref<!tpu.dma_semaphore, #tpu.memory_space<semaphore_mem>>)
      %dma_wait3A = arith.constant 0 : i32
      %dma_wait3A_53 = arith.constant 0 : i32
      %dma_wait3A_54 = tpu.memref_slice %arg3[%add3A, %dma_wait3A, %dma_wait3A_53] : memref<32x40x128xi32, #tpu.memory_space<hbm>> -> memref<1x40x128xi32, #tpu.memory_space<hbm>>
      %dma_wait3A_55 = tpu.memref_squeeze %dma_wait3A_54 : memref<1x40x128xi32, #tpu.memory_space<hbm>> -> memref<40x128xi32, #tpu.memory_space<hbm>>
      %dma_wait3A_56 = arith.constant 0 : i32
      %dma_wait3A_57 = arith.constant 0 : i32
      %dma_wait3A_58 = tpu.memref_slice %arg3[%add3A, %dma_wait3A_56, %dma_wait3A_57] : memref<32x40x128xi32, #tpu.memory_space<hbm>> -> memref<1x40x128xi32, #tpu.memory_space<hbm>>
      %dma_wait3A_59 = tpu.memref_squeeze %dma_wait3A_58 : memref<1x40x128xi32, #tpu.memory_space<hbm>> -> memref<40x128xi32, #tpu.memory_space<hbm>>
      tpu.wait_dma2 semaphore(%run_scoped3A : memref<!tpu.dma_semaphore, #tpu.memory_space<semaphore_mem>>) src(%dma_wait3A_59 : memref<40x128xi32, #tpu.memory_space<hbm>>) dst(%arg6 : memref<40x128xi32, #tpu.memory_space<vmem>>)
      tpu.yield
    }) : () -> ()
    "tpu.region"() ({
      %run_scoped3A = tpu.sem_alloc : memref<!tpu.dma_semaphore, #tpu.memory_space<semaphore_mem>>
      %dma_start3A_45 = arith.constant 0 : i32
      %dma_start3A_46 = arith.constant 0 : i32
      %dma_start3A_47 = tpu.memref_slice %arg4[%add3A, %dma_start3A_45, %dma_start3A_46] : memref<32x40x128xi32, #tpu.memory_space<hbm>> -> memref<1x40x128xi32, #tpu.memory_space<hbm>>
      %dma_start3A_48 = tpu.memref_squeeze %dma_start3A_47 : memref<1x40x128xi32, #tpu.memory_space<hbm>> -> memref<40x128xi32, #tpu.memory_space<hbm>>
      %dma_start3A_49 = arith.constant 0 : i32
      %dma_start3A_50 = arith.constant 0 : i32
      %dma_start3A_51 = tpu.memref_slice %arg4[%add3A, %dma_start3A_49, %dma_start3A_50] : memref<32x40x128xi32, #tpu.memory_space<hbm>> -> memref<1x40x128xi32, #tpu.memory_space<hbm>>
      %dma_start3A_52 = tpu.memref_squeeze %dma_start3A_51 : memref<1x40x128xi32, #tpu.memory_space<hbm>> -> memref<40x128xi32, #tpu.memory_space<hbm>>
      tpu.enqueue_dma source(%dma_start3A_52 : memref<40x128xi32, #tpu.memory_space<hbm>>) target(%arg7 : memref<40x128xi32, #tpu.memory_space<vmem>>) target_semaphore(%run_scoped3A : memref<!tpu.dma_semaphore, #tpu.memory_space<semaphore_mem>>)
      %dma_wait3A = arith.constant 0 : i32
      %dma_wait3A_53 = arith.constant 0 : i32
      %dma_wait3A_54 = tpu.memref_slice %arg4[%add3A, %dma_wait3A, %dma_wait3A_53] : memref<32x40x128xi32, #tpu.memory_space<hbm>> -> memref<1x40x128xi32, #tpu.memory_space<hbm>>
      %dma_wait3A_55 = tpu.memref_squeeze %dma_wait3A_54 : memref<1x40x128xi32, #tpu.memory_space<hbm>> -> memref<40x128xi32, #tpu.memory_space<hbm>>
      %dma_wait3A_56 = arith.constant 0 : i32
      %dma_wait3A_57 = arith.constant 0 : i32
      %dma_wait3A_58 = tpu.memref_slice %arg4[%add3A, %dma_wait3A_56, %dma_wait3A_57] : memref<32x40x128xi32, #tpu.memory_space<hbm>> -> memref<1x40x128xi32, #tpu.memory_space<hbm>>
      %dma_wait3A_59 = tpu.memref_squeeze %dma_wait3A_58 : memref<1x40x128xi32, #tpu.memory_space<hbm>> -> memref<40x128xi32, #tpu.memory_space<hbm>>
      tpu.wait_dma2 semaphore(%run_scoped3A : memref<!tpu.dma_semaphore, #tpu.memory_space<semaphore_mem>>) src(%dma_wait3A_59 : memref<40x128xi32, #tpu.memory_space<hbm>>) dst(%arg7 : memref<40x128xi32, #tpu.memory_space<vmem>>)
      tpu.yield
    }) : () -> ()
    %scan3A = arith.constant 0 : i32
    %scan3A_1 = arith.constant 0 : i32
    %scan3A_2 = arith.constant 128 : i32
    %scan3A_3 = arith.addi %scan3A_1, %scan3A_2 : i32
    %scan3A_4 = arith.constant 1 : i32
    %scan3A_5 = scf.for %scan3A_45 = %scan3A_1 to %scan3A_3 step %scan3A_4 iter_args(%scan3A_46 = %scan3A) -> (i32)  : i32 {
      %scan3A_47 = arith.constant 0 : i32
      %scan3A_48 = arith.constant 0 : i32
      %scan3A_49 = arith.constant 8 : i32
      %scan3A_50 = arith.addi %scan3A_48, %scan3A_49 : i32
      %scan3A_51 = arith.constant 1 : i32
      %scan3A_52 = scf.for %scan3A_54 = %scan3A_48 to %scan3A_50 step %scan3A_51 iter_args(%scan3A_55 = %scan3A_47) -> (i32)  : i32 {
        %broadcast_in_dim3A = arith.constant 0.000000e+00 : f32
        %broadcast_in_dim3A_56 = vector.broadcast %broadcast_in_dim3A : f32 to vector<16xf32>
        %mul3A_57 = arith.constant 16 : i32
        %mul3A_58 = arith.muli %scan3A_54, %mul3A_57 : i32
        %swap3A = arith.index_cast %scan3A_45 : i32 to index
        %swap3A_59 = arith.index_cast %mul3A_58 : i32 to index
        %swap3A_60 = tpu.vector_load %arg8[%swap3A, %swap3A_59] {strides = array<i32>} : memref<128x128xf32, #tpu.memory_space<vmem>>, vector<1x16xf32>,
        %swap3A_61 = vector.shape_cast %swap3A_60 : vector<1x16xf32> to vector<16xf32>
        %swap3A_62 = vector.shape_cast %broadcast_in_dim3A_56 : vector<16xf32> to vector<1x16xf32>
        tpu.vector_store %arg8[%swap3A, %swap3A_59], %swap3A_62 {strides = array<i32>} : memref<128x128xf32, #tpu.memory_space<vmem>>, vector<1x16xf32>,
        %scan3A_63 = arith.constant 0 : i32
        scf.yield %scan3A_63 : i32
      }
      %scan3A_53 = arith.constant 8 : i32
      scf.yield %scan3A_52 : i32
    }
    %scan3A_6 = arith.constant 128 : i32
    %mul3A_7 = arith.constant 640 : i32
    %mul3A_8 = arith.muli %arg1, %mul3A_7 : i32
    %add3A_9 = arith.constant 0 : i32
    %add3A_10 = arith.addi %mul3A_8, %add3A_9 : i32
    "tpu.region"() ({
      %run_scoped3A = tpu.sem_alloc : memref<!tpu.dma_semaphore, #tpu.memory_space<semaphore_mem>>
      %dma_start3A_45 = arith.constant 0 : i32
      %dma_start3A_46 = arith.constant 0 : i32
      %dma_start3A_47 = tpu.memref_slice %arg8[%dma_start3A_45, %dma_start3A_46] : memref<128x128xf32, #tpu.memory_space<vmem>> -> memref<128x128xf32, #tpu.memory_space<vmem>>
      %dma_start3A_48 = arith.constant 0 : i32
      %dma_start3A_49 = tpu.memref_slice %arg10[%add3A_10, %dma_start3A_48] : memref<10240x128xf32, #tpu.memory_space<vmem_shared>> -> memref<128x128xf32, #tpu.memory_space<vmem_shared>>
      %dma_start3A_50 = arith.constant 0 : i32
      %dma_start3A_51 = tpu.memref_slice %arg10[%add3A_10, %dma_start3A_50] : memref<10240x128xf32, #tpu.memory_space<vmem_shared>> -> memref<128x128xf32, #tpu.memory_space<vmem_shared>>
      %dma_start3A_52 = arith.constant 0 : i32
      %dma_start3A_53 = arith.constant 0 : i32
      %dma_start3A_54 = tpu.memref_slice %arg8[%dma_start3A_52, %dma_start3A_53] : memref<128x128xf32, #tpu.memory_space<vmem>> -> memref<128x128xf32, #tpu.memory_space<vmem>>
      tpu.enqueue_dma source(%dma_start3A_54 : memref<128x128xf32, #tpu.memory_space<vmem>>) target(%dma_start3A_51 : memref<128x128xf32, #tpu.memory_space<vmem_shared>>) target_semaphore(%run_scoped3A : memref<!tpu.dma_semaphore, #tpu.memory_space<semaphore_mem>>)
      %dma_wait3A = arith.constant 0 : i32
      %dma_wait3A_55 = arith.constant 0 : i32
      %dma_wait3A_56 = tpu.memref_slice %arg8[%dma_wait3A, %dma_wait3A_55] : memref<128x128xf32, #tpu.memory_space<vmem>> -> memref<128x128xf32, #tpu.memory_space<vmem>>
      %dma_wait3A_57 = arith.constant 0 : i32
      %dma_wait3A_58 = tpu.memref_slice %arg10[%add3A_10, %dma_wait3A_57] : memref<10240x128xf32, #tpu.memory_space<vmem_shared>> -> memref<128x128xf32, #tpu.memory_space<vmem_shared>>
      %dma_wait3A_59 = arith.constant 0 : i32
      %dma_wait3A_60 = tpu.memref_slice %arg10[%add3A_10, %dma_wait3A_59] : memref<10240x128xf32, #tpu.memory_space<vmem_shared>> -> memref<128x128xf32, #tpu.memory_space<vmem_shared>>
      %dma_wait3A_61 = arith.constant 0 : i32
      %dma_wait3A_62 = arith.constant 0 : i32
      %dma_wait3A_63 = tpu.memref_slice %arg8[%dma_wait3A_61, %dma_wait3A_62] : memref<128x128xf32, #tpu.memory_space<vmem>> -> memref<128x128xf32, #tpu.memory_space<vmem>>
      tpu.wait_dma2 semaphore(%run_scoped3A : memref<!tpu.dma_semaphore, #tpu.memory_space<semaphore_mem>>) src(%dma_wait3A_63 : memref<128x128xf32, #tpu.memory_space<vmem>>) dst(%dma_wait3A_60 : memref<128x128xf32, #tpu.memory_space<vmem_shared>>)
      tpu.yield
    }) : () -> ()
    %mul3A_11 = arith.constant 640 : i32
    %mul3A_12 = arith.muli %arg1, %mul3A_11 : i32
    %add3A_13 = arith.constant 128 : i32
    %add3A_14 = arith.addi %mul3A_12, %add3A_13 : i32
    "tpu.region"() ({
      %run_scoped3A = tpu.sem_alloc : memref<!tpu.dma_semaphore, #tpu.memory_space<semaphore_mem>>
      %dma_start3A_45 = arith.constant 0 : i32
      %dma_start3A_46 = arith.constant 0 : i32
      %dma_start3A_47 = tpu.memref_slice %arg8[%dma_start3A_45, %dma_start3A_46] : memref<128x128xf32, #tpu.memory_space<vmem>> -> memref<128x128xf32, #tpu.memory_space<vmem>>
      %dma_start3A_48 = arith.constant 0 : i32
      %dma_start3A_49 = tpu.memref_slice %arg10[%add3A_14, %dma_start3A_48] : memref<10240x128xf32, #tpu.memory_space<vmem_shared>> -> memref<128x128xf32, #tpu.memory_space<vmem_shared>>
      %dma_start3A_50 = arith.constant 0 : i32
      %dma_start3A_51 = tpu.memref_slice %arg10[%add3A_14, %dma_start3A_50] : memref<10240x128xf32, #tpu.memory_space<vmem_shared>> -> memref<128x128xf32, #tpu.memory_space<vmem_shared>>
      %dma_start3A_52 = arith.constant 0 : i32
      %dma_start3A_53 = arith.constant 0 : i32
      %dma_start3A_54 = tpu.memref_slice %arg8[%dma_start3A_52, %dma_start3A_53] : memref<128x128xf32, #tpu.memory_space<vmem>> -> memref<128x128xf32, #tpu.memory_space<vmem>>
      tpu.enqueue_dma source(%dma_start3A_54 : memref<128x128xf32, #tpu.memory_space<vmem>>) target(%dma_start3A_51 : memref<128x128xf32, #tpu.memory_space<vmem_shared>>) target_semaphore(%run_scoped3A : memref<!tpu.dma_semaphore, #tpu.memory_space<semaphore_mem>>)
      %dma_wait3A = arith.constant 0 : i32
      %dma_wait3A_55 = arith.constant 0 : i32
      %dma_wait3A_56 = tpu.memref_slice %arg8[%dma_wait3A, %dma_wait3A_55] : memref<128x128xf32, #tpu.memory_space<vmem>> -> memref<128x128xf32, #tpu.memory_space<vmem>>
      %dma_wait3A_57 = arith.constant 0 : i32
      %dma_wait3A_58 = tpu.memref_slice %arg10[%add3A_14, %dma_wait3A_57] : memref<10240x128xf32, #tpu.memory_space<vmem_shared>> -> memref<128x128xf32, #tpu.memory_space<vmem_shared>>
      %dma_wait3A_59 = arith.constant 0 : i32
      %dma_wait3A_60 = tpu.memref_slice %arg10[%add3A_14, %dma_wait3A_59] : memref<10240x128xf32, #tpu.memory_space<vmem_shared>> -> memref<128x128xf32, #tpu.memory_space<vmem_shared>>
      %dma_wait3A_61 = arith.constant 0 : i32
      %dma_wait3A_62 = arith.constant 0 : i32
      %dma_wait3A_63 = tpu.memref_slice %arg8[%dma_wait3A_61, %dma_wait3A_62] : memref<128x128xf32, #tpu.memory_space<vmem>> -> memref<128x128xf32, #tpu.memory_space<vmem>>
      tpu.wait_dma2 semaphore(%run_scoped3A : memref<!tpu.dma_semaphore, #tpu.memory_space<semaphore_mem>>) src(%dma_wait3A_63 : memref<128x128xf32, #tpu.memory_space<vmem>>) dst(%dma_wait3A_60 : memref<128x128xf32, #tpu.memory_space<vmem_shared>>)
      tpu.yield
    }) : () -> ()
    %mul3A_15 = arith.constant 640 : i32
    %mul3A_16 = arith.muli %arg1, %mul3A_15 : i32
    %add3A_17 = arith.constant 256 : i32
    %add3A_18 = arith.addi %mul3A_16, %add3A_17 : i32
    "tpu.region"() ({
      %run_scoped3A = tpu.sem_alloc : memref<!tpu.dma_semaphore, #tpu.memory_space<semaphore_mem>>
      %dma_start3A_45 = arith.constant 0 : i32
      %dma_start3A_46 = arith.constant 0 : i32
      %dma_start3A_47 = tpu.memref_slice %arg8[%dma_start3A_45, %dma_start3A_46] : memref<128x128xf32, #tpu.memory_space<vmem>> -> memref<128x128xf32, #tpu.memory_space<vmem>>
      %dma_start3A_48 = arith.constant 0 : i32
      %dma_start3A_49 = tpu.memref_slice %arg10[%add3A_18, %dma_start3A_48] : memref<10240x128xf32, #tpu.memory_space<vmem_shared>> -> memref<128x128xf32, #tpu.memory_space<vmem_shared>>
      %dma_start3A_50 = arith.constant 0 : i32
      %dma_start3A_51 = tpu.memref_slice %arg10[%add3A_18, %dma_start3A_50] : memref<10240x128xf32, #tpu.memory_space<vmem_shared>> -> memref<128x128xf32, #tpu.memory_space<vmem_shared>>
      %dma_start3A_52 = arith.constant 0 : i32
      %dma_start3A_53 = arith.constant 0 : i32
      %dma_start3A_54 = tpu.memref_slice %arg8[%dma_start3A_52, %dma_start3A_53] : memref<128x128xf32, #tpu.memory_space<vmem>> -> memref<128x128xf32, #tpu.memory_space<vmem>>
      tpu.enqueue_dma source(%dma_start3A_54 : memref<128x128xf32, #tpu.memory_space<vmem>>) target(%dma_start3A_51 : memref<128x128xf32, #tpu.memory_space<vmem_shared>>) target_semaphore(%run_scoped3A : memref<!tpu.dma_semaphore, #tpu.memory_space<semaphore_mem>>)
      %dma_wait3A = arith.constant 0 : i32
      %dma_wait3A_55 = arith.constant 0 : i32
      %dma_wait3A_56 = tpu.memref_slice %arg8[%dma_wait3A, %dma_wait3A_55] : memref<128x128xf32, #tpu.memory_space<vmem>> -> memref<128x128xf32, #tpu.memory_space<vmem>>
      %dma_wait3A_57 = arith.constant 0 : i32
      %dma_wait3A_58 = tpu.memref_slice %arg10[%add3A_18, %dma_wait3A_57] : memref<10240x128xf32, #tpu.memory_space<vmem_shared>> -> memref<128x128xf32, #tpu.memory_space<vmem_shared>>
      %dma_wait3A_59 = arith.constant 0 : i32
      %dma_wait3A_60 = tpu.memref_slice %arg10[%add3A_18, %dma_wait3A_59] : memref<10240x128xf32, #tpu.memory_space<vmem_shared>> -> memref<128x128xf32, #tpu.memory_space<vmem_shared>>
      %dma_wait3A_61 = arith.constant 0 : i32
      %dma_wait3A_62 = arith.constant 0 : i32
      %dma_wait3A_63 = tpu.memref_slice %arg8[%dma_wait3A_61, %dma_wait3A_62] : memref<128x128xf32, #tpu.memory_space<vmem>> -> memref<128x128xf32, #tpu.memory_space<vmem>>
      tpu.wait_dma2 semaphore(%run_scoped3A : memref<!tpu.dma_semaphore, #tpu.memory_space<semaphore_mem>>) src(%dma_wait3A_63 : memref<128x128xf32, #tpu.memory_space<vmem>>) dst(%dma_wait3A_60 : memref<128x128xf32, #tpu.memory_space<vmem_shared>>)
      tpu.yield
    }) : () -> ()
    %mul3A_19 = arith.constant 640 : i32
    %mul3A_20 = arith.muli %arg1, %mul3A_19 : i32
    %add3A_21 = arith.constant 384 : i32
    %add3A_22 = arith.addi %mul3A_20, %add3A_21 : i32
    "tpu.region"() ({
      %run_scoped3A = tpu.sem_alloc : memref<!tpu.dma_semaphore, #tpu.memory_space<semaphore_mem>>
      %dma_start3A_45 = arith.constant 0 : i32
      %dma_start3A_46 = arith.constant 0 : i32
      %dma_start3A_47 = tpu.memref_slice %arg8[%dma_start3A_45, %dma_start3A_46] : memref<128x128xf32, #tpu.memory_space<vmem>> -> memref<128x128xf32, #tpu.memory_space<vmem>>
      %dma_start3A_48 = arith.constant 0 : i32
      %dma_start3A_49 = tpu.memref_slice %arg10[%add3A_22, %dma_start3A_48] : memref<10240x128xf32, #tpu.memory_space<vmem_shared>> -> memref<128x128xf32, #tpu.memory_space<vmem_shared>>
      %dma_start3A_50 = arith.constant 0 : i32
      %dma_start3A_51 = tpu.memref_slice %arg10[%add3A_22, %dma_start3A_50] : memref<10240x128xf32, #tpu.memory_space<vmem_shared>> -> memref<128x128xf32, #tpu.memory_space<vmem_shared>>
      %dma_start3A_52 = arith.constant 0 : i32
      %dma_start3A_53 = arith.constant 0 : i32
      %dma_start3A_54 = tpu.memref_slice %arg8[%dma_start3A_52, %dma_start3A_53] : memref<128x128xf32, #tpu.memory_space<vmem>> -> memref<128x128xf32, #tpu.memory_space<vmem>>
      tpu.enqueue_dma source(%dma_start3A_54 : memref<128x128xf32, #tpu.memory_space<vmem>>) target(%dma_start3A_51 : memref<128x128xf32, #tpu.memory_space<vmem_shared>>) target_semaphore(%run_scoped3A : memref<!tpu.dma_semaphore, #tpu.memory_space<semaphore_mem>>)
      %dma_wait3A = arith.constant 0 : i32
      %dma_wait3A_55 = arith.constant 0 : i32
      %dma_wait3A_56 = tpu.memref_slice %arg8[%dma_wait3A, %dma_wait3A_55] : memref<128x128xf32, #tpu.memory_space<vmem>> -> memref<128x128xf32, #tpu.memory_space<vmem>>
      %dma_wait3A_57 = arith.constant 0 : i32
      %dma_wait3A_58 = tpu.memref_slice %arg10[%add3A_22, %dma_wait3A_57] : memref<10240x128xf32, #tpu.memory_space<vmem_shared>> -> memref<128x128xf32, #tpu.memory_space<vmem_shared>>
      %dma_wait3A_59 = arith.constant 0 : i32
      %dma_wait3A_60 = tpu.memref_slice %arg10[%add3A_22, %dma_wait3A_59] : memref<10240x128xf32, #tpu.memory_space<vmem_shared>> -> memref<128x128xf32, #tpu.memory_space<vmem_shared>>
      %dma_wait3A_61 = arith.constant 0 : i32
      %dma_wait3A_62 = arith.constant 0 : i32
      %dma_wait3A_63 = tpu.memref_slice %arg8[%dma_wait3A_61, %dma_wait3A_62] : memref<128x128xf32, #tpu.memory_space<vmem>> -> memref<128x128xf32, #tpu.memory_space<vmem>>
      tpu.wait_dma2 semaphore(%run_scoped3A : memref<!tpu.dma_semaphore, #tpu.memory_space<semaphore_mem>>) src(%dma_wait3A_63 : memref<128x128xf32, #tpu.memory_space<vmem>>) dst(%dma_wait3A_60 : memref<128x128xf32, #tpu.memory_space<vmem_shared>>)
      tpu.yield
    }) : () -> ()
    %mul3A_23 = arith.constant 640 : i32
    %mul3A_24 = arith.muli %arg1, %mul3A_23 : i32
    %add3A_25 = arith.constant 512 : i32
    %add3A_26 = arith.addi %mul3A_24, %add3A_25 : i32
    "tpu.region"() ({
      %run_scoped3A = tpu.sem_alloc : memref<!tpu.dma_semaphore, #tpu.memory_space<semaphore_mem>>
      %dma_start3A_45 = arith.constant 0 : i32
      %dma_start3A_46 = arith.constant 0 : i32
      %dma_start3A_47 = tpu.memref_slice %arg8[%dma_start3A_45, %dma_start3A_46] : memref<128x128xf32, #tpu.memory_space<vmem>> -> memref<128x128xf32, #tpu.memory_space<vmem>>
      %dma_start3A_48 = arith.constant 0 : i32
      %dma_start3A_49 = tpu.memref_slice %arg10[%add3A_26, %dma_start3A_48] : memref<10240x128xf32, #tpu.memory_space<vmem_shared>> -> memref<128x128xf32, #tpu.memory_space<vmem_shared>>
      %dma_start3A_50 = arith.constant 0 : i32
      %dma_start3A_51 = tpu.memref_slice %arg10[%add3A_26, %dma_start3A_50] : memref<10240x128xf32, #tpu.memory_space<vmem_shared>> -> memref<128x128xf32, #tpu.memory_space<vmem_shared>>
      %dma_start3A_52 = arith.constant 0 : i32
      %dma_start3A_53 = arith.constant 0 : i32
      %dma_start3A_54 = tpu.memref_slice %arg8[%dma_start3A_52, %dma_start3A_53] : memref<128x128xf32, #tpu.memory_space<vmem>> -> memref<128x128xf32, #tpu.memory_space<vmem>>
      tpu.enqueue_dma source(%dma_start3A_54 : memref<128x128xf32, #tpu.memory_space<vmem>>) target(%dma_start3A_51 : memref<128x128xf32, #tpu.memory_space<vmem_shared>>) target_semaphore(%run_scoped3A : memref<!tpu.dma_semaphore, #tpu.memory_space<semaphore_mem>>)
      %dma_wait3A = arith.constant 0 : i32
      %dma_wait3A_55 = arith.constant 0 : i32
      %dma_wait3A_56 = tpu.memref_slice %arg8[%dma_wait3A, %dma_wait3A_55] : memref<128x128xf32, #tpu.memory_space<vmem>> -> memref<128x128xf32, #tpu.memory_space<vmem>>
      %dma_wait3A_57 = arith.constant 0 : i32
      %dma_wait3A_58 = tpu.memref_slice %arg10[%add3A_26, %dma_wait3A_57] : memref<10240x128xf32, #tpu.memory_space<vmem_shared>> -> memref<128x128xf32, #tpu.memory_space<vmem_shared>>
      %dma_wait3A_59 = arith.constant 0 : i32
      %dma_wait3A_60 = tpu.memref_slice %arg10[%add3A_26, %dma_wait3A_59] : memref<10240x128xf32, #tpu.memory_space<vmem_shared>> -> memref<128x128xf32, #tpu.memory_space<vmem_shared>>
      %dma_wait3A_61 = arith.constant 0 : i32
      %dma_wait3A_62 = arith.constant 0 : i32
      %dma_wait3A_63 = tpu.memref_slice %arg8[%dma_wait3A_61, %dma_wait3A_62] : memref<128x128xf32, #tpu.memory_space<vmem>> -> memref<128x128xf32, #tpu.memory_space<vmem>>
      tpu.wait_dma2 semaphore(%run_scoped3A : memref<!tpu.dma_semaphore, #tpu.memory_space<semaphore_mem>>) src(%dma_wait3A_63 : memref<128x128xf32, #tpu.memory_space<vmem>>) dst(%dma_wait3A_60 : memref<128x128xf32, #tpu.memory_space<vmem_shared>>)
      tpu.yield
    }) : () -> ()
    %barrier3A = arith.constant 0 : index
    tpu.barrier barrier_id(%barrier3A)
    %dma_start3A = arith.constant 0 : i32
    %dma_start3A_27 = arith.constant 0 : i32
    %dma_start3A_28 = tpu.memref_slice %arg6[%dma_start3A, %dma_start3A_27] : memref<40x128xi32, #tpu.memory_space<vmem>> -> memref<1x128xi32, #tpu.memory_space<vmem>>
    %dma_start3A_29 = tpu.memref_squeeze %dma_start3A_28 : memref<1x128xi32, #tpu.memory_space<vmem>> -> memref<128xi32, #tpu.memory_space<vmem>>
    %dma_start3A_30 = arith.constant 0 : i32
    %dma_start3A_31 = arith.constant 0 : i32
    %dma_start3A_32 = tpu.memref_slice %arg2[%dma_start3A_30, %dma_start3A_31] : memref<5120x128xf32, #tpu.memory_space<hbm>> -> memref<5120x128xf32, #tpu.memory_space<hbm>>
    tpu.enqueue_indirect_dma source(%dma_start3A_32 : memref<5120x128xf32, #tpu.memory_space<hbm>>) target(%arg8 : memref<128x128xf32, #tpu.memory_space<vmem>>) offsets(%dma_start3A_29 : memref<128xi32, #tpu.memory_space<vmem>>) semaphore(%arg11 : memref<!tpu.dma_semaphore, #tpu.memory_space<semaphore_mem>>)
    %scan3A_33 = arith.constant 0 : i32
    %scan3A_34 = arith.constant 0 : i32
    %scan3A_35 = arith.constant 20 : i32
    %scan3A_36 = arith.addi %scan3A_34, %scan3A_35 : i32
    %scan3A_37 = arith.constant 1 : i32
    %scan3A_38 = scf.for %scan3A_45 = %scan3A_34 to %scan3A_36 step %scan3A_37 iter_args(%scan3A_46 = %scan3A_33) -> (i32)  : i32 {
      %mul3A_47 = arith.constant 2 : i32
      %mul3A_48 = arith.muli %mul3A_47, %scan3A_45 : i32
      %add3A_49 = arith.constant 1 : i32
      %add3A_50 = arith.addi %mul3A_48, %add3A_49 : i32
      %dma_start3A_51 = arith.constant 0 : i32
      %dma_start3A_52 = tpu.memref_slice %arg6[%add3A_50, %dma_start3A_51] : memref<40x128xi32, #tpu.memory_space<vmem>> -> memref<1x128xi32, #tpu.memory_space<vmem>>
      %dma_start3A_53 = tpu.memref_squeeze %dma_start3A_52 : memref<1x128xi32, #tpu.memory_space<vmem>> -> memref<128xi32, #tpu.memory_space<vmem>>
      %dma_start3A_54 = arith.constant 0 : i32
      %dma_start3A_55 = arith.constant 0 : i32
      %dma_start3A_56 = tpu.memref_slice %arg2[%dma_start3A_54, %dma_start3A_55] : memref<5120x128xf32, #tpu.memory_space<hbm>> -> memref<5120x128xf32, #tpu.memory_space<hbm>>
      tpu.enqueue_indirect_dma source(%dma_start3A_56 : memref<5120x128xf32, #tpu.memory_space<hbm>>) target(%arg9 : memref<128x128xf32, #tpu.memory_space<vmem>>) offsets(%dma_start3A_53 : memref<128xi32, #tpu.memory_space<vmem>>) semaphore(%arg12 : memref<!tpu.dma_semaphore, #tpu.memory_space<semaphore_mem>>)
      %dma_wait3A = arith.constant 0 : i32
      %dma_wait3A_57 = tpu.memref_slice %arg6[%mul3A_48, %dma_wait3A] : memref<40x128xi32, #tpu.memory_space<vmem>> -> memref<1x128xi32, #tpu.memory_space<vmem>>
      %dma_wait3A_58 = tpu.memref_squeeze %dma_wait3A_57 : memref<1x128xi32, #tpu.memory_space<vmem>> -> memref<128xi32, #tpu.memory_space<vmem>>
      %dma_wait3A_59 = arith.constant 0 : i32
      %dma_wait3A_60 = arith.constant 0 : i32
      %dma_wait3A_61 = tpu.memref_slice %arg2[%dma_wait3A_59, %dma_wait3A_60] : memref<5120x128xf32, #tpu.memory_space<hbm>> -> memref<5120x128xf32, #tpu.memory_space<hbm>>
      tpu.wait_indirect_dma semaphore(%arg11 : memref<!tpu.dma_semaphore, #tpu.memory_space<semaphore_mem>>) src(%dma_wait3A_61 : memref<5120x128xf32, #tpu.memory_space<hbm>>) dst(%arg8 : memref<128x128xf32, #tpu.memory_space<vmem>>)
      "tpu.region"() ({
        %run_scoped3A = tpu.sem_alloc : memref<!tpu.dma_semaphore, #tpu.memory_space<semaphore_mem>>
        %dma_start3A_73 = arith.constant 0 : i32
        %dma_start3A_74 = tpu.memref_slice %arg7[%mul3A_48, %dma_start3A_73] : memref<40x128xi32, #tpu.memory_space<vmem>> -> memref<1x128xi32, #tpu.memory_space<vmem>>
        %dma_start3A_75 = tpu.memref_squeeze %dma_start3A_74 : memref<1x128xi32, #tpu.memory_space<vmem>> -> memref<128xi32, #tpu.memory_space<vmem>>
        %dma_start3A_76 = arith.constant 0 : i32
        %dma_start3A_77 = arith.constant 0 : i32
        %dma_start3A_78 = tpu.memref_slice %arg10[%dma_start3A_76, %dma_start3A_77] : memref<10240x128xf32, #tpu.memory_space<vmem_shared>> -> memref<10240x128xf32, #tpu.memory_space<vmem_shared>>
        tpu.enqueue_indirect_dma source(%arg8 : memref<128x128xf32, #tpu.memory_space<vmem>>) target(%dma_start3A_78 : memref<10240x128xf32, #tpu.memory_space<vmem_shared>>) offsets(%dma_start3A_75 : memref<128xi32, #tpu.memory_space<vmem>>) semaphore(%run_scoped3A : memref<!tpu.dma_semaphore, #tpu.memory_space<semaphore_mem>>) {add = true}
        %dma_wait3A_79 = arith.constant 0 : i32
        %dma_wait3A_80 = tpu.memref_slice %arg7[%mul3A_48, %dma_wait3A_79] : memref<40x128xi32, #tpu.memory_space<vmem>> -> memref<1x128xi32, #tpu.memory_space<vmem>>
        %dma_wait3A_81 = tpu.memref_squeeze %dma_wait3A_80 : memref<1x128xi32, #tpu.memory_space<vmem>> -> memref<128xi32, #tpu.memory_space<vmem>>
        %dma_wait3A_82 = arith.constant 0 : i32
        %dma_wait3A_83 = arith.constant 0 : i32
        %dma_wait3A_84 = tpu.memref_slice %arg10[%dma_wait3A_82, %dma_wait3A_83] : memref<10240x128xf32, #tpu.memory_space<vmem_shared>> -> memref<10240x128xf32, #tpu.memory_space<vmem_shared>>
        tpu.wait_indirect_dma semaphore(%run_scoped3A : memref<!tpu.dma_semaphore, #tpu.memory_space<semaphore_mem>>) src(%arg8 : memref<128x128xf32, #tpu.memory_space<vmem>>) dst(%dma_wait3A_84 : memref<10240x128xf32, #tpu.memory_space<vmem_shared>>)
        tpu.yield
      }) : () -> ()
      %lt3A = arith.constant 19 : i32
      %lt3A_62 = arith.cmpi slt, %scan3A_45, %lt3A : i32
      %convert_element_type3A = arith.extui %lt3A_62 : i1 to i32
      %cond3A = arith.constant 0 : i32
      %cond3A_63 = arith.cmpi ne, %convert_element_type3A, %cond3A : i32
      scf.if %cond3A_63 {
        %add3A_73 = arith.constant 2 : i32
        %add3A_74 = arith.addi %mul3A_48, %add3A_73 : i32
        %dma_start3A_75 = arith.constant 0 : i32
        %dma_start3A_76 = tpu.memref_slice %arg6[%add3A_74, %dma_start3A_75] : memref<40x128xi32, #tpu.memory_space<vmem>> -> memref<1x128xi32, #tpu.memory_space<vmem>>
        %dma_start3A_77 = tpu.memref_squeeze %dma_start3A_76 : memref<1x128xi32, #tpu.memory_space<vmem>> -> memref<128xi32, #tpu.memory_space<vmem>>
        %dma_start3A_78 = arith.constant 0 : i32
        %dma_start3A_79 = arith.constant 0 : i32
        %dma_start3A_80 = tpu.memref_slice %arg2[%dma_start3A_78, %dma_start3A_79] : memref<5120x128xf32, #tpu.memory_space<hbm>> -> memref<5120x128xf32, #tpu.memory_space<hbm>>
        tpu.enqueue_indirect_dma source(%dma_start3A_80 : memref<5120x128xf32, #tpu.memory_space<hbm>>) target(%arg8 : memref<128x128xf32, #tpu.memory_space<vmem>>) offsets(%dma_start3A_77 : memref<128xi32, #tpu.memory_space<vmem>>) semaphore(%arg11 : memref<!tpu.dma_semaphore, #tpu.memory_space<semaphore_mem>>)
      } else {
      }
      %dma_wait3A_64 = arith.constant 0 : i32
      %dma_wait3A_65 = tpu.memref_slice %arg6[%add3A_50, %dma_wait3A_64] : memref<40x128xi32, #tpu.memory_space<vmem>> -> memref<1x128xi32, #tpu.memory_space<vmem>>
      %dma_wait3A_66 = tpu.memref_squeeze %dma_wait3A_65 : memref<1x128xi32, #tpu.memory_space<vmem>> -> memref<128xi32, #tpu.memory_space<vmem>>
      %dma_wait3A_67 = arith.constant 0 : i32
      %dma_wait3A_68 = arith.constant 0 : i32
      %dma_wait3A_69 = tpu.memref_slice %arg2[%dma_wait3A_67, %dma_wait3A_68] : memref<5120x128xf32, #tpu.memory_space<hbm>> -> memref<5120x128xf32, #tpu.memory_space<hbm>>
      tpu.wait_indirect_dma semaphore(%arg12 : memref<!tpu.dma_semaphore, #tpu.memory_space<semaphore_mem>>) src(%dma_wait3A_69 : memref<5120x128xf32, #tpu.memory_space<hbm>>) dst(%arg9 : memref<128x128xf32, #tpu.memory_space<vmem>>)
      %add3A_70 = arith.constant 1 : i32
      %add3A_71 = arith.addi %mul3A_48, %add3A_70 : i32
      "tpu.region"() ({
        %run_scoped3A = tpu.sem_alloc : memref<!tpu.dma_semaphore, #tpu.memory_space<semaphore_mem>>
        %dma_start3A_73 = arith.constant 0 : i32
        %dma_start3A_74 = tpu.memref_slice %arg7[%add3A_71, %dma_start3A_73] : memref<40x128xi32, #tpu.memory_space<vmem>> -> memref<1x128xi32, #tpu.memory_space<vmem>>
        %dma_start3A_75 = tpu.memref_squeeze %dma_start3A_74 : memref<1x128xi32, #tpu.memory_space<vmem>> -> memref<128xi32, #tpu.memory_space<vmem>>
        %dma_start3A_76 = arith.constant 0 : i32
        %dma_start3A_77 = arith.constant 0 : i32
        %dma_start3A_78 = tpu.memref_slice %arg10[%dma_start3A_76, %dma_start3A_77] : memref<10240x128xf32, #tpu.memory_space<vmem_shared>> -> memref<10240x128xf32, #tpu.memory_space<vmem_shared>>
        tpu.enqueue_indirect_dma source(%arg9 : memref<128x128xf32, #tpu.memory_space<vmem>>) target(%dma_start3A_78 : memref<10240x128xf32, #tpu.memory_space<vmem_shared>>) offsets(%dma_start3A_75 : memref<128xi32, #tpu.memory_space<vmem>>) semaphore(%run_scoped3A : memref<!tpu.dma_semaphore, #tpu.memory_space<semaphore_mem>>) {add = true}
        %dma_wait3A_79 = arith.constant 0 : i32
        %dma_wait3A_80 = tpu.memref_slice %arg7[%add3A_71, %dma_wait3A_79] : memref<40x128xi32, #tpu.memory_space<vmem>> -> memref<1x128xi32, #tpu.memory_space<vmem>>
        %dma_wait3A_81 = tpu.memref_squeeze %dma_wait3A_80 : memref<1x128xi32, #tpu.memory_space<vmem>> -> memref<128xi32, #tpu.memory_space<vmem>>
        %dma_wait3A_82 = arith.constant 0 : i32
        %dma_wait3A_83 = arith.constant 0 : i32
        %dma_wait3A_84 = tpu.memref_slice %arg10[%dma_wait3A_82, %dma_wait3A_83] : memref<10240x128xf32, #tpu.memory_space<vmem_shared>> -> memref<10240x128xf32, #tpu.memory_space<vmem_shared>>
        tpu.wait_indirect_dma semaphore(%run_scoped3A : memref<!tpu.dma_semaphore, #tpu.memory_space<semaphore_mem>>) src(%arg9 : memref<128x128xf32, #tpu.memory_space<vmem>>) dst(%dma_wait3A_84 : memref<10240x128xf32, #tpu.memory_space<vmem_shared>>)
        tpu.yield
      }) : () -> ()
      %scan3A_72 = arith.constant 0 : i32
      scf.yield %scan3A_72 : i32
    }
    %scan3A_39 = arith.constant 20 : i32
    %barrier3A_40 = arith.constant 0 : index
    tpu.barrier barrier_id(%barrier3A_40)
    %mul3A_41 = arith.constant 640 : i32
    %mul3A_42 = arith.muli %arg1, %mul3A_41 : i32
    %mul3A_43 = arith.constant 640 : i32
    %mul3A_44 = arith.muli %arg1, %mul3A_43 : i32
    "tpu.region"() ({
      %run_scoped3A = tpu.sem_alloc : memref<!tpu.dma_semaphore, #tpu.memory_space<semaphore_mem>>
      %dma_start3A_45 = arith.constant 0 : i32
      %dma_start3A_46 = tpu.memref_slice %arg5[%arg0, %mul3A_44, %dma_start3A_45] : memref<2x10240x128xf32, #tpu.memory_space<hbm>> -> memref<1x640x128xf32, #tpu.memory_space<hbm>>
      %dma_start3A_47 = tpu.memref_squeeze %dma_start3A_46 : memref<1x640x128xf32, #tpu.memory_space<hbm>> -> memref<640x128xf32, #tpu.memory_space<hbm>>
      %dma_start3A_48 = arith.constant 0 : i32
      %dma_start3A_49 = tpu.memref_slice %arg10[%mul3A_42, %dma_start3A_48] : memref<10240x128xf32, #tpu.memory_space<vmem_shared>> -> memref<640x128xf32, #tpu.memory_space<vmem_shared>>
      tpu.enqueue_dma source(%dma_start3A_49 : memref<640x128xf32, #tpu.memory_space<vmem_shared>>) target(%dma_start3A_47 : memref<640x128xf32, #tpu.memory_space<hbm>>) target_semaphore(%run_scoped3A : memref<!tpu.dma_semaphore, #tpu.memory_space<semaphore_mem>>)
      %dma_wait3A = arith.constant 0 : i32
      %dma_wait3A_50 = tpu.memref_slice %arg5[%arg0, %mul3A_44, %dma_wait3A] : memref<2x10240x128xf32, #tpu.memory_space<hbm>> -> memref<1x640x128xf32, #tpu.memory_space<hbm>>
      %dma_wait3A_51 = tpu.memref_squeeze %dma_wait3A_50 : memref<1x640x128xf32, #tpu.memory_space<hbm>> -> memref<640x128xf32, #tpu.memory_space<hbm>>
      %dma_wait3A_52 = arith.constant 0 : i32
      %dma_wait3A_53 = tpu.memref_slice %arg10[%mul3A_42, %dma_wait3A_52] : memref<10240x128xf32, #tpu.memory_space<vmem_shared>> -> memref<640x128xf32, #tpu.memory_space<vmem_shared>>
      tpu.wait_dma2 semaphore(%run_scoped3A : memref<!tpu.dma_semaphore, #tpu.memory_space<semaphore_mem>>) src(%dma_wait3A_53 : memref<640x128xf32, #tpu.memory_space<vmem_shared>>) dst(%dma_wait3A_51 : memref<640x128xf32, #tpu.memory_space<hbm>>)
      tpu.yield
    }) : () -> ()
    return
  }
}

module attributes {stable_mosaic.version = 14 : i64} {
  func.func @body(%arg0: i32, %arg1: memref<2560x16xi32, #tpu.memory_space<vmem>>, %arg2: memref<24x128xf32, #tpu.memory_space<vmem>>, %arg3: memref<128x128xf32, #tpu.memory_space<vmem>>, %arg4: memref<1x128xf32, #tpu.memory_space<vmem>>, %arg5: memref<128x128xf32, #tpu.memory_space<vmem>>, %arg6: memref<2560x128xf32, #tpu.memory_space<vmem>>, %arg7: memref<2560x128xf32, #tpu.memory_space<vmem>>, %arg8: memref<2560x128xf32, #tpu.memory_space<vmem>>) attributes {dimension_semantics = [#tpu.dimension_semantics<arbitrary>], iteration_bounds = array<i64: 4>, scalar_prefetch = 0 : i64, scratch_operands = 0 : i64, tpu.core_type = #tpu.core_type<tc>, window_params = [{transform_indices = @transform_0, window_bounds = array<i64: 2560, 16>}, {pipeline_mode = #tpu.pipeline_mode<synchronous>, transform_indices = @transform_1, window_bounds = array<i64: 24, 128>}, {pipeline_mode = #tpu.pipeline_mode<synchronous>, transform_indices = @transform_2, window_bounds = array<i64: 128, 128>}, {pipeline_mode = #tpu.pipeline_mode<synchronous>, transform_indices = @transform_3, window_bounds = array<i64: 1, 128>}, {pipeline_mode = #tpu.pipeline_mode<synchronous>, transform_indices = @transform_4, window_bounds = array<i64: 128, 128>}, {transform_indices = @transform_5, window_bounds = array<i64: 2560, 128>}, {transform_indices = @transform_6, window_bounds = array<i64: 2560, 128>}, {transform_indices = @transform_7, window_bounds = array<i64: 2560, 128>}]} {
    %get3A = arith.constant 0 : index
    %get3A_0 = arith.constant 0 : index
    %get3A_1 = vector.load %arg1[%get3A, %get3A_0] : memref<2560x16xi32, #tpu.memory_space<vmem>>, vector<2560x16xi32>
    %get3A_2 = arith.constant 0 : index
    %get3A_3 = arith.constant 0 : index
    %get3A_4 = vector.load %arg2[%get3A_2, %get3A_3] : memref<24x128xf32, #tpu.memory_space<vmem>>, vector<24x128xf32>
    %slice3A = vector.extract_strided_slice %get3A_1 {offsets = [0, 0], sizes = [2560, 1], strides = [1, 1]} : vector<2560x16xi32> to vector<2560x1xi32>
    %eq3A = arith.constant 0 : i32
    %eq3A_5 = vector.broadcast %eq3A : i32 to vector<2560x1xi32>
    %eq3A_6 = arith.cmpi eq, %slice3A, %eq3A_5 : vector<2560x1xi32>
    %slice3A_7 = vector.extract_strided_slice %get3A_4 {offsets = [0, 0], sizes = [1, 128], strides = [1, 1]} : vector<24x128xf32> to vector<1x128xf32>
    %slice3A_8 = vector.extract_strided_slice %get3A_4 {offsets = [1, 0], sizes = [1, 128], strides = [1, 1]} : vector<24x128xf32> to vector<1x128xf32>
    %broadcast_in_dim3A = vector.shape_cast %eq3A_6 : vector<2560x1xi1> to vector<2560x1xi1>
    %broadcast_in_dim3A_9 = vector.broadcast %broadcast_in_dim3A : vector<2560x1xi1> to vector<2560x128xi1>
    %broadcast_in_dim3A_10 = vector.shape_cast %slice3A_7 : vector<1x128xf32> to vector<1x128xf32>
    %broadcast_in_dim3A_11 = vector.broadcast %broadcast_in_dim3A_10 : vector<1x128xf32> to vector<2560x128xf32>
    %broadcast_in_dim3A_12 = vector.shape_cast %slice3A_8 : vector<1x128xf32> to vector<1x128xf32>
    %broadcast_in_dim3A_13 = vector.broadcast %broadcast_in_dim3A_12 : vector<1x128xf32> to vector<2560x128xf32>
    %select_n3A = arith.select %broadcast_in_dim3A_9, %broadcast_in_dim3A_11, %broadcast_in_dim3A_13 : vector<2560x128xi1>, vector<2560x128xf32>
    %slice3A_14 = vector.extract_strided_slice %get3A_1 {offsets = [0, 1], sizes = [2560, 1], strides = [1, 1]} : vector<2560x16xi32> to vector<2560x1xi32>
    %eq3A_15 = arith.constant 0 : i32
    %eq3A_16 = vector.broadcast %eq3A_15 : i32 to vector<2560x1xi32>
    %eq3A_17 = arith.cmpi eq, %slice3A_14, %eq3A_16 : vector<2560x1xi32>
    %slice3A_18 = vector.extract_strided_slice %get3A_4 {offsets = [2, 0], sizes = [1, 128], strides = [1, 1]} : vector<24x128xf32> to vector<1x128xf32>
    %slice3A_19 = vector.extract_strided_slice %get3A_4 {offsets = [3, 0], sizes = [1, 128], strides = [1, 1]} : vector<24x128xf32> to vector<1x128xf32>
    %broadcast_in_dim3A_20 = vector.shape_cast %eq3A_17 : vector<2560x1xi1> to vector<2560x1xi1>
    %broadcast_in_dim3A_21 = vector.broadcast %broadcast_in_dim3A_20 : vector<2560x1xi1> to vector<2560x128xi1>
    %broadcast_in_dim3A_22 = vector.shape_cast %slice3A_18 : vector<1x128xf32> to vector<1x128xf32>
    %broadcast_in_dim3A_23 = vector.broadcast %broadcast_in_dim3A_22 : vector<1x128xf32> to vector<2560x128xf32>
    %broadcast_in_dim3A_24 = vector.shape_cast %slice3A_19 : vector<1x128xf32> to vector<1x128xf32>
    %broadcast_in_dim3A_25 = vector.broadcast %broadcast_in_dim3A_24 : vector<1x128xf32> to vector<2560x128xf32>
    %select_n3A_26 = arith.select %broadcast_in_dim3A_21, %broadcast_in_dim3A_23, %broadcast_in_dim3A_25 : vector<2560x128xi1>, vector<2560x128xf32>
    %add3A = arith.addf %select_n3A, %select_n3A_26 : vector<2560x128xf32>
    %slice3A_27 = vector.extract_strided_slice %get3A_1 {offsets = [0, 2], sizes = [2560, 1], strides = [1, 1]} : vector<2560x16xi32> to vector<2560x1xi32>
    %eq3A_28 = arith.constant 0 : i32
    %eq3A_29 = vector.broadcast %eq3A_28 : i32 to vector<2560x1xi32>
    %eq3A_30 = arith.cmpi eq, %slice3A_27, %eq3A_29 : vector<2560x1xi32>
    %slice3A_31 = vector.extract_strided_slice %get3A_4 {offsets = [4, 0], sizes = [1, 128], strides = [1, 1]} : vector<24x128xf32> to vector<1x128xf32>
    %slice3A_32 = vector.extract_strided_slice %get3A_4 {offsets = [5, 0], sizes = [1, 128], strides = [1, 1]} : vector<24x128xf32> to vector<1x128xf32>
    %broadcast_in_dim3A_33 = vector.shape_cast %eq3A_30 : vector<2560x1xi1> to vector<2560x1xi1>
    %broadcast_in_dim3A_34 = vector.broadcast %broadcast_in_dim3A_33 : vector<2560x1xi1> to vector<2560x128xi1>
    %broadcast_in_dim3A_35 = vector.shape_cast %slice3A_31 : vector<1x128xf32> to vector<1x128xf32>
    %broadcast_in_dim3A_36 = vector.broadcast %broadcast_in_dim3A_35 : vector<1x128xf32> to vector<2560x128xf32>
    %broadcast_in_dim3A_37 = vector.shape_cast %slice3A_32 : vector<1x128xf32> to vector<1x128xf32>
    %broadcast_in_dim3A_38 = vector.broadcast %broadcast_in_dim3A_37 : vector<1x128xf32> to vector<2560x128xf32>
    %select_n3A_39 = arith.select %broadcast_in_dim3A_34, %broadcast_in_dim3A_36, %broadcast_in_dim3A_38 : vector<2560x128xi1>, vector<2560x128xf32>
    %add3A_40 = arith.addf %add3A, %select_n3A_39 : vector<2560x128xf32>
    %slice3A_41 = vector.extract_strided_slice %get3A_1 {offsets = [0, 3], sizes = [2560, 1], strides = [1, 1]} : vector<2560x16xi32> to vector<2560x1xi32>
    %eq3A_42 = arith.constant 0 : i32
    %eq3A_43 = vector.broadcast %eq3A_42 : i32 to vector<2560x1xi32>
    %eq3A_44 = arith.cmpi eq, %slice3A_41, %eq3A_43 : vector<2560x1xi32>
    %slice3A_45 = vector.extract_strided_slice %get3A_4 {offsets = [6, 0], sizes = [1, 128], strides = [1, 1]} : vector<24x128xf32> to vector<1x128xf32>
    %slice3A_46 = vector.extract_strided_slice %get3A_4 {offsets = [7, 0], sizes = [1, 128], strides = [1, 1]} : vector<24x128xf32> to vector<1x128xf32>
    %broadcast_in_dim3A_47 = vector.shape_cast %eq3A_44 : vector<2560x1xi1> to vector<2560x1xi1>
    %broadcast_in_dim3A_48 = vector.broadcast %broadcast_in_dim3A_47 : vector<2560x1xi1> to vector<2560x128xi1>
    %broadcast_in_dim3A_49 = vector.shape_cast %slice3A_45 : vector<1x128xf32> to vector<1x128xf32>
    %broadcast_in_dim3A_50 = vector.broadcast %broadcast_in_dim3A_49 : vector<1x128xf32> to vector<2560x128xf32>
    %broadcast_in_dim3A_51 = vector.shape_cast %slice3A_46 : vector<1x128xf32> to vector<1x128xf32>
    %broadcast_in_dim3A_52 = vector.broadcast %broadcast_in_dim3A_51 : vector<1x128xf32> to vector<2560x128xf32>
    %select_n3A_53 = arith.select %broadcast_in_dim3A_48, %broadcast_in_dim3A_50, %broadcast_in_dim3A_52 : vector<2560x128xi1>, vector<2560x128xf32>
    %add3A_54 = arith.addf %add3A_40, %select_n3A_53 : vector<2560x128xf32>
    %slice3A_55 = vector.extract_strided_slice %get3A_1 {offsets = [0, 4], sizes = [2560, 1], strides = [1, 1]} : vector<2560x16xi32> to vector<2560x1xi32>
    %eq3A_56 = arith.constant 0 : i32
    %eq3A_57 = vector.broadcast %eq3A_56 : i32 to vector<2560x1xi32>
    %eq3A_58 = arith.cmpi eq, %slice3A_55, %eq3A_57 : vector<2560x1xi32>
    %slice3A_59 = vector.extract_strided_slice %get3A_4 {offsets = [8, 0], sizes = [1, 128], strides = [1, 1]} : vector<24x128xf32> to vector<1x128xf32>
    %slice3A_60 = vector.extract_strided_slice %get3A_4 {offsets = [9, 0], sizes = [1, 128], strides = [1, 1]} : vector<24x128xf32> to vector<1x128xf32>
    %broadcast_in_dim3A_61 = vector.shape_cast %eq3A_58 : vector<2560x1xi1> to vector<2560x1xi1>
    %broadcast_in_dim3A_62 = vector.broadcast %broadcast_in_dim3A_61 : vector<2560x1xi1> to vector<2560x128xi1>
    %broadcast_in_dim3A_63 = vector.shape_cast %slice3A_59 : vector<1x128xf32> to vector<1x128xf32>
    %broadcast_in_dim3A_64 = vector.broadcast %broadcast_in_dim3A_63 : vector<1x128xf32> to vector<2560x128xf32>
    %broadcast_in_dim3A_65 = vector.shape_cast %slice3A_60 : vector<1x128xf32> to vector<1x128xf32>
    %broadcast_in_dim3A_66 = vector.broadcast %broadcast_in_dim3A_65 : vector<1x128xf32> to vector<2560x128xf32>
    %select_n3A_67 = arith.select %broadcast_in_dim3A_62, %broadcast_in_dim3A_64, %broadcast_in_dim3A_66 : vector<2560x128xi1>, vector<2560x128xf32>
    %add3A_68 = arith.addf %add3A_54, %select_n3A_67 : vector<2560x128xf32>
    %slice3A_69 = vector.extract_strided_slice %get3A_1 {offsets = [0, 5], sizes = [2560, 1], strides = [1, 1]} : vector<2560x16xi32> to vector<2560x1xi32>
    %eq3A_70 = arith.constant 0 : i32
    %eq3A_71 = vector.broadcast %eq3A_70 : i32 to vector<2560x1xi32>
    %eq3A_72 = arith.cmpi eq, %slice3A_69, %eq3A_71 : vector<2560x1xi32>
    %slice3A_73 = vector.extract_strided_slice %get3A_4 {offsets = [10, 0], sizes = [1, 128], strides = [1, 1]} : vector<24x128xf32> to vector<1x128xf32>
    %slice3A_74 = vector.extract_strided_slice %get3A_4 {offsets = [11, 0], sizes = [1, 128], strides = [1, 1]} : vector<24x128xf32> to vector<1x128xf32>
    %broadcast_in_dim3A_75 = vector.shape_cast %eq3A_72 : vector<2560x1xi1> to vector<2560x1xi1>
    %broadcast_in_dim3A_76 = vector.broadcast %broadcast_in_dim3A_75 : vector<2560x1xi1> to vector<2560x128xi1>
    %broadcast_in_dim3A_77 = vector.shape_cast %slice3A_73 : vector<1x128xf32> to vector<1x128xf32>
    %broadcast_in_dim3A_78 = vector.broadcast %broadcast_in_dim3A_77 : vector<1x128xf32> to vector<2560x128xf32>
    %broadcast_in_dim3A_79 = vector.shape_cast %slice3A_74 : vector<1x128xf32> to vector<1x128xf32>
    %broadcast_in_dim3A_80 = vector.broadcast %broadcast_in_dim3A_79 : vector<1x128xf32> to vector<2560x128xf32>
    %select_n3A_81 = arith.select %broadcast_in_dim3A_76, %broadcast_in_dim3A_78, %broadcast_in_dim3A_80 : vector<2560x128xi1>, vector<2560x128xf32>
    %add3A_82 = arith.addf %add3A_68, %select_n3A_81 : vector<2560x128xf32>
    %slice3A_83 = vector.extract_strided_slice %get3A_1 {offsets = [0, 6], sizes = [2560, 1], strides = [1, 1]} : vector<2560x16xi32> to vector<2560x1xi32>
    %eq3A_84 = arith.constant 0 : i32
    %eq3A_85 = vector.broadcast %eq3A_84 : i32 to vector<2560x1xi32>
    %eq3A_86 = arith.cmpi eq, %slice3A_83, %eq3A_85 : vector<2560x1xi32>
    %slice3A_87 = vector.extract_strided_slice %get3A_4 {offsets = [12, 0], sizes = [1, 128], strides = [1, 1]} : vector<24x128xf32> to vector<1x128xf32>
    %slice3A_88 = vector.extract_strided_slice %get3A_4 {offsets = [13, 0], sizes = [1, 128], strides = [1, 1]} : vector<24x128xf32> to vector<1x128xf32>
    %broadcast_in_dim3A_89 = vector.shape_cast %eq3A_86 : vector<2560x1xi1> to vector<2560x1xi1>
    %broadcast_in_dim3A_90 = vector.broadcast %broadcast_in_dim3A_89 : vector<2560x1xi1> to vector<2560x128xi1>
    %broadcast_in_dim3A_91 = vector.shape_cast %slice3A_87 : vector<1x128xf32> to vector<1x128xf32>
    %broadcast_in_dim3A_92 = vector.broadcast %broadcast_in_dim3A_91 : vector<1x128xf32> to vector<2560x128xf32>
    %broadcast_in_dim3A_93 = vector.shape_cast %slice3A_88 : vector<1x128xf32> to vector<1x128xf32>
    %broadcast_in_dim3A_94 = vector.broadcast %broadcast_in_dim3A_93 : vector<1x128xf32> to vector<2560x128xf32>
    %select_n3A_95 = arith.select %broadcast_in_dim3A_90, %broadcast_in_dim3A_92, %broadcast_in_dim3A_94 : vector<2560x128xi1>, vector<2560x128xf32>
    %add3A_96 = arith.addf %add3A_82, %select_n3A_95 : vector<2560x128xf32>
    %slice3A_97 = vector.extract_strided_slice %get3A_1 {offsets = [0, 7], sizes = [2560, 1], strides = [1, 1]} : vector<2560x16xi32> to vector<2560x1xi32>
    %eq3A_98 = arith.constant 0 : i32
    %eq3A_99 = vector.broadcast %eq3A_98 : i32 to vector<2560x1xi32>
    %eq3A_100 = arith.cmpi eq, %slice3A_97, %eq3A_99 : vector<2560x1xi32>
    %slice3A_101 = vector.extract_strided_slice %get3A_4 {offsets = [14, 0], sizes = [1, 128], strides = [1, 1]} : vector<24x128xf32> to vector<1x128xf32>
    %slice3A_102 = vector.extract_strided_slice %get3A_4 {offsets = [15, 0], sizes = [1, 128], strides = [1, 1]} : vector<24x128xf32> to vector<1x128xf32>
    %broadcast_in_dim3A_103 = vector.shape_cast %eq3A_100 : vector<2560x1xi1> to vector<2560x1xi1>
    %broadcast_in_dim3A_104 = vector.broadcast %broadcast_in_dim3A_103 : vector<2560x1xi1> to vector<2560x128xi1>
    %broadcast_in_dim3A_105 = vector.shape_cast %slice3A_101 : vector<1x128xf32> to vector<1x128xf32>
    %broadcast_in_dim3A_106 = vector.broadcast %broadcast_in_dim3A_105 : vector<1x128xf32> to vector<2560x128xf32>
    %broadcast_in_dim3A_107 = vector.shape_cast %slice3A_102 : vector<1x128xf32> to vector<1x128xf32>
    %broadcast_in_dim3A_108 = vector.broadcast %broadcast_in_dim3A_107 : vector<1x128xf32> to vector<2560x128xf32>
    %select_n3A_109 = arith.select %broadcast_in_dim3A_104, %broadcast_in_dim3A_106, %broadcast_in_dim3A_108 : vector<2560x128xi1>, vector<2560x128xf32>
    %add3A_110 = arith.addf %add3A_96, %select_n3A_109 : vector<2560x128xf32>
    %slice3A_111 = vector.extract_strided_slice %get3A_1 {offsets = [0, 8], sizes = [2560, 1], strides = [1, 1]} : vector<2560x16xi32> to vector<2560x1xi32>
    %eq3A_112 = arith.constant 0 : i32
    %eq3A_113 = vector.broadcast %eq3A_112 : i32 to vector<2560x1xi32>
    %eq3A_114 = arith.cmpi eq, %slice3A_111, %eq3A_113 : vector<2560x1xi32>
    %slice3A_115 = vector.extract_strided_slice %get3A_4 {offsets = [16, 0], sizes = [1, 128], strides = [1, 1]} : vector<24x128xf32> to vector<1x128xf32>
    %slice3A_116 = vector.extract_strided_slice %get3A_4 {offsets = [17, 0], sizes = [1, 128], strides = [1, 1]} : vector<24x128xf32> to vector<1x128xf32>
    %broadcast_in_dim3A_117 = vector.shape_cast %eq3A_114 : vector<2560x1xi1> to vector<2560x1xi1>
    %broadcast_in_dim3A_118 = vector.broadcast %broadcast_in_dim3A_117 : vector<2560x1xi1> to vector<2560x128xi1>
    %broadcast_in_dim3A_119 = vector.shape_cast %slice3A_115 : vector<1x128xf32> to vector<1x128xf32>
    %broadcast_in_dim3A_120 = vector.broadcast %broadcast_in_dim3A_119 : vector<1x128xf32> to vector<2560x128xf32>
    %broadcast_in_dim3A_121 = vector.shape_cast %slice3A_116 : vector<1x128xf32> to vector<1x128xf32>
    %broadcast_in_dim3A_122 = vector.broadcast %broadcast_in_dim3A_121 : vector<1x128xf32> to vector<2560x128xf32>
    %select_n3A_123 = arith.select %broadcast_in_dim3A_118, %broadcast_in_dim3A_120, %broadcast_in_dim3A_122 : vector<2560x128xi1>, vector<2560x128xf32>
    %add3A_124 = arith.addf %add3A_110, %select_n3A_123 : vector<2560x128xf32>
    %swap3A = arith.constant 0 : index
    %swap3A_125 = arith.constant 0 : index
    %swap3A_126 = vector.load %arg6[%swap3A, %swap3A_125] : memref<2560x128xf32, #tpu.memory_space<vmem>>, vector<2560x128xf32>
    tpu.vector_store %arg6[%swap3A, %swap3A_125], %add3A_124 {strides = array<i32>} : memref<2560x128xf32, #tpu.memory_space<vmem>>, vector<2560x128xf32>,
    %get3A_127 = arith.constant 0 : index
    %get3A_128 = arith.constant 0 : index
    %get3A_129 = vector.load %arg3[%get3A_127, %get3A_128] : memref<128x128xf32, #tpu.memory_space<vmem>>, vector<128x128xf32>
    %convert_element_type3A = arith.truncf %add3A_124 : vector<2560x128xf32> to vector<2560x128xbf16>
    %convert_element_type3A_130 = arith.truncf %get3A_129 : vector<128x128xf32> to vector<128x128xbf16>
    %dot_general3A = arith.constant dense<0.000000e+00> : vector<2560x128xf32>
    %dot_general3A_131 = tpu.matmul %convert_element_type3A, %convert_element_type3A_130, %dot_general3A {dimension_numbers = #tpu.dot_dimension_numbers<[1], [0], [0], [1], [0, 0, 1, 1], [], []>, transpose_lhs_hint = false} : vector<2560x128xbf16>, vector<128x128xbf16>, vector<2560x128xf32> -> vector<2560x128xf32>
    %get3A_132 = arith.constant 0 : index
    %get3A_133 = arith.constant 0 : index
    %get3A_134 = vector.load %arg4[%get3A_132, %get3A_133] : memref<1x128xf32, #tpu.memory_space<vmem>>, vector<1x128xf32>
    %add3A_135 = vector.broadcast %get3A_134 : vector<1x128xf32> to vector<2560x128xf32>
    %add3A_136 = arith.addf %dot_general3A_131, %add3A_135 : vector<2560x128xf32>
    %swap3A_137 = arith.constant 0 : index
    %swap3A_138 = arith.constant 0 : index
    %swap3A_139 = vector.load %arg7[%swap3A_137, %swap3A_138] : memref<2560x128xf32, #tpu.memory_space<vmem>>, vector<2560x128xf32>
    tpu.vector_store %arg7[%swap3A_137, %swap3A_138], %add3A_136 {strides = array<i32>} : memref<2560x128xf32, #tpu.memory_space<vmem>>, vector<2560x128xf32>,
    %get3A_140 = arith.constant 0 : index
    %get3A_141 = arith.constant 0 : index
    %get3A_142 = vector.load %arg5[%get3A_140, %get3A_141] : memref<128x128xf32, #tpu.memory_space<vmem>>, vector<128x128xf32>
    %convert_element_type3A_143 = arith.truncf %add3A_124 : vector<2560x128xf32> to vector<2560x128xbf16>
    %convert_element_type3A_144 = arith.truncf %get3A_142 : vector<128x128xf32> to vector<128x128xbf16>
    %dot_general3A_145 = arith.constant dense<0.000000e+00> : vector<2560x128xf32>
    %dot_general3A_146 = tpu.matmul %convert_element_type3A_143, %convert_element_type3A_144, %dot_general3A_145 {dimension_numbers = #tpu.dot_dimension_numbers<[1], [0], [0], [1], [0, 0, 1, 1], [], []>, transpose_lhs_hint = false} : vector<2560x128xbf16>, vector<128x128xbf16>, vector<2560x128xf32> -> vector<2560x128xf32>
    %swap3A_147 = arith.constant 0 : index
    %swap3A_148 = arith.constant 0 : index
    %swap3A_149 = vector.load %arg8[%swap3A_147, %swap3A_148] : memref<2560x128xf32, #tpu.memory_space<vmem>>, vector<2560x128xf32>
    tpu.vector_store %arg8[%swap3A_147, %swap3A_148], %dot_general3A_146 {strides = array<i32>} : memref<2560x128xf32, #tpu.memory_space<vmem>>, vector<2560x128xf32>,
    return
  }
  func.func @transform_0(%arg0: i32) -> (i32, i32) {
    %c0_i32 = arith.constant 0 : i32
    %c0_i32_0 = arith.constant 0 : i32
    return %arg0, %c0_i32 : i32, i32
  }
  func.func @transform_1(%arg0: i32) -> (i32, i32) {
    %c0_i32 = arith.constant 0 : i32
    %c0_i32_0 = arith.constant 0 : i32
    %c0_i32_1 = arith.constant 0 : i32
    return %c0_i32, %c0_i32_0 : i32, i32
  }
  func.func @transform_2(%arg0: i32) -> (i32, i32) {
    %c0_i32 = arith.constant 0 : i32
    %c0_i32_0 = arith.constant 0 : i32
    %c0_i32_1 = arith.constant 0 : i32
    return %c0_i32, %c0_i32_0 : i32, i32
  }
  func.func @transform_3(%arg0: i32) -> (i32, i32) {
    %c0_i32 = arith.constant 0 : i32
    %c0_i32_0 = arith.constant 0 : i32
    %c0_i32_1 = arith.constant 0 : i32
    return %c0_i32, %c0_i32_0 : i32, i32
  }
  func.func @transform_4(%arg0: i32) -> (i32, i32) {
    %c0_i32 = arith.constant 0 : i32
    %c0_i32_0 = arith.constant 0 : i32
    %c0_i32_1 = arith.constant 0 : i32
    return %c0_i32, %c0_i32_0 : i32, i32
  }
  func.func @transform_5(%arg0: i32) -> (i32, i32) {
    %c0_i32 = arith.constant 0 : i32
    %c0_i32_0 = arith.constant 0 : i32
    return %arg0, %c0_i32 : i32, i32
  }
  func.func @transform_6(%arg0: i32) -> (i32, i32) {
    %c0_i32 = arith.constant 0 : i32
    %c0_i32_0 = arith.constant 0 : i32
    return %arg0, %c0_i32 : i32, i32
  }
  func.func @transform_7(%arg0: i32) -> (i32, i32) {
    %c0_i32 = arith.constant 0 : i32
    %c0_i32_0 = arith.constant 0 : i32
    return %arg0, %c0_i32 : i32, i32
  }
}

module attributes {stable_mosaic.version = 14 : i64} {
  func.func @body(%arg0: memref<2x5120x128xf32, #tpu.memory_space<vmem>>, %arg1: memref<2x10240x128xf32, #tpu.memory_space<vmem>>, %arg2: memref<5120x128xf32, #tpu.memory_space<vmem>>, %arg3: memref<10240x128xf32, #tpu.memory_space<vmem>>) attributes {dimension_semantics = [], scalar_prefetch = 0 : i64, scratch_operands = 0 : i64, tpu.core_type = #tpu.core_type<tc>} {
    %get3A = arith.constant 0 : index
    %get3A_0 = arith.constant 0 : index
    %get3A_1 = arith.constant 0 : index
    %get3A_2 = vector.load %arg0[%get3A, %get3A_0, %get3A_1] : memref<2x5120x128xf32, #tpu.memory_space<vmem>>, vector<1x5120x1xf32>
    %get3A_3 = vector.shape_cast %get3A_2 : vector<1x5120x1xf32> to vector<5120x1xf32>
    %get3A_4 = arith.constant 1 : index
    %get3A_5 = arith.constant 0 : index
    %get3A_6 = arith.constant 0 : index
    %get3A_7 = vector.load %arg0[%get3A_4, %get3A_5, %get3A_6] : memref<2x5120x128xf32, #tpu.memory_space<vmem>>, vector<1x5120x1xf32>
    %get3A_8 = vector.shape_cast %get3A_7 : vector<1x5120x1xf32> to vector<5120x1xf32>
    %add3A = arith.addf %get3A_3, %get3A_8 : vector<5120x1xf32>
    %jit3A = arith.constant 1.000000e+00 : f32
    %max3A = vector.broadcast %jit3A : f32 to vector<5120x1xf32>
    %max3A_9 = arith.maximumf %max3A, %add3A : vector<5120x1xf32>
    %broadcast_in_dim3A = vector.shape_cast %max3A_9 : vector<5120x1xf32> to vector<5120x1xf32>
    %broadcast_in_dim3A_10 = vector.broadcast %broadcast_in_dim3A : vector<5120x1xf32> to vector<5120x128xf32>
    %swap3A = arith.constant 0 : index
    %swap3A_11 = arith.constant 0 : index
    %swap3A_12 = vector.load %arg2[%swap3A, %swap3A_11] : memref<5120x128xf32, #tpu.memory_space<vmem>>, vector<5120x128xf32>
    tpu.vector_store %arg2[%swap3A, %swap3A_11], %broadcast_in_dim3A_10 {strides = array<i32>} : memref<5120x128xf32, #tpu.memory_space<vmem>>, vector<5120x128xf32>,
    %get3A_13 = arith.constant 0 : index
    %get3A_14 = arith.constant 0 : index
    %get3A_15 = arith.constant 0 : index
    %get3A_16 = vector.load %arg1[%get3A_13, %get3A_14, %get3A_15] : memref<2x10240x128xf32, #tpu.memory_space<vmem>>, vector<1x10240x1xf32>
    %get3A_17 = vector.shape_cast %get3A_16 : vector<1x10240x1xf32> to vector<10240x1xf32>
    %get3A_18 = arith.constant 1 : index
    %get3A_19 = arith.constant 0 : index
    %get3A_20 = arith.constant 0 : index
    %get3A_21 = vector.load %arg1[%get3A_18, %get3A_19, %get3A_20] : memref<2x10240x128xf32, #tpu.memory_space<vmem>>, vector<1x10240x1xf32>
    %get3A_22 = vector.shape_cast %get3A_21 : vector<1x10240x1xf32> to vector<10240x1xf32>
    %add3A_23 = arith.addf %get3A_17, %get3A_22 : vector<10240x1xf32>
    %broadcast_in_dim3A_24 = vector.shape_cast %add3A_23 : vector<10240x1xf32> to vector<10240x1xf32>
    %broadcast_in_dim3A_25 = vector.broadcast %broadcast_in_dim3A_24 : vector<10240x1xf32> to vector<10240x128xf32>
    %swap3A_26 = arith.constant 0 : index
    %swap3A_27 = arith.constant 0 : index
    %swap3A_28 = vector.load %arg3[%swap3A_26, %swap3A_27] : memref<10240x128xf32, #tpu.memory_space<vmem>>, vector<10240x128xf32>
    tpu.vector_store %arg3[%swap3A_26, %swap3A_27], %broadcast_in_dim3A_25 {strides = array<i32>} : memref<10240x128xf32, #tpu.memory_space<vmem>>, vector<10240x128xf32>,
    return
  }
}

module attributes {stable_mosaic.version = 14 : i64} {
  func.func @body(%arg0: i32, %arg1: memref<2x2560x128xf32, #tpu.memory_space<vmem>>, %arg2: memref<2560x128xf32, #tpu.memory_space<vmem>>, %arg3: memref<128x128xf32, #tpu.memory_space<vmem>>, %arg4: memref<2560x128xf32, #tpu.memory_space<vmem>>) attributes {dimension_semantics = [#tpu.dimension_semantics<arbitrary>], iteration_bounds = array<i64: 2>, scalar_prefetch = 0 : i64, scratch_operands = 0 : i64, tpu.core_type = #tpu.core_type<tc>, window_params = [{transform_indices = @transform_0, window_bounds = array<i64: 2, 2560, 128>}, {transform_indices = @transform_1, window_bounds = array<i64: 2560, 128>}, {pipeline_mode = #tpu.pipeline_mode<synchronous>, transform_indices = @transform_2, window_bounds = array<i64: 128, 128>}, {transform_indices = @transform_3, window_bounds = array<i64: 2560, 128>}]} {
    %get3A = arith.constant 0 : index
    %get3A_0 = arith.constant 0 : index
    %get3A_1 = arith.constant 0 : index
    %get3A_2 = vector.load %arg1[%get3A, %get3A_0, %get3A_1] : memref<2x2560x128xf32, #tpu.memory_space<vmem>>, vector<1x2560x128xf32>
    %get3A_3 = vector.shape_cast %get3A_2 : vector<1x2560x128xf32> to vector<2560x128xf32>
    %get3A_4 = arith.constant 1 : index
    %get3A_5 = arith.constant 0 : index
    %get3A_6 = arith.constant 0 : index
    %get3A_7 = vector.load %arg1[%get3A_4, %get3A_5, %get3A_6] : memref<2x2560x128xf32, #tpu.memory_space<vmem>>, vector<1x2560x128xf32>
    %get3A_8 = vector.shape_cast %get3A_7 : vector<1x2560x128xf32> to vector<2560x128xf32>
    %add3A = arith.addf %get3A_3, %get3A_8 : vector<2560x128xf32>
    %get3A_9 = arith.constant 0 : index
    %get3A_10 = arith.constant 0 : index
    %get3A_11 = vector.load %arg2[%get3A_9, %get3A_10] : memref<2560x128xf32, #tpu.memory_space<vmem>>, vector<2560x128xf32>
    %div3A = arith.divf %add3A, %get3A_11 : vector<2560x128xf32>
    %get3A_12 = arith.constant 0 : index
    %get3A_13 = arith.constant 0 : index
    %get3A_14 = vector.load %arg3[%get3A_12, %get3A_13] : memref<128x128xf32, #tpu.memory_space<vmem>>, vector<128x128xf32>
    %convert_element_type3A = arith.truncf %div3A : vector<2560x128xf32> to vector<2560x128xbf16>
    %convert_element_type3A_15 = arith.truncf %get3A_14 : vector<128x128xf32> to vector<128x128xbf16>
    %dot_general3A = arith.constant dense<0.000000e+00> : vector<2560x128xf32>
    %dot_general3A_16 = tpu.matmul %convert_element_type3A, %convert_element_type3A_15, %dot_general3A {dimension_numbers = #tpu.dot_dimension_numbers<[1], [0], [0], [1], [0, 0, 1, 1], [], []>, transpose_lhs_hint = false} : vector<2560x128xbf16>, vector<128x128xbf16>, vector<2560x128xf32> -> vector<2560x128xf32>
    %swap3A = arith.constant 0 : index
    %swap3A_17 = arith.constant 0 : index
    %swap3A_18 = vector.load %arg4[%swap3A, %swap3A_17] : memref<2560x128xf32, #tpu.memory_space<vmem>>, vector<2560x128xf32>
    tpu.vector_store %arg4[%swap3A, %swap3A_17], %dot_general3A_16 {strides = array<i32>} : memref<2560x128xf32, #tpu.memory_space<vmem>>, vector<2560x128xf32>,
    return
  }
  func.func @transform_0(%arg0: i32) -> (i32, i32, i32) {
    %c0_i32 = arith.constant 0 : i32
    %c0_i32_0 = arith.constant 0 : i32
    %c0_i32_1 = arith.constant 0 : i32
    return %c0_i32, %arg0, %c0_i32_0 : i32, i32, i32
  }
  func.func @transform_1(%arg0: i32) -> (i32, i32) {
    %c0_i32 = arith.constant 0 : i32
    %c0_i32_0 = arith.constant 0 : i32
    return %arg0, %c0_i32 : i32, i32
  }
  func.func @transform_2(%arg0: i32) -> (i32, i32) {
    %c0_i32 = arith.constant 0 : i32
    %c0_i32_0 = arith.constant 0 : i32
    %c0_i32_1 = arith.constant 0 : i32
    return %c0_i32, %c0_i32_0 : i32, i32
  }
  func.func @transform_3(%arg0: i32) -> (i32, i32) {
    %c0_i32 = arith.constant 0 : i32
    %c0_i32_0 = arith.constant 0 : i32
    return %arg0, %c0_i32 : i32, i32
  }
}

module attributes {stable_mosaic.version = 14 : i64} {
  func.func @body(%arg0: i32, %arg1: memref<2560x128xf32, #tpu.memory_space<vmem>>, %arg2: memref<2x2560x128xf32, #tpu.memory_space<vmem>>, %arg3: memref<2560x128xf32, #tpu.memory_space<vmem>>, %arg4: memref<2560x128xf32, #tpu.memory_space<vmem>>, %arg5: memref<1x128xf32, #tpu.memory_space<vmem>>, %arg6: memref<128x128xf32, #tpu.memory_space<vmem>>, %arg7: memref<1x128xf32, #tpu.memory_space<vmem>>, %arg8: memref<128x128xf32, #tpu.memory_space<vmem>>, %arg9: memref<1x128xf32, #tpu.memory_space<vmem>>, %arg10: memref<128x128xf32, #tpu.memory_space<vmem>>, %arg11: memref<2560x128xf32, #tpu.memory_space<vmem>>, %arg12: memref<2560x128xf32, #tpu.memory_space<vmem>>) attributes {dimension_semantics = [#tpu.dimension_semantics<arbitrary>], iteration_bounds = array<i64: 4>, scalar_prefetch = 0 : i64, scratch_operands = 0 : i64, tpu.core_type = #tpu.core_type<tc>, window_params = [{transform_indices = @transform_0, window_bounds = array<i64: 2560, 128>}, {transform_indices = @transform_1, window_bounds = array<i64: 2, 2560, 128>}, {transform_indices = @transform_2, window_bounds = array<i64: 2560, 128>}, {transform_indices = @transform_3, window_bounds = array<i64: 2560, 128>}, {pipeline_mode = #tpu.pipeline_mode<synchronous>, transform_indices = @transform_4, window_bounds = array<i64: 1, 128>}, {pipeline_mode = #tpu.pipeline_mode<synchronous>, transform_indices = @transform_5, window_bounds = array<i64: 128, 128>}, {pipeline_mode = #tpu.pipeline_mode<synchronous>, transform_indices = @transform_6, window_bounds = array<i64: 1, 128>}, {pipeline_mode = #tpu.pipeline_mode<synchronous>, transform_indices = @transform_7, window_bounds = array<i64: 128, 128>}, {pipeline_mode = #tpu.pipeline_mode<synchronous>, transform_indices = @transform_8, window_bounds = array<i64: 1, 128>}, {pipeline_mode = #tpu.pipeline_mode<synchronous>, transform_indices = @transform_9, window_bounds = array<i64: 128, 128>}, {transform_indices = @transform_10, window_bounds = array<i64: 2560, 128>}, {transform_indices = @transform_11, window_bounds = array<i64: 2560, 128>}]} {
    %get3A = arith.constant 0 : index
    %get3A_0 = arith.constant 0 : index
    %get3A_1 = vector.load %arg3[%get3A, %get3A_0] : memref<2560x128xf32, #tpu.memory_space<vmem>>, vector<2560x128xf32>
    %get3A_2 = arith.constant 0 : index
    %get3A_3 = arith.constant 0 : index
    %get3A_4 = vector.load %arg1[%get3A_2, %get3A_3] : memref<2560x128xf32, #tpu.memory_space<vmem>>, vector<2560x128xf32>
    %get3A_5 = arith.constant 0 : index
    %get3A_6 = arith.constant 0 : index
    %get3A_7 = vector.load %arg5[%get3A_5, %get3A_6] : memref<1x128xf32, #tpu.memory_space<vmem>>, vector<1x128xf32>
    %add3A = vector.broadcast %get3A_7 : vector<1x128xf32> to vector<2560x128xf32>
    %add3A_8 = arith.addf %get3A_4, %add3A : vector<2560x128xf32>
    %get3A_9 = arith.constant 0 : index
    %get3A_10 = arith.constant 0 : index
    %get3A_11 = arith.constant 0 : index
    %get3A_12 = vector.load %arg2[%get3A_9, %get3A_10, %get3A_11] : memref<2x2560x128xf32, #tpu.memory_space<vmem>>, vector<1x2560x128xf32>
    %get3A_13 = vector.shape_cast %get3A_12 : vector<1x2560x128xf32> to vector<2560x128xf32>
    %get3A_14 = arith.constant 1 : index
    %get3A_15 = arith.constant 0 : index
    %get3A_16 = arith.constant 0 : index
    %get3A_17 = vector.load %arg2[%get3A_14, %get3A_15, %get3A_16] : memref<2x2560x128xf32, #tpu.memory_space<vmem>>, vector<1x2560x128xf32>
    %get3A_18 = vector.shape_cast %get3A_17 : vector<1x2560x128xf32> to vector<2560x128xf32>
    %add3A_19 = arith.addf %get3A_13, %get3A_18 : vector<2560x128xf32>
    %jit3A = arith.constant 1.000000e+00 : f32
    %max3A = vector.broadcast %jit3A : f32 to vector<2560x128xf32>
    %max3A_20 = arith.maximumf %max3A, %get3A_1 : vector<2560x128xf32>
    %div3A = arith.divf %add3A_19, %max3A_20 : vector<2560x128xf32>
    %add3A_21 = arith.addf %add3A_8, %div3A : vector<2560x128xf32>
    %gt3A = arith.constant 0.000000e+00 : f32
    %gt3A_22 = vector.broadcast %gt3A : f32 to vector<2560x128xf32>
    %gt3A_23 = arith.cmpf ogt, %get3A_1, %gt3A_22 : vector<2560x128xf32>
    %jit3A_24 = arith.constant 0.000000e+00 : f32
    %broadcast_in_dim3A = vector.broadcast %jit3A_24 : f32 to vector<2560x128xf32>
    %select_n3A = arith.select %gt3A_23, %add3A_21, %broadcast_in_dim3A : vector<2560x128xi1>, vector<2560x128xf32>
    %mul3A = arith.constant 5.000000e-01 : f32
    %mul3A_25 = vector.broadcast %mul3A : f32 to vector<2560x128xf32>
    %mul3A_26 = arith.mulf %mul3A_25, %select_n3A : vector<2560x128xf32>
    %get3A_27 = arith.constant 0 : index
    %get3A_28 = arith.constant 0 : index
    %get3A_29 = vector.load %arg4[%get3A_27, %get3A_28] : memref<2560x128xf32, #tpu.memory_space<vmem>>, vector<2560x128xf32>
    %mul3A_30 = arith.constant 5.000000e-01 : f32
    %mul3A_31 = vector.broadcast %mul3A_30 : f32 to vector<2560x128xf32>
    %mul3A_32 = arith.mulf %mul3A_31, %get3A_29 : vector<2560x128xf32>
    %add3A_33 = arith.addf %mul3A_26, %mul3A_32 : vector<2560x128xf32>
    %get3A_34 = arith.constant 0 : index
    %get3A_35 = arith.constant 0 : index
    %get3A_36 = vector.load %arg6[%get3A_34, %get3A_35] : memref<128x128xf32, #tpu.memory_space<vmem>>, vector<128x128xf32>
    %convert_element_type3A = arith.truncf %add3A_33 : vector<2560x128xf32> to vector<2560x128xbf16>
    %convert_element_type3A_37 = arith.truncf %get3A_36 : vector<128x128xf32> to vector<128x128xbf16>
    %dot_general3A = arith.constant dense<0.000000e+00> : vector<2560x128xf32>
    %dot_general3A_38 = tpu.matmul %convert_element_type3A, %convert_element_type3A_37, %dot_general3A {dimension_numbers = #tpu.dot_dimension_numbers<[1], [0], [0], [1], [0, 0, 1, 1], [], []>, transpose_lhs_hint = false} : vector<2560x128xbf16>, vector<128x128xbf16>, vector<2560x128xf32> -> vector<2560x128xf32>
    %get3A_39 = arith.constant 0 : index
    %get3A_40 = arith.constant 0 : index
    %get3A_41 = vector.load %arg7[%get3A_39, %get3A_40] : memref<1x128xf32, #tpu.memory_space<vmem>>, vector<1x128xf32>
    %add3A_42 = vector.broadcast %get3A_41 : vector<1x128xf32> to vector<2560x128xf32>
    %add3A_43 = arith.addf %dot_general3A_38, %add3A_42 : vector<2560x128xf32>
    %max3A_44 = arith.constant 0.000000e+00 : f32
    %max3A_45 = vector.broadcast %max3A_44 : f32 to vector<2560x128xf32>
    %max3A_46 = arith.maximumf %add3A_43, %max3A_45 : vector<2560x128xf32>
    %get3A_47 = arith.constant 0 : index
    %get3A_48 = arith.constant 0 : index
    %get3A_49 = vector.load %arg8[%get3A_47, %get3A_48] : memref<128x128xf32, #tpu.memory_space<vmem>>, vector<128x128xf32>
    %convert_element_type3A_50 = arith.truncf %max3A_46 : vector<2560x128xf32> to vector<2560x128xbf16>
    %convert_element_type3A_51 = arith.truncf %get3A_49 : vector<128x128xf32> to vector<128x128xbf16>
    %dot_general3A_52 = arith.constant dense<0.000000e+00> : vector<2560x128xf32>
    %dot_general3A_53 = tpu.matmul %convert_element_type3A_50, %convert_element_type3A_51, %dot_general3A_52 {dimension_numbers = #tpu.dot_dimension_numbers<[1], [0], [0], [1], [0, 0, 1, 1], [], []>, transpose_lhs_hint = false} : vector<2560x128xbf16>, vector<128x128xbf16>, vector<2560x128xf32> -> vector<2560x128xf32>
    %get3A_54 = arith.constant 0 : index
    %get3A_55 = arith.constant 0 : index
    %get3A_56 = vector.load %arg9[%get3A_54, %get3A_55] : memref<1x128xf32, #tpu.memory_space<vmem>>, vector<1x128xf32>
    %add3A_57 = vector.broadcast %get3A_56 : vector<1x128xf32> to vector<2560x128xf32>
    %add3A_58 = arith.addf %dot_general3A_53, %add3A_57 : vector<2560x128xf32>
    %swap3A = arith.constant 0 : index
    %swap3A_59 = arith.constant 0 : index
    %swap3A_60 = vector.load %arg11[%swap3A, %swap3A_59] : memref<2560x128xf32, #tpu.memory_space<vmem>>, vector<2560x128xf32>
    tpu.vector_store %arg11[%swap3A, %swap3A_59], %add3A_58 {strides = array<i32>} : memref<2560x128xf32, #tpu.memory_space<vmem>>, vector<2560x128xf32>,
    %get3A_61 = arith.constant 0 : index
    %get3A_62 = arith.constant 0 : index
    %get3A_63 = vector.load %arg10[%get3A_61, %get3A_62] : memref<128x128xf32, #tpu.memory_space<vmem>>, vector<128x128xf32>
    %convert_element_type3A_64 = arith.truncf %max3A_46 : vector<2560x128xf32> to vector<2560x128xbf16>
    %convert_element_type3A_65 = arith.truncf %get3A_63 : vector<128x128xf32> to vector<128x128xbf16>
    %dot_general3A_66 = arith.constant dense<0.000000e+00> : vector<2560x128xf32>
    %dot_general3A_67 = tpu.matmul %convert_element_type3A_64, %convert_element_type3A_65, %dot_general3A_66 {dimension_numbers = #tpu.dot_dimension_numbers<[1], [0], [0], [1], [0, 0, 1, 1], [], []>, transpose_lhs_hint = false} : vector<2560x128xbf16>, vector<128x128xbf16>, vector<2560x128xf32> -> vector<2560x128xf32>
    %swap3A_68 = arith.constant 0 : index
    %swap3A_69 = arith.constant 0 : index
    %swap3A_70 = vector.load %arg12[%swap3A_68, %swap3A_69] : memref<2560x128xf32, #tpu.memory_space<vmem>>, vector<2560x128xf32>
    tpu.vector_store %arg12[%swap3A_68, %swap3A_69], %dot_general3A_67 {strides = array<i32>} : memref<2560x128xf32, #tpu.memory_space<vmem>>, vector<2560x128xf32>,
    return
  }
  func.func @transform_0(%arg0: i32) -> (i32, i32) {
    %c0_i32 = arith.constant 0 : i32
    %c0_i32_0 = arith.constant 0 : i32
    return %arg0, %c0_i32 : i32, i32
  }
  func.func @transform_1(%arg0: i32) -> (i32, i32, i32) {
    %c0_i32 = arith.constant 0 : i32
    %c0_i32_0 = arith.constant 0 : i32
    %c0_i32_1 = arith.constant 0 : i32
    return %c0_i32, %arg0, %c0_i32_0 : i32, i32, i32
  }
  func.func @transform_2(%arg0: i32) -> (i32, i32) {
    %c0_i32 = arith.constant 0 : i32
    %c0_i32_0 = arith.constant 0 : i32
    return %arg0, %c0_i32 : i32, i32
  }
  func.func @transform_3(%arg0: i32) -> (i32, i32) {
    %c0_i32 = arith.constant 0 : i32
    %c0_i32_0 = arith.constant 0 : i32
    return %arg0, %c0_i32 : i32, i32
  }
  func.func @transform_4(%arg0: i32) -> (i32, i32) {
    %c0_i32 = arith.constant 0 : i32
    %c0_i32_0 = arith.constant 0 : i32
    %c0_i32_1 = arith.constant 0 : i32
    return %c0_i32, %c0_i32_0 : i32, i32
  }
  func.func @transform_5(%arg0: i32) -> (i32, i32) {
    %c0_i32 = arith.constant 0 : i32
    %c0_i32_0 = arith.constant 0 : i32
    %c0_i32_1 = arith.constant 0 : i32
    return %c0_i32, %c0_i32_0 : i32, i32
  }
  func.func @transform_6(%arg0: i32) -> (i32, i32) {
    %c0_i32 = arith.constant 0 : i32
    %c0_i32_0 = arith.constant 0 : i32
    %c0_i32_1 = arith.constant 0 : i32
    return %c0_i32, %c0_i32_0 : i32, i32
  }
  func.func @transform_7(%arg0: i32) -> (i32, i32) {
    %c0_i32 = arith.constant 0 : i32
    %c0_i32_0 = arith.constant 0 : i32
    %c0_i32_1 = arith.constant 0 : i32
    return %c0_i32, %c0_i32_0 : i32, i32
  }
  func.func @transform_8(%arg0: i32) -> (i32, i32) {
    %c0_i32 = arith.constant 0 : i32
    %c0_i32_0 = arith.constant 0 : i32
    %c0_i32_1 = arith.constant 0 : i32
    return %c0_i32, %c0_i32_0 : i32, i32
  }
  func.func @transform_9(%arg0: i32) -> (i32, i32) {
    %c0_i32 = arith.constant 0 : i32
    %c0_i32_0 = arith.constant 0 : i32
    %c0_i32_1 = arith.constant 0 : i32
    return %c0_i32, %c0_i32_0 : i32, i32
  }
  func.func @transform_10(%arg0: i32) -> (i32, i32) {
    %c0_i32 = arith.constant 0 : i32
    %c0_i32_0 = arith.constant 0 : i32
    return %arg0, %c0_i32 : i32, i32
  }
  func.func @transform_11(%arg0: i32) -> (i32, i32) {
    %c0_i32 = arith.constant 0 : i32
    %c0_i32_0 = arith.constant 0 : i32
    return %arg0, %c0_i32 : i32, i32
  }
}

module attributes {stable_mosaic.version = 14 : i64} {
  func.func @body(%arg0: i32, %arg1: memref<2560x128xf32, #tpu.memory_space<vmem>>, %arg2: memref<2x2560x128xf32, #tpu.memory_space<vmem>>, %arg3: memref<2560x128xf32, #tpu.memory_space<vmem>>, %arg4: memref<2560x128xf32, #tpu.memory_space<vmem>>, %arg5: memref<1x128xf32, #tpu.memory_space<vmem>>, %arg6: memref<128x128xf32, #tpu.memory_space<vmem>>, %arg7: memref<1x128xf32, #tpu.memory_space<vmem>>, %arg8: memref<2560x1xi32, #tpu.memory_space<vmem>>, %arg9: memref<128x128xf32, #tpu.memory_space<vmem>>, %arg10: memref<1x128xf32, #tpu.memory_space<vmem>>, %arg11: memref<128x128xf32, #tpu.memory_space<vmem>>, %arg12: memref<1x128xf32, #tpu.memory_space<vmem>>, %arg13: memref<256x128xf32, #tpu.memory_space<vmem>>, %arg14: memref<256x128xf32, #tpu.memory_space<vmem>>) attributes {dimension_semantics = [#tpu.dimension_semantics<arbitrary>], iteration_bounds = array<i64: 4>, scalar_prefetch = 0 : i64, scratch_operands = 0 : i64, tpu.core_type = #tpu.core_type<tc>, window_params = [{transform_indices = @transform_0, window_bounds = array<i64: 2560, 128>}, {transform_indices = @transform_1, window_bounds = array<i64: 2, 2560, 128>}, {transform_indices = @transform_2, window_bounds = array<i64: 2560, 128>}, {transform_indices = @transform_3, window_bounds = array<i64: 2560, 128>}, {pipeline_mode = #tpu.pipeline_mode<synchronous>, transform_indices = @transform_4, window_bounds = array<i64: 1, 128>}, {pipeline_mode = #tpu.pipeline_mode<synchronous>, transform_indices = @transform_5, window_bounds = array<i64: 128, 128>}, {pipeline_mode = #tpu.pipeline_mode<synchronous>, transform_indices = @transform_6, window_bounds = array<i64: 1, 128>}, {transform_indices = @transform_7, window_bounds = array<i64: 2560, 1>}, {pipeline_mode = #tpu.pipeline_mode<synchronous>, transform_indices = @transform_8, window_bounds = array<i64: 128, 128>}, {pipeline_mode = #tpu.pipeline_mode<synchronous>, transform_indices = @transform_9, window_bounds = array<i64: 1, 128>}, {pipeline_mode = #tpu.pipeline_mode<synchronous>, transform_indices = @transform_10, window_bounds = array<i64: 128, 128>}, {pipeline_mode = #tpu.pipeline_mode<synchronous>, transform_indices = @transform_11, window_bounds = array<i64: 1, 128>}, {pipeline_mode = #tpu.pipeline_mode<synchronous>, transform_indices = @transform_12, window_bounds = array<i64: 256, 128>}, {pipeline_mode = #tpu.pipeline_mode<synchronous>, transform_indices = @transform_13, window_bounds = array<i64: 256, 128>}]} {
    %get3A = arith.constant 0 : index
    %get3A_0 = arith.constant 0 : index
    %get3A_1 = vector.load %arg3[%get3A, %get3A_0] : memref<2560x128xf32, #tpu.memory_space<vmem>>, vector<2560x128xf32>
    %get3A_2 = arith.constant 0 : index
    %get3A_3 = arith.constant 0 : index
    %get3A_4 = vector.load %arg1[%get3A_2, %get3A_3] : memref<2560x128xf32, #tpu.memory_space<vmem>>, vector<2560x128xf32>
    %get3A_5 = arith.constant 0 : index
    %get3A_6 = arith.constant 0 : index
    %get3A_7 = vector.load %arg5[%get3A_5, %get3A_6] : memref<1x128xf32, #tpu.memory_space<vmem>>, vector<1x128xf32>
    %add3A = vector.broadcast %get3A_7 : vector<1x128xf32> to vector<2560x128xf32>
    %add3A_8 = arith.addf %get3A_4, %add3A : vector<2560x128xf32>
    %get3A_9 = arith.constant 0 : index
    %get3A_10 = arith.constant 0 : index
    %get3A_11 = arith.constant 0 : index
    %get3A_12 = vector.load %arg2[%get3A_9, %get3A_10, %get3A_11] : memref<2x2560x128xf32, #tpu.memory_space<vmem>>, vector<1x2560x128xf32>
    %get3A_13 = vector.shape_cast %get3A_12 : vector<1x2560x128xf32> to vector<2560x128xf32>
    %get3A_14 = arith.constant 1 : index
    %get3A_15 = arith.constant 0 : index
    %get3A_16 = arith.constant 0 : index
    %get3A_17 = vector.load %arg2[%get3A_14, %get3A_15, %get3A_16] : memref<2x2560x128xf32, #tpu.memory_space<vmem>>, vector<1x2560x128xf32>
    %get3A_18 = vector.shape_cast %get3A_17 : vector<1x2560x128xf32> to vector<2560x128xf32>
    %add3A_19 = arith.addf %get3A_13, %get3A_18 : vector<2560x128xf32>
    %jit3A = arith.constant 1.000000e+00 : f32
    %max3A = vector.broadcast %jit3A : f32 to vector<2560x128xf32>
    %max3A_20 = arith.maximumf %max3A, %get3A_1 : vector<2560x128xf32>
    %div3A = arith.divf %add3A_19, %max3A_20 : vector<2560x128xf32>
    %add3A_21 = arith.addf %add3A_8, %div3A : vector<2560x128xf32>
    %gt3A = arith.constant 0.000000e+00 : f32
    %gt3A_22 = vector.broadcast %gt3A : f32 to vector<2560x128xf32>
    %gt3A_23 = arith.cmpf ogt, %get3A_1, %gt3A_22 : vector<2560x128xf32>
    %jit3A_24 = arith.constant 0.000000e+00 : f32
    %broadcast_in_dim3A = vector.broadcast %jit3A_24 : f32 to vector<2560x128xf32>
    %select_n3A = arith.select %gt3A_23, %add3A_21, %broadcast_in_dim3A : vector<2560x128xi1>, vector<2560x128xf32>
    %mul3A = arith.constant 5.000000e-01 : f32
    %mul3A_25 = vector.broadcast %mul3A : f32 to vector<2560x128xf32>
    %mul3A_26 = arith.mulf %mul3A_25, %select_n3A : vector<2560x128xf32>
    %get3A_27 = arith.constant 0 : index
    %get3A_28 = arith.constant 0 : index
    %get3A_29 = vector.load %arg4[%get3A_27, %get3A_28] : memref<2560x128xf32, #tpu.memory_space<vmem>>, vector<2560x128xf32>
    %mul3A_30 = arith.constant 5.000000e-01 : f32
    %mul3A_31 = vector.broadcast %mul3A_30 : f32 to vector<2560x128xf32>
    %mul3A_32 = arith.mulf %mul3A_31, %get3A_29 : vector<2560x128xf32>
    %add3A_33 = arith.addf %mul3A_26, %mul3A_32 : vector<2560x128xf32>
    %get3A_34 = arith.constant 0 : index
    %get3A_35 = arith.constant 0 : index
    %get3A_36 = vector.load %arg6[%get3A_34, %get3A_35] : memref<128x128xf32, #tpu.memory_space<vmem>>, vector<128x128xf32>
    %convert_element_type3A = arith.truncf %add3A_33 : vector<2560x128xf32> to vector<2560x128xbf16>
    %convert_element_type3A_37 = arith.truncf %get3A_36 : vector<128x128xf32> to vector<128x128xbf16>
    %dot_general3A = arith.constant dense<0.000000e+00> : vector<2560x128xf32>
    %dot_general3A_38 = tpu.matmul %convert_element_type3A, %convert_element_type3A_37, %dot_general3A {dimension_numbers = #tpu.dot_dimension_numbers<[1], [0], [0], [1], [0, 0, 1, 1], [], []>, transpose_lhs_hint = false} : vector<2560x128xbf16>, vector<128x128xbf16>, vector<2560x128xf32> -> vector<2560x128xf32>
    %get3A_39 = arith.constant 0 : index
    %get3A_40 = arith.constant 0 : index
    %get3A_41 = vector.load %arg7[%get3A_39, %get3A_40] : memref<1x128xf32, #tpu.memory_space<vmem>>, vector<1x128xf32>
    %add3A_42 = vector.broadcast %get3A_41 : vector<1x128xf32> to vector<2560x128xf32>
    %add3A_43 = arith.addf %dot_general3A_38, %add3A_42 : vector<2560x128xf32>
    %max3A_44 = arith.constant 0.000000e+00 : f32
    %max3A_45 = vector.broadcast %max3A_44 : f32 to vector<2560x128xf32>
    %max3A_46 = arith.maximumf %add3A_43, %max3A_45 : vector<2560x128xf32>
    %iota3A = tpu.iota {dimensions = array<i32: 1>} : vector<2560x256xi32>
    %get3A_47 = arith.constant 0 : index
    %get3A_48 = arith.constant 0 : index
    %get3A_49 = vector.load %arg8[%get3A_47, %get3A_48] : memref<2560x1xi32, #tpu.memory_space<vmem>>, vector<2560x1xi32>
    %eq3A = vector.broadcast %get3A_49 : vector<2560x1xi32> to vector<2560x256xi32>
    %eq3A_50 = arith.cmpi eq, %eq3A, %iota3A : vector<2560x256xi32>
    %convert_element_type3A_51 = arith.extui %eq3A_50 : vector<2560x256xi1> to vector<2560x256xi32>
    %convert_element_type3A_52 = arith.sitofp %convert_element_type3A_51 : vector<2560x256xi32> to vector<2560x256xf32>
    %dot_general3A_53 = arith.constant dense<0.000000e+00> : vector<256x128xf32>
    %dot_general3A_54 = tpu.matmul %convert_element_type3A_52, %max3A_46, %dot_general3A_53 {dimension_numbers = #tpu.dot_dimension_numbers<[0], [0], [1], [1], [0, 1, 1, 1], [], []>, precision = #tpu.contract_precision<fp32>, transpose_lhs_hint = false} : vector<2560x256xf32>, vector<2560x128xf32>, vector<256x128xf32> -> vector<256x128xf32>
    %eq3A_55 = arith.constant 0 : i32
    %eq3A_56 = arith.cmpi eq, %arg0, %eq3A_55 : i32
    %convert_element_type3A_57 = arith.extui %eq3A_56 : i1 to i32
    %cond3A = arith.constant 0 : i32
    %cond3A_58 = arith.cmpi ne, %convert_element_type3A_57, %cond3A : i32
    scf.if %cond3A_58 {
      %swap3A = arith.constant 0 : index
      %swap3A_69 = arith.constant 0 : index
      %swap3A_70 = vector.load %arg13[%swap3A, %swap3A_69] : memref<256x128xf32, #tpu.memory_space<vmem>>, vector<256x128xf32>
      tpu.vector_store %arg13[%swap3A, %swap3A_69], %dot_general3A_54 {strides = array<i32>} : memref<256x128xf32, #tpu.memory_space<vmem>>, vector<256x128xf32>,
    } else {
    }
    %gt3A_59 = arith.constant 0 : i32
    %gt3A_60 = arith.cmpi sgt, %arg0, %gt3A_59 : i32
    %convert_element_type3A_61 = arith.extui %gt3A_60 : i1 to i32
    %cond3A_62 = arith.constant 0 : i32
    %cond3A_63 = arith.cmpi ne, %convert_element_type3A_61, %cond3A_62 : i32
    scf.if %cond3A_63 {
      %get3A_69 = arith.constant 0 : index
      %get3A_70 = arith.constant 0 : index
      %get3A_71 = vector.load %arg13[%get3A_69, %get3A_70] : memref<256x128xf32, #tpu.memory_space<vmem>>, vector<256x128xf32>
      %add3A_72 = arith.addf %get3A_71, %dot_general3A_54 : vector<256x128xf32>
      %swap3A = arith.constant 0 : index
      %swap3A_73 = arith.constant 0 : index
      %swap3A_74 = vector.load %arg13[%swap3A, %swap3A_73] : memref<256x128xf32, #tpu.memory_space<vmem>>, vector<256x128xf32>
      tpu.vector_store %arg13[%swap3A, %swap3A_73], %add3A_72 {strides = array<i32>} : memref<256x128xf32, #tpu.memory_space<vmem>>, vector<256x128xf32>,
    } else {
    }
    %eq3A_64 = arith.constant 3 : i32
    %eq3A_65 = arith.cmpi eq, %arg0, %eq3A_64 : i32
    %convert_element_type3A_66 = arith.extui %eq3A_65 : i1 to i32
    %cond3A_67 = arith.constant 0 : i32
    %cond3A_68 = arith.cmpi ne, %convert_element_type3A_66, %cond3A_67 : i32
    scf.if %cond3A_68 {
      %get3A_69 = arith.constant 0 : index
      %get3A_70 = arith.constant 0 : index
      %get3A_71 = vector.load %arg13[%get3A_69, %get3A_70] : memref<256x128xf32, #tpu.memory_space<vmem>>, vector<256x128xf32>
      %get3A_72 = arith.constant 0 : index
      %get3A_73 = arith.constant 0 : index
      %get3A_74 = vector.load %arg9[%get3A_72, %get3A_73] : memref<128x128xf32, #tpu.memory_space<vmem>>, vector<128x128xf32>
      %convert_element_type3A_75 = arith.truncf %get3A_71 : vector<256x128xf32> to vector<256x128xbf16>
      %convert_element_type3A_76 = arith.truncf %get3A_74 : vector<128x128xf32> to vector<128x128xbf16>
      %dot_general3A_77 = arith.constant dense<0.000000e+00> : vector<256x128xf32>
      %dot_general3A_78 = tpu.matmul %convert_element_type3A_75, %convert_element_type3A_76, %dot_general3A_77 {dimension_numbers = #tpu.dot_dimension_numbers<[1], [0], [0], [1], [0, 0, 1, 1], [], []>, transpose_lhs_hint = false} : vector<256x128xbf16>, vector<128x128xbf16>, vector<256x128xf32> -> vector<256x128xf32>
      %get3A_79 = arith.constant 0 : index
      %get3A_80 = arith.constant 0 : index
      %get3A_81 = vector.load %arg10[%get3A_79, %get3A_80] : memref<1x128xf32, #tpu.memory_space<vmem>>, vector<1x128xf32>
      %add3A_82 = vector.broadcast %get3A_81 : vector<1x128xf32> to vector<256x128xf32>
      %add3A_83 = arith.addf %dot_general3A_78, %add3A_82 : vector<256x128xf32>
      %max3A_84 = arith.constant 0.000000e+00 : f32
      %max3A_85 = vector.broadcast %max3A_84 : f32 to vector<256x128xf32>
      %max3A_86 = arith.maximumf %add3A_83, %max3A_85 : vector<256x128xf32>
      %get3A_87 = arith.constant 0 : index
      %get3A_88 = arith.constant 0 : index
      %get3A_89 = vector.load %arg11[%get3A_87, %get3A_88] : memref<128x128xf32, #tpu.memory_space<vmem>>, vector<128x128xf32>
      %convert_element_type3A_90 = arith.truncf %max3A_86 : vector<256x128xf32> to vector<256x128xbf16>
      %convert_element_type3A_91 = arith.truncf %get3A_89 : vector<128x128xf32> to vector<128x128xbf16>
      %dot_general3A_92 = arith.constant dense<0.000000e+00> : vector<256x128xf32>
      %dot_general3A_93 = tpu.matmul %convert_element_type3A_90, %convert_element_type3A_91, %dot_general3A_92 {dimension_numbers = #tpu.dot_dimension_numbers<[1], [0], [0], [1], [0, 0, 1, 1], [], []>, transpose_lhs_hint = false} : vector<256x128xbf16>, vector<128x128xbf16>, vector<256x128xf32> -> vector<256x128xf32>
      %get3A_94 = arith.constant 0 : index
      %get3A_95 = arith.constant 0 : index
      %get3A_96 = vector.load %arg12[%get3A_94, %get3A_95] : memref<1x128xf32, #tpu.memory_space<vmem>>, vector<1x128xf32>
      %add3A_97 = vector.broadcast %get3A_96 : vector<1x128xf32> to vector<256x128xf32>
      %add3A_98 = arith.addf %dot_general3A_93, %add3A_97 : vector<256x128xf32>
      %swap3A = arith.constant 0 : index
      %swap3A_99 = arith.constant 0 : index
      %swap3A_100 = vector.load %arg14[%swap3A, %swap3A_99] : memref<256x128xf32, #tpu.memory_space<vmem>>, vector<256x128xf32>
      tpu.vector_store %arg14[%swap3A, %swap3A_99], %add3A_98 {strides = array<i32>} : memref<256x128xf32, #tpu.memory_space<vmem>>, vector<256x128xf32>,
    } else {
    }
    return
  }
  func.func @transform_0(%arg0: i32) -> (i32, i32) {
    %c0_i32 = arith.constant 0 : i32
    %c0_i32_0 = arith.constant 0 : i32
    return %arg0, %c0_i32 : i32, i32
  }
  func.func @transform_1(%arg0: i32) -> (i32, i32, i32) {
    %c0_i32 = arith.constant 0 : i32
    %c0_i32_0 = arith.constant 0 : i32
    %c0_i32_1 = arith.constant 0 : i32
    return %c0_i32, %arg0, %c0_i32_0 : i32, i32, i32
  }
  func.func @transform_2(%arg0: i32) -> (i32, i32) {
    %c0_i32 = arith.constant 0 : i32
    %c0_i32_0 = arith.constant 0 : i32
    return %arg0, %c0_i32 : i32, i32
  }
  func.func @transform_3(%arg0: i32) -> (i32, i32) {
    %c0_i32 = arith.constant 0 : i32
    %c0_i32_0 = arith.constant 0 : i32
    return %arg0, %c0_i32 : i32, i32
  }
  func.func @transform_4(%arg0: i32) -> (i32, i32) {
    %c0_i32 = arith.constant 0 : i32
    %c0_i32_0 = arith.constant 0 : i32
    %c0_i32_1 = arith.constant 0 : i32
    return %c0_i32, %c0_i32_0 : i32, i32
  }
  func.func @transform_5(%arg0: i32) -> (i32, i32) {
    %c0_i32 = arith.constant 0 : i32
    %c0_i32_0 = arith.constant 0 : i32
    %c0_i32_1 = arith.constant 0 : i32
    return %c0_i32, %c0_i32_0 : i32, i32
  }
  func.func @transform_6(%arg0: i32) -> (i32, i32) {
    %c0_i32 = arith.constant 0 : i32
    %c0_i32_0 = arith.constant 0 : i32
    %c0_i32_1 = arith.constant 0 : i32
    return %c0_i32, %c0_i32_0 : i32, i32
  }
  func.func @transform_7(%arg0: i32) -> (i32, i32) {
    %c0_i32 = arith.constant 0 : i32
    %c0_i32_0 = arith.constant 0 : i32
    return %arg0, %c0_i32 : i32, i32
  }
  func.func @transform_8(%arg0: i32) -> (i32, i32) {
    %c0_i32 = arith.constant 0 : i32
    %c0_i32_0 = arith.constant 0 : i32
    %c0_i32_1 = arith.constant 0 : i32
    return %c0_i32, %c0_i32_0 : i32, i32
  }
  func.func @transform_9(%arg0: i32) -> (i32, i32) {
    %c0_i32 = arith.constant 0 : i32
    %c0_i32_0 = arith.constant 0 : i32
    %c0_i32_1 = arith.constant 0 : i32
    return %c0_i32, %c0_i32_0 : i32, i32
  }
  func.func @transform_10(%arg0: i32) -> (i32, i32) {
    %c0_i32 = arith.constant 0 : i32
    %c0_i32_0 = arith.constant 0 : i32
    %c0_i32_1 = arith.constant 0 : i32
    return %c0_i32, %c0_i32_0 : i32, i32
  }
  func.func @transform_11(%arg0: i32) -> (i32, i32) {
    %c0_i32 = arith.constant 0 : i32
    %c0_i32_0 = arith.constant 0 : i32
    %c0_i32_1 = arith.constant 0 : i32
    return %c0_i32, %c0_i32_0 : i32, i32
  }
  func.func @transform_12(%arg0: i32) -> (i32, i32) {
    %c0_i32 = arith.constant 0 : i32
    %c0_i32_0 = arith.constant 0 : i32
    %c0_i32_1 = arith.constant 0 : i32
    return %c0_i32, %c0_i32_0 : i32, i32
  }
  func.func @transform_13(%arg0: i32) -> (i32, i32) {
    %c0_i32 = arith.constant 0 : i32
    %c0_i32_0 = arith.constant 0 : i32
    %c0_i32_1 = arith.constant 0 : i32
    return %c0_i32, %c0_i32_0 : i32, i32
  }
}

</mosaic_0001>

<sc_bundles>
// kernel: kernel.18.cloned.1.call-start
scs
__scs_entry_jumppad:
0x0: {  	(pc) =	sbr.rel $0x88, $3  }
0x1: {  	(tag) =	ssettag $0x0;
	lr =	simm.s32 $0x1  }
0x2: {  	[smem:$0x3F8A] =	sst lr;
	_ =	strace $0xD0000000  }
0x3: {  	_ = 	snop  }
0x4: {  	_ = 	snop  }
0x5: {  	_ = 	snop  }
0x6: {  	_ = 	snop  }
0x7: {  	_ = 	snop  }
__scs_overlays_trampoline_lowered:
0x8: {  	[smem:$0x3F99] =	sst s0  }
0x9: {  	[smem:$0x3F9A] =	sst s1  }
0xa: {  	[smem:$0x3F9B] =	sst s2  }
0xb: {  	[smem:$0x3F9C] =	sst s3  }
0xc: {  	[smem:$0x3F9D] =	sst s4  }
0xd: {  	[smem:$0x3F9E] =	sst s5  }
0xe: {  	[smem:$0x3F9F] =	sst s6  }
0xf: {  	[smem:$0x3FA0] =	sst s7  }
0x10: {  	[smem:$0x3FA1] =	sst s8  }
0x11: {  	[smem:$0x3FA2] =	sst s9;
	s0 =	simm.s32 @!p0 $0x0  }
0x12: {  	s1 =	sld [smem:$0x3F88];
	s0 =	simm.s32 @p0 $0x1  }
0x13: {  	[smem:$0x3FA3] =	sst s0;
	s0 =	simm.s32 @!p1 $0x0  }
0x14: {  	s2 =	sld [smem:$0x3F87];
	s0 =	simm.s32 @p1 $0x1  }
0x15: {  	[smem:$0x3FA4] =	sst s0;
	s0 =	simm.s32 @!p2 $0x0  }
0x16: {  	s3 =	sld [smem:$0x3FDB];
	s0 =	simm.s32 @p2 $0x1  }
0x17: {  	s4 =	simm.s32 $0x1BF5;
	[smem:$0x3FA6] =	sst s0  }
0x18: {  	s0 =	sld [smem:$0x3F89];
	_ =	swait.ge [sflag:s4], $0x0  }
0x19: {  	s7 =	sld [smem:$0x3F8A]  }
0x1a: {  	s8 =	sadd.s32 $0xFFFFE003, lr  }
0x1b: {  	s9 =	sadd.s32 $0xFFFFFEF7, lr;
	s5 =	simm.s32 $0xFFFFFFFF;
	p2 =	slt.u32 s8, $0xFFFFF086  }
0x1c: {  	p1 =	slt.u32 s9, $0xF7A;
	s5 =	simm.s32 @!p2 $0x0  }
0x1d: {  	s5 =	simm.s32 @p1 $0x1;
	p0 =	seq.s32 s7, s2  }
0x1e: {  	s7 =	smul.u32 @!p0 $0xF7A, s2;
	p2 =	seq.s32 @!p0 s5, $0x0  }
0x1f: {  	s9 =	smul.u32 $0xF7A, s1;
	s8 =	simm.s32 @!p0 $0x1BF5;
	p2 =	por !p2, p0  }
0x20: {  	[sflag:s8] =	ssyncset.s32 @!p0 $0xFFFFF086;
	s6 =	sadd.s32 @!p0 s3, s7;
	s7 =	simm.s32 @!p0 $0x108  }
0x21: {  	s3 =	sadd.s32 s3, s9;
	s6 =	sadd.s32 @!p0 $0x88, s6;
	s7 =	simm.s32 @p2 $0x1082  }
0x22: {  	[simem:s7], [sflag:s8] =	dma.local @!p0 [hbm:s6], $0xF7A  }
0x23: {  	s9 =	sor.u32 $0xD0000000, s2;
	s6 =	simm.s32 $0x108;
	_ =	swait.ge @!p0 [sflag:s8], $0x0  }
0x24: {  	s3 =	sadd.s32 $0x88, s3;
	s6 =	simm.s32 @!p1 $0x1082;
	[sflag:s4] =	ssyncset.s32 $0xFFFFF086  }
0x25: {  	[simem:s6], [sflag:s4] =	dma.local [hbm:s3], $0xF7A  }
0x26: {  	[smem:$0x3F8A] =	sst s1;
	(tag) =	ssettag s2;
	_ =	strace s9  }
0x27: {  	s1 =	sld [smem:$0x3F9A]  }
0x28: {  	s2 =	sld [smem:$0x3F9B]  }
0x29: {  	s4 =	sld [smem:$0x3F9D]  }
0x2a: {  	p0 =	seq.s32 s5, $0x0;
	s5 =	sld [smem:$0x3F9E]  }
0x2b: {  	s6 =	sld [smem:$0x3F9F]  }
0x2c: {  	s7 =	sld [smem:$0x3FA0]  }
0x2d: {  	s3 =	simm.s32 $0x108;
	s8 =	sld [smem:$0x3FA1]  }
0x2e: {  	s3 =	simm.s32 @!p0 $0x1082;
	s9 =	sld [smem:$0x3FA2]  }
0x2f: {  	lr =	sadd.s32 s0, s3;
	s0 =	sld [smem:$0x3F99]  }
0x30: {  	s3 =	sld [smem:$0x3F9C]  }
0x31: {  	[smem:$0x3FA5] =	sst s10  }
0x32: {  	s10 =	sld [smem:$0x3FA3];
	_ =	sdelay $0x3  }
0x33: {  	p0 =	seq.s32 s10, $0x1;
	s10 =	sld [smem:$0x3FA5];
	_ =	sdelay $0x3  }
0x34: {  	[smem:$0x3FA5] =	sst s10  }
0x35: {  	s10 =	sld [smem:$0x3FA4];
	_ =	sdelay $0x3  }
0x36: {  	p1 =	seq.s32 s10, $0x1;
	s10 =	sld [smem:$0x3FA5];
	_ =	sdelay $0x3  }
0x37: {  	[smem:$0x3FA5] =	sst s10  }
0x38: {  	s10 =	sld [smem:$0x3FA6]  }
0x39: {  	_ = 	snop;
	(pc) =	sbr.ind lr, $3  }
0x3a: {  	_ = 	snop  }
0x3b: {  	_ = 	snop  }
0x3c: {  	p2 =	seq.s32 s10, $0x1;
	s10 =	sld [smem:$0x3FA5]  }
0x3d: {  	_ =	shalt  }
0x3e: {  	_ =	shalt  }
0x3f: {  	_ =	shalt  }
0x40: {  	_ =	shalt  }
0x41: {  	_ =	shalt  }
0x42: {  	_ =	shalt  }
0x43: {  	_ =	shalt  }
0x44: {  	_ =	shalt  }
0x45: {  	_ =	shalt  }
0x46: {  	_ =	shalt  }
0x47: {  	_ =	shalt  }
0x48: {  	_ =	shalt  }
0x49: {  	_ =	shalt  }
0x4a: {  	_ =	shalt  }
0x4b: {  	_ =	shalt  }
0x4c: {  	_ =	shalt  }
0x4d: {  	_ =	shalt  }
0x4e: {  	_ =	shalt  }
0x4f: {  	_ =	shalt  }
0x50: {  	_ =	shalt  }
0x51: {  	_ =	shalt  }
0x52: {  	_ =	shalt  }
0x53: {  	_ =	shalt  }
0x54: {  	_ =	shalt  }
0x55: {  	_ =	shalt  }
0x56: {  	_ =	shalt  }
0x57: {  	_ =	shalt  }
0x58: {  	_ =	shalt  }
0x59: {  	_ =	shalt  }
0x5a: {  	_ =	shalt  }
0x5b: {  	_ =	shalt  }
0x5c: {  	_ =	shalt  }
0x5d: {  	_ =	shalt  }
0x5e: {  	_ =	shalt  }
0x5f: {  	_ =	shalt  }
0x60: {  	_ =	shalt  }
0x61: {  	_ =	shalt  }
0x62: {  	_ =	shalt  }
0x63: {  	_ =	shalt  }
0x64: {  	_ =	shalt  }
0x65: {  	_ =	shalt  }
0x66: {  	_ =	shalt  }
0x67: {  	_ =	shalt  }
0x68: {  	_ =	shalt  }
0x69: {  	_ =	shalt  }
0x6a: {  	_ =	shalt  }
0x6b: {  	_ =	shalt  }
0x6c: {  	_ =	shalt  }
0x6d: {  	_ =	shalt  }
0x6e: {  	_ =	shalt  }
0x6f: {  	_ =	shalt  }
0x70: {  	_ =	shalt  }
0x71: {  	_ =	shalt  }
0x72: {  	_ =	shalt  }
0x73: {  	_ =	shalt  }
0x74: {  	_ =	shalt  }
0x75: {  	_ =	shalt  }
0x76: {  	_ =	shalt  }
0x77: {  	_ =	shalt  }
0x78: {  	_ =	shalt  }
0x79: {  	_ =	shalt  }
0x7a: {  	_ =	shalt  }
0x7b: {  	_ =	shalt  }
0x7c: {  	_ =	shalt  }
0x7d: {  	_ =	shalt  }
0x7e: {  	_ =	shalt  }
0x7f: {  	_ =	shalt  }
0x80: {  	_ =	shalt  }
0x81: {  	_ =	shalt  }
0x82: {  	_ =	shalt  }
0x83: {  	_ =	shalt  }
0x84: {  	_ =	shalt  }
0x85: {  	_ =	shalt  }
0x86: {  	_ =	shalt  }
0x87: {  	_ =	shalt  }
.Lfunc_end0:
.L_simem_size_0:
called_computation_lowered:
.L_overlay_start_0:
0x88: {  	s2 =	sld [smem:$0x3FD9]  }
0x89: {  	s3 =	sld [smem:$0x3FFE];
	_ =	sdelay $0x1  }
0x8a: {  	s1 =	srdreg.scid  }
0x8b: {  	s0 =	sand.u32 $0x1, s1  }
0x8c: {  	s16 =	sshll.u32 s0, $0xA;
	s2 =	sadd.s32 s3, s2  }
0x8d: {  	s2 =	sadd.s32 s2, s16  }
0x8e: {  	[smem:$0x3FB1] =	sst s2  }
0x8f: {  	_ = 	snop  }
0x90: {  	(tm) =	ssettm $0x1  }
0x91: {  	s17 =	sld [smem:$0x3FFB];
	_ =	sdelay $0x3  }
0x92: {  	_ =	strace s17  }
0x93: {  	s2 =	sld [smem:$0x3FFC];
	_ =	sdelay $0x3  }
0x94: {  	_ =	strace s2  }
0x95: {  	s2 =	sld [smem:$0x3FFD];
	_ =	sdelay $0x3  }
0x96: {  	_ =	strace s2  }
0x97: {  	_ =	strace $0x8FFFFFFF  }
0x98: {  	s18 =	sld [smem:$0x3FDB];
	_ =	sdelay $0x1  }
0x99: {  	s19 =	simm.s32 $_scs_section_size  }
0x9a: {  	s4 =	simm.s32 $_size__tile_overlayer_lowered;
	s5 =	simm.s32 $_tile_overlayer_lowered  }
0x9b: {  	s22 =	simm.s32 $0x1BFF;
	s21 =	sshll.u32 s5, $0x1;
	s2 =	sadd.s32 s19, s18  }
0x9c: {  	s6 =	simm.s32 $0x0;
	s20 =	sshll.u32 s4, $0x1;
	s4 =	sadd.s32 s21, s2  }
0x9d: {  	[timem:s6], [sflag:s22] =	dma.local [hbm:s4], s20  }
0x9e: {  	_ =	swait.ge [sflag:s22], s20  }
0x9f: {  	s3 =	ssub.s32 $0x0, s20;
	[sflag:s22] =	ssyncset.done $0x0  }
0xa0: {  	[sflag:s22] =	ssyncadd.s32 s3;
	_ =	sdelay $0x1  }
0xa1: {  	s23 =	simm.s32 $0x1B8B  }
0xa2: {  	_ =	swait.ge [sflag:s23], $0x1  }
0xa3: {  	[sflag:s23] =	ssyncset.done $0x0  }
0xa4: {  	s25 =	simm.s32 $0x1B8E;
	s24 =	sld [smem:$0x3FFE];
	[sflag:s23] =	ssyncadd.s32 $0xFFFFFFFF  }
0xa5: {  	s26 =	simm.s32 $execute0_lowered;
	[smem:$0x3FD2] =	sst s25  }
0xa6: {  	s4 =	sshll.u32 s26, $0x1;
	_ =	strace $0x80000046;
	[dreg:$0x1] =	wrdreg $0xFFFFFFFF  }
0xa7: {  	s28 =	simm.s32 $_size_execute0_lowered;
	s2 =	sadd.s32 s2, s4;
	[dreg:$0x0] =	wrdreg $0x0  }
0xa8: {  	s4 =	sshll.u32 s28, $0x1;
	[dreg:$0x2] =	wrdreg s2  }
0xa9: {  	[dreg:$0x3] =	wrdreg s4  }
0xaa: {  	[dreg:$0x4] =	wrdreg $0xC0  }
0xab: {  	_ =	task [dreg:s6], $0x5FFFF  }
0xac: {  	[dreg:$0x1] =	wrdreg $0xFFFFFFFF  }
0xad: {  	[dreg:$0x0] =	wrdreg $0x60  }
0xae: {  	[dreg:$0x2] =	wrdreg s24  }
0xaf: {  	[dreg:$0x3] =	wrdreg $0xA8000  }
0xb0: {  	[dreg:$0x4] =	wrdreg $0x9  }
0xb1: {  	_ =	task.clear_ibuf [dreg:s6], $0x5FFFF;
	_ =	strace $0x90000046  }
0xb2: {  	s29 =	simm.s32 $0x9;
	_ =	strace $0x80000048  }
0xb3: {  	_ =	swait.ge [sflag:s29], $0x1  }
0xb4: {  	[sflag:s29] =	ssyncadd.s32 $0xFFFFFFFF  }
0xb5: {  	_ =	strace $0x90000048  }
0xb6: {  	_ =	sfence  }
0xb7: {  	s30 =	sld [smem:$0x0];
	_ =	sdelay $0x2  }
0xb8: {  	s31 =	sshll.u32 s1, $0xD;
	s1 =	sshrl.u32 s1, $0x2  }
0xb9: {  	s3 =	sand.u32 $0x4000, s31;
	s1 =	sadd.s32 s1, s30  }
0xba: {  	s0 =	sor.u32 s3, s0;
	s1 =	sshll.u32 s1, $0x11  }
0xbb: {  	s0 =	sor.u32 s1, s0  }
0xbc: {  	s0 =	sadd.s32 $0x8F2B, s0  }
0xbd: {  	[sflag:s0] =	ssyncadd.remote.s32 $0x1  }
0xbe: {  	_ =	sfence.sel $0xFFFF  }
0xbf: {  	[dreg:$0x0] =	wrdreg $0xFFFFFFFF;
	(pc) =	sbr.abs _section_cstart, $3  }
0xc0: {  	[dreg:$0x1] =	wrdreg $0xFFFFFFFF  }
0xc1: {  	_ =	task.clear_ibuf [dreg:s6], $0x2FFFF;
	_ =	strace $0x9FFFFFFF  }
0xc2: {  	(tm) =	ssettm $0x7FFFFFFF  }
0xc3: {  	_ =	shalt  }
tec
execute0_lowered:
.L_overlay_start_1:
0x0: {  	(tag) =	ssettag $0x1  }
0x1: {  	s5 =	rddreg [dreg:$0x0]  }
0x2: {  	s1 =	rddreg [dreg:$0x1];
	s2 =	srdreg.scid  }
0x3: {  	s0 =	rddreg [dreg:$0x2];
	s3 =	simm.s32 $0x0;
	s13 =	simm.s32 $0x1400  }
0x4: {  	s14 =	simm.s32 $0x2800;
	s15 =	simm.s32 $0x80;
	s16 =	simm.s32 $0x6800  }
0x5: {  	s17 =	simm.s32 $0x1;
	s18 =	simm.s32 $0x2;
	s19 =	simm.s32 $0x1380  }
0x6: {  	s20 =	simm.s32 $0x2700;
	s21 =	simm.s32 $0x2780;
	s6 =	sand.u32 $0x1, s2  }
0x7: {  	s24 =	simm.s32 $0x0;
	s2 =	stileid.u32;
	s7 =	smul.u32 $0xA0000, s6  }
0x8: {  	[smem:$0x7FF] =	sst s3;
	s4 =	sshll.u32 s6, $0x4;
	s9 =	smul.u32 $0xA000, s2  }
0x9: {  	_ =	strace $0x80000047;
	s6 =	ssub.s32 $0x2, s6;
	s30 =	smul.u32 $0x28000, s2  }
0xa: {  	s22 =	sshll.u32 s2, $0x6;
	s8 =	sor.u32 s2, s4;
	s4 =	sadd.s32 $0x1CC00, s5  }
0xb: {  	s10 =	sshrl.u32 s6, $0x1;
	s8 =	smul.u32 $0x280, s8;
	s7 =	sadd.s32 s9, s7  }
0xc: {  	s22 =	sor.u32 $0x1C03, s22;
	s12 =	ssub.s32 s6, s10;
	s7 =	sshrl.u32 s7, $0x3  }
0xd: {  	s31 =	sshrl.u32 s30, $0x2;
	s8 =	sadd.s32 s8, s5;
	s11 =	sadd.s32 s7, s5  }
0xe: {  	s7 =	sadd.s32 s31, s1;
	s5 =	sadd.s32 $0x8C00, s8;
	s6 =	sadd.s32 $0xDC00, s8  }
0xf: {  	s8 =	sadd.s32 $0x4000, s7;
	s9 =	sadd.s32 $0x8000, s7;
	s10 =	sadd.s32 $0x44C00, s11  }
0x10: {  	v0 =	vimm.f32 $0.0e+00;
	s11 =	smax.u32 s12, $0x1;
	s12 =	simm.s32 $0x3;
	s23 =	sshrl.u32 s7, $0x3  }
.LBB2_1:
0x11: {  	[tilespmem:s3], [sflag:$0x3] =	stream.linear.gather [hbm4b:s5+s3], $0x1400, $0x38;
	[tilespmem:$0x14800] =	vst v63  }
0x12: {  	_ =	swait.ge [sflag:s12], $0x1400  }
0x13: {  	[sflag:s12] =	ssyncset.done $0x0  }
0x14: {  	[sflag:s12] =	ssyncadd.s32 $0xFFFFEC00  }
0x15: {  	[tilespmem:s13], [sflag:$0x3] =	stream.linear.gather [hbm4b:s6+s3], $0x1400, $0x38;
	[tilespmem:$0x14800] =	vst v63  }
0x16: {  	_ =	swait.ge [sflag:s12], $0x1400  }
0x17: {  	[sflag:s12] =	ssyncset.done $0x0  }
0x18: {  	s25 =	simm.s32 $0x0;
	s26 =	simm.s32 $0x200;
	[sflag:s12] =	ssyncadd.s32 $0xFFFFEC00  }
.LBB2_2:
0x19: {  	p0 =	sne.s32 s26, $0xFE00;
	[tilespmem:s25+$0x2870] =	vst v0  }
0x1a: {  	[tilespmem:s25+$0x2800] =	vst v0  }
0x1b: {  	[tilespmem:s25+$0x2810] =	vst v0  }
.Ltmp0:
0x1c: {  	[tilespmem:s25+$0x2820] =	vst v0;
	(pc) =	sbr.rel @p0 .LBB2_2-.Ltmp0, $4  }
0x1d: {  	[tilespmem:s25+$0x2830] =	vst v0  }
0x1e: {  	[tilespmem:s25+$0x2840] =	vst v0  }
0x1f: {  	[tilespmem:s25+$0x2850] =	vst v0  }
0x20: {  	[tilespmem:s25+$0x2860] =	vst v0;
	s25 =	sshra.s32 s26, $0x2;
	s26 =	sadd.s32 $0x200, s26  }
0x21: {  	[tilespmem:s25+$0x2870] =	vst v0  }
0x22: {  	[tilespmem:s25+$0x2800] =	vst v0  }
0x23: {  	[tilespmem:s25+$0x2810] =	vst v0  }
0x24: {  	[tilespmem:s25+$0x2820] =	vst v0  }
0x25: {  	[tilespmem:s25+$0x2830] =	vst v0  }
0x26: {  	[tilespmem:s25+$0x2840] =	vst v0  }
0x27: {  	[tilespmem:s25+$0x2850] =	vst v0  }
0x28: {  	[tilespmem:s25+$0x2860] =	vst v0  }
0x29: {  	[spmem:s7] =	stream.linear.scatter [tilespmem:s14], [sflag:$0x3], $0x4000, $0x38;
	[tilespmem:$0x14800] =	vst v63  }
0x2a: {  	_ =	swait.ge [sflag:s12], $0x4000  }
0x2b: {  	[sflag:s12] =	ssyncset.done $0x0  }
0x2c: {  	[sflag:s12] =	ssyncadd.s32 $0xFFFFC000  }
0x2d: {  	[spmem:s8] =	stream.linear.scatter [tilespmem:s14], [sflag:$0x3], $0x4000, $0x38;
	[tilespmem:$0x14800] =	vst v63  }
0x2e: {  	_ =	swait.ge [sflag:s12], $0x4000  }
0x2f: {  	[sflag:s12] =	ssyncset.done $0x0  }
0x30: {  	[sflag:s12] =	ssyncadd.s32 $0xFFFFC000  }
0x31: {  	[spmem:s9] =	stream.linear.scatter [tilespmem:s14], [sflag:$0x3], $0x2000, $0x38;
	[tilespmem:$0x14800] =	vst v63  }
0x32: {  	_ =	swait.ge [sflag:s12], $0x2000  }
0x33: {  	[sflag:s12] =	ssyncset.done $0x0  }
0x34: {  	[sflag:s12] =	ssyncadd.s32 $0xFFFFE000  }
0x35: {  	s26 =	simm.s32 $0x0;
	[bflag:$0x0] =	sbarrier.arrive $0xFFFF  }
0x36: {  	[tilespmem:s14], [sflag:$0x1] =	stream.indirect.gather [hbm4b:s4+s15], $0x80, s26, s15, $0xb8;
	[tilespmem:$0x14800] =	vst v63  }
0x37: {  	s28 =	simm.s32 $0x80  }
0x38: {  	[tilespmem:s16], [sflag:$0x2] =	stream.indirect.gather [hbm4b:s4+s15], $0x80, s28, s15, $0xb8;
	[tilespmem:$0x14800] =	vst v63  }
0x39: {  	_ =	swait.ge [sflag:s17], $0x4000  }
0x3a: {  	[sflag:s17] =	ssyncset.done $0x0  }
0x3b: {  	s29 =	simm.s32 $0x1400;
	[sflag:s17] =	ssyncadd.s32 $0xFFFFC000  }
0x3c: {  	[spmem:s1] =	stream.indirect.scatter.add.f32 [tilespmem:s14], [sflag:$0x3], $0x80, s29, s15, $0xb8;
	[tilespmem:$0x14800] =	vst v63  }
0x3d: {  	_ =	swait.ge [sflag:s12], $0x4000  }
0x3e: {  	[sflag:s12] =	ssyncset.done $0x0  }
0x3f: {  	s30 =	simm.s32 $0x100;
	[sflag:s12] =	ssyncadd.s32 $0xFFFFC000  }
0x40: {  	[tilespmem:s14], [sflag:$0x1] =	stream.indirect.gather [hbm4b:s4+s15], $0x80, s30, s15, $0xb8;
	[tilespmem:$0x14800] =	vst v63  }
0x41: {  	_ =	swait.ge [sflag:s18], $0x4000  }
0x42: {  	[sflag:s18] =	ssyncset.done $0x0  }
0x43: {  	s31 =	simm.s32 $0x1480;
	[sflag:s18] =	ssyncadd.s32 $0xFFFFC000  }
0x44: {  	[spmem:s1] =	stream.indirect.scatter.add.f32 [tilespmem:s16], [sflag:$0x3], $0x80, s31, s15, $0xb8;
	[tilespmem:$0x14800] =	vst v63  }
0x45: {  	_ =	swait.ge [sflag:s12], $0x4000  }
0x46: {  	s25 =	simm.s32 $0x100;
	s26 =	simm.s32 $0x800;
	[sflag:s12] =	ssyncset.done $0x0  }
.LBB2_4:
0x47: {  	s28 =	sadd.s32 $0x80, s25  }
0x48: {  	[sflag:s12] =	ssyncadd.s32 $0xFFFFC000;
	s29 =	smov.u32 s26;
	s30 =	sadd.s32 $0x400, s26  }
0x49: {  	[tilespmem:s16], [sflag:$0x2] =	stream.indirect.gather [hbm4b:s4+s15], $0x80, s28, s15, $0xb8;
	[tilespmem:$0x14800] =	vst v63  }
0x4a: {  	p0 =	sne.s32 s26, $0x4800;
	_ =	swait.ge [sflag:s17], $0x4000  }
0x4b: {  	[sflag:s17] =	ssyncset.done $0x0  }
0x4c: {  	s26 =	sadd.s32 $0x1400, s25;
	[sflag:s17] =	ssyncadd.s32 $0xFFFFC000  }
0x4d: {  	[spmem:s1] =	stream.indirect.scatter.add.f32 [tilespmem:s14], [sflag:$0x3], $0x80, s26, s15, $0xb8;
	[tilespmem:$0x14800] =	vst v63  }
0x4e: {  	_ =	swait.ge [sflag:s12], $0x4000  }
0x4f: {  	[sflag:s12] =	ssyncset.done $0x0  }
0x50: {  	s26 =	sadd.s32 $0x100, s25;
	[sflag:s12] =	ssyncadd.s32 $0xFFFFC000  }
0x51: {  	[tilespmem:s14], [sflag:$0x1] =	stream.indirect.gather [hbm4b:s4+s15], $0x80, s26, s15, $0xb8;
	[tilespmem:$0x14800] =	vst v63  }
0x52: {  	_ =	swait.ge [sflag:s18], $0x4000  }
.Ltmp1:
0x53: {  	[sflag:s18] =	ssyncset.done $0x0;
	(pc) =	sbr.rel @p0 .LBB2_4-.Ltmp1, $4  }
0x54: {  	s25 =	sadd.s32 $0x1480, s25;
	[sflag:s18] =	ssyncadd.s32 $0xFFFFC000  }
0x55: {  	[spmem:s1] =	stream.indirect.scatter.add.f32 [tilespmem:s16], [sflag:$0x3], $0x80, s25, s15, $0xb8;
	[tilespmem:$0x14800] =	vst v63  }
0x56: {  	_ =	swait.ge [sflag:s12], $0x4000  }
0x57: {  	s26 =	smov.u32 s30;
	s25 =	sshra.s32 s29, $0x2;
	[sflag:s12] =	ssyncset.done $0x0  }
0x58: {  	s26 =	sadd.s32 $0x80, s25;
	[sflag:s12] =	ssyncadd.s32 $0xFFFFC000  }
0x59: {  	[tilespmem:s16], [sflag:$0x2] =	stream.indirect.gather [hbm4b:s4+s15], $0x80, s26, s15, $0xb8;
	[tilespmem:$0x14800] =	vst v63  }
0x5a: {  	_ =	swait.ge [sflag:s17], $0x4000  }
0x5b: {  	[sflag:s17] =	ssyncset.done $0x0  }
0x5c: {  	s29 =	sadd.s32 $0x1400, s25;
	[sflag:s17] =	ssyncadd.s32 $0xFFFFC000  }
0x5d: {  	[spmem:s1] =	stream.indirect.scatter.add.f32 [tilespmem:s14], [sflag:$0x3], $0x80, s29, s15, $0xb8;
	[tilespmem:$0x14800] =	vst v63  }
0x5e: {  	_ =	swait.ge [sflag:s12], $0x4000  }
0x5f: {  	[sflag:s12] =	ssyncset.done $0x0  }
0x60: {  	s30 =	sadd.s32 $0x100, s25;
	[sflag:s12] =	ssyncadd.s32 $0xFFFFC000  }
0x61: {  	[tilespmem:s14], [sflag:$0x1] =	stream.indirect.gather [hbm4b:s4+s15], $0x80, s30, s15, $0xb8;
	[tilespmem:$0x14800] =	vst v63  }
0x62: {  	_ =	swait.ge [sflag:s18], $0x4000  }
0x63: {  	[sflag:s18] =	ssyncset.done $0x0  }
0x64: {  	s31 =	sadd.s32 $0x1480, s25;
	[sflag:s18] =	ssyncadd.s32 $0xFFFFC000  }
0x65: {  	[spmem:s1] =	stream.indirect.scatter.add.f32 [tilespmem:s16], [sflag:$0x3], $0x80, s31, s15, $0xb8;
	[tilespmem:$0x14800] =	vst v63  }
0x66: {  	_ =	swait.ge [sflag:s12], $0x4000  }
0x67: {  	[sflag:s12] =	ssyncset.done $0x0  }
0x68: {  	[sflag:s12] =	ssyncadd.s32 $0xFFFFC000  }
0x69: {  	[tilespmem:s16], [sflag:$0x2] =	stream.indirect.gather [hbm4b:s4+s15], $0x80, s19, s15, $0xb8;
	[tilespmem:$0x14800] =	vst v63  }
0x6a: {  	_ =	swait.ge [sflag:s17], $0x4000  }
0x6b: {  	[sflag:s17] =	ssyncset.done $0x0  }
0x6c: {  	[sflag:s17] =	ssyncadd.s32 $0xFFFFC000  }
0x6d: {  	[spmem:s1] =	stream.indirect.scatter.add.f32 [tilespmem:s14], [sflag:$0x3], $0x80, s20, s15, $0xb8;
	[tilespmem:$0x14800] =	vst v63  }
0x6e: {  	_ =	swait.ge [sflag:s12], $0x4000  }
0x6f: {  	[sflag:s12] =	ssyncset.done $0x0  }
0x70: {  	[sflag:s12] =	ssyncadd.s32 $0xFFFFC000  }
0x71: {  	_ =	swait.ge [sflag:s18], $0x4000  }
0x72: {  	[sflag:s18] =	ssyncset.done $0x0  }
0x73: {  	[sflag:s18] =	ssyncadd.s32 $0xFFFFC000  }
0x74: {  	[spmem:s1] =	stream.indirect.scatter.add.f32 [tilespmem:s16], [sflag:$0x3], $0x80, s21, s15, $0xb8;
	[tilespmem:$0x14800] =	vst v63  }
0x75: {  	_ =	swait.ge [sflag:s12], $0x4000  }
0x76: {  	s24 =	sadd.s32 $0x1, s24;
	[sflag:s12] =	ssyncset.done $0x0  }
0x77: {  	p0 =	sne.s32 s24, s11;
	[sflag:s12] =	ssyncadd.s32 $0xFFFFC000  }
.Ltmp2:
0x78: {  	[bflag:$0x0] =	sbarrier.arrive $0xFFFF;
	(pc) =	sbr.rel @p0 .LBB2_1-.Ltmp2, $4  }
0x79: {  	[hbm:s10], [sflag:s22] =	dma.local [spmem:s23], $0x1400  }
0x7a: {  	_ =	swait.ge [sflag:s12], $0x1400  }
0x7b: {  	[sflag:s12] =	ssyncset.done $0x0  }
0x7c: {  	[sflag:s12] =	ssyncadd.s32 $0xFFFFEC00  }
0x7d: {  	_ =	sfence.sel $0x180000  }
0x7e: {  	[bflag:$0x0] =	sbarrier.arrive $0xFFFF  }
0x7f: {  	p0 =	sne.s32 s2, $0x0;
	_ =	strace $0x90000047  }
0x80: {  	s0 =	sadd.s32 @!p0 $0x100000, s0;
	[bflag:$0x2] =	sbarrier.arrive $0xFFFF  }
0x81: {  	[sflag:s0] =	ssyncadd.tile.s32 @!p0 $0x1;
	_ =	shalt  }
.Lfunc_end2:
_tile_overlayer_lowered:
.L_overlay_start_2:
0x82: {  	(tag) =	ssettag $0x2  }
0x83: {  	s0 =	rddreg [dreg:$0x0];
	s2 =	stileid.u32  }
0x84: {  	s1 =	rddreg [dreg:$0x1];
	p0 =	sne.s32 s2, $0x0  }
0x85: {  	s3 =	rddreg [dreg:$0x2];
	[bflag:$0x3] =	sbarrier.arrive $0xFFFF;
	s2 =	simm.s32 @!p0 $0x1C03  }
0x86: {  	[timem:s3], [sflag:s2] =	dma.local @!p0 [hbm:s0], s1  }
0x87: {  	s0 =	simm.s32 @!p0 $0x3  }
0x88: {  	_ =	swait.ge @!p0 [sflag:s0], s1  }
0x89: {  	s1 =	ssub.s32 @!p0 $0x0, s1;
	[sflag:s0] =	ssyncset.done @!p0 $0x0  }
0x8a: {  	[sflag:s0] =	ssyncadd.s32 @!p0 s1  }
0x8b: {  	[bflag:$0x3] =	sbarrier.arrive $0xFFFF  }
0x8c: {  	_ =	shalt  }

// kernel: kernel.21.cloned.1.call-start
scs
__scs_entry_jumppad:
0x0: {  	(pc) =	sbr.rel $0x88, $3  }
0x1: {  	(tag) =	ssettag $0x0;
	lr =	simm.s32 $0x1  }
0x2: {  	[smem:$0x3F8A] =	sst lr;
	_ =	strace $0xD0000000  }
0x3: {  	_ = 	snop  }
0x4: {  	_ = 	snop  }
0x5: {  	_ = 	snop  }
0x6: {  	_ = 	snop  }
0x7: {  	_ = 	snop  }
__scs_overlays_trampoline_lowered:
0x8: {  	[smem:$0x3F99] =	sst s0  }
0x9: {  	[smem:$0x3F9A] =	sst s1  }
0xa: {  	[smem:$0x3F9B] =	sst s2  }
0xb: {  	[smem:$0x3F9C] =	sst s3  }
0xc: {  	[smem:$0x3F9D] =	sst s4  }
0xd: {  	[smem:$0x3F9E] =	sst s5  }
0xe: {  	[smem:$0x3F9F] =	sst s6  }
0xf: {  	[smem:$0x3FA0] =	sst s7  }
0x10: {  	[smem:$0x3FA1] =	sst s8  }
0x11: {  	[smem:$0x3FA2] =	sst s9;
	s0 =	simm.s32 @!p0 $0x0  }
0x12: {  	s1 =	sld [smem:$0x3F88];
	s0 =	simm.s32 @p0 $0x1  }
0x13: {  	[smem:$0x3FA3] =	sst s0;
	s0 =	simm.s32 @!p1 $0x0  }
0x14: {  	s2 =	sld [smem:$0x3F87];
	s0 =	simm.s32 @p1 $0x1  }
0x15: {  	[smem:$0x3FA4] =	sst s0;
	s0 =	simm.s32 @!p2 $0x0  }
0x16: {  	s3 =	sld [smem:$0x3FDB];
	s0 =	simm.s32 @p2 $0x1  }
0x17: {  	s4 =	simm.s32 $0x1BF5;
	[smem:$0x3FA6] =	sst s0  }
0x18: {  	s0 =	sld [smem:$0x3F89];
	_ =	swait.ge [sflag:s4], $0x0  }
0x19: {  	s7 =	sld [smem:$0x3F8A]  }
0x1a: {  	s8 =	sadd.s32 $0xFFFFE003, lr  }
0x1b: {  	s9 =	sadd.s32 $0xFFFFFEF7, lr;
	s5 =	simm.s32 $0xFFFFFFFF;
	p2 =	slt.u32 s8, $0xFFFFF086  }
0x1c: {  	p1 =	slt.u32 s9, $0xF7A;
	s5 =	simm.s32 @!p2 $0x0  }
0x1d: {  	s5 =	simm.s32 @p1 $0x1;
	p0 =	seq.s32 s7, s2  }
0x1e: {  	s7 =	smul.u32 @!p0 $0xF7A, s2;
	p2 =	seq.s32 @!p0 s5, $0x0  }
0x1f: {  	s9 =	smul.u32 $0xF7A, s1;
	s8 =	simm.s32 @!p0 $0x1BF5;
	p2 =	por !p2, p0  }
0x20: {  	[sflag:s8] =	ssyncset.s32 @!p0 $0xFFFFF086;
	s6 =	sadd.s32 @!p0 s3, s7;
	s7 =	simm.s32 @!p0 $0x108  }
0x21: {  	s3 =	sadd.s32 s3, s9;
	s6 =	sadd.s32 @!p0 $0x88, s6;
	s7 =	simm.s32 @p2 $0x1082  }
0x22: {  	[simem:s7], [sflag:s8] =	dma.local @!p0 [hbm:s6], $0xF7A  }
0x23: {  	s9 =	sor.u32 $0xD0000000, s2;
	s6 =	simm.s32 $0x108;
	_ =	swait.ge @!p0 [sflag:s8], $0x0  }
0x24: {  	s3 =	sadd.s32 $0x88, s3;
	s6 =	simm.s32 @!p1 $0x1082;
	[sflag:s4] =	ssyncset.s32 $0xFFFFF086  }
0x25: {  	[simem:s6], [sflag:s4] =	dma.local [hbm:s3], $0xF7A  }
0x26: {  	[smem:$0x3F8A] =	sst s1;
	(tag) =	ssettag s2;
	_ =	strace s9  }
0x27: {  	s1 =	sld [smem:$0x3F9A]  }
0x28: {  	s2 =	sld [smem:$0x3F9B]  }
0x29: {  	s4 =	sld [smem:$0x3F9D]  }
0x2a: {  	p0 =	seq.s32 s5, $0x0;
	s5 =	sld [smem:$0x3F9E]  }
0x2b: {  	s6 =	sld [smem:$0x3F9F]  }
0x2c: {  	s7 =	sld [smem:$0x3FA0]  }
0x2d: {  	s3 =	simm.s32 $0x108;
	s8 =	sld [smem:$0x3FA1]  }
0x2e: {  	s3 =	simm.s32 @!p0 $0x1082;
	s9 =	sld [smem:$0x3FA2]  }
0x2f: {  	lr =	sadd.s32 s0, s3;
	s0 =	sld [smem:$0x3F99]  }
0x30: {  	s3 =	sld [smem:$0x3F9C]  }
0x31: {  	[smem:$0x3FA5] =	sst s10  }
0x32: {  	s10 =	sld [smem:$0x3FA3];
	_ =	sdelay $0x3  }
0x33: {  	p0 =	seq.s32 s10, $0x1;
	s10 =	sld [smem:$0x3FA5];
	_ =	sdelay $0x3  }
0x34: {  	[smem:$0x3FA5] =	sst s10  }
0x35: {  	s10 =	sld [smem:$0x3FA4];
	_ =	sdelay $0x3  }
0x36: {  	p1 =	seq.s32 s10, $0x1;
	s10 =	sld [smem:$0x3FA5];
	_ =	sdelay $0x3  }
0x37: {  	[smem:$0x3FA5] =	sst s10  }
0x38: {  	s10 =	sld [smem:$0x3FA6]  }
0x39: {  	_ = 	snop;
	(pc) =	sbr.ind lr, $3  }
0x3a: {  	_ = 	snop  }
0x3b: {  	_ = 	snop  }
0x3c: {  	p2 =	seq.s32 s10, $0x1;
	s10 =	sld [smem:$0x3FA5]  }
0x3d: {  	_ =	shalt  }
0x3e: {  	_ =	shalt  }
0x3f: {  	_ =	shalt  }
0x40: {  	_ =	shalt  }
0x41: {  	_ =	shalt  }
0x42: {  	_ =	shalt  }
0x43: {  	_ =	shalt  }
0x44: {  	_ =	shalt  }
0x45: {  	_ =	shalt  }
0x46: {  	_ =	shalt  }
0x47: {  	_ =	shalt  }
0x48: {  	_ =	shalt  }
0x49: {  	_ =	shalt  }
0x4a: {  	_ =	shalt  }
0x4b: {  	_ =	shalt  }
0x4c: {  	_ =	shalt  }
0x4d: {  	_ =	shalt  }
0x4e: {  	_ =	shalt  }
0x4f: {  	_ =	shalt  }
0x50: {  	_ =	shalt  }
0x51: {  	_ =	shalt  }
0x52: {  	_ =	shalt  }
0x53: {  	_ =	shalt  }
0x54: {  	_ =	shalt  }
0x55: {  	_ =	shalt  }
0x56: {  	_ =	shalt  }
0x57: {  	_ =	shalt  }
0x58: {  	_ =	shalt  }
0x59: {  	_ =	shalt  }
0x5a: {  	_ =	shalt  }
0x5b: {  	_ =	shalt  }
0x5c: {  	_ =	shalt  }
0x5d: {  	_ =	shalt  }
0x5e: {  	_ =	shalt  }
0x5f: {  	_ =	shalt  }
0x60: {  	_ =	shalt  }
0x61: {  	_ =	shalt  }
0x62: {  	_ =	shalt  }
0x63: {  	_ =	shalt  }
0x64: {  	_ =	shalt  }
0x65: {  	_ =	shalt  }
0x66: {  	_ =	shalt  }
0x67: {  	_ =	shalt  }
0x68: {  	_ =	shalt  }
0x69: {  	_ =	shalt  }
0x6a: {  	_ =	shalt  }
0x6b: {  	_ =	shalt  }
0x6c: {  	_ =	shalt  }
0x6d: {  	_ =	shalt  }
0x6e: {  	_ =	shalt  }
0x6f: {  	_ =	shalt  }
0x70: {  	_ =	shalt  }
0x71: {  	_ =	shalt  }
0x72: {  	_ =	shalt  }
0x73: {  	_ =	shalt  }
0x74: {  	_ =	shalt  }
0x75: {  	_ =	shalt  }
0x76: {  	_ =	shalt  }
0x77: {  	_ =	shalt  }
0x78: {  	_ =	shalt  }
0x79: {  	_ =	shalt  }
0x7a: {  	_ =	shalt  }
0x7b: {  	_ =	shalt  }
0x7c: {  	_ =	shalt  }
0x7d: {  	_ =	shalt  }
0x7e: {  	_ =	shalt  }
0x7f: {  	_ =	shalt  }
0x80: {  	_ =	shalt  }
0x81: {  	_ =	shalt  }
0x82: {  	_ =	shalt  }
0x83: {  	_ =	shalt  }
0x84: {  	_ =	shalt  }
0x85: {  	_ =	shalt  }
0x86: {  	_ =	shalt  }
0x87: {  	_ =	shalt  }
.Lfunc_end0:
.L_simem_size_0:
called_computation.1_lowered:
.L_overlay_start_0:
0x88: {  	s2 =	sld [smem:$0x3FD9]  }
0x89: {  	s3 =	sld [smem:$0x3FFE];
	_ =	sdelay $0x1  }
0x8a: {  	s1 =	srdreg.scid  }
0x8b: {  	s0 =	sand.u32 $0x1, s1  }
0x8c: {  	s17 =	sshll.u32 s0, $0xA;
	s2 =	sadd.s32 s3, s2  }
0x8d: {  	s2 =	sadd.s32 s2, s17  }
0x8e: {  	[smem:$0x3FB1] =	sst s2  }
0x8f: {  	_ = 	snop  }
0x90: {  	(tm) =	ssettm $0x1  }
0x91: {  	s18 =	sld [smem:$0x3FFB];
	_ =	sdelay $0x3  }
0x92: {  	_ =	strace s18  }
0x93: {  	s2 =	sld [smem:$0x3FFC];
	_ =	sdelay $0x3  }
0x94: {  	_ =	strace s2  }
0x95: {  	s2 =	sld [smem:$0x3FFD];
	_ =	sdelay $0x3  }
0x96: {  	_ =	strace s2  }
0x97: {  	_ =	strace $0x8FFFFFFF  }
0x98: {  	s19 =	sld [smem:$0x3FDB];
	_ =	sdelay $0x1  }
0x99: {  	s20 =	simm.s32 $_scs_section_size  }
0x9a: {  	s4 =	simm.s32 $_size__tile_overlayer_lowered;
	s5 =	simm.s32 $_tile_overlayer_lowered  }
0x9b: {  	s6 =	simm.s32 $0x1BFF;
	s21 =	sshll.u32 s5, $0x1;
	s3 =	sadd.s32 s20, s19  }
0x9c: {  	s22 =	simm.s32 $0x0;
	s4 =	sshll.u32 s4, $0x1;
	s5 =	sadd.s32 s21, s3  }
0x9d: {  	[timem:s22], [sflag:s6] =	dma.local [hbm:s5], s4  }
0x9e: {  	_ =	swait.ge [sflag:s6], s4  }
0x9f: {  	s4 =	ssub.s32 $0x0, s4;
	[sflag:s6] =	ssyncset.done $0x0  }
0xa0: {  	[sflag:s6] =	ssyncadd.s32 s4;
	_ =	sdelay $0x1  }
0xa1: {  	s23 =	simm.s32 $0x1B8B  }
0xa2: {  	_ =	swait.ge [sflag:s23], $0x1  }
0xa3: {  	[sflag:s23] =	ssyncset.done $0x0  }
0xa4: {  	[sflag:s23] =	ssyncadd.s32 $0xFFFFFFFF  }
0xa5: {  	s4 =	sld [smem:$0x0]  }
0xa6: {  	s5 =	sand.u32 $0xFFFFFFFE, s1  }
0xa7: {  	p0 =	sne.s32 s1, s5  }
0xa8: {  	s5 =	sshll.u32 @p0 s5, $0xE  }
0xa9: {  	s5 =	sadd.s32 @p0 $0x11B8D, s5;
	s6 =	sshll.u32 @p0 s4, $0x11  }
0xaa: {  	s5 =	sor.u32 @p0 s6, s5  }
0xab: {  	[sflag:s5] =	ssyncadd.remote.s32 @p0 $0x1;
	_ =	sdelay $0x1  }
0xac: {  	s5 =	simm.s32 @p0 $0x1B8D  }
0xad: {  	_ =	swait.eq @p0 [sflag:s5], $0x1  }
0xae: {  	[sflag:s5] =	ssyncadd.s32 @p0 $0xFFFFFFFF  }
0xaf: {  	s6 =	sshll.u32 @!p0 s1, $0xE  }
0xb0: {  	s6 =	sor.u32 @!p0 $0x4000, s6;
	s5 =	simm.s32 @!p0 $0x1B8D  }
0xb1: {  	s4 =	sshll.u32 @!p0 s4, $0x11;
	s6 =	sadd.s32 @!p0 $0x11B8D, s6;
	_ =	swait.eq @!p0 [sflag:s5], $0x1  }
0xb2: {  	s4 =	sor.u32 @!p0 s4, s6;
	[sflag:s5] =	ssyncadd.s32 @!p0 $0xFFFFFFFF  }
0xb3: {  	s25 =	simm.s32 $0x1B8E;
	s24 =	sld [smem:$0x3FFE];
	[sflag:s4] =	ssyncadd.remote.s32 @!p0 $0x1  }
0xb4: {  	s26 =	simm.s32 $execute0_lowered;
	[smem:$0x3FD2] =	sst s25  }
0xb5: {  	s5 =	sshll.u32 s26, $0x1;
	_ =	strace $0x80000049;
	[dreg:$0x1] =	wrdreg $0xFFFFFFFF  }
0xb6: {  	s28 =	simm.s32 $_size_execute0_lowered;
	s3 =	sadd.s32 s3, s5;
	[dreg:$0x0] =	wrdreg $0x0  }
0xb7: {  	s5 =	sshll.u32 s28, $0x1;
	[dreg:$0x2] =	wrdreg s3  }
0xb8: {  	[dreg:$0x3] =	wrdreg s5  }
0xb9: {  	[dreg:$0x4] =	wrdreg $0xC0  }
0xba: {  	_ =	task [dreg:s22], $0x5FFFF  }
0xbb: {  	[dreg:$0x1] =	wrdreg $0xFFFFFFFF  }
0xbc: {  	[dreg:$0x0] =	wrdreg $0x60  }
0xbd: {  	[dreg:$0x2] =	wrdreg s24  }
0xbe: {  	[dreg:$0x3] =	wrdreg $0xA8000  }
0xbf: {  	[dreg:$0x4] =	wrdreg $0xA  }
0xc0: {  	_ =	task.clear_ibuf [dreg:s22], $0x5FFFF;
	_ =	strace $0x90000049  }
0xc1: {  	s29 =	simm.s32 $0xA;
	_ =	strace $0x8000004B  }
0xc2: {  	_ =	swait.ge [sflag:s29], $0x1  }
0xc3: {  	[sflag:s29] =	ssyncadd.s32 $0xFFFFFFFF  }
0xc4: {  	_ =	strace $0x9000004B  }
0xc5: {  	_ =	sfence  }
0xc6: {  	s30 =	sld [smem:$0x0];
	_ =	sdelay $0x2  }
0xc7: {  	s31 =	sshll.u32 s1, $0xD;
	s1 =	sshrl.u32 s1, $0x2  }
0xc8: {  	s4 =	sand.u32 $0x4000, s31;
	s1 =	sadd.s32 s1, s30  }
0xc9: {  	s0 =	sor.u32 s4, s0;
	s1 =	sshll.u32 s1, $0x11  }
0xca: {  	s0 =	sor.u32 s1, s0  }
0xcb: {  	s0 =	sadd.s32 $0x8F2B, s0  }
0xcc: {  	[sflag:s0] =	ssyncadd.remote.s32 $0x1  }
0xcd: {  	_ =	sfence.sel $0xFFFF  }
0xce: {  	[dreg:$0x0] =	wrdreg $0xFFFFFFFF;
	(pc) =	sbr.abs _section_cstart, $3  }
0xcf: {  	[dreg:$0x1] =	wrdreg $0xFFFFFFFF  }
0xd0: {  	_ =	task.clear_ibuf [dreg:s22], $0x2FFFF;
	_ =	strace $0x9FFFFFFF  }
0xd1: {  	(tm) =	ssettm $0x7FFFFFFF  }
tec
execute0_lowered:
.L_overlay_start_1:
0x0: {  	(tag) =	ssettag $0x1  }
0x1: {  	s6 =	rddreg [dreg:$0x0]  }
0x2: {  	s0 =	srdreg.scid;
	s2 =	rddreg [dreg:$0x1];
	s3 =	simm.s32 $0x0  }
0x3: {  	s14 =	simm.s32 $0x3;
	s15 =	simm.s32 $0x1400;
	s16 =	simm.s32 $0x2800  }
0x4: {  	s17 =	simm.s32 $0x80;
	s18 =	simm.s32 $0x6800;
	s19 =	simm.s32 $0x1  }
0x5: {  	s20 =	simm.s32 $0x2;
	s21 =	simm.s32 $0x1380;
	s22 =	simm.s32 $0x2700  }
0x6: {  	s23 =	simm.s32 $0x2780;
	s5 =	sand.u32 $0x1, s0;
	s0 =	stileid.u32  }
0x7: {  	s25 =	simm.s32 $0x0;
	[smem:$0x7FF] =	sst s3;
	s8 =	smul.u32 $0x140000, s5  }
0x8: {  	s4 =	sadd.s32 $0x6CC00, s6;
	s1 =	sshll.u32 s5, $0x4;
	s9 =	smul.u32 $0x14000, s0  }
0x9: {  	s10 =	smul.u32 $0x50000, s0;
	s5 =	ssub.s32 $0x2, s5;
	s24 =	sshll.u32 s0, $0x6  }
0xa: {  	s1 =	sor.u32 s0, s1;
	s31 =	sshrl.u32 s5, $0x1;
	s24 =	sor.u32 $0x1C03, s24  }
0xb: {  	s7 =	smul.u32 $0x280, s1;
	s1 =	rddreg [dreg:$0x2];
	_ =	strace $0x8000004A  }
0xc: {  	s8 =	sadd.s32 s9, s8;
	s10 =	sshrl.u32 s10, $0x2;
	s13 =	ssub.s32 s5, s31  }
0xd: {  	s8 =	sshrl.u32 s8, $0x3;
	s5 =	sadd.s32 s10, s2;
	s13 =	smax.u32 s13, $0x1  }
0xe: {  	s7 =	sadd.s32 s7, s6;
	s12 =	sadd.s32 s8, s6;
	s8 =	sadd.s32 $0x4000, s5  }
0xf: {  	s9 =	sadd.s32 $0x8000, s5;
	s10 =	sadd.s32 $0xC000, s5;
	s11 =	sadd.s32 $0x10000, s5  }
0x10: {  	v0 =	vimm.f32 $0.0e+00;
	s6 =	sadd.s32 $0x17C00, s7;
	s7 =	sadd.s32 $0x12C00, s7;
	s12 =	sadd.s32 $0x80C00, s12  }
.LBB2_1:
0x11: {  	[tilespmem:s3], [sflag:$0x3] =	stream.linear.gather [hbm4b:s6+s3], $0x1400, $0x38;
	[tilespmem:$0x1E800] =	vst v63  }
0x12: {  	_ =	swait.ge [sflag:s14], $0x1400  }
0x13: {  	[sflag:s14] =	ssyncset.done $0x0  }
0x14: {  	[sflag:s14] =	ssyncadd.s32 $0xFFFFEC00  }
0x15: {  	[tilespmem:s15], [sflag:$0x3] =	stream.linear.gather [hbm4b:s7+s3], $0x1400, $0x38;
	[tilespmem:$0x1E800] =	vst v63  }
0x16: {  	_ =	swait.ge [sflag:s14], $0x1400  }
0x17: {  	[sflag:s14] =	ssyncset.done $0x0  }
0x18: {  	s26 =	simm.s32 $0x0;
	s28 =	simm.s32 $0x200;
	[sflag:s14] =	ssyncadd.s32 $0xFFFFEC00  }
.LBB2_2:
0x19: {  	p0 =	sne.s32 s28, $0xFE00;
	[tilespmem:s26+$0x2870] =	vst v0  }
0x1a: {  	[tilespmem:s26+$0x2800] =	vst v0  }
0x1b: {  	[tilespmem:s26+$0x2810] =	vst v0  }
.Ltmp0:
0x1c: {  	[tilespmem:s26+$0x2820] =	vst v0;
	(pc) =	sbr.rel @p0 .LBB2_2-.Ltmp0, $4  }
0x1d: {  	[tilespmem:s26+$0x2830] =	vst v0  }
0x1e: {  	[tilespmem:s26+$0x2840] =	vst v0  }
0x1f: {  	[tilespmem:s26+$0x2850] =	vst v0  }
0x20: {  	[tilespmem:s26+$0x2860] =	vst v0;
	s26 =	sshra.s32 s28, $0x2;
	s28 =	sadd.s32 $0x200, s28  }
0x21: {  	[tilespmem:s26+$0x2870] =	vst v0  }
0x22: {  	[tilespmem:s26+$0x2800] =	vst v0  }
0x23: {  	[tilespmem:s26+$0x2810] =	vst v0  }
0x24: {  	[tilespmem:s26+$0x2820] =	vst v0  }
0x25: {  	[tilespmem:s26+$0x2830] =	vst v0  }
0x26: {  	[tilespmem:s26+$0x2840] =	vst v0  }
0x27: {  	[tilespmem:s26+$0x2850] =	vst v0  }
0x28: {  	[tilespmem:s26+$0x2860] =	vst v0  }
0x29: {  	[spmem:s5] =	stream.linear.scatter [tilespmem:s16], [sflag:$0x3], $0x4000, $0x38;
	[tilespmem:$0x1E800] =	vst v63  }
0x2a: {  	_ =	swait.ge [sflag:s14], $0x4000  }
0x2b: {  	[sflag:s14] =	ssyncset.done $0x0  }
0x2c: {  	[sflag:s14] =	ssyncadd.s32 $0xFFFFC000  }
0x2d: {  	[spmem:s8] =	stream.linear.scatter [tilespmem:s16], [sflag:$0x3], $0x4000, $0x38;
	[tilespmem:$0x1E800] =	vst v63  }
0x2e: {  	_ =	swait.ge [sflag:s14], $0x4000  }
0x2f: {  	[sflag:s14] =	ssyncset.done $0x0  }
0x30: {  	[sflag:s14] =	ssyncadd.s32 $0xFFFFC000  }
0x31: {  	[spmem:s9] =	stream.linear.scatter [tilespmem:s16], [sflag:$0x3], $0x4000, $0x38;
	[tilespmem:$0x1E800] =	vst v63  }
0x32: {  	_ =	swait.ge [sflag:s14], $0x4000  }
0x33: {  	[sflag:s14] =	ssyncset.done $0x0  }
0x34: {  	[sflag:s14] =	ssyncadd.s32 $0xFFFFC000  }
0x35: {  	[spmem:s10] =	stream.linear.scatter [tilespmem:s16], [sflag:$0x3], $0x4000, $0x38;
	[tilespmem:$0x1E800] =	vst v63  }
0x36: {  	_ =	swait.ge [sflag:s14], $0x4000  }
0x37: {  	[sflag:s14] =	ssyncset.done $0x0  }
0x38: {  	[sflag:s14] =	ssyncadd.s32 $0xFFFFC000  }
0x39: {  	[spmem:s11] =	stream.linear.scatter [tilespmem:s16], [sflag:$0x3], $0x4000, $0x38;
	[tilespmem:$0x1E800] =	vst v63  }
0x3a: {  	_ =	swait.ge [sflag:s14], $0x4000  }
0x3b: {  	[sflag:s14] =	ssyncset.done $0x0  }
0x3c: {  	[sflag:s14] =	ssyncadd.s32 $0xFFFFC000  }
0x3d: {  	s30 =	simm.s32 $0x0;
	[bflag:$0x0] =	sbarrier.arrive $0xFFFF  }
0x3e: {  	[tilespmem:s16], [sflag:$0x1] =	stream.indirect.gather [hbm4b:s4+s17], $0x80, s30, s17, $0xb8;
	[tilespmem:$0x1E800] =	vst v63  }
0x3f: {  	s31 =	simm.s32 $0x80  }
0x40: {  	[tilespmem:s18], [sflag:$0x2] =	stream.indirect.gather [hbm4b:s4+s17], $0x80, s31, s17, $0xb8;
	[tilespmem:$0x1E800] =	vst v63  }
0x41: {  	_ =	swait.ge [sflag:s19], $0x4000  }
0x42: {  	[sflag:s19] =	ssyncset.done $0x0  }
0x43: {  	s29 =	simm.s32 $0x1400;
	[sflag:s19] =	ssyncadd.s32 $0xFFFFC000  }
0x44: {  	[spmem:s2] =	stream.indirect.scatter.add.f32 [tilespmem:s16], [sflag:$0x3], $0x80, s29, s17, $0xb8;
	[tilespmem:$0x1E800] =	vst v63  }
0x45: {  	_ =	swait.ge [sflag:s14], $0x4000  }
0x46: {  	[sflag:s14] =	ssyncset.done $0x0  }
0x47: {  	s30 =	simm.s32 $0x100;
	[sflag:s14] =	ssyncadd.s32 $0xFFFFC000  }
0x48: {  	[tilespmem:s16], [sflag:$0x1] =	stream.indirect.gather [hbm4b:s4+s17], $0x80, s30, s17, $0xb8;
	[tilespmem:$0x1E800] =	vst v63  }
0x49: {  	_ =	swait.ge [sflag:s20], $0x4000  }
0x4a: {  	[sflag:s20] =	ssyncset.done $0x0  }
0x4b: {  	s31 =	simm.s32 $0x1480;
	[sflag:s20] =	ssyncadd.s32 $0xFFFFC000  }
0x4c: {  	[spmem:s2] =	stream.indirect.scatter.add.f32 [tilespmem:s18], [sflag:$0x3], $0x80, s31, s17, $0xb8;
	[tilespmem:$0x1E800] =	vst v63  }
0x4d: {  	_ =	swait.ge [sflag:s14], $0x4000  }
0x4e: {  	s28 =	simm.s32 $0x800;
	s26 =	simm.s32 $0x100;
	[sflag:s14] =	ssyncset.done $0x0  }
.LBB2_4:
0x4f: {  	s29 =	sadd.s32 $0x80, s26  }
0x50: {  	[sflag:s14] =	ssyncadd.s32 $0xFFFFC000;
	s30 =	smov.u32 s28;
	s31 =	sadd.s32 $0x400, s28  }
0x51: {  	[tilespmem:s18], [sflag:$0x2] =	stream.indirect.gather [hbm4b:s4+s17], $0x80, s29, s17, $0xb8;
	[tilespmem:$0x1E800] =	vst v63  }
0x52: {  	p0 =	sne.s32 s28, $0x4800;
	_ =	swait.ge [sflag:s19], $0x4000  }
0x53: {  	[sflag:s19] =	ssyncset.done $0x0  }
0x54: {  	s28 =	sadd.s32 $0x1400, s26;
	[sflag:s19] =	ssyncadd.s32 $0xFFFFC000  }
0x55: {  	[spmem:s2] =	stream.indirect.scatter.add.f32 [tilespmem:s16], [sflag:$0x3], $0x80, s28, s17, $0xb8;
	[tilespmem:$0x1E800] =	vst v63  }
0x56: {  	_ =	swait.ge [sflag:s14], $0x4000  }
0x57: {  	[sflag:s14] =	ssyncset.done $0x0  }
0x58: {  	s28 =	sadd.s32 $0x100, s26;
	[sflag:s14] =	ssyncadd.s32 $0xFFFFC000  }
0x59: {  	[tilespmem:s16], [sflag:$0x1] =	stream.indirect.gather [hbm4b:s4+s17], $0x80, s28, s17, $0xb8;
	[tilespmem:$0x1E800] =	vst v63  }
0x5a: {  	_ =	swait.ge [sflag:s20], $0x4000  }
.Ltmp1:
0x5b: {  	[sflag:s20] =	ssyncset.done $0x0;
	(pc) =	sbr.rel @p0 .LBB2_4-.Ltmp1, $4  }
0x5c: {  	s26 =	sadd.s32 $0x1480, s26;
	[sflag:s20] =	ssyncadd.s32 $0xFFFFC000  }
0x5d: {  	[spmem:s2] =	stream.indirect.scatter.add.f32 [tilespmem:s18], [sflag:$0x3], $0x80, s26, s17, $0xb8;
	[tilespmem:$0x1E800] =	vst v63  }
0x5e: {  	_ =	swait.ge [sflag:s14], $0x4000  }
0x5f: {  	s28 =	smov.u32 s31;
	s26 =	sshra.s32 s30, $0x2;
	[sflag:s14] =	ssyncset.done $0x0  }
0x60: {  	s28 =	sadd.s32 $0x80, s26;
	[sflag:s14] =	ssyncadd.s32 $0xFFFFC000  }
0x61: {  	[tilespmem:s18], [sflag:$0x2] =	stream.indirect.gather [hbm4b:s4+s17], $0x80, s28, s17, $0xb8;
	[tilespmem:$0x1E800] =	vst v63  }
0x62: {  	_ =	swait.ge [sflag:s19], $0x4000  }
0x63: {  	[sflag:s19] =	ssyncset.done $0x0  }
0x64: {  	s31 =	sadd.s32 $0x1400, s26;
	[sflag:s19] =	ssyncadd.s32 $0xFFFFC000  }
0x65: {  	[spmem:s2] =	stream.indirect.scatter.add.f32 [tilespmem:s16], [sflag:$0x3], $0x80, s31, s17, $0xb8;
	[tilespmem:$0x1E800] =	vst v63  }
0x66: {  	_ =	swait.ge [sflag:s14], $0x4000  }
0x67: {  	[sflag:s14] =	ssyncset.done $0x0  }
0x68: {  	s29 =	sadd.s32 $0x100, s26;
	[sflag:s14] =	ssyncadd.s32 $0xFFFFC000  }
0x69: {  	[tilespmem:s16], [sflag:$0x1] =	stream.indirect.gather [hbm4b:s4+s17], $0x80, s29, s17, $0xb8;
	[tilespmem:$0x1E800] =	vst v63  }
0x6a: {  	_ =	swait.ge [sflag:s20], $0x4000  }
0x6b: {  	[sflag:s20] =	ssyncset.done $0x0  }
0x6c: {  	s30 =	sadd.s32 $0x1480, s26;
	[sflag:s20] =	ssyncadd.s32 $0xFFFFC000  }
0x6d: {  	[spmem:s2] =	stream.indirect.scatter.add.f32 [tilespmem:s18], [sflag:$0x3], $0x80, s30, s17, $0xb8;
	[tilespmem:$0x1E800] =	vst v63  }
0x6e: {  	_ =	swait.ge [sflag:s14], $0x4000  }
0x6f: {  	[sflag:s14] =	ssyncset.done $0x0  }
0x70: {  	[sflag:s14] =	ssyncadd.s32 $0xFFFFC000  }
0x71: {  	[tilespmem:s18], [sflag:$0x2] =	stream.indirect.gather [hbm4b:s4+s17], $0x80, s21, s17, $0xb8;
	[tilespmem:$0x1E800] =	vst v63  }
0x72: {  	_ =	swait.ge [sflag:s19], $0x4000  }
0x73: {  	[sflag:s19] =	ssyncset.done $0x0  }
0x74: {  	[sflag:s19] =	ssyncadd.s32 $0xFFFFC000  }
0x75: {  	[spmem:s2] =	stream.indirect.scatter.add.f32 [tilespmem:s16], [sflag:$0x3], $0x80, s22, s17, $0xb8;
	[tilespmem:$0x1E800] =	vst v63  }
0x76: {  	_ =	swait.ge [sflag:s14], $0x4000  }
0x77: {  	[sflag:s14] =	ssyncset.done $0x0  }
0x78: {  	[sflag:s14] =	ssyncadd.s32 $0xFFFFC000  }
0x79: {  	_ =	swait.ge [sflag:s20], $0x4000  }
0x7a: {  	[sflag:s20] =	ssyncset.done $0x0  }
0x7b: {  	[sflag:s20] =	ssyncadd.s32 $0xFFFFC000  }
0x7c: {  	[spmem:s2] =	stream.indirect.scatter.add.f32 [tilespmem:s18], [sflag:$0x3], $0x80, s23, s17, $0xb8;
	[tilespmem:$0x1E800] =	vst v63  }
0x7d: {  	_ =	swait.ge [sflag:s14], $0x4000  }
0x7e: {  	s25 =	sadd.s32 $0x1, s25;
	[sflag:s14] =	ssyncset.done $0x0  }
0x7f: {  	p0 =	sne.s32 s25, s13;
	[sflag:s14] =	ssyncadd.s32 $0xFFFFC000  }
.Ltmp2:
0x80: {  	s31 =	sshrl.u32 s5, $0x3;
	[bflag:$0x0] =	sbarrier.arrive $0xFFFF;
	(pc) =	sbr.rel @p0 .LBB2_1-.Ltmp2, $4  }
0x81: {  	[hbm:s12], [sflag:s24] =	dma.local [spmem:s31], $0x2800  }
0x82: {  	_ =	swait.ge [sflag:s14], $0x2800  }
0x83: {  	[sflag:s14] =	ssyncset.done $0x0  }
0x84: {  	[sflag:s14] =	ssyncadd.s32 $0xFFFFD800  }
0x85: {  	_ =	sfence.sel $0x180000  }
0x86: {  	[bflag:$0x0] =	sbarrier.arrive $0xFFFF  }
0x87: {  	p0 =	sne.s32 s0, $0x0;
	_ =	strace $0x9000004A  }
0x88: {  	s0 =	sadd.s32 @!p0 $0x100000, s1;
	[bflag:$0x2] =	sbarrier.arrive $0xFFFF  }
0x89: {  	[sflag:s0] =	ssyncadd.tile.s32 @!p0 $0x1;
	_ =	shalt  }
.Lfunc_end2:
_tile_overlayer_lowered:
.L_overlay_start_2:
0x8a: {  	(tag) =	ssettag $0x2  }
0x8b: {  	s0 =	rddreg [dreg:$0x0];
	s2 =	stileid.u32  }
0x8c: {  	s1 =	rddreg [dreg:$0x1];
	p0 =	sne.s32 s2, $0x0  }
0x8d: {  	s3 =	rddreg [dreg:$0x2];
	[bflag:$0x3] =	sbarrier.arrive $0xFFFF;
	s2 =	simm.s32 @!p0 $0x1C03  }
0x8e: {  	[timem:s3], [sflag:s2] =	dma.local @!p0 [hbm:s0], s1  }
0x8f: {  	s0 =	simm.s32 @!p0 $0x3  }
0x90: {  	_ =	swait.ge @!p0 [sflag:s0], s1  }
0x91: {  	s1 =	ssub.s32 @!p0 $0x0, s1;
	[sflag:s0] =	ssyncset.done @!p0 $0x0  }
0x92: {  	[sflag:s0] =	ssyncadd.s32 @!p0 s1  }
0x93: {  	[bflag:$0x3] =	sbarrier.arrive $0xFFFF  }
0x94: {  	_ =	shalt  }

// kernel: kernel.24.cloned.1.call-start
scs
__scs_entry_jumppad:
0x0: {  	(pc) =	sbr.rel $0x88, $3  }
0x1: {  	(tag) =	ssettag $0x0;
	lr =	simm.s32 $0x1  }
0x2: {  	[smem:$0x3F8A] =	sst lr;
	_ =	strace $0xD0000000  }
0x3: {  	_ = 	snop  }
0x4: {  	_ = 	snop  }
0x5: {  	_ = 	snop  }
0x6: {  	_ = 	snop  }
0x7: {  	_ = 	snop  }
__scs_overlays_trampoline_lowered:
0x8: {  	[smem:$0x3F99] =	sst s0  }
0x9: {  	[smem:$0x3F9A] =	sst s1  }
0xa: {  	[smem:$0x3F9B] =	sst s2  }
0xb: {  	[smem:$0x3F9C] =	sst s3  }
0xc: {  	[smem:$0x3F9D] =	sst s4  }
0xd: {  	[smem:$0x3F9E] =	sst s5  }
0xe: {  	[smem:$0x3F9F] =	sst s6  }
0xf: {  	[smem:$0x3FA0] =	sst s7  }
0x10: {  	[smem:$0x3FA1] =	sst s8  }
0x11: {  	[smem:$0x3FA2] =	sst s9;
	s0 =	simm.s32 @!p0 $0x0  }
0x12: {  	s1 =	sld [smem:$0x3F88];
	s0 =	simm.s32 @p0 $0x1  }
0x13: {  	[smem:$0x3FA3] =	sst s0;
	s0 =	simm.s32 @!p1 $0x0  }
0x14: {  	s2 =	sld [smem:$0x3F87];
	s0 =	simm.s32 @p1 $0x1  }
0x15: {  	[smem:$0x3FA4] =	sst s0;
	s0 =	simm.s32 @!p2 $0x0  }
0x16: {  	s3 =	sld [smem:$0x3FDB];
	s0 =	simm.s32 @p2 $0x1  }
0x17: {  	s4 =	simm.s32 $0x1BF5;
	[smem:$0x3FA6] =	sst s0  }
0x18: {  	s0 =	sld [smem:$0x3F89];
	_ =	swait.ge [sflag:s4], $0x0  }
0x19: {  	s7 =	sld [smem:$0x3F8A]  }
0x1a: {  	s8 =	sadd.s32 $0xFFFFE003, lr  }
0x1b: {  	s9 =	sadd.s32 $0xFFFFFEF7, lr;
	s5 =	simm.s32 $0xFFFFFFFF;
	p2 =	slt.u32 s8, $0xFFFFF086  }
0x1c: {  	p1 =	slt.u32 s9, $0xF7A;
	s5 =	simm.s32 @!p2 $0x0  }
0x1d: {  	s5 =	simm.s32 @p1 $0x1;
	p0 =	seq.s32 s7, s2  }
0x1e: {  	s7 =	smul.u32 @!p0 $0xF7A, s2;
	p2 =	seq.s32 @!p0 s5, $0x0  }
0x1f: {  	s9 =	smul.u32 $0xF7A, s1;
	s8 =	simm.s32 @!p0 $0x1BF5;
	p2 =	por !p2, p0  }
0x20: {  	[sflag:s8] =	ssyncset.s32 @!p0 $0xFFFFF086;
	s6 =	sadd.s32 @!p0 s3, s7;
	s7 =	simm.s32 @!p0 $0x108  }
0x21: {  	s3 =	sadd.s32 s3, s9;
	s6 =	sadd.s32 @!p0 $0x88, s6;
	s7 =	simm.s32 @p2 $0x1082  }
0x22: {  	[simem:s7], [sflag:s8] =	dma.local @!p0 [hbm:s6], $0xF7A  }
0x23: {  	s9 =	sor.u32 $0xD0000000, s2;
	s6 =	simm.s32 $0x108;
	_ =	swait.ge @!p0 [sflag:s8], $0x0  }
0x24: {  	s3 =	sadd.s32 $0x88, s3;
	s6 =	simm.s32 @!p1 $0x1082;
	[sflag:s4] =	ssyncset.s32 $0xFFFFF086  }
0x25: {  	[simem:s6], [sflag:s4] =	dma.local [hbm:s3], $0xF7A  }
0x26: {  	[smem:$0x3F8A] =	sst s1;
	(tag) =	ssettag s2;
	_ =	strace s9  }
0x27: {  	s1 =	sld [smem:$0x3F9A]  }
0x28: {  	s2 =	sld [smem:$0x3F9B]  }
0x29: {  	s4 =	sld [smem:$0x3F9D]  }
0x2a: {  	p0 =	seq.s32 s5, $0x0;
	s5 =	sld [smem:$0x3F9E]  }
0x2b: {  	s6 =	sld [smem:$0x3F9F]  }
0x2c: {  	s7 =	sld [smem:$0x3FA0]  }
0x2d: {  	s3 =	simm.s32 $0x108;
	s8 =	sld [smem:$0x3FA1]  }
0x2e: {  	s3 =	simm.s32 @!p0 $0x1082;
	s9 =	sld [smem:$0x3FA2]  }
0x2f: {  	lr =	sadd.s32 s0, s3;
	s0 =	sld [smem:$0x3F99]  }
0x30: {  	s3 =	sld [smem:$0x3F9C]  }
0x31: {  	[smem:$0x3FA5] =	sst s10  }
0x32: {  	s10 =	sld [smem:$0x3FA3];
	_ =	sdelay $0x3  }
0x33: {  	p0 =	seq.s32 s10, $0x1;
	s10 =	sld [smem:$0x3FA5];
	_ =	sdelay $0x3  }
0x34: {  	[smem:$0x3FA5] =	sst s10  }
0x35: {  	s10 =	sld [smem:$0x3FA4];
	_ =	sdelay $0x3  }
0x36: {  	p1 =	seq.s32 s10, $0x1;
	s10 =	sld [smem:$0x3FA5];
	_ =	sdelay $0x3  }
0x37: {  	[smem:$0x3FA5] =	sst s10  }
0x38: {  	s10 =	sld [smem:$0x3FA6]  }
0x39: {  	_ = 	snop;
	(pc) =	sbr.ind lr, $3  }
0x3a: {  	_ = 	snop  }
0x3b: {  	_ = 	snop  }
0x3c: {  	p2 =	seq.s32 s10, $0x1;
	s10 =	sld [smem:$0x3FA5]  }
0x3d: {  	_ =	shalt  }
0x3e: {  	_ =	shalt  }
0x3f: {  	_ =	shalt  }
0x40: {  	_ =	shalt  }
0x41: {  	_ =	shalt  }
0x42: {  	_ =	shalt  }
0x43: {  	_ =	shalt  }
0x44: {  	_ =	shalt  }
0x45: {  	_ =	shalt  }
0x46: {  	_ =	shalt  }
0x47: {  	_ =	shalt  }
0x48: {  	_ =	shalt  }
0x49: {  	_ =	shalt  }
0x4a: {  	_ =	shalt  }
0x4b: {  	_ =	shalt  }
0x4c: {  	_ =	shalt  }
0x4d: {  	_ =	shalt  }
0x4e: {  	_ =	shalt  }
0x4f: {  	_ =	shalt  }
0x50: {  	_ =	shalt  }
0x51: {  	_ =	shalt  }
0x52: {  	_ =	shalt  }
0x53: {  	_ =	shalt  }
0x54: {  	_ =	shalt  }
0x55: {  	_ =	shalt  }
0x56: {  	_ =	shalt  }
0x57: {  	_ =	shalt  }
0x58: {  	_ =	shalt  }
0x59: {  	_ =	shalt  }
0x5a: {  	_ =	shalt  }
0x5b: {  	_ =	shalt  }
0x5c: {  	_ =	shalt  }
0x5d: {  	_ =	shalt  }
0x5e: {  	_ =	shalt  }
0x5f: {  	_ =	shalt  }
0x60: {  	_ =	shalt  }
0x61: {  	_ =	shalt  }
0x62: {  	_ =	shalt  }
0x63: {  	_ =	shalt  }
0x64: {  	_ =	shalt  }
0x65: {  	_ =	shalt  }
0x66: {  	_ =	shalt  }
0x67: {  	_ =	shalt  }
0x68: {  	_ =	shalt  }
0x69: {  	_ =	shalt  }
0x6a: {  	_ =	shalt  }
0x6b: {  	_ =	shalt  }
0x6c: {  	_ =	shalt  }
0x6d: {  	_ =	shalt  }
0x6e: {  	_ =	shalt  }
0x6f: {  	_ =	shalt  }
0x70: {  	_ =	shalt  }
0x71: {  	_ =	shalt  }
0x72: {  	_ =	shalt  }
0x73: {  	_ =	shalt  }
0x74: {  	_ =	shalt  }
0x75: {  	_ =	shalt  }
0x76: {  	_ =	shalt  }
0x77: {  	_ =	shalt  }
0x78: {  	_ =	shalt  }
0x79: {  	_ =	shalt  }
0x7a: {  	_ =	shalt  }
0x7b: {  	_ =	shalt  }
0x7c: {  	_ =	shalt  }
0x7d: {  	_ =	shalt  }
0x7e: {  	_ =	shalt  }
0x7f: {  	_ =	shalt  }
0x80: {  	_ =	shalt  }
0x81: {  	_ =	shalt  }
0x82: {  	_ =	shalt  }
0x83: {  	_ =	shalt  }
0x84: {  	_ =	shalt  }
0x85: {  	_ =	shalt  }
0x86: {  	_ =	shalt  }
0x87: {  	_ =	shalt  }
.Lfunc_end0:
.L_simem_size_0:
called_computation.2_lowered:
.L_overlay_start_0:
0x88: {  	s2 =	sld [smem:$0x3FD9]  }
0x89: {  	s3 =	sld [smem:$0x3FFE];
	_ =	sdelay $0x1  }
0x8a: {  	s1 =	srdreg.scid  }
0x8b: {  	s0 =	sand.u32 $0x1, s1  }
0x8c: {  	s17 =	sshll.u32 s0, $0xA;
	s2 =	sadd.s32 s3, s2  }
0x8d: {  	s2 =	sadd.s32 s2, s17  }
0x8e: {  	[smem:$0x3FB1] =	sst s2  }
0x8f: {  	_ = 	snop  }
0x90: {  	(tm) =	ssettm $0x1  }
0x91: {  	s18 =	sld [smem:$0x3FFB];
	_ =	sdelay $0x3  }
0x92: {  	_ =	strace s18  }
0x93: {  	s2 =	sld [smem:$0x3FFC];
	_ =	sdelay $0x3  }
0x94: {  	_ =	strace s2  }
0x95: {  	s2 =	sld [smem:$0x3FFD];
	_ =	sdelay $0x3  }
0x96: {  	_ =	strace s2  }
0x97: {  	_ =	strace $0x8FFFFFFF  }
0x98: {  	s19 =	sld [smem:$0x3FDB];
	_ =	sdelay $0x1  }
0x99: {  	s20 =	simm.s32 $_scs_section_size  }
0x9a: {  	s4 =	simm.s32 $_size__tile_overlayer_lowered;
	s5 =	simm.s32 $_tile_overlayer_lowered  }
0x9b: {  	s6 =	simm.s32 $0x1BFF;
	s21 =	sshll.u32 s5, $0x1;
	s3 =	sadd.s32 s20, s19  }
0x9c: {  	s22 =	simm.s32 $0x0;
	s4 =	sshll.u32 s4, $0x1;
	s5 =	sadd.s32 s21, s3  }
0x9d: {  	[timem:s22], [sflag:s6] =	dma.local [hbm:s5], s4  }
0x9e: {  	_ =	swait.ge [sflag:s6], s4  }
0x9f: {  	s4 =	ssub.s32 $0x0, s4;
	[sflag:s6] =	ssyncset.done $0x0  }
0xa0: {  	[sflag:s6] =	ssyncadd.s32 s4;
	_ =	sdelay $0x1  }
0xa1: {  	s23 =	simm.s32 $0x1B8B  }
0xa2: {  	_ =	swait.ge [sflag:s23], $0x1  }
0xa3: {  	[sflag:s23] =	ssyncset.done $0x0  }
0xa4: {  	[sflag:s23] =	ssyncadd.s32 $0xFFFFFFFF  }
0xa5: {  	s4 =	sld [smem:$0x0]  }
0xa6: {  	s5 =	sand.u32 $0xFFFFFFFE, s1  }
0xa7: {  	p0 =	sne.s32 s1, s5  }
0xa8: {  	s5 =	sshll.u32 @p0 s5, $0xE  }
0xa9: {  	s5 =	sadd.s32 @p0 $0x11B8D, s5;
	s6 =	sshll.u32 @p0 s4, $0x11  }
0xaa: {  	s5 =	sor.u32 @p0 s6, s5  }
0xab: {  	[sflag:s5] =	ssyncadd.remote.s32 @p0 $0x1;
	_ =	sdelay $0x1  }
0xac: {  	s5 =	simm.s32 @p0 $0x1B8D  }
0xad: {  	_ =	swait.eq @p0 [sflag:s5], $0x1  }
0xae: {  	[sflag:s5] =	ssyncadd.s32 @p0 $0xFFFFFFFF  }
0xaf: {  	s6 =	sshll.u32 @!p0 s1, $0xE  }
0xb0: {  	s6 =	sor.u32 @!p0 $0x4000, s6;
	s5 =	simm.s32 @!p0 $0x1B8D  }
0xb1: {  	s4 =	sshll.u32 @!p0 s4, $0x11;
	s6 =	sadd.s32 @!p0 $0x11B8D, s6;
	_ =	swait.eq @!p0 [sflag:s5], $0x1  }
0xb2: {  	s4 =	sor.u32 @!p0 s4, s6;
	[sflag:s5] =	ssyncadd.s32 @!p0 $0xFFFFFFFF  }
0xb3: {  	s25 =	simm.s32 $0x1B8E;
	s24 =	sld [smem:$0x3FFE];
	[sflag:s4] =	ssyncadd.remote.s32 @!p0 $0x1  }
0xb4: {  	s26 =	simm.s32 $execute0_lowered;
	[smem:$0x3FD2] =	sst s25  }
0xb5: {  	s5 =	sshll.u32 s26, $0x1;
	_ =	strace $0x8000004C;
	[dreg:$0x1] =	wrdreg $0xFFFFFFFF  }
0xb6: {  	s28 =	simm.s32 $_size_execute0_lowered;
	s3 =	sadd.s32 s3, s5;
	[dreg:$0x0] =	wrdreg $0x0  }
0xb7: {  	s5 =	sshll.u32 s28, $0x1;
	[dreg:$0x2] =	wrdreg s3  }
0xb8: {  	[dreg:$0x3] =	wrdreg s5  }
0xb9: {  	[dreg:$0x4] =	wrdreg $0xC0  }
0xba: {  	_ =	task [dreg:s22], $0x5FFFF  }
0xbb: {  	[dreg:$0x1] =	wrdreg $0xFFFFFFFF  }
0xbc: {  	[dreg:$0x0] =	wrdreg $0x60  }
0xbd: {  	[dreg:$0x2] =	wrdreg s24  }
0xbe: {  	[dreg:$0x3] =	wrdreg $0xA8000  }
0xbf: {  	[dreg:$0x4] =	wrdreg $0xB  }
0xc0: {  	_ =	task.clear_ibuf [dreg:s22], $0x5FFFF;
	_ =	strace $0x9000004C  }
0xc1: {  	s29 =	simm.s32 $0xB;
	_ =	strace $0x8000004E  }
0xc2: {  	_ =	swait.ge [sflag:s29], $0x1  }
0xc3: {  	[sflag:s29] =	ssyncadd.s32 $0xFFFFFFFF  }
0xc4: {  	_ =	strace $0x9000004E  }
0xc5: {  	_ =	sfence  }
0xc6: {  	s30 =	sld [smem:$0x0];
	_ =	sdelay $0x2  }
0xc7: {  	s31 =	sshll.u32 s1, $0xD;
	s1 =	sshrl.u32 s1, $0x2  }
0xc8: {  	s4 =	sand.u32 $0x4000, s31;
	s1 =	sadd.s32 s1, s30  }
0xc9: {  	s0 =	sor.u32 s4, s0;
	s1 =	sshll.u32 s1, $0x11  }
0xca: {  	s0 =	sor.u32 s1, s0  }
0xcb: {  	s0 =	sadd.s32 $0x8F2B, s0  }
0xcc: {  	[sflag:s0] =	ssyncadd.remote.s32 $0x1  }
0xcd: {  	_ =	sfence.sel $0xFFFF  }
0xce: {  	[dreg:$0x0] =	wrdreg $0xFFFFFFFF;
	(pc) =	sbr.abs _section_cstart, $3  }
0xcf: {  	[dreg:$0x1] =	wrdreg $0xFFFFFFFF  }
0xd0: {  	_ =	task.clear_ibuf [dreg:s22], $0x2FFFF;
	_ =	strace $0x9FFFFFFF  }
0xd1: {  	(tm) =	ssettm $0x7FFFFFFF  }
tec
execute0_lowered:
.L_overlay_start_1:
0x0: {  	(tag) =	ssettag $0x1  }
0x1: {  	s5 =	rddreg [dreg:$0x0]  }
0x2: {  	s1 =	rddreg [dreg:$0x1];
	s2 =	srdreg.scid  }
0x3: {  	s0 =	rddreg [dreg:$0x2];
	s3 =	simm.s32 $0x0;
	s13 =	simm.s32 $0x1400  }
0x4: {  	s14 =	simm.s32 $0x2800;
	s15 =	simm.s32 $0x80;
	s16 =	simm.s32 $0x6800  }
0x5: {  	s17 =	simm.s32 $0x1;
	s18 =	simm.s32 $0x2;
	s19 =	simm.s32 $0x1380  }
0x6: {  	s20 =	simm.s32 $0x2700;
	s21 =	simm.s32 $0x2780;
	s6 =	sand.u32 $0x1, s2  }
0x7: {  	s24 =	simm.s32 $0x0;
	s2 =	stileid.u32;
	s7 =	smul.u32 $0xA0000, s6  }
0x8: {  	[smem:$0x7FF] =	sst s3;
	s4 =	sshll.u32 s6, $0x4;
	s9 =	smul.u32 $0xA000, s2  }
0x9: {  	_ =	strace $0x8000004D;
	s6 =	ssub.s32 $0x2, s6;
	s30 =	smul.u32 $0x28000, s2  }
0xa: {  	s22 =	sshll.u32 s2, $0x6;
	s8 =	sor.u32 s2, s4;
	s4 =	sadd.s32 $0xD0C00, s5  }
0xb: {  	s10 =	sshrl.u32 s6, $0x1;
	s8 =	smul.u32 $0x280, s8;
	s7 =	sadd.s32 s9, s7  }
0xc: {  	s22 =	sor.u32 $0x1C03, s22;
	s12 =	ssub.s32 s6, s10;
	s7 =	sshrl.u32 s7, $0x3  }
0xd: {  	s31 =	sshrl.u32 s30, $0x2;
	s8 =	sadd.s32 s8, s5;
	s11 =	sadd.s32 s7, s5  }
0xe: {  	s7 =	sadd.s32 s31, s1;
	s5 =	sadd.s32 $0x8C00, s8;
	s6 =	sadd.s32 $0xDC00, s8  }
0xf: {  	s8 =	sadd.s32 $0x4000, s7;
	s9 =	sadd.s32 $0x8000, s7;
	s10 =	sadd.s32 $0x148C00, s11  }
0x10: {  	v0 =	vimm.f32 $0.0e+00;
	s11 =	smax.u32 s12, $0x1;
	s12 =	simm.s32 $0x3;
	s23 =	sshrl.u32 s7, $0x3  }
.LBB2_1:
0x11: {  	[tilespmem:s3], [sflag:$0x3] =	stream.linear.gather [hbm4b:s5+s3], $0x1400, $0x38;
	[tilespmem:$0x14800] =	vst v63  }
0x12: {  	_ =	swait.ge [sflag:s12], $0x1400  }
0x13: {  	[sflag:s12] =	ssyncset.done $0x0  }
0x14: {  	[sflag:s12] =	ssyncadd.s32 $0xFFFFEC00  }
0x15: {  	[tilespmem:s13], [sflag:$0x3] =	stream.linear.gather [hbm4b:s6+s3], $0x1400, $0x38;
	[tilespmem:$0x14800] =	vst v63  }
0x16: {  	_ =	swait.ge [sflag:s12], $0x1400  }
0x17: {  	[sflag:s12] =	ssyncset.done $0x0  }
0x18: {  	s25 =	simm.s32 $0x0;
	s26 =	simm.s32 $0x200;
	[sflag:s12] =	ssyncadd.s32 $0xFFFFEC00  }
.LBB2_2:
0x19: {  	p0 =	sne.s32 s26, $0xFE00;
	[tilespmem:s25+$0x2870] =	vst v0  }
0x1a: {  	[tilespmem:s25+$0x2800] =	vst v0  }
0x1b: {  	[tilespmem:s25+$0x2810] =	vst v0  }
.Ltmp0:
0x1c: {  	[tilespmem:s25+$0x2820] =	vst v0;
	(pc) =	sbr.rel @p0 .LBB2_2-.Ltmp0, $4  }
0x1d: {  	[tilespmem:s25+$0x2830] =	vst v0  }
0x1e: {  	[tilespmem:s25+$0x2840] =	vst v0  }
0x1f: {  	[tilespmem:s25+$0x2850] =	vst v0  }
0x20: {  	[tilespmem:s25+$0x2860] =	vst v0;
	s25 =	sshra.s32 s26, $0x2;
	s26 =	sadd.s32 $0x200, s26  }
0x21: {  	[tilespmem:s25+$0x2870] =	vst v0  }
0x22: {  	[tilespmem:s25+$0x2800] =	vst v0  }
0x23: {  	[tilespmem:s25+$0x2810] =	vst v0  }
0x24: {  	[tilespmem:s25+$0x2820] =	vst v0  }
0x25: {  	[tilespmem:s25+$0x2830] =	vst v0  }
0x26: {  	[tilespmem:s25+$0x2840] =	vst v0  }
0x27: {  	[tilespmem:s25+$0x2850] =	vst v0  }
0x28: {  	[tilespmem:s25+$0x2860] =	vst v0  }
0x29: {  	[spmem:s7] =	stream.linear.scatter [tilespmem:s14], [sflag:$0x3], $0x4000, $0x38;
	[tilespmem:$0x14800] =	vst v63  }
0x2a: {  	_ =	swait.ge [sflag:s12], $0x4000  }
0x2b: {  	[sflag:s12] =	ssyncset.done $0x0  }
0x2c: {  	[sflag:s12] =	ssyncadd.s32 $0xFFFFC000  }
0x2d: {  	[spmem:s8] =	stream.linear.scatter [tilespmem:s14], [sflag:$0x3], $0x4000, $0x38;
	[tilespmem:$0x14800] =	vst v63  }
0x2e: {  	_ =	swait.ge [sflag:s12], $0x4000  }
0x2f: {  	[sflag:s12] =	ssyncset.done $0x0  }
0x30: {  	[sflag:s12] =	ssyncadd.s32 $0xFFFFC000  }
0x31: {  	[spmem:s9] =	stream.linear.scatter [tilespmem:s14], [sflag:$0x3], $0x2000, $0x38;
	[tilespmem:$0x14800] =	vst v63  }
0x32: {  	_ =	swait.ge [sflag:s12], $0x2000  }
0x33: {  	[sflag:s12] =	ssyncset.done $0x0  }
0x34: {  	[sflag:s12] =	ssyncadd.s32 $0xFFFFE000  }
0x35: {  	s26 =	simm.s32 $0x0;
	[bflag:$0x0] =	sbarrier.arrive $0xFFFF  }
0x36: {  	[tilespmem:s14], [sflag:$0x1] =	stream.indirect.gather [hbm4b:s4+s15], $0x80, s26, s15, $0xb8;
	[tilespmem:$0x14800] =	vst v63  }
0x37: {  	s28 =	simm.s32 $0x80  }
0x38: {  	[tilespmem:s16], [sflag:$0x2] =	stream.indirect.gather [hbm4b:s4+s15], $0x80, s28, s15, $0xb8;
	[tilespmem:$0x14800] =	vst v63  }
0x39: {  	_ =	swait.ge [sflag:s17], $0x4000  }
0x3a: {  	[sflag:s17] =	ssyncset.done $0x0  }
0x3b: {  	s29 =	simm.s32 $0x1400;
	[sflag:s17] =	ssyncadd.s32 $0xFFFFC000  }
0x3c: {  	[spmem:s1] =	stream.indirect.scatter.add.f32 [tilespmem:s14], [sflag:$0x3], $0x80, s29, s15, $0xb8;
	[tilespmem:$0x14800] =	vst v63  }
0x3d: {  	_ =	swait.ge [sflag:s12], $0x4000  }
0x3e: {  	[sflag:s12] =	ssyncset.done $0x0  }
0x3f: {  	s30 =	simm.s32 $0x100;
	[sflag:s12] =	ssyncadd.s32 $0xFFFFC000  }
0x40: {  	[tilespmem:s14], [sflag:$0x1] =	stream.indirect.gather [hbm4b:s4+s15], $0x80, s30, s15, $0xb8;
	[tilespmem:$0x14800] =	vst v63  }
0x41: {  	_ =	swait.ge [sflag:s18], $0x4000  }
0x42: {  	[sflag:s18] =	ssyncset.done $0x0  }
0x43: {  	s31 =	simm.s32 $0x1480;
	[sflag:s18] =	ssyncadd.s32 $0xFFFFC000  }
0x44: {  	[spmem:s1] =	stream.indirect.scatter.add.f32 [tilespmem:s16], [sflag:$0x3], $0x80, s31, s15, $0xb8;
	[tilespmem:$0x14800] =	vst v63  }
0x45: {  	_ =	swait.ge [sflag:s12], $0x4000  }
0x46: {  	s25 =	simm.s32 $0x100;
	s26 =	simm.s32 $0x800;
	[sflag:s12] =	ssyncset.done $0x0  }
.LBB2_4:
0x47: {  	s28 =	sadd.s32 $0x80, s25  }
0x48: {  	[sflag:s12] =	ssyncadd.s32 $0xFFFFC000;
	s29 =	smov.u32 s26;
	s30 =	sadd.s32 $0x400, s26  }
0x49: {  	[tilespmem:s16], [sflag:$0x2] =	stream.indirect.gather [hbm4b:s4+s15], $0x80, s28, s15, $0xb8;
	[tilespmem:$0x14800] =	vst v63  }
0x4a: {  	p0 =	sne.s32 s26, $0x4800;
	_ =	swait.ge [sflag:s17], $0x4000  }
0x4b: {  	[sflag:s17] =	ssyncset.done $0x0  }
0x4c: {  	s26 =	sadd.s32 $0x1400, s25;
	[sflag:s17] =	ssyncadd.s32 $0xFFFFC000  }
0x4d: {  	[spmem:s1] =	stream.indirect.scatter.add.f32 [tilespmem:s14], [sflag:$0x3], $0x80, s26, s15, $0xb8;
	[tilespmem:$0x14800] =	vst v63  }
0x4e: {  	_ =	swait.ge [sflag:s12], $0x4000  }
0x4f: {  	[sflag:s12] =	ssyncset.done $0x0  }
0x50: {  	s26 =	sadd.s32 $0x100, s25;
	[sflag:s12] =	ssyncadd.s32 $0xFFFFC000  }
0x51: {  	[tilespmem:s14], [sflag:$0x1] =	stream.indirect.gather [hbm4b:s4+s15], $0x80, s26, s15, $0xb8;
	[tilespmem:$0x14800] =	vst v63  }
0x52: {  	_ =	swait.ge [sflag:s18], $0x4000  }
.Ltmp1:
0x53: {  	[sflag:s18] =	ssyncset.done $0x0;
	(pc) =	sbr.rel @p0 .LBB2_4-.Ltmp1, $4  }
0x54: {  	s25 =	sadd.s32 $0x1480, s25;
	[sflag:s18] =	ssyncadd.s32 $0xFFFFC000  }
0x55: {  	[spmem:s1] =	stream.indirect.scatter.add.f32 [tilespmem:s16], [sflag:$0x3], $0x80, s25, s15, $0xb8;
	[tilespmem:$0x14800] =	vst v63  }
0x56: {  	_ =	swait.ge [sflag:s12], $0x4000  }
0x57: {  	s26 =	smov.u32 s30;
	s25 =	sshra.s32 s29, $0x2;
	[sflag:s12] =	ssyncset.done $0x0  }
0x58: {  	s26 =	sadd.s32 $0x80, s25;
	[sflag:s12] =	ssyncadd.s32 $0xFFFFC000  }
0x59: {  	[tilespmem:s16], [sflag:$0x2] =	stream.indirect.gather [hbm4b:s4+s15], $0x80, s26, s15, $0xb8;
	[tilespmem:$0x14800] =	vst v63  }
0x5a: {  	_ =	swait.ge [sflag:s17], $0x4000  }
0x5b: {  	[sflag:s17] =	ssyncset.done $0x0  }
0x5c: {  	s29 =	sadd.s32 $0x1400, s25;
	[sflag:s17] =	ssyncadd.s32 $0xFFFFC000  }
0x5d: {  	[spmem:s1] =	stream.indirect.scatter.add.f32 [tilespmem:s14], [sflag:$0x3], $0x80, s29, s15, $0xb8;
	[tilespmem:$0x14800] =	vst v63  }
0x5e: {  	_ =	swait.ge [sflag:s12], $0x4000  }
0x5f: {  	[sflag:s12] =	ssyncset.done $0x0  }
0x60: {  	s30 =	sadd.s32 $0x100, s25;
	[sflag:s12] =	ssyncadd.s32 $0xFFFFC000  }
0x61: {  	[tilespmem:s14], [sflag:$0x1] =	stream.indirect.gather [hbm4b:s4+s15], $0x80, s30, s15, $0xb8;
	[tilespmem:$0x14800] =	vst v63  }
0x62: {  	_ =	swait.ge [sflag:s18], $0x4000  }
0x63: {  	[sflag:s18] =	ssyncset.done $0x0  }
0x64: {  	s31 =	sadd.s32 $0x1480, s25;
	[sflag:s18] =	ssyncadd.s32 $0xFFFFC000  }
0x65: {  	[spmem:s1] =	stream.indirect.scatter.add.f32 [tilespmem:s16], [sflag:$0x3], $0x80, s31, s15, $0xb8;
	[tilespmem:$0x14800] =	vst v63  }
0x66: {  	_ =	swait.ge [sflag:s12], $0x4000  }
0x67: {  	[sflag:s12] =	ssyncset.done $0x0  }
0x68: {  	[sflag:s12] =	ssyncadd.s32 $0xFFFFC000  }
0x69: {  	[tilespmem:s16], [sflag:$0x2] =	stream.indirect.gather [hbm4b:s4+s15], $0x80, s19, s15, $0xb8;
	[tilespmem:$0x14800] =	vst v63  }
0x6a: {  	_ =	swait.ge [sflag:s17], $0x4000  }
0x6b: {  	[sflag:s17] =	ssyncset.done $0x0  }
0x6c: {  	[sflag:s17] =	ssyncadd.s32 $0xFFFFC000  }
0x6d: {  	[spmem:s1] =	stream.indirect.scatter.add.f32 [tilespmem:s14], [sflag:$0x3], $0x80, s20, s15, $0xb8;
	[tilespmem:$0x14800] =	vst v63  }
0x6e: {  	_ =	swait.ge [sflag:s12], $0x4000  }
0x6f: {  	[sflag:s12] =	ssyncset.done $0x0  }
0x70: {  	[sflag:s12] =	ssyncadd.s32 $0xFFFFC000  }
0x71: {  	_ =	swait.ge [sflag:s18], $0x4000  }
0x72: {  	[sflag:s18] =	ssyncset.done $0x0  }
0x73: {  	[sflag:s18] =	ssyncadd.s32 $0xFFFFC000  }
0x74: {  	[spmem:s1] =	stream.indirect.scatter.add.f32 [tilespmem:s16], [sflag:$0x3], $0x80, s21, s15, $0xb8;
	[tilespmem:$0x14800] =	vst v63  }
0x75: {  	_ =	swait.ge [sflag:s12], $0x4000  }
0x76: {  	s24 =	sadd.s32 $0x1, s24;
	[sflag:s12] =	ssyncset.done $0x0  }
0x77: {  	p0 =	sne.s32 s24, s11;
	[sflag:s12] =	ssyncadd.s32 $0xFFFFC000  }
.Ltmp2:
0x78: {  	[bflag:$0x0] =	sbarrier.arrive $0xFFFF;
	(pc) =	sbr.rel @p0 .LBB2_1-.Ltmp2, $4  }
0x79: {  	[hbm:s10], [sflag:s22] =	dma.local [spmem:s23], $0x1400  }
0x7a: {  	_ =	swait.ge [sflag:s12], $0x1400  }
0x7b: {  	[sflag:s12] =	ssyncset.done $0x0  }
0x7c: {  	[sflag:s12] =	ssyncadd.s32 $0xFFFFEC00  }
0x7d: {  	_ =	sfence.sel $0x180000  }
0x7e: {  	[bflag:$0x0] =	sbarrier.arrive $0xFFFF  }
0x7f: {  	p0 =	sne.s32 s2, $0x0;
	_ =	strace $0x9000004D  }
0x80: {  	s0 =	sadd.s32 @!p0 $0x100000, s0;
	[bflag:$0x2] =	sbarrier.arrive $0xFFFF  }
0x81: {  	[sflag:s0] =	ssyncadd.tile.s32 @!p0 $0x1;
	_ =	shalt  }
.Lfunc_end2:
_tile_overlayer_lowered:
.L_overlay_start_2:
0x82: {  	(tag) =	ssettag $0x2  }
0x83: {  	s0 =	rddreg [dreg:$0x0];
	s2 =	stileid.u32  }
0x84: {  	s1 =	rddreg [dreg:$0x1];
	p0 =	sne.s32 s2, $0x0  }
0x85: {  	s3 =	rddreg [dreg:$0x2];
	[bflag:$0x3] =	sbarrier.arrive $0xFFFF;
	s2 =	simm.s32 @!p0 $0x1C03  }
0x86: {  	[timem:s3], [sflag:s2] =	dma.local @!p0 [hbm:s0], s1  }
0x87: {  	s0 =	simm.s32 @!p0 $0x3  }
0x88: {  	_ =	swait.ge @!p0 [sflag:s0], s1  }
0x89: {  	s1 =	ssub.s32 @!p0 $0x0, s1;
	[sflag:s0] =	ssyncset.done @!p0 $0x0  }
0x8a: {  	[sflag:s0] =	ssyncadd.s32 @!p0 s1  }
0x8b: {  	[bflag:$0x3] =	sbarrier.arrive $0xFFFF  }
0x8c: {  	_ =	shalt  }

// kernel: kernel.27.cloned.1.call-start
scs
__scs_entry_jumppad:
0x0: {  	(pc) =	sbr.rel $0x88, $3  }
0x1: {  	(tag) =	ssettag $0x0;
	lr =	simm.s32 $0x1  }
0x2: {  	[smem:$0x3F8A] =	sst lr;
	_ =	strace $0xD0000000  }
0x3: {  	_ = 	snop  }
0x4: {  	_ = 	snop  }
0x5: {  	_ = 	snop  }
0x6: {  	_ = 	snop  }
0x7: {  	_ = 	snop  }
__scs_overlays_trampoline_lowered:
0x8: {  	[smem:$0x3F99] =	sst s0  }
0x9: {  	[smem:$0x3F9A] =	sst s1  }
0xa: {  	[smem:$0x3F9B] =	sst s2  }
0xb: {  	[smem:$0x3F9C] =	sst s3  }
0xc: {  	[smem:$0x3F9D] =	sst s4  }
0xd: {  	[smem:$0x3F9E] =	sst s5  }
0xe: {  	[smem:$0x3F9F] =	sst s6  }
0xf: {  	[smem:$0x3FA0] =	sst s7  }
0x10: {  	[smem:$0x3FA1] =	sst s8  }
0x11: {  	[smem:$0x3FA2] =	sst s9;
	s0 =	simm.s32 @!p0 $0x0  }
0x12: {  	s1 =	sld [smem:$0x3F88];
	s0 =	simm.s32 @p0 $0x1  }
0x13: {  	[smem:$0x3FA3] =	sst s0;
	s0 =	simm.s32 @!p1 $0x0  }
0x14: {  	s2 =	sld [smem:$0x3F87];
	s0 =	simm.s32 @p1 $0x1  }
0x15: {  	[smem:$0x3FA4] =	sst s0;
	s0 =	simm.s32 @!p2 $0x0  }
0x16: {  	s3 =	sld [smem:$0x3FDB];
	s0 =	simm.s32 @p2 $0x1  }
0x17: {  	s4 =	simm.s32 $0x1BF5;
	[smem:$0x3FA6] =	sst s0  }
0x18: {  	s0 =	sld [smem:$0x3F89];
	_ =	swait.ge [sflag:s4], $0x0  }
0x19: {  	s7 =	sld [smem:$0x3F8A]  }
0x1a: {  	s8 =	sadd.s32 $0xFFFFE003, lr  }
0x1b: {  	s9 =	sadd.s32 $0xFFFFFEF7, lr;
	s5 =	simm.s32 $0xFFFFFFFF;
	p2 =	slt.u32 s8, $0xFFFFF086  }
0x1c: {  	p1 =	slt.u32 s9, $0xF7A;
	s5 =	simm.s32 @!p2 $0x0  }
0x1d: {  	s5 =	simm.s32 @p1 $0x1;
	p0 =	seq.s32 s7, s2  }
0x1e: {  	s7 =	smul.u32 @!p0 $0xF7A, s2;
	p2 =	seq.s32 @!p0 s5, $0x0  }
0x1f: {  	s9 =	smul.u32 $0xF7A, s1;
	s8 =	simm.s32 @!p0 $0x1BF5;
	p2 =	por !p2, p0  }
0x20: {  	[sflag:s8] =	ssyncset.s32 @!p0 $0xFFFFF086;
	s6 =	sadd.s32 @!p0 s3, s7;
	s7 =	simm.s32 @!p0 $0x108  }
0x21: {  	s3 =	sadd.s32 s3, s9;
	s6 =	sadd.s32 @!p0 $0x88, s6;
	s7 =	simm.s32 @p2 $0x1082  }
0x22: {  	[simem:s7], [sflag:s8] =	dma.local @!p0 [hbm:s6], $0xF7A  }
0x23: {  	s9 =	sor.u32 $0xD0000000, s2;
	s6 =	simm.s32 $0x108;
	_ =	swait.ge @!p0 [sflag:s8], $0x0  }
0x24: {  	s3 =	sadd.s32 $0x88, s3;
	s6 =	simm.s32 @!p1 $0x1082;
	[sflag:s4] =	ssyncset.s32 $0xFFFFF086  }
0x25: {  	[simem:s6], [sflag:s4] =	dma.local [hbm:s3], $0xF7A  }
0x26: {  	[smem:$0x3F8A] =	sst s1;
	(tag) =	ssettag s2;
	_ =	strace s9  }
0x27: {  	s1 =	sld [smem:$0x3F9A]  }
0x28: {  	s2 =	sld [smem:$0x3F9B]  }
0x29: {  	s4 =	sld [smem:$0x3F9D]  }
0x2a: {  	p0 =	seq.s32 s5, $0x0;
	s5 =	sld [smem:$0x3F9E]  }
0x2b: {  	s6 =	sld [smem:$0x3F9F]  }
0x2c: {  	s7 =	sld [smem:$0x3FA0]  }
0x2d: {  	s3 =	simm.s32 $0x108;
	s8 =	sld [smem:$0x3FA1]  }
0x2e: {  	s3 =	simm.s32 @!p0 $0x1082;
	s9 =	sld [smem:$0x3FA2]  }
0x2f: {  	lr =	sadd.s32 s0, s3;
	s0 =	sld [smem:$0x3F99]  }
0x30: {  	s3 =	sld [smem:$0x3F9C]  }
0x31: {  	[smem:$0x3FA5] =	sst s10  }
0x32: {  	s10 =	sld [smem:$0x3FA3];
	_ =	sdelay $0x3  }
0x33: {  	p0 =	seq.s32 s10, $0x1;
	s10 =	sld [smem:$0x3FA5];
	_ =	sdelay $0x3  }
0x34: {  	[smem:$0x3FA5] =	sst s10  }
0x35: {  	s10 =	sld [smem:$0x3FA4];
	_ =	sdelay $0x3  }
0x36: {  	p1 =	seq.s32 s10, $0x1;
	s10 =	sld [smem:$0x3FA5];
	_ =	sdelay $0x3  }
0x37: {  	[smem:$0x3FA5] =	sst s10  }
0x38: {  	s10 =	sld [smem:$0x3FA6]  }
0x39: {  	_ = 	snop;
	(pc) =	sbr.ind lr, $3  }
0x3a: {  	_ = 	snop  }
0x3b: {  	_ = 	snop  }
0x3c: {  	p2 =	seq.s32 s10, $0x1;
	s10 =	sld [smem:$0x3FA5]  }
0x3d: {  	_ =	shalt  }
0x3e: {  	_ =	shalt  }
0x3f: {  	_ =	shalt  }
0x40: {  	_ =	shalt  }
0x41: {  	_ =	shalt  }
0x42: {  	_ =	shalt  }
0x43: {  	_ =	shalt  }
0x44: {  	_ =	shalt  }
0x45: {  	_ =	shalt  }
0x46: {  	_ =	shalt  }
0x47: {  	_ =	shalt  }
0x48: {  	_ =	shalt  }
0x49: {  	_ =	shalt  }
0x4a: {  	_ =	shalt  }
0x4b: {  	_ =	shalt  }
0x4c: {  	_ =	shalt  }
0x4d: {  	_ =	shalt  }
0x4e: {  	_ =	shalt  }
0x4f: {  	_ =	shalt  }
0x50: {  	_ =	shalt  }
0x51: {  	_ =	shalt  }
0x52: {  	_ =	shalt  }
0x53: {  	_ =	shalt  }
0x54: {  	_ =	shalt  }
0x55: {  	_ =	shalt  }
0x56: {  	_ =	shalt  }
0x57: {  	_ =	shalt  }
0x58: {  	_ =	shalt  }
0x59: {  	_ =	shalt  }
0x5a: {  	_ =	shalt  }
0x5b: {  	_ =	shalt  }
0x5c: {  	_ =	shalt  }
0x5d: {  	_ =	shalt  }
0x5e: {  	_ =	shalt  }
0x5f: {  	_ =	shalt  }
0x60: {  	_ =	shalt  }
0x61: {  	_ =	shalt  }
0x62: {  	_ =	shalt  }
0x63: {  	_ =	shalt  }
0x64: {  	_ =	shalt  }
0x65: {  	_ =	shalt  }
0x66: {  	_ =	shalt  }
0x67: {  	_ =	shalt  }
0x68: {  	_ =	shalt  }
0x69: {  	_ =	shalt  }
0x6a: {  	_ =	shalt  }
0x6b: {  	_ =	shalt  }
0x6c: {  	_ =	shalt  }
0x6d: {  	_ =	shalt  }
0x6e: {  	_ =	shalt  }
0x6f: {  	_ =	shalt  }
0x70: {  	_ =	shalt  }
0x71: {  	_ =	shalt  }
0x72: {  	_ =	shalt  }
0x73: {  	_ =	shalt  }
0x74: {  	_ =	shalt  }
0x75: {  	_ =	shalt  }
0x76: {  	_ =	shalt  }
0x77: {  	_ =	shalt  }
0x78: {  	_ =	shalt  }
0x79: {  	_ =	shalt  }
0x7a: {  	_ =	shalt  }
0x7b: {  	_ =	shalt  }
0x7c: {  	_ =	shalt  }
0x7d: {  	_ =	shalt  }
0x7e: {  	_ =	shalt  }
0x7f: {  	_ =	shalt  }
0x80: {  	_ =	shalt  }
0x81: {  	_ =	shalt  }
0x82: {  	_ =	shalt  }
0x83: {  	_ =	shalt  }
0x84: {  	_ =	shalt  }
0x85: {  	_ =	shalt  }
0x86: {  	_ =	shalt  }
0x87: {  	_ =	shalt  }
.Lfunc_end0:
.L_simem_size_0:
called_computation.3_lowered:
.L_overlay_start_0:
0x88: {  	s2 =	sld [smem:$0x3FD9]  }
0x89: {  	s3 =	sld [smem:$0x3FFE];
	_ =	sdelay $0x1  }
0x8a: {  	s1 =	srdreg.scid  }
0x8b: {  	s0 =	sand.u32 $0x1, s1  }
0x8c: {  	s16 =	sshll.u32 s0, $0xA;
	s2 =	sadd.s32 s3, s2  }
0x8d: {  	s2 =	sadd.s32 s2, s16  }
0x8e: {  	[smem:$0x3FB1] =	sst s2  }
0x8f: {  	_ = 	snop  }
0x90: {  	(tm) =	ssettm $0x1  }
0x91: {  	s17 =	sld [smem:$0x3FFB];
	_ =	sdelay $0x3  }
0x92: {  	_ =	strace s17  }
0x93: {  	s2 =	sld [smem:$0x3FFC];
	_ =	sdelay $0x3  }
0x94: {  	_ =	strace s2  }
0x95: {  	s2 =	sld [smem:$0x3FFD];
	_ =	sdelay $0x3  }
0x96: {  	_ =	strace s2  }
0x97: {  	_ =	strace $0x8FFFFFFF  }
0x98: {  	s18 =	sld [smem:$0x3FDB];
	_ =	sdelay $0x1  }
0x99: {  	s19 =	simm.s32 $_scs_section_size  }
0x9a: {  	s4 =	simm.s32 $_size__tile_overlayer_lowered;
	s5 =	simm.s32 $_tile_overlayer_lowered  }
0x9b: {  	s22 =	simm.s32 $0x1BFF;
	s21 =	sshll.u32 s5, $0x1;
	s2 =	sadd.s32 s19, s18  }
0x9c: {  	s6 =	simm.s32 $0x0;
	s20 =	sshll.u32 s4, $0x1;
	s4 =	sadd.s32 s21, s2  }
0x9d: {  	[timem:s6], [sflag:s22] =	dma.local [hbm:s4], s20  }
0x9e: {  	_ =	swait.ge [sflag:s22], s20  }
0x9f: {  	s3 =	ssub.s32 $0x0, s20;
	[sflag:s22] =	ssyncset.done $0x0  }
0xa0: {  	[sflag:s22] =	ssyncadd.s32 s3;
	_ =	sdelay $0x1  }
0xa1: {  	s23 =	simm.s32 $0x1B8B  }
0xa2: {  	_ =	swait.ge [sflag:s23], $0x1  }
0xa3: {  	[sflag:s23] =	ssyncset.done $0x0  }
0xa4: {  	s25 =	simm.s32 $0x1B8E;
	s24 =	sld [smem:$0x3FFE];
	[sflag:s23] =	ssyncadd.s32 $0xFFFFFFFF  }
0xa5: {  	s26 =	simm.s32 $execute0_lowered;
	[smem:$0x3FD2] =	sst s25  }
0xa6: {  	s4 =	sshll.u32 s26, $0x1;
	_ =	strace $0x8000004F;
	[dreg:$0x1] =	wrdreg $0xFFFFFFFF  }
0xa7: {  	s28 =	simm.s32 $_size_execute0_lowered;
	s2 =	sadd.s32 s2, s4;
	[dreg:$0x0] =	wrdreg $0x0  }
0xa8: {  	s4 =	sshll.u32 s28, $0x1;
	[dreg:$0x2] =	wrdreg s2  }
0xa9: {  	[dreg:$0x3] =	wrdreg s4  }
0xaa: {  	[dreg:$0x4] =	wrdreg $0xC0  }
0xab: {  	_ =	task [dreg:s6], $0x5FFFF  }
0xac: {  	[dreg:$0x1] =	wrdreg $0xFFFFFFFF  }
0xad: {  	[dreg:$0x0] =	wrdreg $0x60  }
0xae: {  	[dreg:$0x2] =	wrdreg s24  }
0xaf: {  	[dreg:$0x3] =	wrdreg $0xA8000  }
0xb0: {  	[dreg:$0x4] =	wrdreg $0x9  }
0xb1: {  	_ =	task.clear_ibuf [dreg:s6], $0x5FFFF;
	_ =	strace $0x9000004F  }
0xb2: {  	s29 =	simm.s32 $0x9;
	_ =	strace $0x80000051  }
0xb3: {  	_ =	swait.ge [sflag:s29], $0x1  }
0xb4: {  	[sflag:s29] =	ssyncadd.s32 $0xFFFFFFFF  }
0xb5: {  	_ =	strace $0x90000051  }
0xb6: {  	_ =	sfence  }
0xb7: {  	s30 =	sld [smem:$0x0];
	_ =	sdelay $0x2  }
0xb8: {  	s31 =	sshll.u32 s1, $0xD;
	s1 =	sshrl.u32 s1, $0x2  }
0xb9: {  	s3 =	sand.u32 $0x4000, s31;
	s1 =	sadd.s32 s1, s30  }
0xba: {  	s0 =	sor.u32 s3, s0;
	s1 =	sshll.u32 s1, $0x11  }
0xbb: {  	s0 =	sor.u32 s1, s0  }
0xbc: {  	s0 =	sadd.s32 $0x8F2B, s0  }
0xbd: {  	[sflag:s0] =	ssyncadd.remote.s32 $0x1  }
0xbe: {  	_ =	sfence.sel $0xFFFF  }
0xbf: {  	[dreg:$0x0] =	wrdreg $0xFFFFFFFF;
	(pc) =	sbr.abs _section_cstart, $3  }
0xc0: {  	[dreg:$0x1] =	wrdreg $0xFFFFFFFF  }
0xc1: {  	_ =	task.clear_ibuf [dreg:s6], $0x2FFFF;
	_ =	strace $0x9FFFFFFF  }
0xc2: {  	(tm) =	ssettm $0x7FFFFFFF  }
0xc3: {  	_ =	shalt  }
tec
execute0_lowered:
.L_overlay_start_1:
0x0: {  	(tag) =	ssettag $0x1  }
0x1: {  	s6 =	rddreg [dreg:$0x0]  }
0x2: {  	s0 =	srdreg.scid;
	s2 =	rddreg [dreg:$0x1];
	s3 =	simm.s32 $0x0  }
0x3: {  	s14 =	simm.s32 $0x3;
	s15 =	simm.s32 $0x1400;
	s16 =	simm.s32 $0x2800  }
0x4: {  	s17 =	simm.s32 $0x80;
	s18 =	simm.s32 $0x6800;
	s19 =	simm.s32 $0x1  }
0x5: {  	s20 =	simm.s32 $0x2;
	s21 =	simm.s32 $0x1380;
	s22 =	simm.s32 $0x2700  }
0x6: {  	s23 =	simm.s32 $0x2780;
	s5 =	sand.u32 $0x1, s0;
	s0 =	stileid.u32  }
0x7: {  	s25 =	simm.s32 $0x0;
	[smem:$0x7FF] =	sst s3;
	s8 =	smul.u32 $0x140000, s5  }
0x8: {  	s4 =	sadd.s32 $0x1CC00, s6;
	s1 =	sshll.u32 s5, $0x4;
	s9 =	smul.u32 $0x14000, s0  }
0x9: {  	s10 =	smul.u32 $0x50000, s0;
	s5 =	ssub.s32 $0x2, s5;
	s24 =	sshll.u32 s0, $0x6  }
0xa: {  	s1 =	sor.u32 s0, s1;
	s31 =	sshrl.u32 s5, $0x1;
	s24 =	sor.u32 $0x1C03, s24  }
0xb: {  	s7 =	smul.u32 $0x280, s1;
	s1 =	rddreg [dreg:$0x2];
	_ =	strace $0x80000050  }
0xc: {  	s8 =	sadd.s32 s9, s8;
	s10 =	sshrl.u32 s10, $0x2;
	s13 =	ssub.s32 s5, s31  }
0xd: {  	s8 =	sshrl.u32 s8, $0x3;
	s5 =	sadd.s32 s10, s2;
	s13 =	smax.u32 s13, $0x1  }
0xe: {  	s7 =	sadd.s32 s7, s6;
	s12 =	sadd.s32 s8, s6;
	s8 =	sadd.s32 $0x4000, s5  }
0xf: {  	s9 =	sadd.s32 $0x8000, s5;
	s10 =	sadd.s32 $0xC000, s5;
	s11 =	sadd.s32 $0x10000, s5  }
0x10: {  	v0 =	vimm.f32 $0.0e+00;
	s6 =	sadd.s32 $0x17C00, s7;
	s7 =	sadd.s32 $0x12C00, s7;
	s12 =	sadd.s32 $0x30C00, s12  }
.LBB2_1:
0x11: {  	[tilespmem:s3], [sflag:$0x3] =	stream.linear.gather [hbm4b:s6+s3], $0x1400, $0x38;
	[tilespmem:$0x1E800] =	vst v63  }
0x12: {  	_ =	swait.ge [sflag:s14], $0x1400  }
0x13: {  	[sflag:s14] =	ssyncset.done $0x0  }
0x14: {  	[sflag:s14] =	ssyncadd.s32 $0xFFFFEC00  }
0x15: {  	[tilespmem:s15], [sflag:$0x3] =	stream.linear.gather [hbm4b:s7+s3], $0x1400, $0x38;
	[tilespmem:$0x1E800] =	vst v63  }
0x16: {  	_ =	swait.ge [sflag:s14], $0x1400  }
0x17: {  	[sflag:s14] =	ssyncset.done $0x0  }
0x18: {  	s26 =	simm.s32 $0x0;
	s28 =	simm.s32 $0x200;
	[sflag:s14] =	ssyncadd.s32 $0xFFFFEC00  }
.LBB2_2:
0x19: {  	p0 =	sne.s32 s28, $0xFE00;
	[tilespmem:s26+$0x2870] =	vst v0  }
0x1a: {  	[tilespmem:s26+$0x2800] =	vst v0  }
0x1b: {  	[tilespmem:s26+$0x2810] =	vst v0  }
.Ltmp0:
0x1c: {  	[tilespmem:s26+$0x2820] =	vst v0;
	(pc) =	sbr.rel @p0 .LBB2_2-.Ltmp0, $4  }
0x1d: {  	[tilespmem:s26+$0x2830] =	vst v0  }
0x1e: {  	[tilespmem:s26+$0x2840] =	vst v0  }
0x1f: {  	[tilespmem:s26+$0x2850] =	vst v0  }
0x20: {  	[tilespmem:s26+$0x2860] =	vst v0;
	s26 =	sshra.s32 s28, $0x2;
	s28 =	sadd.s32 $0x200, s28  }
0x21: {  	[tilespmem:s26+$0x2870] =	vst v0  }
0x22: {  	[tilespmem:s26+$0x2800] =	vst v0  }
0x23: {  	[tilespmem:s26+$0x2810] =	vst v0  }
0x24: {  	[tilespmem:s26+$0x2820] =	vst v0  }
0x25: {  	[tilespmem:s26+$0x2830] =	vst v0  }
0x26: {  	[tilespmem:s26+$0x2840] =	vst v0  }
0x27: {  	[tilespmem:s26+$0x2850] =	vst v0  }
0x28: {  	[tilespmem:s26+$0x2860] =	vst v0  }
0x29: {  	[spmem:s5] =	stream.linear.scatter [tilespmem:s16], [sflag:$0x3], $0x4000, $0x38;
	[tilespmem:$0x1E800] =	vst v63  }
0x2a: {  	_ =	swait.ge [sflag:s14], $0x4000  }
0x2b: {  	[sflag:s14] =	ssyncset.done $0x0  }
0x2c: {  	[sflag:s14] =	ssyncadd.s32 $0xFFFFC000  }
0x2d: {  	[spmem:s8] =	stream.linear.scatter [tilespmem:s16], [sflag:$0x3], $0x4000, $0x38;
	[tilespmem:$0x1E800] =	vst v63  }
0x2e: {  	_ =	swait.ge [sflag:s14], $0x4000  }
0x2f: {  	[sflag:s14] =	ssyncset.done $0x0  }
0x30: {  	[sflag:s14] =	ssyncadd.s32 $0xFFFFC000  }
0x31: {  	[spmem:s9] =	stream.linear.scatter [tilespmem:s16], [sflag:$0x3], $0x4000, $0x38;
	[tilespmem:$0x1E800] =	vst v63  }
0x32: {  	_ =	swait.ge [sflag:s14], $0x4000  }
0x33: {  	[sflag:s14] =	ssyncset.done $0x0  }
0x34: {  	[sflag:s14] =	ssyncadd.s32 $0xFFFFC000  }
0x35: {  	[spmem:s10] =	stream.linear.scatter [tilespmem:s16], [sflag:$0x3], $0x4000, $0x38;
	[tilespmem:$0x1E800] =	vst v63  }
0x36: {  	_ =	swait.ge [sflag:s14], $0x4000  }
0x37: {  	[sflag:s14] =	ssyncset.done $0x0  }
0x38: {  	[sflag:s14] =	ssyncadd.s32 $0xFFFFC000  }
0x39: {  	[spmem:s11] =	stream.linear.scatter [tilespmem:s16], [sflag:$0x3], $0x4000, $0x38;
	[tilespmem:$0x1E800] =	vst v63  }
0x3a: {  	_ =	swait.ge [sflag:s14], $0x4000  }
0x3b: {  	[sflag:s14] =	ssyncset.done $0x0  }
0x3c: {  	[sflag:s14] =	ssyncadd.s32 $0xFFFFC000  }
0x3d: {  	s30 =	simm.s32 $0x0;
	[bflag:$0x0] =	sbarrier.arrive $0xFFFF  }
0x3e: {  	[tilespmem:s16], [sflag:$0x1] =	stream.indirect.gather [hbm4b:s4+s17], $0x80, s30, s17, $0xb8;
	[tilespmem:$0x1E800] =	vst v63  }
0x3f: {  	s31 =	simm.s32 $0x80  }
0x40: {  	[tilespmem:s18], [sflag:$0x2] =	stream.indirect.gather [hbm4b:s4+s17], $0x80, s31, s17, $0xb8;
	[tilespmem:$0x1E800] =	vst v63  }
0x41: {  	_ =	swait.ge [sflag:s19], $0x4000  }
0x42: {  	[sflag:s19] =	ssyncset.done $0x0  }
0x43: {  	s29 =	simm.s32 $0x1400;
	[sflag:s19] =	ssyncadd.s32 $0xFFFFC000  }
0x44: {  	[spmem:s2] =	stream.indirect.scatter.add.f32 [tilespmem:s16], [sflag:$0x3], $0x80, s29, s17, $0xb8;
	[tilespmem:$0x1E800] =	vst v63  }
0x45: {  	_ =	swait.ge [sflag:s14], $0x4000  }
0x46: {  	[sflag:s14] =	ssyncset.done $0x0  }
0x47: {  	s30 =	simm.s32 $0x100;
	[sflag:s14] =	ssyncadd.s32 $0xFFFFC000  }
0x48: {  	[tilespmem:s16], [sflag:$0x1] =	stream.indirect.gather [hbm4b:s4+s17], $0x80, s30, s17, $0xb8;
	[tilespmem:$0x1E800] =	vst v63  }
0x49: {  	_ =	swait.ge [sflag:s20], $0x4000  }
0x4a: {  	[sflag:s20] =	ssyncset.done $0x0  }
0x4b: {  	s31 =	simm.s32 $0x1480;
	[sflag:s20] =	ssyncadd.s32 $0xFFFFC000  }
0x4c: {  	[spmem:s2] =	stream.indirect.scatter.add.f32 [tilespmem:s18], [sflag:$0x3], $0x80, s31, s17, $0xb8;
	[tilespmem:$0x1E800] =	vst v63  }
0x4d: {  	_ =	swait.ge [sflag:s14], $0x4000  }
0x4e: {  	s28 =	simm.s32 $0x800;
	s26 =	simm.s32 $0x100;
	[sflag:s14] =	ssyncset.done $0x0  }
.LBB2_4:
0x4f: {  	s29 =	sadd.s32 $0x80, s26  }
0x50: {  	[sflag:s14] =	ssyncadd.s32 $0xFFFFC000;
	s30 =	smov.u32 s28;
	s31 =	sadd.s32 $0x400, s28  }
0x51: {  	[tilespmem:s18], [sflag:$0x2] =	stream.indirect.gather [hbm4b:s4+s17], $0x80, s29, s17, $0xb8;
	[tilespmem:$0x1E800] =	vst v63  }
0x52: {  	p0 =	sne.s32 s28, $0x4800;
	_ =	swait.ge [sflag:s19], $0x4000  }
0x53: {  	[sflag:s19] =	ssyncset.done $0x0  }
0x54: {  	s28 =	sadd.s32 $0x1400, s26;
	[sflag:s19] =	ssyncadd.s32 $0xFFFFC000  }
0x55: {  	[spmem:s2] =	stream.indirect.scatter.add.f32 [tilespmem:s16], [sflag:$0x3], $0x80, s28, s17, $0xb8;
	[tilespmem:$0x1E800] =	vst v63  }
0x56: {  	_ =	swait.ge [sflag:s14], $0x4000  }
0x57: {  	[sflag:s14] =	ssyncset.done $0x0  }
0x58: {  	s28 =	sadd.s32 $0x100, s26;
	[sflag:s14] =	ssyncadd.s32 $0xFFFFC000  }
0x59: {  	[tilespmem:s16], [sflag:$0x1] =	stream.indirect.gather [hbm4b:s4+s17], $0x80, s28, s17, $0xb8;
	[tilespmem:$0x1E800] =	vst v63  }
0x5a: {  	_ =	swait.ge [sflag:s20], $0x4000  }
.Ltmp1:
0x5b: {  	[sflag:s20] =	ssyncset.done $0x0;
	(pc) =	sbr.rel @p0 .LBB2_4-.Ltmp1, $4  }
0x5c: {  	s26 =	sadd.s32 $0x1480, s26;
	[sflag:s20] =	ssyncadd.s32 $0xFFFFC000  }
0x5d: {  	[spmem:s2] =	stream.indirect.scatter.add.f32 [tilespmem:s18], [sflag:$0x3], $0x80, s26, s17, $0xb8;
	[tilespmem:$0x1E800] =	vst v63  }
0x5e: {  	_ =	swait.ge [sflag:s14], $0x4000  }
0x5f: {  	s28 =	smov.u32 s31;
	s26 =	sshra.s32 s30, $0x2;
	[sflag:s14] =	ssyncset.done $0x0  }
0x60: {  	s28 =	sadd.s32 $0x80, s26;
	[sflag:s14] =	ssyncadd.s32 $0xFFFFC000  }
0x61: {  	[tilespmem:s18], [sflag:$0x2] =	stream.indirect.gather [hbm4b:s4+s17], $0x80, s28, s17, $0xb8;
	[tilespmem:$0x1E800] =	vst v63  }
0x62: {  	_ =	swait.ge [sflag:s19], $0x4000  }
0x63: {  	[sflag:s19] =	ssyncset.done $0x0  }
0x64: {  	s31 =	sadd.s32 $0x1400, s26;
	[sflag:s19] =	ssyncadd.s32 $0xFFFFC000  }
0x65: {  	[spmem:s2] =	stream.indirect.scatter.add.f32 [tilespmem:s16], [sflag:$0x3], $0x80, s31, s17, $0xb8;
	[tilespmem:$0x1E800] =	vst v63  }
0x66: {  	_ =	swait.ge [sflag:s14], $0x4000  }
0x67: {  	[sflag:s14] =	ssyncset.done $0x0  }
0x68: {  	s29 =	sadd.s32 $0x100, s26;
	[sflag:s14] =	ssyncadd.s32 $0xFFFFC000  }
0x69: {  	[tilespmem:s16], [sflag:$0x1] =	stream.indirect.gather [hbm4b:s4+s17], $0x80, s29, s17, $0xb8;
	[tilespmem:$0x1E800] =	vst v63  }
0x6a: {  	_ =	swait.ge [sflag:s20], $0x4000  }
0x6b: {  	[sflag:s20] =	ssyncset.done $0x0  }
0x6c: {  	s30 =	sadd.s32 $0x1480, s26;
	[sflag:s20] =	ssyncadd.s32 $0xFFFFC000  }
0x6d: {  	[spmem:s2] =	stream.indirect.scatter.add.f32 [tilespmem:s18], [sflag:$0x3], $0x80, s30, s17, $0xb8;
	[tilespmem:$0x1E800] =	vst v63  }
0x6e: {  	_ =	swait.ge [sflag:s14], $0x4000  }
0x6f: {  	[sflag:s14] =	ssyncset.done $0x0  }
0x70: {  	[sflag:s14] =	ssyncadd.s32 $0xFFFFC000  }
0x71: {  	[tilespmem:s18], [sflag:$0x2] =	stream.indirect.gather [hbm4b:s4+s17], $0x80, s21, s17, $0xb8;
	[tilespmem:$0x1E800] =	vst v63  }
0x72: {  	_ =	swait.ge [sflag:s19], $0x4000  }
0x73: {  	[sflag:s19] =	ssyncset.done $0x0  }
0x74: {  	[sflag:s19] =	ssyncadd.s32 $0xFFFFC000  }
0x75: {  	[spmem:s2] =	stream.indirect.scatter.add.f32 [tilespmem:s16], [sflag:$0x3], $0x80, s22, s17, $0xb8;
	[tilespmem:$0x1E800] =	vst v63  }
0x76: {  	_ =	swait.ge [sflag:s14], $0x4000  }
0x77: {  	[sflag:s14] =	ssyncset.done $0x0  }
0x78: {  	[sflag:s14] =	ssyncadd.s32 $0xFFFFC000  }
0x79: {  	_ =	swait.ge [sflag:s20], $0x4000  }
0x7a: {  	[sflag:s20] =	ssyncset.done $0x0  }
0x7b: {  	[sflag:s20] =	ssyncadd.s32 $0xFFFFC000  }
0x7c: {  	[spmem:s2] =	stream.indirect.scatter.add.f32 [tilespmem:s18], [sflag:$0x3], $0x80, s23, s17, $0xb8;
	[tilespmem:$0x1E800] =	vst v63  }
0x7d: {  	_ =	swait.ge [sflag:s14], $0x4000  }
0x7e: {  	s25 =	sadd.s32 $0x1, s25;
	[sflag:s14] =	ssyncset.done $0x0  }
0x7f: {  	p0 =	sne.s32 s25, s13;
	[sflag:s14] =	ssyncadd.s32 $0xFFFFC000  }
.Ltmp2:
0x80: {  	s31 =	sshrl.u32 s5, $0x3;
	[bflag:$0x0] =	sbarrier.arrive $0xFFFF;
	(pc) =	sbr.rel @p0 .LBB2_1-.Ltmp2, $4  }
0x81: {  	[hbm:s12], [sflag:s24] =	dma.local [spmem:s31], $0x2800  }
0x82: {  	_ =	swait.ge [sflag:s14], $0x2800  }
0x83: {  	[sflag:s14] =	ssyncset.done $0x0  }
0x84: {  	[sflag:s14] =	ssyncadd.s32 $0xFFFFD800  }
0x85: {  	_ =	sfence.sel $0x180000  }
0x86: {  	[bflag:$0x0] =	sbarrier.arrive $0xFFFF  }
0x87: {  	p0 =	sne.s32 s0, $0x0;
	_ =	strace $0x90000050  }
0x88: {  	s0 =	sadd.s32 @!p0 $0x100000, s1;
	[bflag:$0x2] =	sbarrier.arrive $0xFFFF  }
0x89: {  	[sflag:s0] =	ssyncadd.tile.s32 @!p0 $0x1;
	_ =	shalt  }
.Lfunc_end2:
_tile_overlayer_lowered:
.L_overlay_start_2:
0x8a: {  	(tag) =	ssettag $0x2  }
0x8b: {  	s0 =	rddreg [dreg:$0x0];
	s2 =	stileid.u32  }
0x8c: {  	s1 =	rddreg [dreg:$0x1];
	p0 =	sne.s32 s2, $0x0  }
0x8d: {  	s3 =	rddreg [dreg:$0x2];
	[bflag:$0x3] =	sbarrier.arrive $0xFFFF;
	s2 =	simm.s32 @!p0 $0x1C03  }
0x8e: {  	[timem:s3], [sflag:s2] =	dma.local @!p0 [hbm:s0], s1  }
0x8f: {  	s0 =	simm.s32 @!p0 $0x3  }
0x90: {  	_ =	swait.ge @!p0 [sflag:s0], s1  }
0x91: {  	s1 =	ssub.s32 @!p0 $0x0, s1;
	[sflag:s0] =	ssyncset.done @!p0 $0x0  }
0x92: {  	[sflag:s0] =	ssyncadd.s32 @!p0 s1  }
0x93: {  	[bflag:$0x3] =	sbarrier.arrive $0xFFFF  }
0x94: {  	_ =	shalt  }

// kernel: kernel.30.cloned.1.call-start
scs
__scs_entry_jumppad:
0x0: {  	(pc) =	sbr.rel $0x88, $3  }
0x1: {  	(tag) =	ssettag $0x0;
	lr =	simm.s32 $0x1  }
0x2: {  	[smem:$0x3F8A] =	sst lr;
	_ =	strace $0xD0000000  }
0x3: {  	_ = 	snop  }
0x4: {  	_ = 	snop  }
0x5: {  	_ = 	snop  }
0x6: {  	_ = 	snop  }
0x7: {  	_ = 	snop  }
__scs_overlays_trampoline_lowered:
0x8: {  	[smem:$0x3F99] =	sst s0  }
0x9: {  	[smem:$0x3F9A] =	sst s1  }
0xa: {  	[smem:$0x3F9B] =	sst s2  }
0xb: {  	[smem:$0x3F9C] =	sst s3  }
0xc: {  	[smem:$0x3F9D] =	sst s4  }
0xd: {  	[smem:$0x3F9E] =	sst s5  }
0xe: {  	[smem:$0x3F9F] =	sst s6  }
0xf: {  	[smem:$0x3FA0] =	sst s7  }
0x10: {  	[smem:$0x3FA1] =	sst s8  }
0x11: {  	[smem:$0x3FA2] =	sst s9;
	s0 =	simm.s32 @!p0 $0x0  }
0x12: {  	s1 =	sld [smem:$0x3F88];
	s0 =	simm.s32 @p0 $0x1  }
0x13: {  	[smem:$0x3FA3] =	sst s0;
	s0 =	simm.s32 @!p1 $0x0  }
0x14: {  	s2 =	sld [smem:$0x3F87];
	s0 =	simm.s32 @p1 $0x1  }
0x15: {  	[smem:$0x3FA4] =	sst s0;
	s0 =	simm.s32 @!p2 $0x0  }
0x16: {  	s3 =	sld [smem:$0x3FDB];
	s0 =	simm.s32 @p2 $0x1  }
0x17: {  	s4 =	simm.s32 $0x1BF5;
	[smem:$0x3FA6] =	sst s0  }
0x18: {  	s0 =	sld [smem:$0x3F89];
	_ =	swait.ge [sflag:s4], $0x0  }
0x19: {  	s7 =	sld [smem:$0x3F8A]  }
0x1a: {  	s8 =	sadd.s32 $0xFFFFE003, lr  }
0x1b: {  	s9 =	sadd.s32 $0xFFFFFEF7, lr;
	s5 =	simm.s32 $0xFFFFFFFF;
	p2 =	slt.u32 s8, $0xFFFFF086  }
0x1c: {  	p1 =	slt.u32 s9, $0xF7A;
	s5 =	simm.s32 @!p2 $0x0  }
0x1d: {  	s5 =	simm.s32 @p1 $0x1;
	p0 =	seq.s32 s7, s2  }
0x1e: {  	s7 =	smul.u32 @!p0 $0xF7A, s2;
	p2 =	seq.s32 @!p0 s5, $0x0  }
0x1f: {  	s9 =	smul.u32 $0xF7A, s1;
	s8 =	simm.s32 @!p0 $0x1BF5;
	p2 =	por !p2, p0  }
0x20: {  	[sflag:s8] =	ssyncset.s32 @!p0 $0xFFFFF086;
	s6 =	sadd.s32 @!p0 s3, s7;
	s7 =	simm.s32 @!p0 $0x108  }
0x21: {  	s3 =	sadd.s32 s3, s9;
	s6 =	sadd.s32 @!p0 $0x88, s6;
	s7 =	simm.s32 @p2 $0x1082  }
0x22: {  	[simem:s7], [sflag:s8] =	dma.local @!p0 [hbm:s6], $0xF7A  }
0x23: {  	s9 =	sor.u32 $0xD0000000, s2;
	s6 =	simm.s32 $0x108;
	_ =	swait.ge @!p0 [sflag:s8], $0x0  }
0x24: {  	s3 =	sadd.s32 $0x88, s3;
	s6 =	simm.s32 @!p1 $0x1082;
	[sflag:s4] =	ssyncset.s32 $0xFFFFF086  }
0x25: {  	[simem:s6], [sflag:s4] =	dma.local [hbm:s3], $0xF7A  }
0x26: {  	[smem:$0x3F8A] =	sst s1;
	(tag) =	ssettag s2;
	_ =	strace s9  }
0x27: {  	s1 =	sld [smem:$0x3F9A]  }
0x28: {  	s2 =	sld [smem:$0x3F9B]  }
0x29: {  	s4 =	sld [smem:$0x3F9D]  }
0x2a: {  	p0 =	seq.s32 s5, $0x0;
	s5 =	sld [smem:$0x3F9E]  }
0x2b: {  	s6 =	sld [smem:$0x3F9F]  }
0x2c: {  	s7 =	sld [smem:$0x3FA0]  }
0x2d: {  	s3 =	simm.s32 $0x108;
	s8 =	sld [smem:$0x3FA1]  }
0x2e: {  	s3 =	simm.s32 @!p0 $0x1082;
	s9 =	sld [smem:$0x3FA2]  }
0x2f: {  	lr =	sadd.s32 s0, s3;
	s0 =	sld [smem:$0x3F99]  }
0x30: {  	s3 =	sld [smem:$0x3F9C]  }
0x31: {  	[smem:$0x3FA5] =	sst s10  }
0x32: {  	s10 =	sld [smem:$0x3FA3];
	_ =	sdelay $0x3  }
0x33: {  	p0 =	seq.s32 s10, $0x1;
	s10 =	sld [smem:$0x3FA5];
	_ =	sdelay $0x3  }
0x34: {  	[smem:$0x3FA5] =	sst s10  }
0x35: {  	s10 =	sld [smem:$0x3FA4];
	_ =	sdelay $0x3  }
0x36: {  	p1 =	seq.s32 s10, $0x1;
	s10 =	sld [smem:$0x3FA5];
	_ =	sdelay $0x3  }
0x37: {  	[smem:$0x3FA5] =	sst s10  }
0x38: {  	s10 =	sld [smem:$0x3FA6]  }
0x39: {  	_ = 	snop;
	(pc) =	sbr.ind lr, $3  }
0x3a: {  	_ = 	snop  }
0x3b: {  	_ = 	snop  }
0x3c: {  	p2 =	seq.s32 s10, $0x1;
	s10 =	sld [smem:$0x3FA5]  }
0x3d: {  	_ =	shalt  }
0x3e: {  	_ =	shalt  }
0x3f: {  	_ =	shalt  }
0x40: {  	_ =	shalt  }
0x41: {  	_ =	shalt  }
0x42: {  	_ =	shalt  }
0x43: {  	_ =	shalt  }
0x44: {  	_ =	shalt  }
0x45: {  	_ =	shalt  }
0x46: {  	_ =	shalt  }
0x47: {  	_ =	shalt  }
0x48: {  	_ =	shalt  }
0x49: {  	_ =	shalt  }
0x4a: {  	_ =	shalt  }
0x4b: {  	_ =	shalt  }
0x4c: {  	_ =	shalt  }
0x4d: {  	_ =	shalt  }
0x4e: {  	_ =	shalt  }
0x4f: {  	_ =	shalt  }
0x50: {  	_ =	shalt  }
0x51: {  	_ =	shalt  }
0x52: {  	_ =	shalt  }
0x53: {  	_ =	shalt  }
0x54: {  	_ =	shalt  }
0x55: {  	_ =	shalt  }
0x56: {  	_ =	shalt  }
0x57: {  	_ =	shalt  }
0x58: {  	_ =	shalt  }
0x59: {  	_ =	shalt  }
0x5a: {  	_ =	shalt  }
0x5b: {  	_ =	shalt  }
0x5c: {  	_ =	shalt  }
0x5d: {  	_ =	shalt  }
0x5e: {  	_ =	shalt  }
0x5f: {  	_ =	shalt  }
0x60: {  	_ =	shalt  }
0x61: {  	_ =	shalt  }
0x62: {  	_ =	shalt  }
0x63: {  	_ =	shalt  }
0x64: {  	_ =	shalt  }
0x65: {  	_ =	shalt  }
0x66: {  	_ =	shalt  }
0x67: {  	_ =	shalt  }
0x68: {  	_ =	shalt  }
0x69: {  	_ =	shalt  }
0x6a: {  	_ =	shalt  }
0x6b: {  	_ =	shalt  }
0x6c: {  	_ =	shalt  }
0x6d: {  	_ =	shalt  }
0x6e: {  	_ =	shalt  }
0x6f: {  	_ =	shalt  }
0x70: {  	_ =	shalt  }
0x71: {  	_ =	shalt  }
0x72: {  	_ =	shalt  }
0x73: {  	_ =	shalt  }
0x74: {  	_ =	shalt  }
0x75: {  	_ =	shalt  }
0x76: {  	_ =	shalt  }
0x77: {  	_ =	shalt  }
0x78: {  	_ =	shalt  }
0x79: {  	_ =	shalt  }
0x7a: {  	_ =	shalt  }
0x7b: {  	_ =	shalt  }
0x7c: {  	_ =	shalt  }
0x7d: {  	_ =	shalt  }
0x7e: {  	_ =	shalt  }
0x7f: {  	_ =	shalt  }
0x80: {  	_ =	shalt  }
0x81: {  	_ =	shalt  }
0x82: {  	_ =	shalt  }
0x83: {  	_ =	shalt  }
0x84: {  	_ =	shalt  }
0x85: {  	_ =	shalt  }
0x86: {  	_ =	shalt  }
0x87: {  	_ =	shalt  }
.Lfunc_end0:
.L_simem_size_0:
called_computation.4_lowered:
.L_overlay_start_0:
0x88: {  	s2 =	sld [smem:$0x3FD9]  }
0x89: {  	s3 =	sld [smem:$0x3FFE];
	_ =	sdelay $0x1  }
0x8a: {  	s1 =	srdreg.scid  }
0x8b: {  	s0 =	sand.u32 $0x1, s1  }
0x8c: {  	s16 =	sshll.u32 s0, $0xA;
	s2 =	sadd.s32 s3, s2  }
0x8d: {  	s2 =	sadd.s32 s2, s16  }
0x8e: {  	[smem:$0x3FB1] =	sst s2  }
0x8f: {  	_ = 	snop  }
0x90: {  	(tm) =	ssettm $0x1  }
0x91: {  	s17 =	sld [smem:$0x3FFB];
	_ =	sdelay $0x3  }
0x92: {  	_ =	strace s17  }
0x93: {  	s2 =	sld [smem:$0x3FFC];
	_ =	sdelay $0x3  }
0x94: {  	_ =	strace s2  }
0x95: {  	s2 =	sld [smem:$0x3FFD];
	_ =	sdelay $0x3  }
0x96: {  	_ =	strace s2  }
0x97: {  	_ =	strace $0x8FFFFFFF  }
0x98: {  	s18 =	sld [smem:$0x3FDB];
	_ =	sdelay $0x1  }
0x99: {  	s19 =	simm.s32 $_scs_section_size  }
0x9a: {  	s4 =	simm.s32 $_size__tile_overlayer_lowered;
	s5 =	simm.s32 $_tile_overlayer_lowered  }
0x9b: {  	s22 =	simm.s32 $0x1BFF;
	s21 =	sshll.u32 s5, $0x1;
	s2 =	sadd.s32 s19, s18  }
0x9c: {  	s6 =	simm.s32 $0x0;
	s20 =	sshll.u32 s4, $0x1;
	s4 =	sadd.s32 s21, s2  }
0x9d: {  	[timem:s6], [sflag:s22] =	dma.local [hbm:s4], s20  }
0x9e: {  	_ =	swait.ge [sflag:s22], s20  }
0x9f: {  	s3 =	ssub.s32 $0x0, s20;
	[sflag:s22] =	ssyncset.done $0x0  }
0xa0: {  	[sflag:s22] =	ssyncadd.s32 s3;
	_ =	sdelay $0x1  }
0xa1: {  	s23 =	simm.s32 $0x1B8B  }
0xa2: {  	_ =	swait.ge [sflag:s23], $0x1  }
0xa3: {  	[sflag:s23] =	ssyncset.done $0x0  }
0xa4: {  	s25 =	simm.s32 $0x1B8E;
	s24 =	sld [smem:$0x3FFE];
	[sflag:s23] =	ssyncadd.s32 $0xFFFFFFFF  }
0xa5: {  	s26 =	simm.s32 $execute0_lowered;
	[smem:$0x3FD2] =	sst s25  }
0xa6: {  	s4 =	sshll.u32 s26, $0x1;
	_ =	strace $0x80000052;
	[dreg:$0x1] =	wrdreg $0xFFFFFFFF  }
0xa7: {  	s28 =	simm.s32 $_size_execute0_lowered;
	s2 =	sadd.s32 s2, s4;
	[dreg:$0x0] =	wrdreg $0x0  }
0xa8: {  	s4 =	sshll.u32 s28, $0x1;
	[dreg:$0x2] =	wrdreg s2  }
0xa9: {  	[dreg:$0x3] =	wrdreg s4  }
0xaa: {  	[dreg:$0x4] =	wrdreg $0xC0  }
0xab: {  	_ =	task [dreg:s6], $0x5FFFF  }
0xac: {  	[dreg:$0x1] =	wrdreg $0xFFFFFFFF  }
0xad: {  	[dreg:$0x0] =	wrdreg $0x60  }
0xae: {  	[dreg:$0x2] =	wrdreg s24  }
0xaf: {  	[dreg:$0x3] =	wrdreg $0xA8000  }
0xb0: {  	[dreg:$0x4] =	wrdreg $0x9  }
0xb1: {  	_ =	task.clear_ibuf [dreg:s6], $0x5FFFF;
	_ =	strace $0x90000052  }
0xb2: {  	s29 =	simm.s32 $0x9;
	_ =	strace $0x80000054  }
0xb3: {  	_ =	swait.ge [sflag:s29], $0x1  }
0xb4: {  	[sflag:s29] =	ssyncadd.s32 $0xFFFFFFFF  }
0xb5: {  	_ =	strace $0x90000054  }
0xb6: {  	_ =	sfence  }
0xb7: {  	s30 =	sld [smem:$0x0];
	_ =	sdelay $0x2  }
0xb8: {  	s31 =	sshll.u32 s1, $0xD;
	s1 =	sshrl.u32 s1, $0x2  }
0xb9: {  	s3 =	sand.u32 $0x4000, s31;
	s1 =	sadd.s32 s1, s30  }
0xba: {  	s0 =	sor.u32 s3, s0;
	s1 =	sshll.u32 s1, $0x11  }
0xbb: {  	s0 =	sor.u32 s1, s0  }
0xbc: {  	s0 =	sadd.s32 $0x8F2B, s0  }
0xbd: {  	[sflag:s0] =	ssyncadd.remote.s32 $0x1  }
0xbe: {  	_ =	sfence.sel $0xFFFF  }
0xbf: {  	[dreg:$0x0] =	wrdreg $0xFFFFFFFF;
	(pc) =	sbr.abs _section_cstart, $3  }
0xc0: {  	[dreg:$0x1] =	wrdreg $0xFFFFFFFF  }
0xc1: {  	_ =	task.clear_ibuf [dreg:s6], $0x2FFFF;
	_ =	strace $0x9FFFFFFF  }
0xc2: {  	(tm) =	ssettm $0x7FFFFFFF  }
0xc3: {  	_ =	shalt  }
tec
execute0_lowered:
.L_overlay_start_1:
0x0: {  	(tag) =	ssettag $0x1  }
0x1: {  	s5 =	rddreg [dreg:$0x0]  }
0x2: {  	s1 =	rddreg [dreg:$0x1];
	s2 =	srdreg.scid  }
0x3: {  	s0 =	rddreg [dreg:$0x2];
	s3 =	simm.s32 $0x0;
	s13 =	simm.s32 $0x1400  }
0x4: {  	s14 =	simm.s32 $0x2800;
	s15 =	simm.s32 $0x80;
	s16 =	simm.s32 $0x6800  }
0x5: {  	s17 =	simm.s32 $0x1;
	s18 =	simm.s32 $0x2;
	s19 =	simm.s32 $0x1380  }
0x6: {  	s20 =	simm.s32 $0x2700;
	s21 =	simm.s32 $0x2780;
	s6 =	sand.u32 $0x1, s2  }
0x7: {  	s24 =	simm.s32 $0x0;
	s2 =	stileid.u32;
	s7 =	smul.u32 $0xA0000, s6  }
0x8: {  	[smem:$0x7FF] =	sst s3;
	s4 =	sshll.u32 s6, $0x4;
	s9 =	smul.u32 $0xA000, s2  }
0x9: {  	_ =	strace $0x80000053;
	s6 =	ssub.s32 $0x2, s6;
	s30 =	smul.u32 $0x28000, s2  }
0xa: {  	s22 =	sshll.u32 s2, $0x6;
	s8 =	sor.u32 s2, s4;
	s4 =	sadd.s32 $0x1CC00, s5  }
0xb: {  	s10 =	sshrl.u32 s6, $0x1;
	s8 =	smul.u32 $0x280, s8;
	s7 =	sadd.s32 s9, s7  }
0xc: {  	s22 =	sor.u32 $0x1C03, s22;
	s12 =	ssub.s32 s6, s10;
	s7 =	sshrl.u32 s7, $0x3  }
0xd: {  	s31 =	sshrl.u32 s30, $0x2;
	s8 =	sadd.s32 s8, s5;
	s11 =	sadd.s32 s7, s5  }
0xe: {  	s7 =	sadd.s32 s31, s1;
	s5 =	sadd.s32 $0x8C00, s8;
	s6 =	sadd.s32 $0xDC00, s8  }
0xf: {  	s8 =	sadd.s32 $0x4000, s7;
	s9 =	sadd.s32 $0x8000, s7;
	s10 =	sadd.s32 $0x44C00, s11  }
0x10: {  	v0 =	vimm.f32 $0.0e+00;
	s11 =	smax.u32 s12, $0x1;
	s12 =	simm.s32 $0x3;
	s23 =	sshrl.u32 s7, $0x3  }
.LBB2_1:
0x11: {  	[tilespmem:s3], [sflag:$0x3] =	stream.linear.gather [hbm4b:s5+s3], $0x1400, $0x38;
	[tilespmem:$0x14800] =	vst v63  }
0x12: {  	_ =	swait.ge [sflag:s12], $0x1400  }
0x13: {  	[sflag:s12] =	ssyncset.done $0x0  }
0x14: {  	[sflag:s12] =	ssyncadd.s32 $0xFFFFEC00  }
0x15: {  	[tilespmem:s13], [sflag:$0x3] =	stream.linear.gather [hbm4b:s6+s3], $0x1400, $0x38;
	[tilespmem:$0x14800] =	vst v63  }
0x16: {  	_ =	swait.ge [sflag:s12], $0x1400  }
0x17: {  	[sflag:s12] =	ssyncset.done $0x0  }
0x18: {  	s25 =	simm.s32 $0x0;
	s26 =	simm.s32 $0x200;
	[sflag:s12] =	ssyncadd.s32 $0xFFFFEC00  }
.LBB2_2:
0x19: {  	p0 =	sne.s32 s26, $0xFE00;
	[tilespmem:s25+$0x2870] =	vst v0  }
0x1a: {  	[tilespmem:s25+$0x2800] =	vst v0  }
0x1b: {  	[tilespmem:s25+$0x2810] =	vst v0  }
.Ltmp0:
0x1c: {  	[tilespmem:s25+$0x2820] =	vst v0;
	(pc) =	sbr.rel @p0 .LBB2_2-.Ltmp0, $4  }
0x1d: {  	[tilespmem:s25+$0x2830] =	vst v0  }
0x1e: {  	[tilespmem:s25+$0x2840] =	vst v0  }
0x1f: {  	[tilespmem:s25+$0x2850] =	vst v0  }
0x20: {  	[tilespmem:s25+$0x2860] =	vst v0;
	s25 =	sshra.s32 s26, $0x2;
	s26 =	sadd.s32 $0x200, s26  }
0x21: {  	[tilespmem:s25+$0x2870] =	vst v0  }
0x22: {  	[tilespmem:s25+$0x2800] =	vst v0  }
0x23: {  	[tilespmem:s25+$0x2810] =	vst v0  }
0x24: {  	[tilespmem:s25+$0x2820] =	vst v0  }
0x25: {  	[tilespmem:s25+$0x2830] =	vst v0  }
0x26: {  	[tilespmem:s25+$0x2840] =	vst v0  }
0x27: {  	[tilespmem:s25+$0x2850] =	vst v0  }
0x28: {  	[tilespmem:s25+$0x2860] =	vst v0  }
0x29: {  	[spmem:s7] =	stream.linear.scatter [tilespmem:s14], [sflag:$0x3], $0x4000, $0x38;
	[tilespmem:$0x14800] =	vst v63  }
0x2a: {  	_ =	swait.ge [sflag:s12], $0x4000  }
0x2b: {  	[sflag:s12] =	ssyncset.done $0x0  }
0x2c: {  	[sflag:s12] =	ssyncadd.s32 $0xFFFFC000  }
0x2d: {  	[spmem:s8] =	stream.linear.scatter [tilespmem:s14], [sflag:$0x3], $0x4000, $0x38;
	[tilespmem:$0x14800] =	vst v63  }
0x2e: {  	_ =	swait.ge [sflag:s12], $0x4000  }
0x2f: {  	[sflag:s12] =	ssyncset.done $0x0  }
0x30: {  	[sflag:s12] =	ssyncadd.s32 $0xFFFFC000  }
0x31: {  	[spmem:s9] =	stream.linear.scatter [tilespmem:s14], [sflag:$0x3], $0x2000, $0x38;
	[tilespmem:$0x14800] =	vst v63  }
0x32: {  	_ =	swait.ge [sflag:s12], $0x2000  }
0x33: {  	[sflag:s12] =	ssyncset.done $0x0  }
0x34: {  	[sflag:s12] =	ssyncadd.s32 $0xFFFFE000  }
0x35: {  	s26 =	simm.s32 $0x0;
	[bflag:$0x0] =	sbarrier.arrive $0xFFFF  }
0x36: {  	[tilespmem:s14], [sflag:$0x1] =	stream.indirect.gather [hbm4b:s4+s15], $0x80, s26, s15, $0xb8;
	[tilespmem:$0x14800] =	vst v63  }
0x37: {  	s28 =	simm.s32 $0x80  }
0x38: {  	[tilespmem:s16], [sflag:$0x2] =	stream.indirect.gather [hbm4b:s4+s15], $0x80, s28, s15, $0xb8;
	[tilespmem:$0x14800] =	vst v63  }
0x39: {  	_ =	swait.ge [sflag:s17], $0x4000  }
0x3a: {  	[sflag:s17] =	ssyncset.done $0x0  }
0x3b: {  	s29 =	simm.s32 $0x1400;
	[sflag:s17] =	ssyncadd.s32 $0xFFFFC000  }
0x3c: {  	[spmem:s1] =	stream.indirect.scatter.add.f32 [tilespmem:s14], [sflag:$0x3], $0x80, s29, s15, $0xb8;
	[tilespmem:$0x14800] =	vst v63  }
0x3d: {  	_ =	swait.ge [sflag:s12], $0x4000  }
0x3e: {  	[sflag:s12] =	ssyncset.done $0x0  }
0x3f: {  	s30 =	simm.s32 $0x100;
	[sflag:s12] =	ssyncadd.s32 $0xFFFFC000  }
0x40: {  	[tilespmem:s14], [sflag:$0x1] =	stream.indirect.gather [hbm4b:s4+s15], $0x80, s30, s15, $0xb8;
	[tilespmem:$0x14800] =	vst v63  }
0x41: {  	_ =	swait.ge [sflag:s18], $0x4000  }
0x42: {  	[sflag:s18] =	ssyncset.done $0x0  }
0x43: {  	s31 =	simm.s32 $0x1480;
	[sflag:s18] =	ssyncadd.s32 $0xFFFFC000  }
0x44: {  	[spmem:s1] =	stream.indirect.scatter.add.f32 [tilespmem:s16], [sflag:$0x3], $0x80, s31, s15, $0xb8;
	[tilespmem:$0x14800] =	vst v63  }
0x45: {  	_ =	swait.ge [sflag:s12], $0x4000  }
0x46: {  	s25 =	simm.s32 $0x100;
	s26 =	simm.s32 $0x800;
	[sflag:s12] =	ssyncset.done $0x0  }
.LBB2_4:
0x47: {  	s28 =	sadd.s32 $0x80, s25  }
0x48: {  	[sflag:s12] =	ssyncadd.s32 $0xFFFFC000;
	s29 =	smov.u32 s26;
	s30 =	sadd.s32 $0x400, s26  }
0x49: {  	[tilespmem:s16], [sflag:$0x2] =	stream.indirect.gather [hbm4b:s4+s15], $0x80, s28, s15, $0xb8;
	[tilespmem:$0x14800] =	vst v63  }
0x4a: {  	p0 =	sne.s32 s26, $0x4800;
	_ =	swait.ge [sflag:s17], $0x4000  }
0x4b: {  	[sflag:s17] =	ssyncset.done $0x0  }
0x4c: {  	s26 =	sadd.s32 $0x1400, s25;
	[sflag:s17] =	ssyncadd.s32 $0xFFFFC000  }
0x4d: {  	[spmem:s1] =	stream.indirect.scatter.add.f32 [tilespmem:s14], [sflag:$0x3], $0x80, s26, s15, $0xb8;
	[tilespmem:$0x14800] =	vst v63  }
0x4e: {  	_ =	swait.ge [sflag:s12], $0x4000  }
0x4f: {  	[sflag:s12] =	ssyncset.done $0x0  }
0x50: {  	s26 =	sadd.s32 $0x100, s25;
	[sflag:s12] =	ssyncadd.s32 $0xFFFFC000  }
0x51: {  	[tilespmem:s14], [sflag:$0x1] =	stream.indirect.gather [hbm4b:s4+s15], $0x80, s26, s15, $0xb8;
	[tilespmem:$0x14800] =	vst v63  }
0x52: {  	_ =	swait.ge [sflag:s18], $0x4000  }
.Ltmp1:
0x53: {  	[sflag:s18] =	ssyncset.done $0x0;
	(pc) =	sbr.rel @p0 .LBB2_4-.Ltmp1, $4  }
0x54: {  	s25 =	sadd.s32 $0x1480, s25;
	[sflag:s18] =	ssyncadd.s32 $0xFFFFC000  }
0x55: {  	[spmem:s1] =	stream.indirect.scatter.add.f32 [tilespmem:s16], [sflag:$0x3], $0x80, s25, s15, $0xb8;
	[tilespmem:$0x14800] =	vst v63  }
0x56: {  	_ =	swait.ge [sflag:s12], $0x4000  }
0x57: {  	s26 =	smov.u32 s30;
	s25 =	sshra.s32 s29, $0x2;
	[sflag:s12] =	ssyncset.done $0x0  }
0x58: {  	s26 =	sadd.s32 $0x80, s25;
	[sflag:s12] =	ssyncadd.s32 $0xFFFFC000  }
0x59: {  	[tilespmem:s16], [sflag:$0x2] =	stream.indirect.gather [hbm4b:s4+s15], $0x80, s26, s15, $0xb8;
	[tilespmem:$0x14800] =	vst v63  }
0x5a: {  	_ =	swait.ge [sflag:s17], $0x4000  }
0x5b: {  	[sflag:s17] =	ssyncset.done $0x0  }
0x5c: {  	s29 =	sadd.s32 $0x1400, s25;
	[sflag:s17] =	ssyncadd.s32 $0xFFFFC000  }
0x5d: {  	[spmem:s1] =	stream.indirect.scatter.add.f32 [tilespmem:s14], [sflag:$0x3], $0x80, s29, s15, $0xb8;
	[tilespmem:$0x14800] =	vst v63  }
0x5e: {  	_ =	swait.ge [sflag:s12], $0x4000  }
0x5f: {  	[sflag:s12] =	ssyncset.done $0x0  }
0x60: {  	s30 =	sadd.s32 $0x100, s25;
	[sflag:s12] =	ssyncadd.s32 $0xFFFFC000  }
0x61: {  	[tilespmem:s14], [sflag:$0x1] =	stream.indirect.gather [hbm4b:s4+s15], $0x80, s30, s15, $0xb8;
	[tilespmem:$0x14800] =	vst v63  }
0x62: {  	_ =	swait.ge [sflag:s18], $0x4000  }
0x63: {  	[sflag:s18] =	ssyncset.done $0x0  }
0x64: {  	s31 =	sadd.s32 $0x1480, s25;
	[sflag:s18] =	ssyncadd.s32 $0xFFFFC000  }
0x65: {  	[spmem:s1] =	stream.indirect.scatter.add.f32 [tilespmem:s16], [sflag:$0x3], $0x80, s31, s15, $0xb8;
	[tilespmem:$0x14800] =	vst v63  }
0x66: {  	_ =	swait.ge [sflag:s12], $0x4000  }
0x67: {  	[sflag:s12] =	ssyncset.done $0x0  }
0x68: {  	[sflag:s12] =	ssyncadd.s32 $0xFFFFC000  }
0x69: {  	[tilespmem:s16], [sflag:$0x2] =	stream.indirect.gather [hbm4b:s4+s15], $0x80, s19, s15, $0xb8;
	[tilespmem:$0x14800] =	vst v63  }
0x6a: {  	_ =	swait.ge [sflag:s17], $0x4000  }
0x6b: {  	[sflag:s17] =	ssyncset.done $0x0  }
0x6c: {  	[sflag:s17] =	ssyncadd.s32 $0xFFFFC000  }
0x6d: {  	[spmem:s1] =	stream.indirect.scatter.add.f32 [tilespmem:s14], [sflag:$0x3], $0x80, s20, s15, $0xb8;
	[tilespmem:$0x14800] =	vst v63  }
0x6e: {  	_ =	swait.ge [sflag:s12], $0x4000  }
0x6f: {  	[sflag:s12] =	ssyncset.done $0x0  }
0x70: {  	[sflag:s12] =	ssyncadd.s32 $0xFFFFC000  }
0x71: {  	_ =	swait.ge [sflag:s18], $0x4000  }
0x72: {  	[sflag:s18] =	ssyncset.done $0x0  }
0x73: {  	[sflag:s18] =	ssyncadd.s32 $0xFFFFC000  }
0x74: {  	[spmem:s1] =	stream.indirect.scatter.add.f32 [tilespmem:s16], [sflag:$0x3], $0x80, s21, s15, $0xb8;
	[tilespmem:$0x14800] =	vst v63  }
0x75: {  	_ =	swait.ge [sflag:s12], $0x4000  }
0x76: {  	s24 =	sadd.s32 $0x1, s24;
	[sflag:s12] =	ssyncset.done $0x0  }
0x77: {  	p0 =	sne.s32 s24, s11;
	[sflag:s12] =	ssyncadd.s32 $0xFFFFC000  }
.Ltmp2:
0x78: {  	[bflag:$0x0] =	sbarrier.arrive $0xFFFF;
	(pc) =	sbr.rel @p0 .LBB2_1-.Ltmp2, $4  }
0x79: {  	[hbm:s10], [sflag:s22] =	dma.local [spmem:s23], $0x1400  }
0x7a: {  	_ =	swait.ge [sflag:s12], $0x1400  }
0x7b: {  	[sflag:s12] =	ssyncset.done $0x0  }
0x7c: {  	[sflag:s12] =	ssyncadd.s32 $0xFFFFEC00  }
0x7d: {  	_ =	sfence.sel $0x180000  }
0x7e: {  	[bflag:$0x0] =	sbarrier.arrive $0xFFFF  }
0x7f: {  	p0 =	sne.s32 s2, $0x0;
	_ =	strace $0x90000053  }
0x80: {  	s0 =	sadd.s32 @!p0 $0x100000, s0;
	[bflag:$0x2] =	sbarrier.arrive $0xFFFF  }
0x81: {  	[sflag:s0] =	ssyncadd.tile.s32 @!p0 $0x1;
	_ =	shalt  }
.Lfunc_end2:
_tile_overlayer_lowered:
.L_overlay_start_2:
0x82: {  	(tag) =	ssettag $0x2  }
0x83: {  	s0 =	rddreg [dreg:$0x0];
	s2 =	stileid.u32  }
0x84: {  	s1 =	rddreg [dreg:$0x1];
	p0 =	sne.s32 s2, $0x0  }
0x85: {  	s3 =	rddreg [dreg:$0x2];
	[bflag:$0x3] =	sbarrier.arrive $0xFFFF;
	s2 =	simm.s32 @!p0 $0x1C03  }
0x86: {  	[timem:s3], [sflag:s2] =	dma.local @!p0 [hbm:s0], s1  }
0x87: {  	s0 =	simm.s32 @!p0 $0x3  }
0x88: {  	_ =	swait.ge @!p0 [sflag:s0], s1  }
0x89: {  	s1 =	ssub.s32 @!p0 $0x0, s1;
	[sflag:s0] =	ssyncset.done @!p0 $0x0  }
0x8a: {  	[sflag:s0] =	ssyncadd.s32 @!p0 s1  }
0x8b: {  	[bflag:$0x3] =	sbarrier.arrive $0xFFFF  }
0x8c: {  	_ =	shalt  }

// kernel: kernel.33.cloned.1.call-start
scs
__scs_entry_jumppad:
0x0: {  	(pc) =	sbr.rel $0x88, $3  }
0x1: {  	(tag) =	ssettag $0x0;
	lr =	simm.s32 $0x1  }
0x2: {  	[smem:$0x3F8A] =	sst lr;
	_ =	strace $0xD0000000  }
0x3: {  	_ = 	snop  }
0x4: {  	_ = 	snop  }
0x5: {  	_ = 	snop  }
0x6: {  	_ = 	snop  }
0x7: {  	_ = 	snop  }
__scs_overlays_trampoline_lowered:
0x8: {  	[smem:$0x3F99] =	sst s0  }
0x9: {  	[smem:$0x3F9A] =	sst s1  }
0xa: {  	[smem:$0x3F9B] =	sst s2  }
0xb: {  	[smem:$0x3F9C] =	sst s3  }
0xc: {  	[smem:$0x3F9D] =	sst s4  }
0xd: {  	[smem:$0x3F9E] =	sst s5  }
0xe: {  	[smem:$0x3F9F] =	sst s6  }
0xf: {  	[smem:$0x3FA0] =	sst s7  }
0x10: {  	[smem:$0x3FA1] =	sst s8  }
0x11: {  	[smem:$0x3FA2] =	sst s9;
	s0 =	simm.s32 @!p0 $0x0  }
0x12: {  	s1 =	sld [smem:$0x3F88];
	s0 =	simm.s32 @p0 $0x1  }
0x13: {  	[smem:$0x3FA3] =	sst s0;
	s0 =	simm.s32 @!p1 $0x0  }
0x14: {  	s2 =	sld [smem:$0x3F87];
	s0 =	simm.s32 @p1 $0x1  }
0x15: {  	[smem:$0x3FA4] =	sst s0;
	s0 =	simm.s32 @!p2 $0x0  }
0x16: {  	s3 =	sld [smem:$0x3FDB];
	s0 =	simm.s32 @p2 $0x1  }
0x17: {  	s4 =	simm.s32 $0x1BF5;
	[smem:$0x3FA6] =	sst s0  }
0x18: {  	s0 =	sld [smem:$0x3F89];
	_ =	swait.ge [sflag:s4], $0x0  }
0x19: {  	s7 =	sld [smem:$0x3F8A]  }
0x1a: {  	s8 =	sadd.s32 $0xFFFFE003, lr  }
0x1b: {  	s9 =	sadd.s32 $0xFFFFFEF7, lr;
	s5 =	simm.s32 $0xFFFFFFFF;
	p2 =	slt.u32 s8, $0xFFFFF086  }
0x1c: {  	p1 =	slt.u32 s9, $0xF7A;
	s5 =	simm.s32 @!p2 $0x0  }
0x1d: {  	s5 =	simm.s32 @p1 $0x1;
	p0 =	seq.s32 s7, s2  }
0x1e: {  	s7 =	smul.u32 @!p0 $0xF7A, s2;
	p2 =	seq.s32 @!p0 s5, $0x0  }
0x1f: {  	s9 =	smul.u32 $0xF7A, s1;
	s8 =	simm.s32 @!p0 $0x1BF5;
	p2 =	por !p2, p0  }
0x20: {  	[sflag:s8] =	ssyncset.s32 @!p0 $0xFFFFF086;
	s6 =	sadd.s32 @!p0 s3, s7;
	s7 =	simm.s32 @!p0 $0x108  }
0x21: {  	s3 =	sadd.s32 s3, s9;
	s6 =	sadd.s32 @!p0 $0x88, s6;
	s7 =	simm.s32 @p2 $0x1082  }
0x22: {  	[simem:s7], [sflag:s8] =	dma.local @!p0 [hbm:s6], $0xF7A  }
0x23: {  	s9 =	sor.u32 $0xD0000000, s2;
	s6 =	simm.s32 $0x108;
	_ =	swait.ge @!p0 [sflag:s8], $0x0  }
0x24: {  	s3 =	sadd.s32 $0x88, s3;
	s6 =	simm.s32 @!p1 $0x1082;
	[sflag:s4] =	ssyncset.s32 $0xFFFFF086  }
0x25: {  	[simem:s6], [sflag:s4] =	dma.local [hbm:s3], $0xF7A  }
0x26: {  	[smem:$0x3F8A] =	sst s1;
	(tag) =	ssettag s2;
	_ =	strace s9  }
0x27: {  	s1 =	sld [smem:$0x3F9A]  }
0x28: {  	s2 =	sld [smem:$0x3F9B]  }
0x29: {  	s4 =	sld [smem:$0x3F9D]  }
0x2a: {  	p0 =	seq.s32 s5, $0x0;
	s5 =	sld [smem:$0x3F9E]  }
0x2b: {  	s6 =	sld [smem:$0x3F9F]  }
0x2c: {  	s7 =	sld [smem:$0x3FA0]  }
0x2d: {  	s3 =	simm.s32 $0x108;
	s8 =	sld [smem:$0x3FA1]  }
0x2e: {  	s3 =	simm.s32 @!p0 $0x1082;
	s9 =	sld [smem:$0x3FA2]  }
0x2f: {  	lr =	sadd.s32 s0, s3;
	s0 =	sld [smem:$0x3F99]  }
0x30: {  	s3 =	sld [smem:$0x3F9C]  }
0x31: {  	[smem:$0x3FA5] =	sst s10  }
0x32: {  	s10 =	sld [smem:$0x3FA3];
	_ =	sdelay $0x3  }
0x33: {  	p0 =	seq.s32 s10, $0x1;
	s10 =	sld [smem:$0x3FA5];
	_ =	sdelay $0x3  }
0x34: {  	[smem:$0x3FA5] =	sst s10  }
0x35: {  	s10 =	sld [smem:$0x3FA4];
	_ =	sdelay $0x3  }
0x36: {  	p1 =	seq.s32 s10, $0x1;
	s10 =	sld [smem:$0x3FA5];
	_ =	sdelay $0x3  }
0x37: {  	[smem:$0x3FA5] =	sst s10  }
0x38: {  	s10 =	sld [smem:$0x3FA6]  }
0x39: {  	_ = 	snop;
	(pc) =	sbr.ind lr, $3  }
0x3a: {  	_ = 	snop  }
0x3b: {  	_ = 	snop  }
0x3c: {  	p2 =	seq.s32 s10, $0x1;
	s10 =	sld [smem:$0x3FA5]  }
0x3d: {  	_ =	shalt  }
0x3e: {  	_ =	shalt  }
0x3f: {  	_ =	shalt  }
0x40: {  	_ =	shalt  }
0x41: {  	_ =	shalt  }
0x42: {  	_ =	shalt  }
0x43: {  	_ =	shalt  }
0x44: {  	_ =	shalt  }
0x45: {  	_ =	shalt  }
0x46: {  	_ =	shalt  }
0x47: {  	_ =	shalt  }
0x48: {  	_ =	shalt  }
0x49: {  	_ =	shalt  }
0x4a: {  	_ =	shalt  }
0x4b: {  	_ =	shalt  }
0x4c: {  	_ =	shalt  }
0x4d: {  	_ =	shalt  }
0x4e: {  	_ =	shalt  }
0x4f: {  	_ =	shalt  }
0x50: {  	_ =	shalt  }
0x51: {  	_ =	shalt  }
0x52: {  	_ =	shalt  }
0x53: {  	_ =	shalt  }
0x54: {  	_ =	shalt  }
0x55: {  	_ =	shalt  }
0x56: {  	_ =	shalt  }
0x57: {  	_ =	shalt  }
0x58: {  	_ =	shalt  }
0x59: {  	_ =	shalt  }
0x5a: {  	_ =	shalt  }
0x5b: {  	_ =	shalt  }
0x5c: {  	_ =	shalt  }
0x5d: {  	_ =	shalt  }
0x5e: {  	_ =	shalt  }
0x5f: {  	_ =	shalt  }
0x60: {  	_ =	shalt  }
0x61: {  	_ =	shalt  }
0x62: {  	_ =	shalt  }
0x63: {  	_ =	shalt  }
0x64: {  	_ =	shalt  }
0x65: {  	_ =	shalt  }
0x66: {  	_ =	shalt  }
0x67: {  	_ =	shalt  }
0x68: {  	_ =	shalt  }
0x69: {  	_ =	shalt  }
0x6a: {  	_ =	shalt  }
0x6b: {  	_ =	shalt  }
0x6c: {  	_ =	shalt  }
0x6d: {  	_ =	shalt  }
0x6e: {  	_ =	shalt  }
0x6f: {  	_ =	shalt  }
0x70: {  	_ =	shalt  }
0x71: {  	_ =	shalt  }
0x72: {  	_ =	shalt  }
0x73: {  	_ =	shalt  }
0x74: {  	_ =	shalt  }
0x75: {  	_ =	shalt  }
0x76: {  	_ =	shalt  }
0x77: {  	_ =	shalt  }
0x78: {  	_ =	shalt  }
0x79: {  	_ =	shalt  }
0x7a: {  	_ =	shalt  }
0x7b: {  	_ =	shalt  }
0x7c: {  	_ =	shalt  }
0x7d: {  	_ =	shalt  }
0x7e: {  	_ =	shalt  }
0x7f: {  	_ =	shalt  }
0x80: {  	_ =	shalt  }
0x81: {  	_ =	shalt  }
0x82: {  	_ =	shalt  }
0x83: {  	_ =	shalt  }
0x84: {  	_ =	shalt  }
0x85: {  	_ =	shalt  }
0x86: {  	_ =	shalt  }
0x87: {  	_ =	shalt  }
.Lfunc_end0:
.L_simem_size_0:
called_computation.5_lowered:
.L_overlay_start_0:
0x88: {  	s2 =	sld [smem:$0x3FD9]  }
0x89: {  	s3 =	sld [smem:$0x3FFE];
	_ =	sdelay $0x1  }
0x8a: {  	s1 =	srdreg.scid  }
0x8b: {  	s0 =	sand.u32 $0x1, s1  }
0x8c: {  	s16 =	sshll.u32 s0, $0xA;
	s2 =	sadd.s32 s3, s2  }
0x8d: {  	s2 =	sadd.s32 s2, s16  }
0x8e: {  	[smem:$0x3FB1] =	sst s2  }
0x8f: {  	_ = 	snop  }
0x90: {  	(tm) =	ssettm $0x1  }
0x91: {  	s17 =	sld [smem:$0x3FFB];
	_ =	sdelay $0x3  }
0x92: {  	_ =	strace s17  }
0x93: {  	s2 =	sld [smem:$0x3FFC];
	_ =	sdelay $0x3  }
0x94: {  	_ =	strace s2  }
0x95: {  	s2 =	sld [smem:$0x3FFD];
	_ =	sdelay $0x3  }
0x96: {  	_ =	strace s2  }
0x97: {  	_ =	strace $0x8FFFFFFF  }
0x98: {  	s18 =	sld [smem:$0x3FDB];
	_ =	sdelay $0x1  }
0x99: {  	s19 =	simm.s32 $_scs_section_size  }
0x9a: {  	s4 =	simm.s32 $_size__tile_overlayer_lowered;
	s5 =	simm.s32 $_tile_overlayer_lowered  }
0x9b: {  	s22 =	simm.s32 $0x1BFF;
	s21 =	sshll.u32 s5, $0x1;
	s2 =	sadd.s32 s19, s18  }
0x9c: {  	s6 =	simm.s32 $0x0;
	s20 =	sshll.u32 s4, $0x1;
	s4 =	sadd.s32 s21, s2  }
0x9d: {  	[timem:s6], [sflag:s22] =	dma.local [hbm:s4], s20  }
0x9e: {  	_ =	swait.ge [sflag:s22], s20  }
0x9f: {  	s3 =	ssub.s32 $0x0, s20;
	[sflag:s22] =	ssyncset.done $0x0  }
0xa0: {  	[sflag:s22] =	ssyncadd.s32 s3;
	_ =	sdelay $0x1  }
0xa1: {  	s23 =	simm.s32 $0x1B8B  }
0xa2: {  	_ =	swait.ge [sflag:s23], $0x1  }
0xa3: {  	[sflag:s23] =	ssyncset.done $0x0  }
0xa4: {  	s25 =	simm.s32 $0x1B8E;
	s24 =	sld [smem:$0x3FFE];
	[sflag:s23] =	ssyncadd.s32 $0xFFFFFFFF  }
0xa5: {  	s26 =	simm.s32 $execute0_lowered;
	[smem:$0x3FD2] =	sst s25  }
0xa6: {  	s4 =	sshll.u32 s26, $0x1;
	_ =	strace $0x80000055;
	[dreg:$0x1] =	wrdreg $0xFFFFFFFF  }
0xa7: {  	s28 =	simm.s32 $_size_execute0_lowered;
	s2 =	sadd.s32 s2, s4;
	[dreg:$0x0] =	wrdreg $0x0  }
0xa8: {  	s4 =	sshll.u32 s28, $0x1;
	[dreg:$0x2] =	wrdreg s2  }
0xa9: {  	[dreg:$0x3] =	wrdreg s4  }
0xaa: {  	[dreg:$0x4] =	wrdreg $0xC0  }
0xab: {  	_ =	task [dreg:s6], $0x5FFFF  }
0xac: {  	[dreg:$0x1] =	wrdreg $0xFFFFFFFF  }
0xad: {  	[dreg:$0x0] =	wrdreg $0x60  }
0xae: {  	[dreg:$0x2] =	wrdreg s24  }
0xaf: {  	[dreg:$0x3] =	wrdreg $0xA8000  }
0xb0: {  	[dreg:$0x4] =	wrdreg $0x9  }
0xb1: {  	_ =	task.clear_ibuf [dreg:s6], $0x5FFFF;
	_ =	strace $0x90000055  }
0xb2: {  	s29 =	simm.s32 $0x9;
	_ =	strace $0x80000057  }
0xb3: {  	_ =	swait.ge [sflag:s29], $0x1  }
0xb4: {  	[sflag:s29] =	ssyncadd.s32 $0xFFFFFFFF  }
0xb5: {  	_ =	strace $0x90000057  }
0xb6: {  	_ =	sfence  }
0xb7: {  	s30 =	sld [smem:$0x0];
	_ =	sdelay $0x2  }
0xb8: {  	s31 =	sshll.u32 s1, $0xD;
	s1 =	sshrl.u32 s1, $0x2  }
0xb9: {  	s3 =	sand.u32 $0x4000, s31;
	s1 =	sadd.s32 s1, s30  }
0xba: {  	s0 =	sor.u32 s3, s0;
	s1 =	sshll.u32 s1, $0x11  }
0xbb: {  	s0 =	sor.u32 s1, s0  }
0xbc: {  	s0 =	sadd.s32 $0x8F2B, s0  }
0xbd: {  	[sflag:s0] =	ssyncadd.remote.s32 $0x1  }
0xbe: {  	_ =	sfence.sel $0xFFFF  }
0xbf: {  	[dreg:$0x0] =	wrdreg $0xFFFFFFFF;
	(pc) =	sbr.abs _section_cstart, $3  }
0xc0: {  	[dreg:$0x1] =	wrdreg $0xFFFFFFFF  }
0xc1: {  	_ =	task.clear_ibuf [dreg:s6], $0x2FFFF;
	_ =	strace $0x9FFFFFFF  }
0xc2: {  	(tm) =	ssettm $0x7FFFFFFF  }
0xc3: {  	_ =	shalt  }
tec
execute0_lowered:
.L_overlay_start_1:
0x0: {  	(tag) =	ssettag $0x1  }
0x1: {  	s6 =	rddreg [dreg:$0x0]  }
0x2: {  	s0 =	srdreg.scid;
	s2 =	rddreg [dreg:$0x1];
	s3 =	simm.s32 $0x0  }
0x3: {  	s14 =	simm.s32 $0x3;
	s15 =	simm.s32 $0x1400;
	s16 =	simm.s32 $0x2800  }
0x4: {  	s17 =	simm.s32 $0x80;
	s18 =	simm.s32 $0x6800;
	s19 =	simm.s32 $0x1  }
0x5: {  	s20 =	simm.s32 $0x2;
	s21 =	simm.s32 $0x1380;
	s22 =	simm.s32 $0x2700  }
0x6: {  	s23 =	simm.s32 $0x2780;
	s5 =	sand.u32 $0x1, s0;
	s0 =	stileid.u32  }
0x7: {  	s25 =	simm.s32 $0x0;
	[smem:$0x7FF] =	sst s3;
	s8 =	smul.u32 $0x140000, s5  }
0x8: {  	s4 =	sadd.s32 $0x1CC00, s6;
	s1 =	sshll.u32 s5, $0x4;
	s9 =	smul.u32 $0x14000, s0  }
0x9: {  	s10 =	smul.u32 $0x50000, s0;
	s5 =	ssub.s32 $0x2, s5;
	s24 =	sshll.u32 s0, $0x6  }
0xa: {  	s1 =	sor.u32 s0, s1;
	s31 =	sshrl.u32 s5, $0x1;
	s24 =	sor.u32 $0x1C03, s24  }
0xb: {  	s7 =	smul.u32 $0x280, s1;
	s1 =	rddreg [dreg:$0x2];
	_ =	strace $0x80000056  }
0xc: {  	s8 =	sadd.s32 s9, s8;
	s10 =	sshrl.u32 s10, $0x2;
	s13 =	ssub.s32 s5, s31  }
0xd: {  	s8 =	sshrl.u32 s8, $0x3;
	s5 =	sadd.s32 s10, s2;
	s13 =	smax.u32 s13, $0x1  }
0xe: {  	s7 =	sadd.s32 s7, s6;
	s12 =	sadd.s32 s8, s6;
	s8 =	sadd.s32 $0x4000, s5  }
0xf: {  	s9 =	sadd.s32 $0x8000, s5;
	s10 =	sadd.s32 $0xC000, s5;
	s11 =	sadd.s32 $0x10000, s5  }
0x10: {  	v0 =	vimm.f32 $0.0e+00;
	s6 =	sadd.s32 $0x17C00, s7;
	s7 =	sadd.s32 $0x12C00, s7;
	s12 =	sadd.s32 $0x30C00, s12  }
.LBB2_1:
0x11: {  	[tilespmem:s3], [sflag:$0x3] =	stream.linear.gather [hbm4b:s6+s3], $0x1400, $0x38;
	[tilespmem:$0x1E800] =	vst v63  }
0x12: {  	_ =	swait.ge [sflag:s14], $0x1400  }
0x13: {  	[sflag:s14] =	ssyncset.done $0x0  }
0x14: {  	[sflag:s14] =	ssyncadd.s32 $0xFFFFEC00  }
0x15: {  	[tilespmem:s15], [sflag:$0x3] =	stream.linear.gather [hbm4b:s7+s3], $0x1400, $0x38;
	[tilespmem:$0x1E800] =	vst v63  }
0x16: {  	_ =	swait.ge [sflag:s14], $0x1400  }
0x17: {  	[sflag:s14] =	ssyncset.done $0x0  }
0x18: {  	s26 =	simm.s32 $0x0;
	s28 =	simm.s32 $0x200;
	[sflag:s14] =	ssyncadd.s32 $0xFFFFEC00  }
.LBB2_2:
0x19: {  	p0 =	sne.s32 s28, $0xFE00;
	[tilespmem:s26+$0x2870] =	vst v0  }
0x1a: {  	[tilespmem:s26+$0x2800] =	vst v0  }
0x1b: {  	[tilespmem:s26+$0x2810] =	vst v0  }
.Ltmp0:
0x1c: {  	[tilespmem:s26+$0x2820] =	vst v0;
	(pc) =	sbr.rel @p0 .LBB2_2-.Ltmp0, $4  }
0x1d: {  	[tilespmem:s26+$0x2830] =	vst v0  }
0x1e: {  	[tilespmem:s26+$0x2840] =	vst v0  }
0x1f: {  	[tilespmem:s26+$0x2850] =	vst v0  }
0x20: {  	[tilespmem:s26+$0x2860] =	vst v0;
	s26 =	sshra.s32 s28, $0x2;
	s28 =	sadd.s32 $0x200, s28  }
0x21: {  	[tilespmem:s26+$0x2870] =	vst v0  }
0x22: {  	[tilespmem:s26+$0x2800] =	vst v0  }
0x23: {  	[tilespmem:s26+$0x2810] =	vst v0  }
0x24: {  	[tilespmem:s26+$0x2820] =	vst v0  }
0x25: {  	[tilespmem:s26+$0x2830] =	vst v0  }
0x26: {  	[tilespmem:s26+$0x2840] =	vst v0  }
0x27: {  	[tilespmem:s26+$0x2850] =	vst v0  }
0x28: {  	[tilespmem:s26+$0x2860] =	vst v0  }
0x29: {  	[spmem:s5] =	stream.linear.scatter [tilespmem:s16], [sflag:$0x3], $0x4000, $0x38;
	[tilespmem:$0x1E800] =	vst v63  }
0x2a: {  	_ =	swait.ge [sflag:s14], $0x4000  }
0x2b: {  	[sflag:s14] =	ssyncset.done $0x0  }
0x2c: {  	[sflag:s14] =	ssyncadd.s32 $0xFFFFC000  }
0x2d: {  	[spmem:s8] =	stream.linear.scatter [tilespmem:s16], [sflag:$0x3], $0x4000, $0x38;
	[tilespmem:$0x1E800] =	vst v63  }
0x2e: {  	_ =	swait.ge [sflag:s14], $0x4000  }
0x2f: {  	[sflag:s14] =	ssyncset.done $0x0  }
0x30: {  	[sflag:s14] =	ssyncadd.s32 $0xFFFFC000  }
0x31: {  	[spmem:s9] =	stream.linear.scatter [tilespmem:s16], [sflag:$0x3], $0x4000, $0x38;
	[tilespmem:$0x1E800] =	vst v63  }
0x32: {  	_ =	swait.ge [sflag:s14], $0x4000  }
0x33: {  	[sflag:s14] =	ssyncset.done $0x0  }
0x34: {  	[sflag:s14] =	ssyncadd.s32 $0xFFFFC000  }
0x35: {  	[spmem:s10] =	stream.linear.scatter [tilespmem:s16], [sflag:$0x3], $0x4000, $0x38;
	[tilespmem:$0x1E800] =	vst v63  }
0x36: {  	_ =	swait.ge [sflag:s14], $0x4000  }
0x37: {  	[sflag:s14] =	ssyncset.done $0x0  }
0x38: {  	[sflag:s14] =	ssyncadd.s32 $0xFFFFC000  }
0x39: {  	[spmem:s11] =	stream.linear.scatter [tilespmem:s16], [sflag:$0x3], $0x4000, $0x38;
	[tilespmem:$0x1E800] =	vst v63  }
0x3a: {  	_ =	swait.ge [sflag:s14], $0x4000  }
0x3b: {  	[sflag:s14] =	ssyncset.done $0x0  }
0x3c: {  	[sflag:s14] =	ssyncadd.s32 $0xFFFFC000  }
0x3d: {  	s30 =	simm.s32 $0x0;
	[bflag:$0x0] =	sbarrier.arrive $0xFFFF  }
0x3e: {  	[tilespmem:s16], [sflag:$0x1] =	stream.indirect.gather [hbm4b:s4+s17], $0x80, s30, s17, $0xb8;
	[tilespmem:$0x1E800] =	vst v63  }
0x3f: {  	s31 =	simm.s32 $0x80  }
0x40: {  	[tilespmem:s18], [sflag:$0x2] =	stream.indirect.gather [hbm4b:s4+s17], $0x80, s31, s17, $0xb8;
	[tilespmem:$0x1E800] =	vst v63  }
0x41: {  	_ =	swait.ge [sflag:s19], $0x4000  }
0x42: {  	[sflag:s19] =	ssyncset.done $0x0  }
0x43: {  	s29 =	simm.s32 $0x1400;
	[sflag:s19] =	ssyncadd.s32 $0xFFFFC000  }
0x44: {  	[spmem:s2] =	stream.indirect.scatter.add.f32 [tilespmem:s16], [sflag:$0x3], $0x80, s29, s17, $0xb8;
	[tilespmem:$0x1E800] =	vst v63  }
0x45: {  	_ =	swait.ge [sflag:s14], $0x4000  }
0x46: {  	[sflag:s14] =	ssyncset.done $0x0  }
0x47: {  	s30 =	simm.s32 $0x100;
	[sflag:s14] =	ssyncadd.s32 $0xFFFFC000  }
0x48: {  	[tilespmem:s16], [sflag:$0x1] =	stream.indirect.gather [hbm4b:s4+s17], $0x80, s30, s17, $0xb8;
	[tilespmem:$0x1E800] =	vst v63  }
0x49: {  	_ =	swait.ge [sflag:s20], $0x4000  }
0x4a: {  	[sflag:s20] =	ssyncset.done $0x0  }
0x4b: {  	s31 =	simm.s32 $0x1480;
	[sflag:s20] =	ssyncadd.s32 $0xFFFFC000  }
0x4c: {  	[spmem:s2] =	stream.indirect.scatter.add.f32 [tilespmem:s18], [sflag:$0x3], $0x80, s31, s17, $0xb8;
	[tilespmem:$0x1E800] =	vst v63  }
0x4d: {  	_ =	swait.ge [sflag:s14], $0x4000  }
0x4e: {  	s28 =	simm.s32 $0x800;
	s26 =	simm.s32 $0x100;
	[sflag:s14] =	ssyncset.done $0x0  }
.LBB2_4:
0x4f: {  	s29 =	sadd.s32 $0x80, s26  }
0x50: {  	[sflag:s14] =	ssyncadd.s32 $0xFFFFC000;
	s30 =	smov.u32 s28;
	s31 =	sadd.s32 $0x400, s28  }
0x51: {  	[tilespmem:s18], [sflag:$0x2] =	stream.indirect.gather [hbm4b:s4+s17], $0x80, s29, s17, $0xb8;
	[tilespmem:$0x1E800] =	vst v63  }
0x52: {  	p0 =	sne.s32 s28, $0x4800;
	_ =	swait.ge [sflag:s19], $0x4000  }
0x53: {  	[sflag:s19] =	ssyncset.done $0x0  }
0x54: {  	s28 =	sadd.s32 $0x1400, s26;
	[sflag:s19] =	ssyncadd.s32 $0xFFFFC000  }
0x55: {  	[spmem:s2] =	stream.indirect.scatter.add.f32 [tilespmem:s16], [sflag:$0x3], $0x80, s28, s17, $0xb8;
	[tilespmem:$0x1E800] =	vst v63  }
0x56: {  	_ =	swait.ge [sflag:s14], $0x4000  }
0x57: {  	[sflag:s14] =	ssyncset.done $0x0  }
0x58: {  	s28 =	sadd.s32 $0x100, s26;
	[sflag:s14] =	ssyncadd.s32 $0xFFFFC000  }
0x59: {  	[tilespmem:s16], [sflag:$0x1] =	stream.indirect.gather [hbm4b:s4+s17], $0x80, s28, s17, $0xb8;
	[tilespmem:$0x1E800] =	vst v63  }
0x5a: {  	_ =	swait.ge [sflag:s20], $0x4000  }
.Ltmp1:
0x5b: {  	[sflag:s20] =	ssyncset.done $0x0;
	(pc) =	sbr.rel @p0 .LBB2_4-.Ltmp1, $4  }
0x5c: {  	s26 =	sadd.s32 $0x1480, s26;
	[sflag:s20] =	ssyncadd.s32 $0xFFFFC000  }
0x5d: {  	[spmem:s2] =	stream.indirect.scatter.add.f32 [tilespmem:s18], [sflag:$0x3], $0x80, s26, s17, $0xb8;
	[tilespmem:$0x1E800] =	vst v63  }
0x5e: {  	_ =	swait.ge [sflag:s14], $0x4000  }
0x5f: {  	s28 =	smov.u32 s31;
	s26 =	sshra.s32 s30, $0x2;
	[sflag:s14] =	ssyncset.done $0x0  }
0x60: {  	s28 =	sadd.s32 $0x80, s26;
	[sflag:s14] =	ssyncadd.s32 $0xFFFFC000  }
0x61: {  	[tilespmem:s18], [sflag:$0x2] =	stream.indirect.gather [hbm4b:s4+s17], $0x80, s28, s17, $0xb8;
	[tilespmem:$0x1E800] =	vst v63  }
0x62: {  	_ =	swait.ge [sflag:s19], $0x4000  }
0x63: {  	[sflag:s19] =	ssyncset.done $0x0  }
0x64: {  	s31 =	sadd.s32 $0x1400, s26;
	[sflag:s19] =	ssyncadd.s32 $0xFFFFC000  }
0x65: {  	[spmem:s2] =	stream.indirect.scatter.add.f32 [tilespmem:s16], [sflag:$0x3], $0x80, s31, s17, $0xb8;
	[tilespmem:$0x1E800] =	vst v63  }
0x66: {  	_ =	swait.ge [sflag:s14], $0x4000  }
0x67: {  	[sflag:s14] =	ssyncset.done $0x0  }
0x68: {  	s29 =	sadd.s32 $0x100, s26;
	[sflag:s14] =	ssyncadd.s32 $0xFFFFC000  }
0x69: {  	[tilespmem:s16], [sflag:$0x1] =	stream.indirect.gather [hbm4b:s4+s17], $0x80, s29, s17, $0xb8;
	[tilespmem:$0x1E800] =	vst v63  }
0x6a: {  	_ =	swait.ge [sflag:s20], $0x4000  }
0x6b: {  	[sflag:s20] =	ssyncset.done $0x0  }
0x6c: {  	s30 =	sadd.s32 $0x1480, s26;
	[sflag:s20] =	ssyncadd.s32 $0xFFFFC000  }
0x6d: {  	[spmem:s2] =	stream.indirect.scatter.add.f32 [tilespmem:s18], [sflag:$0x3], $0x80, s30, s17, $0xb8;
	[tilespmem:$0x1E800] =	vst v63  }
0x6e: {  	_ =	swait.ge [sflag:s14], $0x4000  }
0x6f: {  	[sflag:s14] =	ssyncset.done $0x0  }
0x70: {  	[sflag:s14] =	ssyncadd.s32 $0xFFFFC000  }
0x71: {  	[tilespmem:s18], [sflag:$0x2] =	stream.indirect.gather [hbm4b:s4+s17], $0x80, s21, s17, $0xb8;
	[tilespmem:$0x1E800] =	vst v63  }
0x72: {  	_ =	swait.ge [sflag:s19], $0x4000  }
0x73: {  	[sflag:s19] =	ssyncset.done $0x0  }
0x74: {  	[sflag:s19] =	ssyncadd.s32 $0xFFFFC000  }
0x75: {  	[spmem:s2] =	stream.indirect.scatter.add.f32 [tilespmem:s16], [sflag:$0x3], $0x80, s22, s17, $0xb8;
	[tilespmem:$0x1E800] =	vst v63  }
0x76: {  	_ =	swait.ge [sflag:s14], $0x4000  }
0x77: {  	[sflag:s14] =	ssyncset.done $0x0  }
0x78: {  	[sflag:s14] =	ssyncadd.s32 $0xFFFFC000  }
0x79: {  	_ =	swait.ge [sflag:s20], $0x4000  }
0x7a: {  	[sflag:s20] =	ssyncset.done $0x0  }
0x7b: {  	[sflag:s20] =	ssyncadd.s32 $0xFFFFC000  }
0x7c: {  	[spmem:s2] =	stream.indirect.scatter.add.f32 [tilespmem:s18], [sflag:$0x3], $0x80, s23, s17, $0xb8;
	[tilespmem:$0x1E800] =	vst v63  }
0x7d: {  	_ =	swait.ge [sflag:s14], $0x4000  }
0x7e: {  	s25 =	sadd.s32 $0x1, s25;
	[sflag:s14] =	ssyncset.done $0x0  }
0x7f: {  	p0 =	sne.s32 s25, s13;
	[sflag:s14] =	ssyncadd.s32 $0xFFFFC000  }
.Ltmp2:
0x80: {  	s31 =	sshrl.u32 s5, $0x3;
	[bflag:$0x0] =	sbarrier.arrive $0xFFFF;
	(pc) =	sbr.rel @p0 .LBB2_1-.Ltmp2, $4  }
0x81: {  	[hbm:s12], [sflag:s24] =	dma.local [spmem:s31], $0x2800  }
0x82: {  	_ =	swait.ge [sflag:s14], $0x2800  }
0x83: {  	[sflag:s14] =	ssyncset.done $0x0  }
0x84: {  	[sflag:s14] =	ssyncadd.s32 $0xFFFFD800  }
0x85: {  	_ =	sfence.sel $0x180000  }
0x86: {  	[bflag:$0x0] =	sbarrier.arrive $0xFFFF  }
0x87: {  	p0 =	sne.s32 s0, $0x0;
	_ =	strace $0x90000056  }
0x88: {  	s0 =	sadd.s32 @!p0 $0x100000, s1;
	[bflag:$0x2] =	sbarrier.arrive $0xFFFF  }
0x89: {  	[sflag:s0] =	ssyncadd.tile.s32 @!p0 $0x1;
	_ =	shalt  }
.Lfunc_end2:
_tile_overlayer_lowered:
.L_overlay_start_2:
0x8a: {  	(tag) =	ssettag $0x2  }
0x8b: {  	s0 =	rddreg [dreg:$0x0];
	s2 =	stileid.u32  }
0x8c: {  	s1 =	rddreg [dreg:$0x1];
	p0 =	sne.s32 s2, $0x0  }
0x8d: {  	s3 =	rddreg [dreg:$0x2];
	[bflag:$0x3] =	sbarrier.arrive $0xFFFF;
	s2 =	simm.s32 @!p0 $0x1C03  }
0x8e: {  	[timem:s3], [sflag:s2] =	dma.local @!p0 [hbm:s0], s1  }
0x8f: {  	s0 =	simm.s32 @!p0 $0x3  }
0x90: {  	_ =	swait.ge @!p0 [sflag:s0], s1  }
0x91: {  	s1 =	ssub.s32 @!p0 $0x0, s1;
	[sflag:s0] =	ssyncset.done @!p0 $0x0  }
0x92: {  	[sflag:s0] =	ssyncadd.s32 @!p0 s1  }
0x93: {  	[bflag:$0x3] =	sbarrier.arrive $0xFFFF  }
0x94: {  	_ =	shalt  }

// kernel: kernel.36.cloned.1.call-start
scs
__scs_entry_jumppad:
0x0: {  	(pc) =	sbr.rel $0x88, $3  }
0x1: {  	(tag) =	ssettag $0x0;
	lr =	simm.s32 $0x1  }
0x2: {  	[smem:$0x3F8A] =	sst lr;
	_ =	strace $0xD0000000  }
0x3: {  	_ = 	snop  }
0x4: {  	_ = 	snop  }
0x5: {  	_ = 	snop  }
0x6: {  	_ = 	snop  }
0x7: {  	_ = 	snop  }
__scs_overlays_trampoline_lowered:
0x8: {  	[smem:$0x3F99] =	sst s0  }
0x9: {  	[smem:$0x3F9A] =	sst s1  }
0xa: {  	[smem:$0x3F9B] =	sst s2  }
0xb: {  	[smem:$0x3F9C] =	sst s3  }
0xc: {  	[smem:$0x3F9D] =	sst s4  }
0xd: {  	[smem:$0x3F9E] =	sst s5  }
0xe: {  	[smem:$0x3F9F] =	sst s6  }
0xf: {  	[smem:$0x3FA0] =	sst s7  }
0x10: {  	[smem:$0x3FA1] =	sst s8  }
0x11: {  	[smem:$0x3FA2] =	sst s9;
	s0 =	simm.s32 @!p0 $0x0  }
0x12: {  	s1 =	sld [smem:$0x3F88];
	s0 =	simm.s32 @p0 $0x1  }
0x13: {  	[smem:$0x3FA3] =	sst s0;
	s0 =	simm.s32 @!p1 $0x0  }
0x14: {  	s2 =	sld [smem:$0x3F87];
	s0 =	simm.s32 @p1 $0x1  }
0x15: {  	[smem:$0x3FA4] =	sst s0;
	s0 =	simm.s32 @!p2 $0x0  }
0x16: {  	s3 =	sld [smem:$0x3FDB];
	s0 =	simm.s32 @p2 $0x1  }
0x17: {  	s4 =	simm.s32 $0x1BF5;
	[smem:$0x3FA6] =	sst s0  }
0x18: {  	s0 =	sld [smem:$0x3F89];
	_ =	swait.ge [sflag:s4], $0x0  }
0x19: {  	s7 =	sld [smem:$0x3F8A]  }
0x1a: {  	s8 =	sadd.s32 $0xFFFFE003, lr  }
0x1b: {  	s9 =	sadd.s32 $0xFFFFFEF7, lr;
	s5 =	simm.s32 $0xFFFFFFFF;
	p2 =	slt.u32 s8, $0xFFFFF086  }
0x1c: {  	p1 =	slt.u32 s9, $0xF7A;
	s5 =	simm.s32 @!p2 $0x0  }
0x1d: {  	s5 =	simm.s32 @p1 $0x1;
	p0 =	seq.s32 s7, s2  }
0x1e: {  	s7 =	smul.u32 @!p0 $0xF7A, s2;
	p2 =	seq.s32 @!p0 s5, $0x0  }
0x1f: {  	s9 =	smul.u32 $0xF7A, s1;
	s8 =	simm.s32 @!p0 $0x1BF5;
	p2 =	por !p2, p0  }
0x20: {  	[sflag:s8] =	ssyncset.s32 @!p0 $0xFFFFF086;
	s6 =	sadd.s32 @!p0 s3, s7;
	s7 =	simm.s32 @!p0 $0x108  }
0x21: {  	s3 =	sadd.s32 s3, s9;
	s6 =	sadd.s32 @!p0 $0x88, s6;
	s7 =	simm.s32 @p2 $0x1082  }
0x22: {  	[simem:s7], [sflag:s8] =	dma.local @!p0 [hbm:s6], $0xF7A  }
0x23: {  	s9 =	sor.u32 $0xD0000000, s2;
	s6 =	simm.s32 $0x108;
	_ =	swait.ge @!p0 [sflag:s8], $0x0  }
0x24: {  	s3 =	sadd.s32 $0x88, s3;
	s6 =	simm.s32 @!p1 $0x1082;
	[sflag:s4] =	ssyncset.s32 $0xFFFFF086  }
0x25: {  	[simem:s6], [sflag:s4] =	dma.local [hbm:s3], $0xF7A  }
0x26: {  	[smem:$0x3F8A] =	sst s1;
	(tag) =	ssettag s2;
	_ =	strace s9  }
0x27: {  	s1 =	sld [smem:$0x3F9A]  }
0x28: {  	s2 =	sld [smem:$0x3F9B]  }
0x29: {  	s4 =	sld [smem:$0x3F9D]  }
0x2a: {  	p0 =	seq.s32 s5, $0x0;
	s5 =	sld [smem:$0x3F9E]  }
0x2b: {  	s6 =	sld [smem:$0x3F9F]  }
0x2c: {  	s7 =	sld [smem:$0x3FA0]  }
0x2d: {  	s3 =	simm.s32 $0x108;
	s8 =	sld [smem:$0x3FA1]  }
0x2e: {  	s3 =	simm.s32 @!p0 $0x1082;
	s9 =	sld [smem:$0x3FA2]  }
0x2f: {  	lr =	sadd.s32 s0, s3;
	s0 =	sld [smem:$0x3F99]  }
0x30: {  	s3 =	sld [smem:$0x3F9C]  }
0x31: {  	[smem:$0x3FA5] =	sst s10  }
0x32: {  	s10 =	sld [smem:$0x3FA3];
	_ =	sdelay $0x3  }
0x33: {  	p0 =	seq.s32 s10, $0x1;
	s10 =	sld [smem:$0x3FA5];
	_ =	sdelay $0x3  }
0x34: {  	[smem:$0x3FA5] =	sst s10  }
0x35: {  	s10 =	sld [smem:$0x3FA4];
	_ =	sdelay $0x3  }
0x36: {  	p1 =	seq.s32 s10, $0x1;
	s10 =	sld [smem:$0x3FA5];
	_ =	sdelay $0x3  }
0x37: {  	[smem:$0x3FA5] =	sst s10  }
0x38: {  	s10 =	sld [smem:$0x3FA6]  }
0x39: {  	_ = 	snop;
	(pc) =	sbr.ind lr, $3  }
0x3a: {  	_ = 	snop  }
0x3b: {  	_ = 	snop  }
0x3c: {  	p2 =	seq.s32 s10, $0x1;
	s10 =	sld [smem:$0x3FA5]  }
0x3d: {  	_ =	shalt  }
0x3e: {  	_ =	shalt  }
0x3f: {  	_ =	shalt  }
0x40: {  	_ =	shalt  }
0x41: {  	_ =	shalt  }
0x42: {  	_ =	shalt  }
0x43: {  	_ =	shalt  }
0x44: {  	_ =	shalt  }
0x45: {  	_ =	shalt  }
0x46: {  	_ =	shalt  }
0x47: {  	_ =	shalt  }
0x48: {  	_ =	shalt  }
0x49: {  	_ =	shalt  }
0x4a: {  	_ =	shalt  }
0x4b: {  	_ =	shalt  }
0x4c: {  	_ =	shalt  }
0x4d: {  	_ =	shalt  }
0x4e: {  	_ =	shalt  }
0x4f: {  	_ =	shalt  }
0x50: {  	_ =	shalt  }
0x51: {  	_ =	shalt  }
0x52: {  	_ =	shalt  }
0x53: {  	_ =	shalt  }
0x54: {  	_ =	shalt  }
0x55: {  	_ =	shalt  }
0x56: {  	_ =	shalt  }
0x57: {  	_ =	shalt  }
0x58: {  	_ =	shalt  }
0x59: {  	_ =	shalt  }
0x5a: {  	_ =	shalt  }
0x5b: {  	_ =	shalt  }
0x5c: {  	_ =	shalt  }
0x5d: {  	_ =	shalt  }
0x5e: {  	_ =	shalt  }
0x5f: {  	_ =	shalt  }
0x60: {  	_ =	shalt  }
0x61: {  	_ =	shalt  }
0x62: {  	_ =	shalt  }
0x63: {  	_ =	shalt  }
0x64: {  	_ =	shalt  }
0x65: {  	_ =	shalt  }
0x66: {  	_ =	shalt  }
0x67: {  	_ =	shalt  }
0x68: {  	_ =	shalt  }
0x69: {  	_ =	shalt  }
0x6a: {  	_ =	shalt  }
0x6b: {  	_ =	shalt  }
0x6c: {  	_ =	shalt  }
0x6d: {  	_ =	shalt  }
0x6e: {  	_ =	shalt  }
0x6f: {  	_ =	shalt  }
0x70: {  	_ =	shalt  }
0x71: {  	_ =	shalt  }
0x72: {  	_ =	shalt  }
0x73: {  	_ =	shalt  }
0x74: {  	_ =	shalt  }
0x75: {  	_ =	shalt  }
0x76: {  	_ =	shalt  }
0x77: {  	_ =	shalt  }
0x78: {  	_ =	shalt  }
0x79: {  	_ =	shalt  }
0x7a: {  	_ =	shalt  }
0x7b: {  	_ =	shalt  }
0x7c: {  	_ =	shalt  }
0x7d: {  	_ =	shalt  }
0x7e: {  	_ =	shalt  }
0x7f: {  	_ =	shalt  }
0x80: {  	_ =	shalt  }
0x81: {  	_ =	shalt  }
0x82: {  	_ =	shalt  }
0x83: {  	_ =	shalt  }
0x84: {  	_ =	shalt  }
0x85: {  	_ =	shalt  }
0x86: {  	_ =	shalt  }
0x87: {  	_ =	shalt  }
.Lfunc_end0:
.L_simem_size_0:
called_computation.6_lowered:
.L_overlay_start_0:
0x88: {  	s2 =	sld [smem:$0x3FD9]  }
0x89: {  	s3 =	sld [smem:$0x3FFE];
	_ =	sdelay $0x1  }
0x8a: {  	s1 =	srdreg.scid  }
0x8b: {  	s0 =	sand.u32 $0x1, s1  }
0x8c: {  	s16 =	sshll.u32 s0, $0xA;
	s2 =	sadd.s32 s3, s2  }
0x8d: {  	s2 =	sadd.s32 s2, s16  }
0x8e: {  	[smem:$0x3FB1] =	sst s2  }
0x8f: {  	_ = 	snop  }
0x90: {  	(tm) =	ssettm $0x1  }
0x91: {  	s17 =	sld [smem:$0x3FFB];
	_ =	sdelay $0x3  }
0x92: {  	_ =	strace s17  }
0x93: {  	s2 =	sld [smem:$0x3FFC];
	_ =	sdelay $0x3  }
0x94: {  	_ =	strace s2  }
0x95: {  	s2 =	sld [smem:$0x3FFD];
	_ =	sdelay $0x3  }
0x96: {  	_ =	strace s2  }
0x97: {  	_ =	strace $0x8FFFFFFF  }
0x98: {  	s18 =	sld [smem:$0x3FDB];
	_ =	sdelay $0x1  }
0x99: {  	s19 =	simm.s32 $_scs_section_size  }
0x9a: {  	s4 =	simm.s32 $_size__tile_overlayer_lowered;
	s5 =	simm.s32 $_tile_overlayer_lowered  }
0x9b: {  	s22 =	simm.s32 $0x1BFF;
	s21 =	sshll.u32 s5, $0x1;
	s2 =	sadd.s32 s19, s18  }
0x9c: {  	s6 =	simm.s32 $0x0;
	s20 =	sshll.u32 s4, $0x1;
	s4 =	sadd.s32 s21, s2  }
0x9d: {  	[timem:s6], [sflag:s22] =	dma.local [hbm:s4], s20  }
0x9e: {  	_ =	swait.ge [sflag:s22], s20  }
0x9f: {  	s3 =	ssub.s32 $0x0, s20;
	[sflag:s22] =	ssyncset.done $0x0  }
0xa0: {  	[sflag:s22] =	ssyncadd.s32 s3;
	_ =	sdelay $0x1  }
0xa1: {  	s23 =	simm.s32 $0x1B8B  }
0xa2: {  	_ =	swait.ge [sflag:s23], $0x1  }
0xa3: {  	[sflag:s23] =	ssyncset.done $0x0  }
0xa4: {  	s25 =	simm.s32 $0x1B8E;
	s24 =	sld [smem:$0x3FFE];
	[sflag:s23] =	ssyncadd.s32 $0xFFFFFFFF  }
0xa5: {  	s26 =	simm.s32 $execute0_lowered;
	[smem:$0x3FD2] =	sst s25  }
0xa6: {  	s4 =	sshll.u32 s26, $0x1;
	_ =	strace $0x80000058;
	[dreg:$0x1] =	wrdreg $0xFFFFFFFF  }
0xa7: {  	s28 =	simm.s32 $_size_execute0_lowered;
	s2 =	sadd.s32 s2, s4;
	[dreg:$0x0] =	wrdreg $0x0  }
0xa8: {  	s4 =	sshll.u32 s28, $0x1;
	[dreg:$0x2] =	wrdreg s2  }
0xa9: {  	[dreg:$0x3] =	wrdreg s4  }
0xaa: {  	[dreg:$0x4] =	wrdreg $0xC0  }
0xab: {  	_ =	task [dreg:s6], $0x5FFFF  }
0xac: {  	[dreg:$0x1] =	wrdreg $0xFFFFFFFF  }
0xad: {  	[dreg:$0x0] =	wrdreg $0x60  }
0xae: {  	[dreg:$0x2] =	wrdreg s24  }
0xaf: {  	[dreg:$0x3] =	wrdreg $0xA8000  }
0xb0: {  	[dreg:$0x4] =	wrdreg $0x9  }
0xb1: {  	_ =	task.clear_ibuf [dreg:s6], $0x5FFFF;
	_ =	strace $0x90000058  }
0xb2: {  	s29 =	simm.s32 $0x9;
	_ =	strace $0x8000005A  }
0xb3: {  	_ =	swait.ge [sflag:s29], $0x1  }
0xb4: {  	[sflag:s29] =	ssyncadd.s32 $0xFFFFFFFF  }
0xb5: {  	_ =	strace $0x9000005A  }
0xb6: {  	_ =	sfence  }
0xb7: {  	s30 =	sld [smem:$0x0];
	_ =	sdelay $0x2  }
0xb8: {  	s31 =	sshll.u32 s1, $0xD;
	s1 =	sshrl.u32 s1, $0x2  }
0xb9: {  	s3 =	sand.u32 $0x4000, s31;
	s1 =	sadd.s32 s1, s30  }
0xba: {  	s0 =	sor.u32 s3, s0;
	s1 =	sshll.u32 s1, $0x11  }
0xbb: {  	s0 =	sor.u32 s1, s0  }
0xbc: {  	s0 =	sadd.s32 $0x8F2B, s0  }
0xbd: {  	[sflag:s0] =	ssyncadd.remote.s32 $0x1  }
0xbe: {  	_ =	sfence.sel $0xFFFF  }
0xbf: {  	[dreg:$0x0] =	wrdreg $0xFFFFFFFF;
	(pc) =	sbr.abs _section_cstart, $3  }
0xc0: {  	[dreg:$0x1] =	wrdreg $0xFFFFFFFF  }
0xc1: {  	_ =	task.clear_ibuf [dreg:s6], $0x2FFFF;
	_ =	strace $0x9FFFFFFF  }
0xc2: {  	(tm) =	ssettm $0x7FFFFFFF  }
0xc3: {  	_ =	shalt  }
tec
execute0_lowered:
.L_overlay_start_1:
0x0: {  	(tag) =	ssettag $0x1  }
0x1: {  	s5 =	rddreg [dreg:$0x0]  }
0x2: {  	s1 =	rddreg [dreg:$0x1];
	s2 =	srdreg.scid  }
0x3: {  	s0 =	rddreg [dreg:$0x2];
	s3 =	simm.s32 $0x0;
	s13 =	simm.s32 $0x1400  }
0x4: {  	s14 =	simm.s32 $0x2800;
	s15 =	simm.s32 $0x80;
	s16 =	simm.s32 $0x6800  }
0x5: {  	s17 =	simm.s32 $0x1;
	s18 =	simm.s32 $0x2;
	s19 =	simm.s32 $0x1380  }
0x6: {  	s20 =	simm.s32 $0x2700;
	s21 =	simm.s32 $0x2780;
	s6 =	sand.u32 $0x1, s2  }
0x7: {  	s24 =	simm.s32 $0x0;
	s2 =	stileid.u32;
	s7 =	smul.u32 $0xA0000, s6  }
0x8: {  	[smem:$0x7FF] =	sst s3;
	s4 =	sshll.u32 s6, $0x4;
	s9 =	smul.u32 $0xA000, s2  }
0x9: {  	_ =	strace $0x80000059;
	s6 =	ssub.s32 $0x2, s6;
	s30 =	smul.u32 $0x28000, s2  }
0xa: {  	s22 =	sshll.u32 s2, $0x6;
	s8 =	sor.u32 s2, s4;
	s4 =	sadd.s32 $0x1CC00, s5  }
0xb: {  	s10 =	sshrl.u32 s6, $0x1;
	s8 =	smul.u32 $0x280, s8;
	s7 =	sadd.s32 s9, s7  }
0xc: {  	s22 =	sor.u32 $0x1C03, s22;
	s12 =	ssub.s32 s6, s10;
	s7 =	sshrl.u32 s7, $0x3  }
0xd: {  	s31 =	sshrl.u32 s30, $0x2;
	s8 =	sadd.s32 s8, s5;
	s11 =	sadd.s32 s7, s5  }
0xe: {  	s7 =	sadd.s32 s31, s1;
	s5 =	sadd.s32 $0x8C00, s8;
	s6 =	sadd.s32 $0xDC00, s8  }
0xf: {  	s8 =	sadd.s32 $0x4000, s7;
	s9 =	sadd.s32 $0x8000, s7;
	s10 =	sadd.s32 $0x6CC00, s11  }
0x10: {  	v0 =	vimm.f32 $0.0e+00;
	s11 =	smax.u32 s12, $0x1;
	s12 =	simm.s32 $0x3;
	s23 =	sshrl.u32 s7, $0x3  }
.LBB2_1:
0x11: {  	[tilespmem:s3], [sflag:$0x3] =	stream.linear.gather [hbm4b:s5+s3], $0x1400, $0x38;
	[tilespmem:$0x14800] =	vst v63  }
0x12: {  	_ =	swait.ge [sflag:s12], $0x1400  }
0x13: {  	[sflag:s12] =	ssyncset.done $0x0  }
0x14: {  	[sflag:s12] =	ssyncadd.s32 $0xFFFFEC00  }
0x15: {  	[tilespmem:s13], [sflag:$0x3] =	stream.linear.gather [hbm4b:s6+s3], $0x1400, $0x38;
	[tilespmem:$0x14800] =	vst v63  }
0x16: {  	_ =	swait.ge [sflag:s12], $0x1400  }
0x17: {  	[sflag:s12] =	ssyncset.done $0x0  }
0x18: {  	s25 =	simm.s32 $0x0;
	s26 =	simm.s32 $0x200;
	[sflag:s12] =	ssyncadd.s32 $0xFFFFEC00  }
.LBB2_2:
0x19: {  	p0 =	sne.s32 s26, $0xFE00;
	[tilespmem:s25+$0x2870] =	vst v0  }
0x1a: {  	[tilespmem:s25+$0x2800] =	vst v0  }
0x1b: {  	[tilespmem:s25+$0x2810] =	vst v0  }
.Ltmp0:
0x1c: {  	[tilespmem:s25+$0x2820] =	vst v0;
	(pc) =	sbr.rel @p0 .LBB2_2-.Ltmp0, $4  }
0x1d: {  	[tilespmem:s25+$0x2830] =	vst v0  }
0x1e: {  	[tilespmem:s25+$0x2840] =	vst v0  }
0x1f: {  	[tilespmem:s25+$0x2850] =	vst v0  }
0x20: {  	[tilespmem:s25+$0x2860] =	vst v0;
	s25 =	sshra.s32 s26, $0x2;
	s26 =	sadd.s32 $0x200, s26  }
0x21: {  	[tilespmem:s25+$0x2870] =	vst v0  }
0x22: {  	[tilespmem:s25+$0x2800] =	vst v0  }
0x23: {  	[tilespmem:s25+$0x2810] =	vst v0  }
0x24: {  	[tilespmem:s25+$0x2820] =	vst v0  }
0x25: {  	[tilespmem:s25+$0x2830] =	vst v0  }
0x26: {  	[tilespmem:s25+$0x2840] =	vst v0  }
0x27: {  	[tilespmem:s25+$0x2850] =	vst v0  }
0x28: {  	[tilespmem:s25+$0x2860] =	vst v0  }
0x29: {  	[spmem:s7] =	stream.linear.scatter [tilespmem:s14], [sflag:$0x3], $0x4000, $0x38;
	[tilespmem:$0x14800] =	vst v63  }
0x2a: {  	_ =	swait.ge [sflag:s12], $0x4000  }
0x2b: {  	[sflag:s12] =	ssyncset.done $0x0  }
0x2c: {  	[sflag:s12] =	ssyncadd.s32 $0xFFFFC000  }
0x2d: {  	[spmem:s8] =	stream.linear.scatter [tilespmem:s14], [sflag:$0x3], $0x4000, $0x38;
	[tilespmem:$0x14800] =	vst v63  }
0x2e: {  	_ =	swait.ge [sflag:s12], $0x4000  }
0x2f: {  	[sflag:s12] =	ssyncset.done $0x0  }
0x30: {  	[sflag:s12] =	ssyncadd.s32 $0xFFFFC000  }
0x31: {  	[spmem:s9] =	stream.linear.scatter [tilespmem:s14], [sflag:$0x3], $0x2000, $0x38;
	[tilespmem:$0x14800] =	vst v63  }
0x32: {  	_ =	swait.ge [sflag:s12], $0x2000  }
0x33: {  	[sflag:s12] =	ssyncset.done $0x0  }
0x34: {  	[sflag:s12] =	ssyncadd.s32 $0xFFFFE000  }
0x35: {  	s26 =	simm.s32 $0x0;
	[bflag:$0x0] =	sbarrier.arrive $0xFFFF  }
0x36: {  	[tilespmem:s14], [sflag:$0x1] =	stream.indirect.gather [hbm4b:s4+s15], $0x80, s26, s15, $0xb8;
	[tilespmem:$0x14800] =	vst v63  }
0x37: {  	s28 =	simm.s32 $0x80  }
0x38: {  	[tilespmem:s16], [sflag:$0x2] =	stream.indirect.gather [hbm4b:s4+s15], $0x80, s28, s15, $0xb8;
	[tilespmem:$0x14800] =	vst v63  }
0x39: {  	_ =	swait.ge [sflag:s17], $0x4000  }
0x3a: {  	[sflag:s17] =	ssyncset.done $0x0  }
0x3b: {  	s29 =	simm.s32 $0x1400;
	[sflag:s17] =	ssyncadd.s32 $0xFFFFC000  }
0x3c: {  	[spmem:s1] =	stream.indirect.scatter.add.f32 [tilespmem:s14], [sflag:$0x3], $0x80, s29, s15, $0xb8;
	[tilespmem:$0x14800] =	vst v63  }
0x3d: {  	_ =	swait.ge [sflag:s12], $0x4000  }
0x3e: {  	[sflag:s12] =	ssyncset.done $0x0  }
0x3f: {  	s30 =	simm.s32 $0x100;
	[sflag:s12] =	ssyncadd.s32 $0xFFFFC000  }
0x40: {  	[tilespmem:s14], [sflag:$0x1] =	stream.indirect.gather [hbm4b:s4+s15], $0x80, s30, s15, $0xb8;
	[tilespmem:$0x14800] =	vst v63  }
0x41: {  	_ =	swait.ge [sflag:s18], $0x4000  }
0x42: {  	[sflag:s18] =	ssyncset.done $0x0  }
0x43: {  	s31 =	simm.s32 $0x1480;
	[sflag:s18] =	ssyncadd.s32 $0xFFFFC000  }
0x44: {  	[spmem:s1] =	stream.indirect.scatter.add.f32 [tilespmem:s16], [sflag:$0x3], $0x80, s31, s15, $0xb8;
	[tilespmem:$0x14800] =	vst v63  }
0x45: {  	_ =	swait.ge [sflag:s12], $0x4000  }
0x46: {  	s25 =	simm.s32 $0x100;
	s26 =	simm.s32 $0x800;
	[sflag:s12] =	ssyncset.done $0x0  }
.LBB2_4:
0x47: {  	s28 =	sadd.s32 $0x80, s25  }
0x48: {  	[sflag:s12] =	ssyncadd.s32 $0xFFFFC000;
	s29 =	smov.u32 s26;
	s30 =	sadd.s32 $0x400, s26  }
0x49: {  	[tilespmem:s16], [sflag:$0x2] =	stream.indirect.gather [hbm4b:s4+s15], $0x80, s28, s15, $0xb8;
	[tilespmem:$0x14800] =	vst v63  }
0x4a: {  	p0 =	sne.s32 s26, $0x4800;
	_ =	swait.ge [sflag:s17], $0x4000  }
0x4b: {  	[sflag:s17] =	ssyncset.done $0x0  }
0x4c: {  	s26 =	sadd.s32 $0x1400, s25;
	[sflag:s17] =	ssyncadd.s32 $0xFFFFC000  }
0x4d: {  	[spmem:s1] =	stream.indirect.scatter.add.f32 [tilespmem:s14], [sflag:$0x3], $0x80, s26, s15, $0xb8;
	[tilespmem:$0x14800] =	vst v63  }
0x4e: {  	_ =	swait.ge [sflag:s12], $0x4000  }
0x4f: {  	[sflag:s12] =	ssyncset.done $0x0  }
0x50: {  	s26 =	sadd.s32 $0x100, s25;
	[sflag:s12] =	ssyncadd.s32 $0xFFFFC000  }
0x51: {  	[tilespmem:s14], [sflag:$0x1] =	stream.indirect.gather [hbm4b:s4+s15], $0x80, s26, s15, $0xb8;
	[tilespmem:$0x14800] =	vst v63  }
0x52: {  	_ =	swait.ge [sflag:s18], $0x4000  }
.Ltmp1:
0x53: {  	[sflag:s18] =	ssyncset.done $0x0;
	(pc) =	sbr.rel @p0 .LBB2_4-.Ltmp1, $4  }
0x54: {  	s25 =	sadd.s32 $0x1480, s25;
	[sflag:s18] =	ssyncadd.s32 $0xFFFFC000  }
0x55: {  	[spmem:s1] =	stream.indirect.scatter.add.f32 [tilespmem:s16], [sflag:$0x3], $0x80, s25, s15, $0xb8;
	[tilespmem:$0x14800] =	vst v63  }
0x56: {  	_ =	swait.ge [sflag:s12], $0x4000  }
0x57: {  	s26 =	smov.u32 s30;
	s25 =	sshra.s32 s29, $0x2;
	[sflag:s12] =	ssyncset.done $0x0  }
0x58: {  	s26 =	sadd.s32 $0x80, s25;
	[sflag:s12] =	ssyncadd.s32 $0xFFFFC000  }
0x59: {  	[tilespmem:s16], [sflag:$0x2] =	stream.indirect.gather [hbm4b:s4+s15], $0x80, s26, s15, $0xb8;
	[tilespmem:$0x14800] =	vst v63  }
0x5a: {  	_ =	swait.ge [sflag:s17], $0x4000  }
0x5b: {  	[sflag:s17] =	ssyncset.done $0x0  }
0x5c: {  	s29 =	sadd.s32 $0x1400, s25;
	[sflag:s17] =	ssyncadd.s32 $0xFFFFC000  }
0x5d: {  	[spmem:s1] =	stream.indirect.scatter.add.f32 [tilespmem:s14], [sflag:$0x3], $0x80, s29, s15, $0xb8;
	[tilespmem:$0x14800] =	vst v63  }
0x5e: {  	_ =	swait.ge [sflag:s12], $0x4000  }
0x5f: {  	[sflag:s12] =	ssyncset.done $0x0  }
0x60: {  	s30 =	sadd.s32 $0x100, s25;
	[sflag:s12] =	ssyncadd.s32 $0xFFFFC000  }
0x61: {  	[tilespmem:s14], [sflag:$0x1] =	stream.indirect.gather [hbm4b:s4+s15], $0x80, s30, s15, $0xb8;
	[tilespmem:$0x14800] =	vst v63  }
0x62: {  	_ =	swait.ge [sflag:s18], $0x4000  }
0x63: {  	[sflag:s18] =	ssyncset.done $0x0  }
0x64: {  	s31 =	sadd.s32 $0x1480, s25;
	[sflag:s18] =	ssyncadd.s32 $0xFFFFC000  }
0x65: {  	[spmem:s1] =	stream.indirect.scatter.add.f32 [tilespmem:s16], [sflag:$0x3], $0x80, s31, s15, $0xb8;
	[tilespmem:$0x14800] =	vst v63  }
0x66: {  	_ =	swait.ge [sflag:s12], $0x4000  }
0x67: {  	[sflag:s12] =	ssyncset.done $0x0  }
0x68: {  	[sflag:s12] =	ssyncadd.s32 $0xFFFFC000  }
0x69: {  	[tilespmem:s16], [sflag:$0x2] =	stream.indirect.gather [hbm4b:s4+s15], $0x80, s19, s15, $0xb8;
	[tilespmem:$0x14800] =	vst v63  }
0x6a: {  	_ =	swait.ge [sflag:s17], $0x4000  }
0x6b: {  	[sflag:s17] =	ssyncset.done $0x0  }
0x6c: {  	[sflag:s17] =	ssyncadd.s32 $0xFFFFC000  }
0x6d: {  	[spmem:s1] =	stream.indirect.scatter.add.f32 [tilespmem:s14], [sflag:$0x3], $0x80, s20, s15, $0xb8;
	[tilespmem:$0x14800] =	vst v63  }
0x6e: {  	_ =	swait.ge [sflag:s12], $0x4000  }
0x6f: {  	[sflag:s12] =	ssyncset.done $0x0  }
0x70: {  	[sflag:s12] =	ssyncadd.s32 $0xFFFFC000  }
0x71: {  	_ =	swait.ge [sflag:s18], $0x4000  }
0x72: {  	[sflag:s18] =	ssyncset.done $0x0  }
0x73: {  	[sflag:s18] =	ssyncadd.s32 $0xFFFFC000  }
0x74: {  	[spmem:s1] =	stream.indirect.scatter.add.f32 [tilespmem:s16], [sflag:$0x3], $0x80, s21, s15, $0xb8;
	[tilespmem:$0x14800] =	vst v63  }
0x75: {  	_ =	swait.ge [sflag:s12], $0x4000  }
0x76: {  	s24 =	sadd.s32 $0x1, s24;
	[sflag:s12] =	ssyncset.done $0x0  }
0x77: {  	p0 =	sne.s32 s24, s11;
	[sflag:s12] =	ssyncadd.s32 $0xFFFFC000  }
.Ltmp2:
0x78: {  	[bflag:$0x0] =	sbarrier.arrive $0xFFFF;
	(pc) =	sbr.rel @p0 .LBB2_1-.Ltmp2, $4  }
0x79: {  	[hbm:s10], [sflag:s22] =	dma.local [spmem:s23], $0x1400  }
0x7a: {  	_ =	swait.ge [sflag:s12], $0x1400  }
0x7b: {  	[sflag:s12] =	ssyncset.done $0x0  }
0x7c: {  	[sflag:s12] =	ssyncadd.s32 $0xFFFFEC00  }
0x7d: {  	_ =	sfence.sel $0x180000  }
0x7e: {  	[bflag:$0x0] =	sbarrier.arrive $0xFFFF  }
0x7f: {  	p0 =	sne.s32 s2, $0x0;
	_ =	strace $0x90000059  }
0x80: {  	s0 =	sadd.s32 @!p0 $0x100000, s0;
	[bflag:$0x2] =	sbarrier.arrive $0xFFFF  }
0x81: {  	[sflag:s0] =	ssyncadd.tile.s32 @!p0 $0x1;
	_ =	shalt  }
.Lfunc_end2:
_tile_overlayer_lowered:
.L_overlay_start_2:
0x82: {  	(tag) =	ssettag $0x2  }
0x83: {  	s0 =	rddreg [dreg:$0x0];
	s2 =	stileid.u32  }
0x84: {  	s1 =	rddreg [dreg:$0x1];
	p0 =	sne.s32 s2, $0x0  }
0x85: {  	s3 =	rddreg [dreg:$0x2];
	[bflag:$0x3] =	sbarrier.arrive $0xFFFF;
	s2 =	simm.s32 @!p0 $0x1C03  }
0x86: {  	[timem:s3], [sflag:s2] =	dma.local @!p0 [hbm:s0], s1  }
0x87: {  	s0 =	simm.s32 @!p0 $0x3  }
0x88: {  	_ =	swait.ge @!p0 [sflag:s0], s1  }
0x89: {  	s1 =	ssub.s32 @!p0 $0x0, s1;
	[sflag:s0] =	ssyncset.done @!p0 $0x0  }
0x8a: {  	[sflag:s0] =	ssyncadd.s32 @!p0 s1  }
0x8b: {  	[bflag:$0x3] =	sbarrier.arrive $0xFFFF  }
0x8c: {  	_ =	shalt  }

// kernel: kernel.39.cloned.1.call-start
scs
__scs_entry_jumppad:
0x0: {  	(pc) =	sbr.rel $0x88, $3  }
0x1: {  	(tag) =	ssettag $0x0;
	lr =	simm.s32 $0x1  }
0x2: {  	[smem:$0x3F8A] =	sst lr;
	_ =	strace $0xD0000000  }
0x3: {  	_ = 	snop  }
0x4: {  	_ = 	snop  }
0x5: {  	_ = 	snop  }
0x6: {  	_ = 	snop  }
0x7: {  	_ = 	snop  }
__scs_overlays_trampoline_lowered:
0x8: {  	[smem:$0x3F99] =	sst s0  }
0x9: {  	[smem:$0x3F9A] =	sst s1  }
0xa: {  	[smem:$0x3F9B] =	sst s2  }
0xb: {  	[smem:$0x3F9C] =	sst s3  }
0xc: {  	[smem:$0x3F9D] =	sst s4  }
0xd: {  	[smem:$0x3F9E] =	sst s5  }
0xe: {  	[smem:$0x3F9F] =	sst s6  }
0xf: {  	[smem:$0x3FA0] =	sst s7  }
0x10: {  	[smem:$0x3FA1] =	sst s8  }
0x11: {  	[smem:$0x3FA2] =	sst s9;
	s0 =	simm.s32 @!p0 $0x0  }
0x12: {  	s1 =	sld [smem:$0x3F88];
	s0 =	simm.s32 @p0 $0x1  }
0x13: {  	[smem:$0x3FA3] =	sst s0;
	s0 =	simm.s32 @!p1 $0x0  }
0x14: {  	s2 =	sld [smem:$0x3F87];
	s0 =	simm.s32 @p1 $0x1  }
0x15: {  	[smem:$0x3FA4] =	sst s0;
	s0 =	simm.s32 @!p2 $0x0  }
0x16: {  	s3 =	sld [smem:$0x3FDB];
	s0 =	simm.s32 @p2 $0x1  }
0x17: {  	s4 =	simm.s32 $0x1BF5;
	[smem:$0x3FA6] =	sst s0  }
0x18: {  	s0 =	sld [smem:$0x3F89];
	_ =	swait.ge [sflag:s4], $0x0  }
0x19: {  	s7 =	sld [smem:$0x3F8A]  }
0x1a: {  	s8 =	sadd.s32 $0xFFFFE003, lr  }
0x1b: {  	s9 =	sadd.s32 $0xFFFFFEF7, lr;
	s5 =	simm.s32 $0xFFFFFFFF;
	p2 =	slt.u32 s8, $0xFFFFF086  }
0x1c: {  	p1 =	slt.u32 s9, $0xF7A;
	s5 =	simm.s32 @!p2 $0x0  }
0x1d: {  	s5 =	simm.s32 @p1 $0x1;
	p0 =	seq.s32 s7, s2  }
0x1e: {  	s7 =	smul.u32 @!p0 $0xF7A, s2;
	p2 =	seq.s32 @!p0 s5, $0x0  }
0x1f: {  	s9 =	smul.u32 $0xF7A, s1;
	s8 =	simm.s32 @!p0 $0x1BF5;
	p2 =	por !p2, p0  }
0x20: {  	[sflag:s8] =	ssyncset.s32 @!p0 $0xFFFFF086;
	s6 =	sadd.s32 @!p0 s3, s7;
	s7 =	simm.s32 @!p0 $0x108  }
0x21: {  	s3 =	sadd.s32 s3, s9;
	s6 =	sadd.s32 @!p0 $0x88, s6;
	s7 =	simm.s32 @p2 $0x1082  }
0x22: {  	[simem:s7], [sflag:s8] =	dma.local @!p0 [hbm:s6], $0xF7A  }
0x23: {  	s9 =	sor.u32 $0xD0000000, s2;
	s6 =	simm.s32 $0x108;
	_ =	swait.ge @!p0 [sflag:s8], $0x0  }
0x24: {  	s3 =	sadd.s32 $0x88, s3;
	s6 =	simm.s32 @!p1 $0x1082;
	[sflag:s4] =	ssyncset.s32 $0xFFFFF086  }
0x25: {  	[simem:s6], [sflag:s4] =	dma.local [hbm:s3], $0xF7A  }
0x26: {  	[smem:$0x3F8A] =	sst s1;
	(tag) =	ssettag s2;
	_ =	strace s9  }
0x27: {  	s1 =	sld [smem:$0x3F9A]  }
0x28: {  	s2 =	sld [smem:$0x3F9B]  }
0x29: {  	s4 =	sld [smem:$0x3F9D]  }
0x2a: {  	p0 =	seq.s32 s5, $0x0;
	s5 =	sld [smem:$0x3F9E]  }
0x2b: {  	s6 =	sld [smem:$0x3F9F]  }
0x2c: {  	s7 =	sld [smem:$0x3FA0]  }
0x2d: {  	s3 =	simm.s32 $0x108;
	s8 =	sld [smem:$0x3FA1]  }
0x2e: {  	s3 =	simm.s32 @!p0 $0x1082;
	s9 =	sld [smem:$0x3FA2]  }
0x2f: {  	lr =	sadd.s32 s0, s3;
	s0 =	sld [smem:$0x3F99]  }
0x30: {  	s3 =	sld [smem:$0x3F9C]  }
0x31: {  	[smem:$0x3FA5] =	sst s10  }
0x32: {  	s10 =	sld [smem:$0x3FA3];
	_ =	sdelay $0x3  }
0x33: {  	p0 =	seq.s32 s10, $0x1;
	s10 =	sld [smem:$0x3FA5];
	_ =	sdelay $0x3  }
0x34: {  	[smem:$0x3FA5] =	sst s10  }
0x35: {  	s10 =	sld [smem:$0x3FA4];
	_ =	sdelay $0x3  }
0x36: {  	p1 =	seq.s32 s10, $0x1;
	s10 =	sld [smem:$0x3FA5];
	_ =	sdelay $0x3  }
0x37: {  	[smem:$0x3FA5] =	sst s10  }
0x38: {  	s10 =	sld [smem:$0x3FA6]  }
0x39: {  	_ = 	snop;
	(pc) =	sbr.ind lr, $3  }
0x3a: {  	_ = 	snop  }
0x3b: {  	_ = 	snop  }
0x3c: {  	p2 =	seq.s32 s10, $0x1;
	s10 =	sld [smem:$0x3FA5]  }
0x3d: {  	_ =	shalt  }
0x3e: {  	_ =	shalt  }
0x3f: {  	_ =	shalt  }
0x40: {  	_ =	shalt  }
0x41: {  	_ =	shalt  }
0x42: {  	_ =	shalt  }
0x43: {  	_ =	shalt  }
0x44: {  	_ =	shalt  }
0x45: {  	_ =	shalt  }
0x46: {  	_ =	shalt  }
0x47: {  	_ =	shalt  }
0x48: {  	_ =	shalt  }
0x49: {  	_ =	shalt  }
0x4a: {  	_ =	shalt  }
0x4b: {  	_ =	shalt  }
0x4c: {  	_ =	shalt  }
0x4d: {  	_ =	shalt  }
0x4e: {  	_ =	shalt  }
0x4f: {  	_ =	shalt  }
0x50: {  	_ =	shalt  }
0x51: {  	_ =	shalt  }
0x52: {  	_ =	shalt  }
0x53: {  	_ =	shalt  }
0x54: {  	_ =	shalt  }
0x55: {  	_ =	shalt  }
0x56: {  	_ =	shalt  }
0x57: {  	_ =	shalt  }
0x58: {  	_ =	shalt  }
0x59: {  	_ =	shalt  }
0x5a: {  	_ =	shalt  }
0x5b: {  	_ =	shalt  }
0x5c: {  	_ =	shalt  }
0x5d: {  	_ =	shalt  }
0x5e: {  	_ =	shalt  }
0x5f: {  	_ =	shalt  }
0x60: {  	_ =	shalt  }
0x61: {  	_ =	shalt  }
0x62: {  	_ =	shalt  }
0x63: {  	_ =	shalt  }
0x64: {  	_ =	shalt  }
0x65: {  	_ =	shalt  }
0x66: {  	_ =	shalt  }
0x67: {  	_ =	shalt  }
0x68: {  	_ =	shalt  }
0x69: {  	_ =	shalt  }
0x6a: {  	_ =	shalt  }
0x6b: {  	_ =	shalt  }
0x6c: {  	_ =	shalt  }
0x6d: {  	_ =	shalt  }
0x6e: {  	_ =	shalt  }
0x6f: {  	_ =	shalt  }
0x70: {  	_ =	shalt  }
0x71: {  	_ =	shalt  }
0x72: {  	_ =	shalt  }
0x73: {  	_ =	shalt  }
0x74: {  	_ =	shalt  }
0x75: {  	_ =	shalt  }
0x76: {  	_ =	shalt  }
0x77: {  	_ =	shalt  }
0x78: {  	_ =	shalt  }
0x79: {  	_ =	shalt  }
0x7a: {  	_ =	shalt  }
0x7b: {  	_ =	shalt  }
0x7c: {  	_ =	shalt  }
0x7d: {  	_ =	shalt  }
0x7e: {  	_ =	shalt  }
0x7f: {  	_ =	shalt  }
0x80: {  	_ =	shalt  }
0x81: {  	_ =	shalt  }
0x82: {  	_ =	shalt  }
0x83: {  	_ =	shalt  }
0x84: {  	_ =	shalt  }
0x85: {  	_ =	shalt  }
0x86: {  	_ =	shalt  }
0x87: {  	_ =	shalt  }
.Lfunc_end0:
.L_simem_size_0:
called_computation.7_lowered:
.L_overlay_start_0:
0x88: {  	s2 =	sld [smem:$0x3FD9]  }
0x89: {  	s3 =	sld [smem:$0x3FFE];
	_ =	sdelay $0x1  }
0x8a: {  	s1 =	srdreg.scid  }
0x8b: {  	s0 =	sand.u32 $0x1, s1  }
0x8c: {  	s16 =	sshll.u32 s0, $0xA;
	s2 =	sadd.s32 s3, s2  }
0x8d: {  	s2 =	sadd.s32 s2, s16  }
0x8e: {  	[smem:$0x3FB1] =	sst s2  }
0x8f: {  	_ = 	snop  }
0x90: {  	(tm) =	ssettm $0x1  }
0x91: {  	s17 =	sld [smem:$0x3FFB];
	_ =	sdelay $0x3  }
0x92: {  	_ =	strace s17  }
0x93: {  	s2 =	sld [smem:$0x3FFC];
	_ =	sdelay $0x3  }
0x94: {  	_ =	strace s2  }
0x95: {  	s2 =	sld [smem:$0x3FFD];
	_ =	sdelay $0x3  }
0x96: {  	_ =	strace s2  }
0x97: {  	_ =	strace $0x8FFFFFFF  }
0x98: {  	s18 =	sld [smem:$0x3FDB];
	_ =	sdelay $0x1  }
0x99: {  	s19 =	simm.s32 $_scs_section_size  }
0x9a: {  	s4 =	simm.s32 $_size__tile_overlayer_lowered;
	s5 =	simm.s32 $_tile_overlayer_lowered  }
0x9b: {  	s22 =	simm.s32 $0x1BFF;
	s21 =	sshll.u32 s5, $0x1;
	s2 =	sadd.s32 s19, s18  }
0x9c: {  	s6 =	simm.s32 $0x0;
	s20 =	sshll.u32 s4, $0x1;
	s4 =	sadd.s32 s21, s2  }
0x9d: {  	[timem:s6], [sflag:s22] =	dma.local [hbm:s4], s20  }
0x9e: {  	_ =	swait.ge [sflag:s22], s20  }
0x9f: {  	s3 =	ssub.s32 $0x0, s20;
	[sflag:s22] =	ssyncset.done $0x0  }
0xa0: {  	[sflag:s22] =	ssyncadd.s32 s3;
	_ =	sdelay $0x1  }
0xa1: {  	s23 =	simm.s32 $0x1B8B  }
0xa2: {  	_ =	swait.ge [sflag:s23], $0x1  }
0xa3: {  	[sflag:s23] =	ssyncset.done $0x0  }
0xa4: {  	s25 =	simm.s32 $0x1B8E;
	s24 =	sld [smem:$0x3FFE];
	[sflag:s23] =	ssyncadd.s32 $0xFFFFFFFF  }
0xa5: {  	s26 =	simm.s32 $execute0_lowered;
	[smem:$0x3FD2] =	sst s25  }
0xa6: {  	s4 =	sshll.u32 s26, $0x1;
	_ =	strace $0x8000005B;
	[dreg:$0x1] =	wrdreg $0xFFFFFFFF  }
0xa7: {  	s28 =	simm.s32 $_size_execute0_lowered;
	s2 =	sadd.s32 s2, s4;
	[dreg:$0x0] =	wrdreg $0x0  }
0xa8: {  	s4 =	sshll.u32 s28, $0x1;
	[dreg:$0x2] =	wrdreg s2  }
0xa9: {  	[dreg:$0x3] =	wrdreg s4  }
0xaa: {  	[dreg:$0x4] =	wrdreg $0xC0  }
0xab: {  	_ =	task [dreg:s6], $0x5FFFF  }
0xac: {  	[dreg:$0x1] =	wrdreg $0xFFFFFFFF  }
0xad: {  	[dreg:$0x0] =	wrdreg $0x60  }
0xae: {  	[dreg:$0x2] =	wrdreg s24  }
0xaf: {  	[dreg:$0x3] =	wrdreg $0xA8000  }
0xb0: {  	[dreg:$0x4] =	wrdreg $0x9  }
0xb1: {  	_ =	task.clear_ibuf [dreg:s6], $0x5FFFF;
	_ =	strace $0x9000005B  }
0xb2: {  	s29 =	simm.s32 $0x9;
	_ =	strace $0x8000005D  }
0xb3: {  	_ =	swait.ge [sflag:s29], $0x1  }
0xb4: {  	[sflag:s29] =	ssyncadd.s32 $0xFFFFFFFF  }
0xb5: {  	_ =	strace $0x9000005D  }
0xb6: {  	_ =	sfence  }
0xb7: {  	s30 =	sld [smem:$0x0];
	_ =	sdelay $0x2  }
0xb8: {  	s31 =	sshll.u32 s1, $0xD;
	s1 =	sshrl.u32 s1, $0x2  }
0xb9: {  	s3 =	sand.u32 $0x4000, s31;
	s1 =	sadd.s32 s1, s30  }
0xba: {  	s0 =	sor.u32 s3, s0;
	s1 =	sshll.u32 s1, $0x11  }
0xbb: {  	s0 =	sor.u32 s1, s0  }
0xbc: {  	s0 =	sadd.s32 $0x8F2B, s0  }
0xbd: {  	[sflag:s0] =	ssyncadd.remote.s32 $0x1  }
0xbe: {  	_ =	sfence.sel $0xFFFF  }
0xbf: {  	[dreg:$0x0] =	wrdreg $0xFFFFFFFF;
	(pc) =	sbr.abs _section_cstart, $3  }
0xc0: {  	[dreg:$0x1] =	wrdreg $0xFFFFFFFF  }
0xc1: {  	_ =	task.clear_ibuf [dreg:s6], $0x2FFFF;
	_ =	strace $0x9FFFFFFF  }
0xc2: {  	(tm) =	ssettm $0x7FFFFFFF  }
0xc3: {  	_ =	shalt  }
tec
execute0_lowered:
.L_overlay_start_1:
0x0: {  	(tag) =	ssettag $0x1  }
0x1: {  	s6 =	rddreg [dreg:$0x0]  }
0x2: {  	s0 =	srdreg.scid;
	s2 =	rddreg [dreg:$0x1];
	s3 =	simm.s32 $0x0  }
0x3: {  	s14 =	simm.s32 $0x3;
	s15 =	simm.s32 $0x1400;
	s16 =	simm.s32 $0x2800  }
0x4: {  	s17 =	simm.s32 $0x80;
	s18 =	simm.s32 $0x6800;
	s19 =	simm.s32 $0x1  }
0x5: {  	s20 =	simm.s32 $0x2;
	s21 =	simm.s32 $0x1380;
	s22 =	simm.s32 $0x2700  }
0x6: {  	s23 =	simm.s32 $0x2780;
	s5 =	sand.u32 $0x1, s0;
	s0 =	stileid.u32  }
0x7: {  	s25 =	simm.s32 $0x0;
	[smem:$0x7FF] =	sst s3;
	s8 =	smul.u32 $0x140000, s5  }
0x8: {  	s4 =	sadd.s32 $0x1CC00, s6;
	s1 =	sshll.u32 s5, $0x4;
	s9 =	smul.u32 $0x14000, s0  }
0x9: {  	s10 =	smul.u32 $0x50000, s0;
	s5 =	ssub.s32 $0x2, s5;
	s24 =	sshll.u32 s0, $0x6  }
0xa: {  	s1 =	sor.u32 s0, s1;
	s31 =	sshrl.u32 s5, $0x1;
	s24 =	sor.u32 $0x1C03, s24  }
0xb: {  	s7 =	smul.u32 $0x280, s1;
	s1 =	rddreg [dreg:$0x2];
	_ =	strace $0x8000005C  }
0xc: {  	s8 =	sadd.s32 s9, s8;
	s10 =	sshrl.u32 s10, $0x2;
	s13 =	ssub.s32 s5, s31  }
0xd: {  	s8 =	sshrl.u32 s8, $0x3;
	s5 =	sadd.s32 s10, s2;
	s13 =	smax.u32 s13, $0x1  }
0xe: {  	s7 =	sadd.s32 s7, s6;
	s12 =	sadd.s32 s8, s6;
	s8 =	sadd.s32 $0x4000, s5  }
0xf: {  	s9 =	sadd.s32 $0x8000, s5;
	s10 =	sadd.s32 $0xC000, s5;
	s11 =	sadd.s32 $0x10000, s5  }
0x10: {  	v0 =	vimm.f32 $0.0e+00;
	s6 =	sadd.s32 $0x17C00, s7;
	s7 =	sadd.s32 $0x12C00, s7;
	s12 =	sadd.s32 $0x6CC00, s12  }
.LBB2_1:
0x11: {  	[tilespmem:s3], [sflag:$0x3] =	stream.linear.gather [hbm4b:s6+s3], $0x1400, $0x38;
	[tilespmem:$0x1E800] =	vst v63  }
0x12: {  	_ =	swait.ge [sflag:s14], $0x1400  }
0x13: {  	[sflag:s14] =	ssyncset.done $0x0  }
0x14: {  	[sflag:s14] =	ssyncadd.s32 $0xFFFFEC00  }
0x15: {  	[tilespmem:s15], [sflag:$0x3] =	stream.linear.gather [hbm4b:s7+s3], $0x1400, $0x38;
	[tilespmem:$0x1E800] =	vst v63  }
0x16: {  	_ =	swait.ge [sflag:s14], $0x1400  }
0x17: {  	[sflag:s14] =	ssyncset.done $0x0  }
0x18: {  	s26 =	simm.s32 $0x0;
	s28 =	simm.s32 $0x200;
	[sflag:s14] =	ssyncadd.s32 $0xFFFFEC00  }
.LBB2_2:
0x19: {  	p0 =	sne.s32 s28, $0xFE00;
	[tilespmem:s26+$0x2870] =	vst v0  }
0x1a: {  	[tilespmem:s26+$0x2800] =	vst v0  }
0x1b: {  	[tilespmem:s26+$0x2810] =	vst v0  }
.Ltmp0:
0x1c: {  	[tilespmem:s26+$0x2820] =	vst v0;
	(pc) =	sbr.rel @p0 .LBB2_2-.Ltmp0, $4  }
0x1d: {  	[tilespmem:s26+$0x2830] =	vst v0  }
0x1e: {  	[tilespmem:s26+$0x2840] =	vst v0  }
0x1f: {  	[tilespmem:s26+$0x2850] =	vst v0  }
0x20: {  	[tilespmem:s26+$0x2860] =	vst v0;
	s26 =	sshra.s32 s28, $0x2;
	s28 =	sadd.s32 $0x200, s28  }
0x21: {  	[tilespmem:s26+$0x2870] =	vst v0  }
0x22: {  	[tilespmem:s26+$0x2800] =	vst v0  }
0x23: {  	[tilespmem:s26+$0x2810] =	vst v0  }
0x24: {  	[tilespmem:s26+$0x2820] =	vst v0  }
0x25: {  	[tilespmem:s26+$0x2830] =	vst v0  }
0x26: {  	[tilespmem:s26+$0x2840] =	vst v0  }
0x27: {  	[tilespmem:s26+$0x2850] =	vst v0  }
0x28: {  	[tilespmem:s26+$0x2860] =	vst v0  }
0x29: {  	[spmem:s5] =	stream.linear.scatter [tilespmem:s16], [sflag:$0x3], $0x4000, $0x38;
	[tilespmem:$0x1E800] =	vst v63  }
0x2a: {  	_ =	swait.ge [sflag:s14], $0x4000  }
0x2b: {  	[sflag:s14] =	ssyncset.done $0x0  }
0x2c: {  	[sflag:s14] =	ssyncadd.s32 $0xFFFFC000  }
0x2d: {  	[spmem:s8] =	stream.linear.scatter [tilespmem:s16], [sflag:$0x3], $0x4000, $0x38;
	[tilespmem:$0x1E800] =	vst v63  }
0x2e: {  	_ =	swait.ge [sflag:s14], $0x4000  }
0x2f: {  	[sflag:s14] =	ssyncset.done $0x0  }
0x30: {  	[sflag:s14] =	ssyncadd.s32 $0xFFFFC000  }
0x31: {  	[spmem:s9] =	stream.linear.scatter [tilespmem:s16], [sflag:$0x3], $0x4000, $0x38;
	[tilespmem:$0x1E800] =	vst v63  }
0x32: {  	_ =	swait.ge [sflag:s14], $0x4000  }
0x33: {  	[sflag:s14] =	ssyncset.done $0x0  }
0x34: {  	[sflag:s14] =	ssyncadd.s32 $0xFFFFC000  }
0x35: {  	[spmem:s10] =	stream.linear.scatter [tilespmem:s16], [sflag:$0x3], $0x4000, $0x38;
	[tilespmem:$0x1E800] =	vst v63  }
0x36: {  	_ =	swait.ge [sflag:s14], $0x4000  }
0x37: {  	[sflag:s14] =	ssyncset.done $0x0  }
0x38: {  	[sflag:s14] =	ssyncadd.s32 $0xFFFFC000  }
0x39: {  	[spmem:s11] =	stream.linear.scatter [tilespmem:s16], [sflag:$0x3], $0x4000, $0x38;
	[tilespmem:$0x1E800] =	vst v63  }
0x3a: {  	_ =	swait.ge [sflag:s14], $0x4000  }
0x3b: {  	[sflag:s14] =	ssyncset.done $0x0  }
0x3c: {  	[sflag:s14] =	ssyncadd.s32 $0xFFFFC000  }
0x3d: {  	s30 =	simm.s32 $0x0;
	[bflag:$0x0] =	sbarrier.arrive $0xFFFF  }
0x3e: {  	[tilespmem:s16], [sflag:$0x1] =	stream.indirect.gather [hbm4b:s4+s17], $0x80, s30, s17, $0xb8;
	[tilespmem:$0x1E800] =	vst v63  }
0x3f: {  	s31 =	simm.s32 $0x80  }
0x40: {  	[tilespmem:s18], [sflag:$0x2] =	stream.indirect.gather [hbm4b:s4+s17], $0x80, s31, s17, $0xb8;
	[tilespmem:$0x1E800] =	vst v63  }
0x41: {  	_ =	swait.ge [sflag:s19], $0x4000  }
0x42: {  	[sflag:s19] =	ssyncset.done $0x0  }
0x43: {  	s29 =	simm.s32 $0x1400;
	[sflag:s19] =	ssyncadd.s32 $0xFFFFC000  }
0x44: {  	[spmem:s2] =	stream.indirect.scatter.add.f32 [tilespmem:s16], [sflag:$0x3], $0x80, s29, s17, $0xb8;
	[tilespmem:$0x1E800] =	vst v63  }
0x45: {  	_ =	swait.ge [sflag:s14], $0x4000  }
0x46: {  	[sflag:s14] =	ssyncset.done $0x0  }
0x47: {  	s30 =	simm.s32 $0x100;
	[sflag:s14] =	ssyncadd.s32 $0xFFFFC000  }
0x48: {  	[tilespmem:s16], [sflag:$0x1] =	stream.indirect.gather [hbm4b:s4+s17], $0x80, s30, s17, $0xb8;
	[tilespmem:$0x1E800] =	vst v63  }
0x49: {  	_ =	swait.ge [sflag:s20], $0x4000  }
0x4a: {  	[sflag:s20] =	ssyncset.done $0x0  }
0x4b: {  	s31 =	simm.s32 $0x1480;
	[sflag:s20] =	ssyncadd.s32 $0xFFFFC000  }
0x4c: {  	[spmem:s2] =	stream.indirect.scatter.add.f32 [tilespmem:s18], [sflag:$0x3], $0x80, s31, s17, $0xb8;
	[tilespmem:$0x1E800] =	vst v63  }
0x4d: {  	_ =	swait.ge [sflag:s14], $0x4000  }
0x4e: {  	s28 =	simm.s32 $0x800;
	s26 =	simm.s32 $0x100;
	[sflag:s14] =	ssyncset.done $0x0  }
.LBB2_4:
0x4f: {  	s29 =	sadd.s32 $0x80, s26  }
0x50: {  	[sflag:s14] =	ssyncadd.s32 $0xFFFFC000;
	s30 =	smov.u32 s28;
	s31 =	sadd.s32 $0x400, s28  }
0x51: {  	[tilespmem:s18], [sflag:$0x2] =	stream.indirect.gather [hbm4b:s4+s17], $0x80, s29, s17, $0xb8;
	[tilespmem:$0x1E800] =	vst v63  }
0x52: {  	p0 =	sne.s32 s28, $0x4800;
	_ =	swait.ge [sflag:s19], $0x4000  }
0x53: {  	[sflag:s19] =	ssyncset.done $0x0  }
0x54: {  	s28 =	sadd.s32 $0x1400, s26;
	[sflag:s19] =	ssyncadd.s32 $0xFFFFC000  }
0x55: {  	[spmem:s2] =	stream.indirect.scatter.add.f32 [tilespmem:s16], [sflag:$0x3], $0x80, s28, s17, $0xb8;
	[tilespmem:$0x1E800] =	vst v63  }
0x56: {  	_ =	swait.ge [sflag:s14], $0x4000  }
0x57: {  	[sflag:s14] =	ssyncset.done $0x0  }
0x58: {  	s28 =	sadd.s32 $0x100, s26;
	[sflag:s14] =	ssyncadd.s32 $0xFFFFC000  }
0x59: {  	[tilespmem:s16], [sflag:$0x1] =	stream.indirect.gather [hbm4b:s4+s17], $0x80, s28, s17, $0xb8;
	[tilespmem:$0x1E800] =	vst v63  }
0x5a: {  	_ =	swait.ge [sflag:s20], $0x4000  }
.Ltmp1:
0x5b: {  	[sflag:s20] =	ssyncset.done $0x0;
	(pc) =	sbr.rel @p0 .LBB2_4-.Ltmp1, $4  }
0x5c: {  	s26 =	sadd.s32 $0x1480, s26;
	[sflag:s20] =	ssyncadd.s32 $0xFFFFC000  }
0x5d: {  	[spmem:s2] =	stream.indirect.scatter.add.f32 [tilespmem:s18], [sflag:$0x3], $0x80, s26, s17, $0xb8;
	[tilespmem:$0x1E800] =	vst v63  }
0x5e: {  	_ =	swait.ge [sflag:s14], $0x4000  }
0x5f: {  	s28 =	smov.u32 s31;
	s26 =	sshra.s32 s30, $0x2;
	[sflag:s14] =	ssyncset.done $0x0  }
0x60: {  	s28 =	sadd.s32 $0x80, s26;
	[sflag:s14] =	ssyncadd.s32 $0xFFFFC000  }
0x61: {  	[tilespmem:s18], [sflag:$0x2] =	stream.indirect.gather [hbm4b:s4+s17], $0x80, s28, s17, $0xb8;
	[tilespmem:$0x1E800] =	vst v63  }
0x62: {  	_ =	swait.ge [sflag:s19], $0x4000  }
0x63: {  	[sflag:s19] =	ssyncset.done $0x0  }
0x64: {  	s31 =	sadd.s32 $0x1400, s26;
	[sflag:s19] =	ssyncadd.s32 $0xFFFFC000  }
0x65: {  	[spmem:s2] =	stream.indirect.scatter.add.f32 [tilespmem:s16], [sflag:$0x3], $0x80, s31, s17, $0xb8;
	[tilespmem:$0x1E800] =	vst v63  }
0x66: {  	_ =	swait.ge [sflag:s14], $0x4000  }
0x67: {  	[sflag:s14] =	ssyncset.done $0x0  }
0x68: {  	s29 =	sadd.s32 $0x100, s26;
	[sflag:s14] =	ssyncadd.s32 $0xFFFFC000  }
0x69: {  	[tilespmem:s16], [sflag:$0x1] =	stream.indirect.gather [hbm4b:s4+s17], $0x80, s29, s17, $0xb8;
	[tilespmem:$0x1E800] =	vst v63  }
0x6a: {  	_ =	swait.ge [sflag:s20], $0x4000  }
0x6b: {  	[sflag:s20] =	ssyncset.done $0x0  }
0x6c: {  	s30 =	sadd.s32 $0x1480, s26;
	[sflag:s20] =	ssyncadd.s32 $0xFFFFC000  }
0x6d: {  	[spmem:s2] =	stream.indirect.scatter.add.f32 [tilespmem:s18], [sflag:$0x3], $0x80, s30, s17, $0xb8;
	[tilespmem:$0x1E800] =	vst v63  }
0x6e: {  	_ =	swait.ge [sflag:s14], $0x4000  }
0x6f: {  	[sflag:s14] =	ssyncset.done $0x0  }
0x70: {  	[sflag:s14] =	ssyncadd.s32 $0xFFFFC000  }
0x71: {  	[tilespmem:s18], [sflag:$0x2] =	stream.indirect.gather [hbm4b:s4+s17], $0x80, s21, s17, $0xb8;
	[tilespmem:$0x1E800] =	vst v63  }
0x72: {  	_ =	swait.ge [sflag:s19], $0x4000  }
0x73: {  	[sflag:s19] =	ssyncset.done $0x0  }
0x74: {  	[sflag:s19] =	ssyncadd.s32 $0xFFFFC000  }
0x75: {  	[spmem:s2] =	stream.indirect.scatter.add.f32 [tilespmem:s16], [sflag:$0x3], $0x80, s22, s17, $0xb8;
	[tilespmem:$0x1E800] =	vst v63  }
0x76: {  	_ =	swait.ge [sflag:s14], $0x4000  }
0x77: {  	[sflag:s14] =	ssyncset.done $0x0  }
0x78: {  	[sflag:s14] =	ssyncadd.s32 $0xFFFFC000  }
0x79: {  	_ =	swait.ge [sflag:s20], $0x4000  }
0x7a: {  	[sflag:s20] =	ssyncset.done $0x0  }
0x7b: {  	[sflag:s20] =	ssyncadd.s32 $0xFFFFC000  }
0x7c: {  	[spmem:s2] =	stream.indirect.scatter.add.f32 [tilespmem:s18], [sflag:$0x3], $0x80, s23, s17, $0xb8;
	[tilespmem:$0x1E800] =	vst v63  }
0x7d: {  	_ =	swait.ge [sflag:s14], $0x4000  }
0x7e: {  	s25 =	sadd.s32 $0x1, s25;
	[sflag:s14] =	ssyncset.done $0x0  }
0x7f: {  	p0 =	sne.s32 s25, s13;
	[sflag:s14] =	ssyncadd.s32 $0xFFFFC000  }
.Ltmp2:
0x80: {  	s31 =	sshrl.u32 s5, $0x3;
	[bflag:$0x0] =	sbarrier.arrive $0xFFFF;
	(pc) =	sbr.rel @p0 .LBB2_1-.Ltmp2, $4  }
0x81: {  	[hbm:s12], [sflag:s24] =	dma.local [spmem:s31], $0x2800  }
0x82: {  	_ =	swait.ge [sflag:s14], $0x2800  }
0x83: {  	[sflag:s14] =	ssyncset.done $0x0  }
0x84: {  	[sflag:s14] =	ssyncadd.s32 $0xFFFFD800  }
0x85: {  	_ =	sfence.sel $0x180000  }
0x86: {  	[bflag:$0x0] =	sbarrier.arrive $0xFFFF  }
0x87: {  	p0 =	sne.s32 s0, $0x0;
	_ =	strace $0x9000005C  }
0x88: {  	s0 =	sadd.s32 @!p0 $0x100000, s1;
	[bflag:$0x2] =	sbarrier.arrive $0xFFFF  }
0x89: {  	[sflag:s0] =	ssyncadd.tile.s32 @!p0 $0x1;
	_ =	shalt  }
.Lfunc_end2:
_tile_overlayer_lowered:
.L_overlay_start_2:
0x8a: {  	(tag) =	ssettag $0x2  }
0x8b: {  	s0 =	rddreg [dreg:$0x0];
	s2 =	stileid.u32  }
0x8c: {  	s1 =	rddreg [dreg:$0x1];
	p0 =	sne.s32 s2, $0x0  }
0x8d: {  	s3 =	rddreg [dreg:$0x2];
	[bflag:$0x3] =	sbarrier.arrive $0xFFFF;
	s2 =	simm.s32 @!p0 $0x1C03  }
0x8e: {  	[timem:s3], [sflag:s2] =	dma.local @!p0 [hbm:s0], s1  }
0x8f: {  	s0 =	simm.s32 @!p0 $0x3  }
0x90: {  	_ =	swait.ge @!p0 [sflag:s0], s1  }
0x91: {  	s1 =	ssub.s32 @!p0 $0x0, s1;
	[sflag:s0] =	ssyncset.done @!p0 $0x0  }
0x92: {  	[sflag:s0] =	ssyncadd.s32 @!p0 s1  }
0x93: {  	[bflag:$0x3] =	sbarrier.arrive $0xFFFF  }
0x94: {  	_ =	shalt  }

</sc_bundles>
